<compile_context>
chip_gen: v7x
topology: tpu7x:2x2x1
jax: 0.10.2.dev20260603
libtpu: 0.0.44.dev20260713+nightly
codegen_flags: <defaults>
</compile_context>

<pallas_src>
import functools

import numpy as np
import jax
import jax.numpy as jnp
from jax import lax
from jax.experimental import pallas as pl
from jax.experimental.pallas import tpu as pltpu
from jax.experimental.pallas import tpu_sc as plsc

_EMBED_DIM = 128
_MAX_LEN = 5000

_NC, _NS, _L = 2, 16, 16
_NW = _NC * _NS
_B, _S, _T, _D = 16, 8, 2048, _EMBED_DIM
_N = _B * _S * _T
_RPW = _N // _NW
_BATCH_ROWS = _S * _T
_C = 32
_NCHUNK = _RPW // _C
_NBUF = 8
_IC = 128
_NIR = _RPW // _IC


def _pos_table_np() -> np.ndarray:
    pos = np.arange(0, _MAX_LEN, dtype=np.float32)[:, None]
    factor = np.exp(
        np.arange(0, _EMBED_DIM, 2, dtype=np.float32)
        * (-np.log(10000.0) / _EMBED_DIM)
    )
    pe = np.zeros((_MAX_LEN, _EMBED_DIM), dtype=np.float32)
    pe[:, 0::2] = np.sin(pos * factor)
    pe[:, 1::2] = np.cos(pos * factor)
    return pe


_TABLE = _pos_table_np()


def _pe_body(x_hbm, ts_hbm, tab_hbm, out_hbm,
             ts_v, idx_v, tab_s, inbuf, gbuf, sems):
    sem_i = sems[:_NBUF]
    sem_g = sems[_NBUF:2 * _NBUF]
    sem_o = sems[2 * _NBUF:3 * _NBUF]
    sem_t = sems[3 * _NBUF]
    sem_ts = sems[3 * _NBUF + 1]

    sid = lax.axis_index("s")
    wid = sid * _NC + lax.axis_index("c")
    base = wid * _RPW
    bstart = (wid // 2) * _BATCH_ROWS
    half = (wid % 2) * _RPW

    @pl.when(sid == 0)
    def _():
        pltpu.async_copy(tab_hbm, tab_s, sem_t)

    pltpu.async_copy(ts_hbm.at[pl.ds(bstart + (_RPW - half), _RPW)], ts_v, sem_ts)
    for b in range(_NBUF):
        pltpu.async_copy(x_hbm.at[pl.ds(base + b * _C, _C)], inbuf.at[b], sem_i[b])

    def _min_body(i, m):
        for k in range(8):
            m = jnp.minimum(m, ts_v[pl.ds((i * 8 + k) * _L, _L)])
        return m

    pltpu.make_async_copy(
        ts_hbm.at[pl.ds(bstart + (_RPW - half), _RPW)], ts_v, sem_ts).wait()
    m0 = ts_v[pl.ds(0, _L)]
    m = lax.fori_loop(0, _RPW // (8 * _L), _min_body, m0)
    pltpu.sync_copy(ts_hbm.at[pl.ds(bstart + half, _RPW)], ts_v)
    m = lax.fori_loop(0, _RPW // (8 * _L), _min_body, m)
    mn = m[0]
    for i in range(1, _L):
        mn = jnp.minimum(mn, m[i])

    def _idx_body(j, carry):
        for k in range(_IC // _L):
            v = ts_v[pl.ds(j * _IC + k * _L, _L)]
            idx_v[j, pl.ds(k * _L, _L)] = v - mn
        return carry

    lax.fori_loop(0, _NIR, _idx_body, 0)

    @pl.when(sid == 0)
    def _():
        pltpu.make_async_copy(tab_hbm, tab_s, sem_t).wait()
    plsc.subcore_barrier()

    def _start_in(c, b):
        pltpu.async_copy(x_hbm.at[pl.ds(base + c * _C, _C)], inbuf.at[b], sem_i[b])

    def _idx_ref(c):
        return idx_v.at[(c * _C) // _IC, pl.ds((c * _C) % _IC, _C)]

    def _start_gather(c, b):
        pltpu.async_copy(tab_s.at[_idx_ref(c)], gbuf.at[b], sem_g[b])

    def _start_out(c, b):
        pltpu.async_copy(gbuf.at[b], out_hbm.at[pl.ds(base + c * _C, _C)], sem_o[b])

    def _wait_in(c, b):
        pltpu.make_async_copy(
            x_hbm.at[pl.ds(base + c * _C, _C)], inbuf.at[b], sem_i[b]).wait()

    def _wait_gather(c, b):
        pltpu.make_async_copy(
            tab_s.at[_idx_ref(c)], gbuf.at[b], sem_g[b]).wait()

    def _wait_out(c, b):
        pltpu.make_async_copy(
            gbuf.at[b], out_hbm.at[pl.ds(base + c * _C, _C)], sem_o[b]).wait()

    for b in range(_NBUF - 1):
        _start_gather(b, b)

    @pl.loop(0, _NCHUNK, step=_NBUF)
    def _chunk_loop(i):
        for b in range(_NBUF):
            c = i + b
            _wait_in(c, b)
            _wait_gather(c, b)

            @pl.loop(0, _C, step=2)
            def _row_loop(r):
                for rr in range(2):
                    for k in range(_D // _L):
                        sl = pl.ds(k * _L, _L)
                        plsc.addupdate(gbuf.at[b, r + rr, sl], inbuf[b, r + rr, sl])

            _start_out(c, b)

            @pl.when(c + _NBUF < _NCHUNK)
            def _():
                _start_in(c + _NBUF, b)

            @pl.when(c >= 1)
            def _():
                _wait_out(c - 1, (b - 1) % _NBUF)

            @pl.when(c + _NBUF - 1 < _NCHUNK)
            def _():
                _start_gather(c + _NBUF - 1, (b - 1) % _NBUF)

    _wait_out(_NCHUNK - 1, (_NCHUNK - 1) % _NBUF)


@functools.partial(jax.jit, static_argnums=())
def _pe_call(x, ts, tab):
    mesh = plsc.VectorSubcoreMesh(core_axis_name="c", subcore_axis_name="s")
    f = pl.kernel(
        _pe_body,
        out_type=jax.ShapeDtypeStruct((_N, _D), jnp.float32),
        mesh=mesh,
        scratch_types=[
            pltpu.VMEM((_RPW,), jnp.int32),
            pltpu.VMEM((_NIR, _IC), jnp.int32),
            pltpu.VMEM_SHARED((_MAX_LEN, _D), jnp.float32),
            pltpu.VMEM((_NBUF, _C, _D), jnp.float32),
            pltpu.VMEM((_NBUF, _C, _D), jnp.float32),
            [pltpu.SemaphoreType.DMA] * (3 * _NBUF + 2),
        ],
    )
    return f(x, ts, tab)


def kernel(input_encoded, timesteps):
    x = input_encoded.reshape(_N, _D)
    ts = timesteps.reshape(_N)
    tab = jnp.asarray(_TABLE)
    out = _pe_call(x, ts, tab)
    return out.reshape(input_encoded.shape)

# --- scband reference (transcript-rebuilt; emitter-appended) ---
"""Pipeline reference for scband-positional-encoding-7284264534765 (READ-ONLY COPY).

The authoritative reference and input builder live on the scoring server;
editing this copy changes nothing except your own understanding.
"""

import jax, jax.numpy as jnp
import numpy as np

EMBEDDING_DIM = 128
MAX_LENGTH = 5000


def _make_pos_encoding():
    possible_pos = np.arange(0, MAX_LENGTH, dtype=np.float32)[:, None]
    factor = np.exp(np.arange(0, EMBEDDING_DIM, 2, dtype=np.float32) * (-np.log(10000.0) / EMBEDDING_DIM))
    pe = np.zeros((MAX_LENGTH, EMBEDDING_DIM), dtype=np.float32)
    pe[:, 0::2] = np.sin(possible_pos * factor)
    pe[:, 1::2] = np.cos(possible_pos * factor)
    return jnp.asarray(pe)


def setup_inputs(seed: int = 0) -> dict:
    key = jax.random.key(seed)
    k1, k2 = jax.random.split(key)
    input_encoded = jax.random.normal(k1, (16, 8, 2048, EMBEDDING_DIM), dtype=jnp.float32)
    timesteps = jax.random.randint(k2, (16, 8, 2048), 0, MAX_LENGTH, dtype=jnp.int32)
    return {"input_encoded": input_encoded, "timesteps": timesteps}


def reference(input_encoded, timesteps):
    pos_encoding = _make_pos_encoding()
    # min over series dim then time dim (keepdim), matching torch .min(dim=1).min(dim=2)
    min_t = jnp.min(jnp.min(timesteps, axis=1, keepdims=True), axis=2, keepdims=True)
    delta_t = timesteps - min_t
    # gather rows of the positional table: pos_encoding[delta_t] -> [B, S, T, D]
    output_encoded = input_encoded + jnp.take(pos_encoding, delta_t, axis=0)
    # dropout in eval mode is identity
    return output_encoded

if __name__ == "__main__":
    import jax
    _d = setup_inputs()
    print(jax.jit(kernel)(*tuple(_d.values())))

</pallas_src>

<mosaic_0001>
#map = affine_map<(d0, d1) -> (0, 0)>
#map1 = affine_map<(d0, d1) -> (0)>
module attributes {stable_mosaic.version = 14 : i64} {
  func.func @_pe_body(%arg0: i32, %arg1: i32, %arg2: memref<262144x128xf32, #tpu.memory_space<hbm>>, %arg3: memref<262144xi32, #tpu.memory_space<hbm>>, %arg4: memref<5000x128xf32, #tpu.memory_space<hbm>>, %arg5: memref<262144x128xf32, #tpu.memory_space<hbm>>, %arg6: memref<8192xi32, #tpu.memory_space<vmem>>, %arg7: memref<64x128xi32, #tpu.memory_space<vmem>>, %arg8: memref<5000x128xf32, #tpu.memory_space<vmem_shared>>, %arg9: memref<8x32x128xf32, #tpu.memory_space<vmem>>, %arg10: memref<8x32x128xf32, #tpu.memory_space<vmem>>, %arg11: memref<!tpu.dma_semaphore, #tpu.memory_space<semaphore_mem>>, %arg12: memref<!tpu.dma_semaphore, #tpu.memory_space<semaphore_mem>>, %arg13: memref<!tpu.dma_semaphore, #tpu.memory_space<semaphore_mem>>, %arg14: memref<!tpu.dma_semaphore, #tpu.memory_space<semaphore_mem>>, %arg15: memref<!tpu.dma_semaphore, #tpu.memory_space<semaphore_mem>>, %arg16: memref<!tpu.dma_semaphore, #tpu.memory_space<semaphore_mem>>, %arg17: memref<!tpu.dma_semaphore, #tpu.memory_space<semaphore_mem>>, %arg18: memref<!tpu.dma_semaphore, #tpu.memory_space<semaphore_mem>>, %arg19: memref<!tpu.dma_semaphore, #tpu.memory_space<semaphore_mem>>, %arg20: memref<!tpu.dma_semaphore, #tpu.memory_space<semaphore_mem>>, %arg21: memref<!tpu.dma_semaphore, #tpu.memory_space<semaphore_mem>>, %arg22: memref<!tpu.dma_semaphore, #tpu.memory_space<semaphore_mem>>, %arg23: memref<!tpu.dma_semaphore, #tpu.memory_space<semaphore_mem>>, %arg24: memref<!tpu.dma_semaphore, #tpu.memory_space<semaphore_mem>>, %arg25: memref<!tpu.dma_semaphore, #tpu.memory_space<semaphore_mem>>, %arg26: memref<!tpu.dma_semaphore, #tpu.memory_space<semaphore_mem>>, %arg27: memref<!tpu.dma_semaphore, #tpu.memory_space<semaphore_mem>>, %arg28: memref<!tpu.dma_semaphore, #tpu.memory_space<semaphore_mem>>, %arg29: memref<!tpu.dma_semaphore, #tpu.memory_space<semaphore_mem>>, %arg30: memref<!tpu.dma_semaphore, #tpu.memory_space<semaphore_mem>>, %arg31: memref<!tpu.dma_semaphore, #tpu.memory_space<semaphore_mem>>, %arg32: memref<!tpu.dma_semaphore, #tpu.memory_space<semaphore_mem>>, %arg33: memref<!tpu.dma_semaphore, #tpu.memory_space<semaphore_mem>>, %arg34: memref<!tpu.dma_semaphore, #tpu.memory_space<semaphore_mem>>, %arg35: memref<!tpu.dma_semaphore, #tpu.memory_space<semaphore_mem>>, %arg36: memref<!tpu.dma_semaphore, #tpu.memory_space<semaphore_mem>>) attributes {dimension_semantics = [#tpu.dimension_semantics<core_parallel>, #tpu.dimension_semantics<subcore_parallel>], iteration_bounds = array<i64: 2, 16>, scalar_prefetch = 0 : i64, scratch_operands = 31 : i64, tpu.core_type = #tpu.core_type<sc_vector_subcore>, window_params = [{transform_indices = #map}, {transform_indices = #map1}, {transform_indices = #map}, {transform_indices = #map}]} {
    %mul3A = arith.constant 2 : i32
    %mul3A_0 = arith.muli %arg1, %mul3A : i32
    %add3A = arith.addi %mul3A_0, %arg0 : i32
    %mul3A_1 = arith.constant 8192 : i32
    %mul3A_2 = arith.muli %add3A, %mul3A_1 : i32
    %jit3A = arith.constant 2 : i32
    %div3A = arith.divsi %add3A, %jit3A : i32
    %sign3A = arith.constant 0 : i32
    %sign3A_3 = arith.cmpi sgt, %add3A, %sign3A : i32
    %sign3A_4 = arith.extui %sign3A_3 : i1 to i32
    %sign3A_5 = arith.constant 0 : i32
    %sign3A_6 = arith.cmpi slt, %add3A, %sign3A_5 : i32
    %sign3A_7 = arith.extui %sign3A_6 : i1 to i32
    %sign3A_8 = arith.subi %sign3A_4, %sign3A_7 : i32
    %sign3A_9 = arith.constant 0 : i32
    %sign3A_10 = arith.cmpi sgt, %jit3A, %sign3A_9 : i32
    %sign3A_11 = arith.extui %sign3A_10 : i1 to i32
    %sign3A_12 = arith.constant 0 : i32
    %sign3A_13 = arith.cmpi slt, %jit3A, %sign3A_12 : i32
    %sign3A_14 = arith.extui %sign3A_13 : i1 to i32
    %sign3A_15 = arith.subi %sign3A_11, %sign3A_14 : i32
    %ne3A = arith.cmpi ne, %sign3A_8, %sign3A_15 : i32
    %rem3A = arith.remsi %add3A, %jit3A : i32
    %ne3A_16 = arith.constant 0 : i32
    %ne3A_17 = arith.cmpi ne, %rem3A, %ne3A_16 : i32
    %and3A = arith.andi %ne3A, %ne3A_17 : i1
    %sub3A = arith.constant 1 : i32
    %sub3A_18 = arith.subi %div3A, %sub3A : i32
    %select_n3A = arith.select %and3A, %sub3A_18, %div3A : i32
    %mul3A_19 = arith.constant 16384 : i32
    %mul3A_20 = arith.muli %select_n3A, %mul3A_19 : i32
    %jit3A_21 = arith.constant 2 : i32
    %eq3A = arith.constant 0 : i32
    %eq3A_22 = arith.cmpi eq, %jit3A_21, %eq3A : i32
    %jit3A_23 = arith.constant 1 : i32
    %select_n3A_24 = arith.select %eq3A_22, %jit3A_23, %jit3A_21 : i32
    %rem3A_25 = arith.remsi %add3A, %select_n3A_24 : i32
    %ne3A_26 = arith.constant 0 : i32
    %ne3A_27 = arith.cmpi ne, %rem3A_25, %ne3A_26 : i32
    %lt3A = arith.constant 0 : i32
    %lt3A_28 = arith.cmpi slt, %rem3A_25, %lt3A : i32
    %lt3A_29 = arith.constant 0 : i32
    %lt3A_30 = arith.cmpi slt, %select_n3A_24, %lt3A_29 : i32
    %ne3A_31 = arith.xori %lt3A_28, %lt3A_30 : i1
    %and3A_32 = arith.andi %ne3A_31, %ne3A_27 : i1
    %add3A_33 = arith.addi %rem3A_25, %select_n3A_24 : i32
    %select_n3A_34 = arith.select %and3A_32, %add3A_33, %rem3A_25 : i32
    %mul3A_35 = arith.constant 8192 : i32
    %mul3A_36 = arith.muli %select_n3A_34, %mul3A_35 : i32
    %eq3A_37 = arith.constant 0 : i32
    %eq3A_38 = arith.cmpi eq, %arg1, %eq3A_37 : i32
    %convert_element_type3A = arith.extui %eq3A_38 : i1 to i32
    %cond3A = arith.constant 0 : i32
    %cond3A_39 = arith.cmpi ne, %convert_element_type3A, %cond3A : i32
    scf.if %cond3A_39 {
      tpu.enqueue_dma source(%arg4 : memref<5000x128xf32, #tpu.memory_space<hbm>>) target(%arg8 : memref<5000x128xf32, #tpu.memory_space<vmem_shared>>) target_semaphore(%arg35 : memref<!tpu.dma_semaphore, #tpu.memory_space<semaphore_mem>>)
    } else {
    }
    %sub3A_40 = arith.constant 8192 : i32
    %sub3A_41 = arith.subi %sub3A_40, %mul3A_36 : i32
    %add3A_42 = arith.addi %mul3A_20, %sub3A_41 : i32
    %dma_start3A = tpu.memref_slice %arg3[%add3A_42] : memref<262144xi32, #tpu.memory_space<hbm>> -> memref<8192xi32, #tpu.memory_space<hbm>>
    %dma_start3A_43 = tpu.memref_slice %arg3[%add3A_42] : memref<262144xi32, #tpu.memory_space<hbm>> -> memref<8192xi32, #tpu.memory_space<hbm>>
    tpu.enqueue_dma source(%dma_start3A_43 : memref<8192xi32, #tpu.memory_space<hbm>>) target(%arg6 : memref<8192xi32, #tpu.memory_space<vmem>>) target_semaphore(%arg36 : memref<!tpu.dma_semaphore, #tpu.memory_space<semaphore_mem>>)
    %add3A_44 = arith.constant 0 : i32
    %add3A_45 = arith.addi %mul3A_2, %add3A_44 : i32
    %dma_start3A_46 = arith.constant 0 : i32
    %dma_start3A_47 = arith.constant 0 : i32
    %dma_start3A_48 = arith.constant 0 : i32
    %dma_start3A_49 = tpu.memref_slice %arg9[%dma_start3A_46, %dma_start3A_47, %dma_start3A_48] : memref<8x32x128xf32, #tpu.memory_space<vmem>> -> memref<1x32x128xf32, #tpu.memory_space<vmem>>
    %dma_start3A_50 = tpu.memref_squeeze %dma_start3A_49 : memref<1x32x128xf32, #tpu.memory_space<vmem>> -> memref<32x128xf32, #tpu.memory_space<vmem>>
    %dma_start3A_51 = arith.constant 0 : i32
    %dma_start3A_52 = tpu.memref_slice %arg2[%add3A_45, %dma_start3A_51] : memref<262144x128xf32, #tpu.memory_space<hbm>> -> memref<32x128xf32, #tpu.memory_space<hbm>>
    %dma_start3A_53 = arith.constant 0 : i32
    %dma_start3A_54 = arith.constant 0 : i32
    %dma_start3A_55 = tpu.memref_slice %arg9[%dma_start3A_46, %dma_start3A_53, %dma_start3A_54] : memref<8x32x128xf32, #tpu.memory_space<vmem>> -> memref<1x32x128xf32, #tpu.memory_space<vmem>>
    %dma_start3A_56 = tpu.memref_squeeze %dma_start3A_55 : memref<1x32x128xf32, #tpu.memory_space<vmem>> -> memref<32x128xf32, #tpu.memory_space<vmem>>
    %dma_start3A_57 = arith.constant 0 : i32
    %dma_start3A_58 = tpu.memref_slice %arg2[%add3A_45, %dma_start3A_57] : memref<262144x128xf32, #tpu.memory_space<hbm>> -> memref<32x128xf32, #tpu.memory_space<hbm>>
    tpu.enqueue_dma source(%dma_start3A_58 : memref<32x128xf32, #tpu.memory_space<hbm>>) target(%dma_start3A_56 : memref<32x128xf32, #tpu.memory_space<vmem>>) target_semaphore(%arg11 : memref<!tpu.dma_semaphore, #tpu.memory_space<semaphore_mem>>)
    %add3A_59 = arith.constant 32 : i32
    %add3A_60 = arith.addi %mul3A_2, %add3A_59 : i32
    %dma_start3A_61 = arith.constant 1 : i32
    %dma_start3A_62 = arith.constant 0 : i32
    %dma_start3A_63 = arith.constant 0 : i32
    %dma_start3A_64 = tpu.memref_slice %arg9[%dma_start3A_61, %dma_start3A_62, %dma_start3A_63] : memref<8x32x128xf32, #tpu.memory_space<vmem>> -> memref<1x32x128xf32, #tpu.memory_space<vmem>>
    %dma_start3A_65 = tpu.memref_squeeze %dma_start3A_64 : memref<1x32x128xf32, #tpu.memory_space<vmem>> -> memref<32x128xf32, #tpu.memory_space<vmem>>
    %dma_start3A_66 = arith.constant 0 : i32
    %dma_start3A_67 = tpu.memref_slice %arg2[%add3A_60, %dma_start3A_66] : memref<262144x128xf32, #tpu.memory_space<hbm>> -> memref<32x128xf32, #tpu.memory_space<hbm>>
    %dma_start3A_68 = arith.constant 0 : i32
    %dma_start3A_69 = arith.constant 0 : i32
    %dma_start3A_70 = tpu.memref_slice %arg9[%dma_start3A_61, %dma_start3A_68, %dma_start3A_69] : memref<8x32x128xf32, #tpu.memory_space<vmem>> -> memref<1x32x128xf32, #tpu.memory_space<vmem>>
    %dma_start3A_71 = tpu.memref_squeeze %dma_start3A_70 : memref<1x32x128xf32, #tpu.memory_space<vmem>> -> memref<32x128xf32, #tpu.memory_space<vmem>>
    %dma_start3A_72 = arith.constant 0 : i32
    %dma_start3A_73 = tpu.memref_slice %arg2[%add3A_60, %dma_start3A_72] : memref<262144x128xf32, #tpu.memory_space<hbm>> -> memref<32x128xf32, #tpu.memory_space<hbm>>
    tpu.enqueue_dma source(%dma_start3A_73 : memref<32x128xf32, #tpu.memory_space<hbm>>) target(%dma_start3A_71 : memref<32x128xf32, #tpu.memory_space<vmem>>) target_semaphore(%arg12 : memref<!tpu.dma_semaphore, #tpu.memory_space<semaphore_mem>>)
    %add3A_74 = arith.constant 64 : i32
    %add3A_75 = arith.addi %mul3A_2, %add3A_74 : i32
    %dma_start3A_76 = arith.constant 2 : i32
    %dma_start3A_77 = arith.constant 0 : i32
    %dma_start3A_78 = arith.constant 0 : i32
    %dma_start3A_79 = tpu.memref_slice %arg9[%dma_start3A_76, %dma_start3A_77, %dma_start3A_78] : memref<8x32x128xf32, #tpu.memory_space<vmem>> -> memref<1x32x128xf32, #tpu.memory_space<vmem>>
    %dma_start3A_80 = tpu.memref_squeeze %dma_start3A_79 : memref<1x32x128xf32, #tpu.memory_space<vmem>> -> memref<32x128xf32, #tpu.memory_space<vmem>>
    %dma_start3A_81 = arith.constant 0 : i32
    %dma_start3A_82 = tpu.memref_slice %arg2[%add3A_75, %dma_start3A_81] : memref<262144x128xf32, #tpu.memory_space<hbm>> -> memref<32x128xf32, #tpu.memory_space<hbm>>
    %dma_start3A_83 = arith.constant 0 : i32
    %dma_start3A_84 = arith.constant 0 : i32
    %dma_start3A_85 = tpu.memref_slice %arg9[%dma_start3A_76, %dma_start3A_83, %dma_start3A_84] : memref<8x32x128xf32, #tpu.memory_space<vmem>> -> memref<1x32x128xf32, #tpu.memory_space<vmem>>
    %dma_start3A_86 = tpu.memref_squeeze %dma_start3A_85 : memref<1x32x128xf32, #tpu.memory_space<vmem>> -> memref<32x128xf32, #tpu.memory_space<vmem>>
    %dma_start3A_87 = arith.constant 0 : i32
    %dma_start3A_88 = tpu.memref_slice %arg2[%add3A_75, %dma_start3A_87] : memref<262144x128xf32, #tpu.memory_space<hbm>> -> memref<32x128xf32, #tpu.memory_space<hbm>>
    tpu.enqueue_dma source(%dma_start3A_88 : memref<32x128xf32, #tpu.memory_space<hbm>>) target(%dma_start3A_86 : memref<32x128xf32, #tpu.memory_space<vmem>>) target_semaphore(%arg13 : memref<!tpu.dma_semaphore, #tpu.memory_space<semaphore_mem>>)
    %add3A_89 = arith.constant 96 : i32
    %add3A_90 = arith.addi %mul3A_2, %add3A_89 : i32
    %dma_start3A_91 = arith.constant 3 : i32
    %dma_start3A_92 = arith.constant 0 : i32
    %dma_start3A_93 = arith.constant 0 : i32
    %dma_start3A_94 = tpu.memref_slice %arg9[%dma_start3A_91, %dma_start3A_92, %dma_start3A_93] : memref<8x32x128xf32, #tpu.memory_space<vmem>> -> memref<1x32x128xf32, #tpu.memory_space<vmem>>
    %dma_start3A_95 = tpu.memref_squeeze %dma_start3A_94 : memref<1x32x128xf32, #tpu.memory_space<vmem>> -> memref<32x128xf32, #tpu.memory_space<vmem>>
    %dma_start3A_96 = arith.constant 0 : i32
    %dma_start3A_97 = tpu.memref_slice %arg2[%add3A_90, %dma_start3A_96] : memref<262144x128xf32, #tpu.memory_space<hbm>> -> memref<32x128xf32, #tpu.memory_space<hbm>>
    %dma_start3A_98 = arith.constant 0 : i32
    %dma_start3A_99 = arith.constant 0 : i32
    %dma_start3A_100 = tpu.memref_slice %arg9[%dma_start3A_91, %dma_start3A_98, %dma_start3A_99] : memref<8x32x128xf32, #tpu.memory_space<vmem>> -> memref<1x32x128xf32, #tpu.memory_space<vmem>>
    %dma_start3A_101 = tpu.memref_squeeze %dma_start3A_100 : memref<1x32x128xf32, #tpu.memory_space<vmem>> -> memref<32x128xf32, #tpu.memory_space<vmem>>
    %dma_start3A_102 = arith.constant 0 : i32
    %dma_start3A_103 = tpu.memref_slice %arg2[%add3A_90, %dma_start3A_102] : memref<262144x128xf32, #tpu.memory_space<hbm>> -> memref<32x128xf32, #tpu.memory_space<hbm>>
    tpu.enqueue_dma source(%dma_start3A_103 : memref<32x128xf32, #tpu.memory_space<hbm>>) target(%dma_start3A_101 : memref<32x128xf32, #tpu.memory_space<vmem>>) target_semaphore(%arg14 : memref<!tpu.dma_semaphore, #tpu.memory_space<semaphore_mem>>)
    %add3A_104 = arith.constant 128 : i32
    %add3A_105 = arith.addi %mul3A_2, %add3A_104 : i32
    %dma_start3A_106 = arith.constant 4 : i32
    %dma_start3A_107 = arith.constant 0 : i32
    %dma_start3A_108 = arith.constant 0 : i32
    %dma_start3A_109 = tpu.memref_slice %arg9[%dma_start3A_106, %dma_start3A_107, %dma_start3A_108] : memref<8x32x128xf32, #tpu.memory_space<vmem>> -> memref<1x32x128xf32, #tpu.memory_space<vmem>>
    %dma_start3A_110 = tpu.memref_squeeze %dma_start3A_109 : memref<1x32x128xf32, #tpu.memory_space<vmem>> -> memref<32x128xf32, #tpu.memory_space<vmem>>
    %dma_start3A_111 = arith.constant 0 : i32
    %dma_start3A_112 = tpu.memref_slice %arg2[%add3A_105, %dma_start3A_111] : memref<262144x128xf32, #tpu.memory_space<hbm>> -> memref<32x128xf32, #tpu.memory_space<hbm>>
    %dma_start3A_113 = arith.constant 0 : i32
    %dma_start3A_114 = arith.constant 0 : i32
    %dma_start3A_115 = tpu.memref_slice %arg9[%dma_start3A_106, %dma_start3A_113, %dma_start3A_114] : memref<8x32x128xf32, #tpu.memory_space<vmem>> -> memref<1x32x128xf32, #tpu.memory_space<vmem>>
    %dma_start3A_116 = tpu.memref_squeeze %dma_start3A_115 : memref<1x32x128xf32, #tpu.memory_space<vmem>> -> memref<32x128xf32, #tpu.memory_space<vmem>>
    %dma_start3A_117 = arith.constant 0 : i32
    %dma_start3A_118 = tpu.memref_slice %arg2[%add3A_105, %dma_start3A_117] : memref<262144x128xf32, #tpu.memory_space<hbm>> -> memref<32x128xf32, #tpu.memory_space<hbm>>
    tpu.enqueue_dma source(%dma_start3A_118 : memref<32x128xf32, #tpu.memory_space<hbm>>) target(%dma_start3A_116 : memref<32x128xf32, #tpu.memory_space<vmem>>) target_semaphore(%arg15 : memref<!tpu.dma_semaphore, #tpu.memory_space<semaphore_mem>>)
    %add3A_119 = arith.constant 160 : i32
    %add3A_120 = arith.addi %mul3A_2, %add3A_119 : i32
    %dma_start3A_121 = arith.constant 5 : i32
    %dma_start3A_122 = arith.constant 0 : i32
    %dma_start3A_123 = arith.constant 0 : i32
    %dma_start3A_124 = tpu.memref_slice %arg9[%dma_start3A_121, %dma_start3A_122, %dma_start3A_123] : memref<8x32x128xf32, #tpu.memory_space<vmem>> -> memref<1x32x128xf32, #tpu.memory_space<vmem>>
    %dma_start3A_125 = tpu.memref_squeeze %dma_start3A_124 : memref<1x32x128xf32, #tpu.memory_space<vmem>> -> memref<32x128xf32, #tpu.memory_space<vmem>>
    %dma_start3A_126 = arith.constant 0 : i32
    %dma_start3A_127 = tpu.memref_slice %arg2[%add3A_120, %dma_start3A_126] : memref<262144x128xf32, #tpu.memory_space<hbm>> -> memref<32x128xf32, #tpu.memory_space<hbm>>
    %dma_start3A_128 = arith.constant 0 : i32
    %dma_start3A_129 = arith.constant 0 : i32
    %dma_start3A_130 = tpu.memref_slice %arg9[%dma_start3A_121, %dma_start3A_128, %dma_start3A_129] : memref<8x32x128xf32, #tpu.memory_space<vmem>> -> memref<1x32x128xf32, #tpu.memory_space<vmem>>
    %dma_start3A_131 = tpu.memref_squeeze %dma_start3A_130 : memref<1x32x128xf32, #tpu.memory_space<vmem>> -> memref<32x128xf32, #tpu.memory_space<vmem>>
    %dma_start3A_132 = arith.constant 0 : i32
    %dma_start3A_133 = tpu.memref_slice %arg2[%add3A_120, %dma_start3A_132] : memref<262144x128xf32, #tpu.memory_space<hbm>> -> memref<32x128xf32, #tpu.memory_space<hbm>>
    tpu.enqueue_dma source(%dma_start3A_133 : memref<32x128xf32, #tpu.memory_space<hbm>>) target(%dma_start3A_131 : memref<32x128xf32, #tpu.memory_space<vmem>>) target_semaphore(%arg16 : memref<!tpu.dma_semaphore, #tpu.memory_space<semaphore_mem>>)
    %add3A_134 = arith.constant 192 : i32
    %add3A_135 = arith.addi %mul3A_2, %add3A_134 : i32
    %dma_start3A_136 = arith.constant 6 : i32
    %dma_start3A_137 = arith.constant 0 : i32
    %dma_start3A_138 = arith.constant 0 : i32
    %dma_start3A_139 = tpu.memref_slice %arg9[%dma_start3A_136, %dma_start3A_137, %dma_start3A_138] : memref<8x32x128xf32, #tpu.memory_space<vmem>> -> memref<1x32x128xf32, #tpu.memory_space<vmem>>
    %dma_start3A_140 = tpu.memref_squeeze %dma_start3A_139 : memref<1x32x128xf32, #tpu.memory_space<vmem>> -> memref<32x128xf32, #tpu.memory_space<vmem>>
    %dma_start3A_141 = arith.constant 0 : i32
    %dma_start3A_142 = tpu.memref_slice %arg2[%add3A_135, %dma_start3A_141] : memref<262144x128xf32, #tpu.memory_space<hbm>> -> memref<32x128xf32, #tpu.memory_space<hbm>>
    %dma_start3A_143 = arith.constant 0 : i32
    %dma_start3A_144 = arith.constant 0 : i32
    %dma_start3A_145 = tpu.memref_slice %arg9[%dma_start3A_136, %dma_start3A_143, %dma_start3A_144] : memref<8x32x128xf32, #tpu.memory_space<vmem>> -> memref<1x32x128xf32, #tpu.memory_space<vmem>>
    %dma_start3A_146 = tpu.memref_squeeze %dma_start3A_145 : memref<1x32x128xf32, #tpu.memory_space<vmem>> -> memref<32x128xf32, #tpu.memory_space<vmem>>
    %dma_start3A_147 = arith.constant 0 : i32
    %dma_start3A_148 = tpu.memref_slice %arg2[%add3A_135, %dma_start3A_147] : memref<262144x128xf32, #tpu.memory_space<hbm>> -> memref<32x128xf32, #tpu.memory_space<hbm>>
    tpu.enqueue_dma source(%dma_start3A_148 : memref<32x128xf32, #tpu.memory_space<hbm>>) target(%dma_start3A_146 : memref<32x128xf32, #tpu.memory_space<vmem>>) target_semaphore(%arg17 : memref<!tpu.dma_semaphore, #tpu.memory_space<semaphore_mem>>)
    %add3A_149 = arith.constant 224 : i32
    %add3A_150 = arith.addi %mul3A_2, %add3A_149 : i32
    %dma_start3A_151 = arith.constant 7 : i32
    %dma_start3A_152 = arith.constant 0 : i32
    %dma_start3A_153 = arith.constant 0 : i32
    %dma_start3A_154 = tpu.memref_slice %arg9[%dma_start3A_151, %dma_start3A_152, %dma_start3A_153] : memref<8x32x128xf32, #tpu.memory_space<vmem>> -> memref<1x32x128xf32, #tpu.memory_space<vmem>>
    %dma_start3A_155 = tpu.memref_squeeze %dma_start3A_154 : memref<1x32x128xf32, #tpu.memory_space<vmem>> -> memref<32x128xf32, #tpu.memory_space<vmem>>
    %dma_start3A_156 = arith.constant 0 : i32
    %dma_start3A_157 = tpu.memref_slice %arg2[%add3A_150, %dma_start3A_156] : memref<262144x128xf32, #tpu.memory_space<hbm>> -> memref<32x128xf32, #tpu.memory_space<hbm>>
    %dma_start3A_158 = arith.constant 0 : i32
    %dma_start3A_159 = arith.constant 0 : i32
    %dma_start3A_160 = tpu.memref_slice %arg9[%dma_start3A_151, %dma_start3A_158, %dma_start3A_159] : memref<8x32x128xf32, #tpu.memory_space<vmem>> -> memref<1x32x128xf32, #tpu.memory_space<vmem>>
    %dma_start3A_161 = tpu.memref_squeeze %dma_start3A_160 : memref<1x32x128xf32, #tpu.memory_space<vmem>> -> memref<32x128xf32, #tpu.memory_space<vmem>>
    %dma_start3A_162 = arith.constant 0 : i32
    %dma_start3A_163 = tpu.memref_slice %arg2[%add3A_150, %dma_start3A_162] : memref<262144x128xf32, #tpu.memory_space<hbm>> -> memref<32x128xf32, #tpu.memory_space<hbm>>
    tpu.enqueue_dma source(%dma_start3A_163 : memref<32x128xf32, #tpu.memory_space<hbm>>) target(%dma_start3A_161 : memref<32x128xf32, #tpu.memory_space<vmem>>) target_semaphore(%arg18 : memref<!tpu.dma_semaphore, #tpu.memory_space<semaphore_mem>>)
    %sub3A_164 = arith.constant 8192 : i32
    %sub3A_165 = arith.subi %sub3A_164, %mul3A_36 : i32
    %add3A_166 = arith.addi %mul3A_20, %sub3A_165 : i32
    %dma_wait3A = tpu.memref_slice %arg3[%add3A_166] : memref<262144xi32, #tpu.memory_space<hbm>> -> memref<8192xi32, #tpu.memory_space<hbm>>
    %dma_wait3A_167 = tpu.memref_slice %arg3[%add3A_166] : memref<262144xi32, #tpu.memory_space<hbm>> -> memref<8192xi32, #tpu.memory_space<hbm>>
    tpu.wait_dma2 semaphore(%arg36 : memref<!tpu.dma_semaphore, #tpu.memory_space<semaphore_mem>>) src(%dma_wait3A_167 : memref<8192xi32, #tpu.memory_space<hbm>>) dst(%arg6 : memref<8192xi32, #tpu.memory_space<vmem>>)
    %get3A = arith.constant 0 : index
    %get3A_168 = tpu.vector_load %arg6[%get3A] {strides = array<i32>} : memref<8192xi32, #tpu.memory_space<vmem>>, vector<16xi32>,
    %get3A_169 = vector.shape_cast %get3A_168 : vector<16xi32> to vector<16xi32>
    %scan3A = arith.constant 0 : i32
    %scan3A_170 = arith.constant 64 : i32
    %scan3A_171 = arith.addi %scan3A, %scan3A_170 : i32
    %scan3A_172 = arith.constant 1 : i32
    %scan3A_173 = scf.for %scan3A_341 = %scan3A to %scan3A_171 step %scan3A_172 iter_args(%scan3A_342 = %get3A_169) -> (vector<16xi32>)  : i32 {
      %mul3A_343 = arith.constant 8 : i32
      %mul3A_344 = arith.muli %scan3A_341, %mul3A_343 : i32
      %add3A_345 = arith.constant 0 : i32
      %add3A_346 = arith.addi %mul3A_344, %add3A_345 : i32
      %mul3A_347 = arith.constant 16 : i32
      %mul3A_348 = arith.muli %add3A_346, %mul3A_347 : i32
      %get3A_349 = arith.index_cast %mul3A_348 : i32 to index
      %get3A_350 = tpu.vector_load %arg6[%get3A_349] {strides = array<i32>} : memref<8192xi32, #tpu.memory_space<vmem>>, vector<16xi32>,
      %get3A_351 = vector.shape_cast %get3A_350 : vector<16xi32> to vector<16xi32>
      %min3A_352 = arith.minsi %scan3A_342, %get3A_351 : vector<16xi32>
      %mul3A_353 = arith.constant 8 : i32
      %mul3A_354 = arith.muli %scan3A_341, %mul3A_353 : i32
      %add3A_355 = arith.constant 1 : i32
      %add3A_356 = arith.addi %mul3A_354, %add3A_355 : i32
      %mul3A_357 = arith.constant 16 : i32
      %mul3A_358 = arith.muli %add3A_356, %mul3A_357 : i32
      %get3A_359 = arith.index_cast %mul3A_358 : i32 to index
      %get3A_360 = tpu.vector_load %arg6[%get3A_359] {strides = array<i32>} : memref<8192xi32, #tpu.memory_space<vmem>>, vector<16xi32>,
      %get3A_361 = vector.shape_cast %get3A_360 : vector<16xi32> to vector<16xi32>
      %min3A_362 = arith.minsi %min3A_352, %get3A_361 : vector<16xi32>
      %mul3A_363 = arith.constant 8 : i32
      %mul3A_364 = arith.muli %scan3A_341, %mul3A_363 : i32
      %add3A_365 = arith.constant 2 : i32
      %add3A_366 = arith.addi %mul3A_364, %add3A_365 : i32
      %mul3A_367 = arith.constant 16 : i32
      %mul3A_368 = arith.muli %add3A_366, %mul3A_367 : i32
      %get3A_369 = arith.index_cast %mul3A_368 : i32 to index
      %get3A_370 = tpu.vector_load %arg6[%get3A_369] {strides = array<i32>} : memref<8192xi32, #tpu.memory_space<vmem>>, vector<16xi32>,
      %get3A_371 = vector.shape_cast %get3A_370 : vector<16xi32> to vector<16xi32>
      %min3A_372 = arith.minsi %min3A_362, %get3A_371 : vector<16xi32>
      %mul3A_373 = arith.constant 8 : i32
      %mul3A_374 = arith.muli %scan3A_341, %mul3A_373 : i32
      %add3A_375 = arith.constant 3 : i32
      %add3A_376 = arith.addi %mul3A_374, %add3A_375 : i32
      %mul3A_377 = arith.constant 16 : i32
      %mul3A_378 = arith.muli %add3A_376, %mul3A_377 : i32
      %get3A_379 = arith.index_cast %mul3A_378 : i32 to index
      %get3A_380 = tpu.vector_load %arg6[%get3A_379] {strides = array<i32>} : memref<8192xi32, #tpu.memory_space<vmem>>, vector<16xi32>,
      %get3A_381 = vector.shape_cast %get3A_380 : vector<16xi32> to vector<16xi32>
      %min3A_382 = arith.minsi %min3A_372, %get3A_381 : vector<16xi32>
      %mul3A_383 = arith.constant 8 : i32
      %mul3A_384 = arith.muli %scan3A_341, %mul3A_383 : i32
      %add3A_385 = arith.constant 4 : i32
      %add3A_386 = arith.addi %mul3A_384, %add3A_385 : i32
      %mul3A_387 = arith.constant 16 : i32
      %mul3A_388 = arith.muli %add3A_386, %mul3A_387 : i32
      %get3A_389 = arith.index_cast %mul3A_388 : i32 to index
      %get3A_390 = tpu.vector_load %arg6[%get3A_389] {strides = array<i32>} : memref<8192xi32, #tpu.memory_space<vmem>>, vector<16xi32>,
      %get3A_391 = vector.shape_cast %get3A_390 : vector<16xi32> to vector<16xi32>
      %min3A_392 = arith.minsi %min3A_382, %get3A_391 : vector<16xi32>
      %mul3A_393 = arith.constant 8 : i32
      %mul3A_394 = arith.muli %scan3A_341, %mul3A_393 : i32
      %add3A_395 = arith.constant 5 : i32
      %add3A_396 = arith.addi %mul3A_394, %add3A_395 : i32
      %mul3A_397 = arith.constant 16 : i32
      %mul3A_398 = arith.muli %add3A_396, %mul3A_397 : i32
      %get3A_399 = arith.index_cast %mul3A_398 : i32 to index
      %get3A_400 = tpu.vector_load %arg6[%get3A_399] {strides = array<i32>} : memref<8192xi32, #tpu.memory_space<vmem>>, vector<16xi32>,
      %get3A_401 = vector.shape_cast %get3A_400 : vector<16xi32> to vector<16xi32>
      %min3A_402 = arith.minsi %min3A_392, %get3A_401 : vector<16xi32>
      %mul3A_403 = arith.constant 8 : i32
      %mul3A_404 = arith.muli %scan3A_341, %mul3A_403 : i32
      %add3A_405 = arith.constant 6 : i32
      %add3A_406 = arith.addi %mul3A_404, %add3A_405 : i32
      %mul3A_407 = arith.constant 16 : i32
      %mul3A_408 = arith.muli %add3A_406, %mul3A_407 : i32
      %get3A_409 = arith.index_cast %mul3A_408 : i32 to index
      %get3A_410 = tpu.vector_load %arg6[%get3A_409] {strides = array<i32>} : memref<8192xi32, #tpu.memory_space<vmem>>, vector<16xi32>,
      %get3A_411 = vector.shape_cast %get3A_410 : vector<16xi32> to vector<16xi32>
      %min3A_412 = arith.minsi %min3A_402, %get3A_411 : vector<16xi32>
      %mul3A_413 = arith.constant 8 : i32
      %mul3A_414 = arith.muli %scan3A_341, %mul3A_413 : i32
      %add3A_415 = arith.constant 7 : i32
      %add3A_416 = arith.addi %mul3A_414, %add3A_415 : i32
      %mul3A_417 = arith.constant 16 : i32
      %mul3A_418 = arith.muli %add3A_416, %mul3A_417 : i32
      %get3A_419 = arith.index_cast %mul3A_418 : i32 to index
      %get3A_420 = tpu.vector_load %arg6[%get3A_419] {strides = array<i32>} : memref<8192xi32, #tpu.memory_space<vmem>>, vector<16xi32>,
      %get3A_421 = vector.shape_cast %get3A_420 : vector<16xi32> to vector<16xi32>
      %min3A_422 = arith.minsi %min3A_412, %get3A_421 : vector<16xi32>
      scf.yield %min3A_422 : vector<16xi32>
    }
    %scan3A_174 = arith.constant 64 : i32
    %add3A_175 = arith.addi %mul3A_20, %mul3A_36 : i32
    "tpu.region"() ({
      %run_scoped3A = tpu.sem_alloc : memref<!tpu.dma_semaphore, #tpu.memory_space<semaphore_mem>>
      %dma_start3A_341 = tpu.memref_slice %arg3[%add3A_175] : memref<262144xi32, #tpu.memory_space<hbm>> -> memref<8192xi32, #tpu.memory_space<hbm>>
      %dma_start3A_342 = tpu.memref_slice %arg3[%add3A_175] : memref<262144xi32, #tpu.memory_space<hbm>> -> memref<8192xi32, #tpu.memory_space<hbm>>
      tpu.enqueue_dma source(%dma_start3A_342 : memref<8192xi32, #tpu.memory_space<hbm>>) target(%arg6 : memref<8192xi32, #tpu.memory_space<vmem>>) target_semaphore(%run_scoped3A : memref<!tpu.dma_semaphore, #tpu.memory_space<semaphore_mem>>)
      %dma_wait3A_343 = tpu.memref_slice %arg3[%add3A_175] : memref<262144xi32, #tpu.memory_space<hbm>> -> memref<8192xi32, #tpu.memory_space<hbm>>
      %dma_wait3A_344 = tpu.memref_slice %arg3[%add3A_175] : memref<262144xi32, #tpu.memory_space<hbm>> -> memref<8192xi32, #tpu.memory_space<hbm>>
      tpu.wait_dma2 semaphore(%run_scoped3A : memref<!tpu.dma_semaphore, #tpu.memory_space<semaphore_mem>>) src(%dma_wait3A_344 : memref<8192xi32, #tpu.memory_space<hbm>>) dst(%arg6 : memref<8192xi32, #tpu.memory_space<vmem>>)
      tpu.yield
    }) : () -> ()
    %scan3A_176 = arith.constant 0 : i32
    %scan3A_177 = arith.constant 64 : i32
    %scan3A_178 = arith.addi %scan3A_176, %scan3A_177 : i32
    %scan3A_179 = arith.constant 1 : i32
    %scan3A_180 = scf.for %scan3A_341 = %scan3A_176 to %scan3A_178 step %scan3A_179 iter_args(%scan3A_342 = %scan3A_173) -> (vector<16xi32>)  : i32 {
      %mul3A_343 = arith.constant 8 : i32
      %mul3A_344 = arith.muli %scan3A_341, %mul3A_343 : i32
      %add3A_345 = arith.constant 0 : i32
      %add3A_346 = arith.addi %mul3A_344, %add3A_345 : i32
      %mul3A_347 = arith.constant 16 : i32
      %mul3A_348 = arith.muli %add3A_346, %mul3A_347 : i32
      %get3A_349 = arith.index_cast %mul3A_348 : i32 to index
      %get3A_350 = tpu.vector_load %arg6[%get3A_349] {strides = array<i32>} : memref<8192xi32, #tpu.memory_space<vmem>>, vector<16xi32>,
      %get3A_351 = vector.shape_cast %get3A_350 : vector<16xi32> to vector<16xi32>
      %min3A_352 = arith.minsi %scan3A_342, %get3A_351 : vector<16xi32>
      %mul3A_353 = arith.constant 8 : i32
      %mul3A_354 = arith.muli %scan3A_341, %mul3A_353 : i32
      %add3A_355 = arith.constant 1 : i32
      %add3A_356 = arith.addi %mul3A_354, %add3A_355 : i32
      %mul3A_357 = arith.constant 16 : i32
      %mul3A_358 = arith.muli %add3A_356, %mul3A_357 : i32
      %get3A_359 = arith.index_cast %mul3A_358 : i32 to index
      %get3A_360 = tpu.vector_load %arg6[%get3A_359] {strides = array<i32>} : memref<8192xi32, #tpu.memory_space<vmem>>, vector<16xi32>,
      %get3A_361 = vector.shape_cast %get3A_360 : vector<16xi32> to vector<16xi32>
      %min3A_362 = arith.minsi %min3A_352, %get3A_361 : vector<16xi32>
      %mul3A_363 = arith.constant 8 : i32
      %mul3A_364 = arith.muli %scan3A_341, %mul3A_363 : i32
      %add3A_365 = arith.constant 2 : i32
      %add3A_366 = arith.addi %mul3A_364, %add3A_365 : i32
      %mul3A_367 = arith.constant 16 : i32
      %mul3A_368 = arith.muli %add3A_366, %mul3A_367 : i32
      %get3A_369 = arith.index_cast %mul3A_368 : i32 to index
      %get3A_370 = tpu.vector_load %arg6[%get3A_369] {strides = array<i32>} : memref<8192xi32, #tpu.memory_space<vmem>>, vector<16xi32>,
      %get3A_371 = vector.shape_cast %get3A_370 : vector<16xi32> to vector<16xi32>
      %min3A_372 = arith.minsi %min3A_362, %get3A_371 : vector<16xi32>
      %mul3A_373 = arith.constant 8 : i32
      %mul3A_374 = arith.muli %scan3A_341, %mul3A_373 : i32
      %add3A_375 = arith.constant 3 : i32
      %add3A_376 = arith.addi %mul3A_374, %add3A_375 : i32
      %mul3A_377 = arith.constant 16 : i32
      %mul3A_378 = arith.muli %add3A_376, %mul3A_377 : i32
      %get3A_379 = arith.index_cast %mul3A_378 : i32 to index
      %get3A_380 = tpu.vector_load %arg6[%get3A_379] {strides = array<i32>} : memref<8192xi32, #tpu.memory_space<vmem>>, vector<16xi32>,
      %get3A_381 = vector.shape_cast %get3A_380 : vector<16xi32> to vector<16xi32>
      %min3A_382 = arith.minsi %min3A_372, %get3A_381 : vector<16xi32>
      %mul3A_383 = arith.constant 8 : i32
      %mul3A_384 = arith.muli %scan3A_341, %mul3A_383 : i32
      %add3A_385 = arith.constant 4 : i32
      %add3A_386 = arith.addi %mul3A_384, %add3A_385 : i32
      %mul3A_387 = arith.constant 16 : i32
      %mul3A_388 = arith.muli %add3A_386, %mul3A_387 : i32
      %get3A_389 = arith.index_cast %mul3A_388 : i32 to index
      %get3A_390 = tpu.vector_load %arg6[%get3A_389] {strides = array<i32>} : memref<8192xi32, #tpu.memory_space<vmem>>, vector<16xi32>,
      %get3A_391 = vector.shape_cast %get3A_390 : vector<16xi32> to vector<16xi32>
      %min3A_392 = arith.minsi %min3A_382, %get3A_391 : vector<16xi32>
      %mul3A_393 = arith.constant 8 : i32
      %mul3A_394 = arith.muli %scan3A_341, %mul3A_393 : i32
      %add3A_395 = arith.constant 5 : i32
      %add3A_396 = arith.addi %mul3A_394, %add3A_395 : i32
      %mul3A_397 = arith.constant 16 : i32
      %mul3A_398 = arith.muli %add3A_396, %mul3A_397 : i32
      %get3A_399 = arith.index_cast %mul3A_398 : i32 to index
      %get3A_400 = tpu.vector_load %arg6[%get3A_399] {strides = array<i32>} : memref<8192xi32, #tpu.memory_space<vmem>>, vector<16xi32>,
      %get3A_401 = vector.shape_cast %get3A_400 : vector<16xi32> to vector<16xi32>
      %min3A_402 = arith.minsi %min3A_392, %get3A_401 : vector<16xi32>
      %mul3A_403 = arith.constant 8 : i32
      %mul3A_404 = arith.muli %scan3A_341, %mul3A_403 : i32
      %add3A_405 = arith.constant 6 : i32
      %add3A_406 = arith.addi %mul3A_404, %add3A_405 : i32
      %mul3A_407 = arith.constant 16 : i32
      %mul3A_408 = arith.muli %add3A_406, %mul3A_407 : i32
      %get3A_409 = arith.index_cast %mul3A_408 : i32 to index
      %get3A_410 = tpu.vector_load %arg6[%get3A_409] {strides = array<i32>} : memref<8192xi32, #tpu.memory_space<vmem>>, vector<16xi32>,
      %get3A_411 = vector.shape_cast %get3A_410 : vector<16xi32> to vector<16xi32>
      %min3A_412 = arith.minsi %min3A_402, %get3A_411 : vector<16xi32>
      %mul3A_413 = arith.constant 8 : i32
      %mul3A_414 = arith.muli %scan3A_341, %mul3A_413 : i32
      %add3A_415 = arith.constant 7 : i32
      %add3A_416 = arith.addi %mul3A_414, %add3A_415 : i32
      %mul3A_417 = arith.constant 16 : i32
      %mul3A_418 = arith.muli %add3A_416, %mul3A_417 : i32
      %get3A_419 = arith.index_cast %mul3A_418 : i32 to index
      %get3A_420 = tpu.vector_load %arg6[%get3A_419] {strides = array<i32>} : memref<8192xi32, #tpu.memory_space<vmem>>, vector<16xi32>,
      %get3A_421 = vector.shape_cast %get3A_420 : vector<16xi32> to vector<16xi32>
      %min3A_422 = arith.minsi %min3A_412, %get3A_421 : vector<16xi32>
      scf.yield %min3A_422 : vector<16xi32>
    }
    %scan3A_181 = arith.constant 64 : i32
    %slice3A = vector.extract_strided_slice %scan3A_180 {offsets = [0], sizes = [1], strides = [1]} : vector<16xi32> to vector<1xi32>
    %squeeze3A = vector.extract %slice3A[0] : i32 from vector<1xi32>
    %slice3A_182 = vector.extract_strided_slice %scan3A_180 {offsets = [1], sizes = [1], strides = [1]} : vector<16xi32> to vector<1xi32>
    %squeeze3A_183 = vector.extract %slice3A_182[0] : i32 from vector<1xi32>
    %min3A = arith.minsi %squeeze3A, %squeeze3A_183 : i32
    %slice3A_184 = vector.extract_strided_slice %scan3A_180 {offsets = [2], sizes = [1], strides = [1]} : vector<16xi32> to vector<1xi32>
    %squeeze3A_185 = vector.extract %slice3A_184[0] : i32 from vector<1xi32>
    %min3A_186 = arith.minsi %min3A, %squeeze3A_185 : i32
    %slice3A_187 = vector.extract_strided_slice %scan3A_180 {offsets = [3], sizes = [1], strides = [1]} : vector<16xi32> to vector<1xi32>
    %squeeze3A_188 = vector.extract %slice3A_187[0] : i32 from vector<1xi32>
    %min3A_189 = arith.minsi %min3A_186, %squeeze3A_188 : i32
    %slice3A_190 = vector.extract_strided_slice %scan3A_180 {offsets = [4], sizes = [1], strides = [1]} : vector<16xi32> to vector<1xi32>
    %squeeze3A_191 = vector.extract %slice3A_190[0] : i32 from vector<1xi32>
    %min3A_192 = arith.minsi %min3A_189, %squeeze3A_191 : i32
    %slice3A_193 = vector.extract_strided_slice %scan3A_180 {offsets = [5], sizes = [1], strides = [1]} : vector<16xi32> to vector<1xi32>
    %squeeze3A_194 = vector.extract %slice3A_193[0] : i32 from vector<1xi32>
    %min3A_195 = arith.minsi %min3A_192, %squeeze3A_194 : i32
    %slice3A_196 = vector.extract_strided_slice %scan3A_180 {offsets = [6], sizes = [1], strides = [1]} : vector<16xi32> to vector<1xi32>
    %squeeze3A_197 = vector.extract %slice3A_196[0] : i32 from vector<1xi32>
    %min3A_198 = arith.minsi %min3A_195, %squeeze3A_197 : i32
    %slice3A_199 = vector.extract_strided_slice %scan3A_180 {offsets = [7], sizes = [1], strides = [1]} : vector<16xi32> to vector<1xi32>
    %squeeze3A_200 = vector.extract %slice3A_199[0] : i32 from vector<1xi32>
    %min3A_201 = arith.minsi %min3A_198, %squeeze3A_200 : i32
    %slice3A_202 = vector.extract_strided_slice %scan3A_180 {offsets = [8], sizes = [1], strides = [1]} : vector<16xi32> to vector<1xi32>
    %squeeze3A_203 = vector.extract %slice3A_202[0] : i32 from vector<1xi32>
    %min3A_204 = arith.minsi %min3A_201, %squeeze3A_203 : i32
    %slice3A_205 = vector.extract_strided_slice %scan3A_180 {offsets = [9], sizes = [1], strides = [1]} : vector<16xi32> to vector<1xi32>
    %squeeze3A_206 = vector.extract %slice3A_205[0] : i32 from vector<1xi32>
    %min3A_207 = arith.minsi %min3A_204, %squeeze3A_206 : i32
    %slice3A_208 = vector.extract_strided_slice %scan3A_180 {offsets = [10], sizes = [1], strides = [1]} : vector<16xi32> to vector<1xi32>
    %squeeze3A_209 = vector.extract %slice3A_208[0] : i32 from vector<1xi32>
    %min3A_210 = arith.minsi %min3A_207, %squeeze3A_209 : i32
    %slice3A_211 = vector.extract_strided_slice %scan3A_180 {offsets = [11], sizes = [1], strides = [1]} : vector<16xi32> to vector<1xi32>
    %squeeze3A_212 = vector.extract %slice3A_211[0] : i32 from vector<1xi32>
    %min3A_213 = arith.minsi %min3A_210, %squeeze3A_212 : i32
    %slice3A_214 = vector.extract_strided_slice %scan3A_180 {offsets = [12], sizes = [1], strides = [1]} : vector<16xi32> to vector<1xi32>
    %squeeze3A_215 = vector.extract %slice3A_214[0] : i32 from vector<1xi32>
    %min3A_216 = arith.minsi %min3A_213, %squeeze3A_215 : i32
    %slice3A_217 = vector.extract_strided_slice %scan3A_180 {offsets = [13], sizes = [1], strides = [1]} : vector<16xi32> to vector<1xi32>
    %squeeze3A_218 = vector.extract %slice3A_217[0] : i32 from vector<1xi32>
    %min3A_219 = arith.minsi %min3A_216, %squeeze3A_218 : i32
    %slice3A_220 = vector.extract_strided_slice %scan3A_180 {offsets = [14], sizes = [1], strides = [1]} : vector<16xi32> to vector<1xi32>
    %squeeze3A_221 = vector.extract %slice3A_220[0] : i32 from vector<1xi32>
    %min3A_222 = arith.minsi %min3A_219, %squeeze3A_221 : i32
    %slice3A_223 = vector.extract_strided_slice %scan3A_180 {offsets = [15], sizes = [1], strides = [1]} : vector<16xi32> to vector<1xi32>
    %squeeze3A_224 = vector.extract %slice3A_223[0] : i32 from vector<1xi32>
    %min3A_225 = arith.minsi %min3A_222, %squeeze3A_224 : i32
    %scan3A_226 = arith.constant 0 : i32
    %scan3A_227 = arith.constant 0 : i32
    %scan3A_228 = arith.constant 64 : i32
    %scan3A_229 = arith.addi %scan3A_227, %scan3A_228 : i32
    %scan3A_230 = arith.constant 1 : i32
    scf.for %scan3A_341 = %scan3A_227 to %scan3A_229 step %scan3A_230  : i32 {
      %mul3A_342 = arith.constant 128 : i32
      %mul3A_343 = arith.muli %scan3A_341, %mul3A_342 : i32
      %add3A_344 = arith.constant 0 : i32
      %add3A_345 = arith.addi %mul3A_343, %add3A_344 : i32
      %get3A_346 = arith.index_cast %add3A_345 : i32 to index
      %get3A_347 = tpu.vector_load %arg6[%get3A_346] {strides = array<i32>} : memref<8192xi32, #tpu.memory_space<vmem>>, vector<16xi32>,
      %get3A_348 = vector.shape_cast %get3A_347 : vector<16xi32> to vector<16xi32>
      %sub3A_349 = vector.broadcast %min3A_225 : i32 to vector<16xi32>
      %sub3A_350 = arith.subi %get3A_348, %sub3A_349 : vector<16xi32>
      %swap3A = arith.index_cast %scan3A_341 : i32 to index
      %swap3A_351 = arith.constant 0 : index
      %swap3A_352 = tpu.vector_load %arg7[%swap3A, %swap3A_351] {strides = array<i32>} : memref<64x128xi32, #tpu.memory_space<vmem>>, vector<1x16xi32>,
      %swap3A_353 = vector.shape_cast %swap3A_352 : vector<1x16xi32> to vector<16xi32>
      %swap3A_354 = vector.shape_cast %sub3A_350 : vector<16xi32> to vector<1x16xi32>
      tpu.vector_store %arg7[%swap3A, %swap3A_351], %swap3A_354 {strides = array<i32>} : memref<64x128xi32, #tpu.memory_space<vmem>>, vector<1x16xi32>,
      %mul3A_355 = arith.constant 128 : i32
      %mul3A_356 = arith.muli %scan3A_341, %mul3A_355 : i32
      %add3A_357 = arith.constant 16 : i32
      %add3A_358 = arith.addi %mul3A_356, %add3A_357 : i32
      %get3A_359 = arith.index_cast %add3A_358 : i32 to index
      %get3A_360 = tpu.vector_load %arg6[%get3A_359] {strides = array<i32>} : memref<8192xi32, #tpu.memory_space<vmem>>, vector<16xi32>,
      %get3A_361 = vector.shape_cast %get3A_360 : vector<16xi32> to vector<16xi32>
      %sub3A_362 = vector.broadcast %min3A_225 : i32 to vector<16xi32>
      %sub3A_363 = arith.subi %get3A_361, %sub3A_362 : vector<16xi32>
      %swap3A_364 = arith.index_cast %scan3A_341 : i32 to index
      %swap3A_365 = arith.constant 16 : index
      %swap3A_366 = tpu.vector_load %arg7[%swap3A_364, %swap3A_365] {strides = array<i32>} : memref<64x128xi32, #tpu.memory_space<vmem>>, vector<1x16xi32>,
      %swap3A_367 = vector.shape_cast %swap3A_366 : vector<1x16xi32> to vector<16xi32>
      %swap3A_368 = vector.shape_cast %sub3A_363 : vector<16xi32> to vector<1x16xi32>
      tpu.vector_store %arg7[%swap3A_364, %swap3A_365], %swap3A_368 {strides = array<i32>} : memref<64x128xi32, #tpu.memory_space<vmem>>, vector<1x16xi32>,
      %mul3A_369 = arith.constant 128 : i32
      %mul3A_370 = arith.muli %scan3A_341, %mul3A_369 : i32
      %add3A_371 = arith.constant 32 : i32
      %add3A_372 = arith.addi %mul3A_370, %add3A_371 : i32
      %get3A_373 = arith.index_cast %add3A_372 : i32 to index
      %get3A_374 = tpu.vector_load %arg6[%get3A_373] {strides = array<i32>} : memref<8192xi32, #tpu.memory_space<vmem>>, vector<16xi32>,
      %get3A_375 = vector.shape_cast %get3A_374 : vector<16xi32> to vector<16xi32>
      %sub3A_376 = vector.broadcast %min3A_225 : i32 to vector<16xi32>
      %sub3A_377 = arith.subi %get3A_375, %sub3A_376 : vector<16xi32>
      %swap3A_378 = arith.index_cast %scan3A_341 : i32 to index
      %swap3A_379 = arith.constant 32 : index
      %swap3A_380 = tpu.vector_load %arg7[%swap3A_378, %swap3A_379] {strides = array<i32>} : memref<64x128xi32, #tpu.memory_space<vmem>>, vector<1x16xi32>,
      %swap3A_381 = vector.shape_cast %swap3A_380 : vector<1x16xi32> to vector<16xi32>
      %swap3A_382 = vector.shape_cast %sub3A_377 : vector<16xi32> to vector<1x16xi32>
      tpu.vector_store %arg7[%swap3A_378, %swap3A_379], %swap3A_382 {strides = array<i32>} : memref<64x128xi32, #tpu.memory_space<vmem>>, vector<1x16xi32>,
      %mul3A_383 = arith.constant 128 : i32
      %mul3A_384 = arith.muli %scan3A_341, %mul3A_383 : i32
      %add3A_385 = arith.constant 48 : i32
      %add3A_386 = arith.addi %mul3A_384, %add3A_385 : i32
      %get3A_387 = arith.index_cast %add3A_386 : i32 to index
      %get3A_388 = tpu.vector_load %arg6[%get3A_387] {strides = array<i32>} : memref<8192xi32, #tpu.memory_space<vmem>>, vector<16xi32>,
      %get3A_389 = vector.shape_cast %get3A_388 : vector<16xi32> to vector<16xi32>
      %sub3A_390 = vector.broadcast %min3A_225 : i32 to vector<16xi32>
      %sub3A_391 = arith.subi %get3A_389, %sub3A_390 : vector<16xi32>
      %swap3A_392 = arith.index_cast %scan3A_341 : i32 to index
      %swap3A_393 = arith.constant 48 : index
      %swap3A_394 = tpu.vector_load %arg7[%swap3A_392, %swap3A_393] {strides = array<i32>} : memref<64x128xi32, #tpu.memory_space<vmem>>, vector<1x16xi32>,
      %swap3A_395 = vector.shape_cast %swap3A_394 : vector<1x16xi32> to vector<16xi32>
      %swap3A_396 = vector.shape_cast %sub3A_391 : vector<16xi32> to vector<1x16xi32>
      tpu.vector_store %arg7[%swap3A_392, %swap3A_393], %swap3A_396 {strides = array<i32>} : memref<64x128xi32, #tpu.memory_space<vmem>>, vector<1x16xi32>,
      %mul3A_397 = arith.constant 128 : i32
      %mul3A_398 = arith.muli %scan3A_341, %mul3A_397 : i32
      %add3A_399 = arith.constant 64 : i32
      %add3A_400 = arith.addi %mul3A_398, %add3A_399 : i32
      %get3A_401 = arith.index_cast %add3A_400 : i32 to index
      %get3A_402 = tpu.vector_load %arg6[%get3A_401] {strides = array<i32>} : memref<8192xi32, #tpu.memory_space<vmem>>, vector<16xi32>,
      %get3A_403 = vector.shape_cast %get3A_402 : vector<16xi32> to vector<16xi32>
      %sub3A_404 = vector.broadcast %min3A_225 : i32 to vector<16xi32>
      %sub3A_405 = arith.subi %get3A_403, %sub3A_404 : vector<16xi32>
      %swap3A_406 = arith.index_cast %scan3A_341 : i32 to index
      %swap3A_407 = arith.constant 64 : index
      %swap3A_408 = tpu.vector_load %arg7[%swap3A_406, %swap3A_407] {strides = array<i32>} : memref<64x128xi32, #tpu.memory_space<vmem>>, vector<1x16xi32>,
      %swap3A_409 = vector.shape_cast %swap3A_408 : vector<1x16xi32> to vector<16xi32>
      %swap3A_410 = vector.shape_cast %sub3A_405 : vector<16xi32> to vector<1x16xi32>
      tpu.vector_store %arg7[%swap3A_406, %swap3A_407], %swap3A_410 {strides = array<i32>} : memref<64x128xi32, #tpu.memory_space<vmem>>, vector<1x16xi32>,
      %mul3A_411 = arith.constant 128 : i32
      %mul3A_412 = arith.muli %scan3A_341, %mul3A_411 : i32
      %add3A_413 = arith.constant 80 : i32
      %add3A_414 = arith.addi %mul3A_412, %add3A_413 : i32
      %get3A_415 = arith.index_cast %add3A_414 : i32 to index
      %get3A_416 = tpu.vector_load %arg6[%get3A_415] {strides = array<i32>} : memref<8192xi32, #tpu.memory_space<vmem>>, vector<16xi32>,
      %get3A_417 = vector.shape_cast %get3A_416 : vector<16xi32> to vector<16xi32>
      %sub3A_418 = vector.broadcast %min3A_225 : i32 to vector<16xi32>
      %sub3A_419 = arith.subi %get3A_417, %sub3A_418 : vector<16xi32>
      %swap3A_420 = arith.index_cast %scan3A_341 : i32 to index
      %swap3A_421 = arith.constant 80 : index
      %swap3A_422 = tpu.vector_load %arg7[%swap3A_420, %swap3A_421] {strides = array<i32>} : memref<64x128xi32, #tpu.memory_space<vmem>>, vector<1x16xi32>,
      %swap3A_423 = vector.shape_cast %swap3A_422 : vector<1x16xi32> to vector<16xi32>
      %swap3A_424 = vector.shape_cast %sub3A_419 : vector<16xi32> to vector<1x16xi32>
      tpu.vector_store %arg7[%swap3A_420, %swap3A_421], %swap3A_424 {strides = array<i32>} : memref<64x128xi32, #tpu.memory_space<vmem>>, vector<1x16xi32>,
      %mul3A_425 = arith.constant 128 : i32
      %mul3A_426 = arith.muli %scan3A_341, %mul3A_425 : i32
      %add3A_427 = arith.constant 96 : i32
      %add3A_428 = arith.addi %mul3A_426, %add3A_427 : i32
      %get3A_429 = arith.index_cast %add3A_428 : i32 to index
      %get3A_430 = tpu.vector_load %arg6[%get3A_429] {strides = array<i32>} : memref<8192xi32, #tpu.memory_space<vmem>>, vector<16xi32>,
      %get3A_431 = vector.shape_cast %get3A_430 : vector<16xi32> to vector<16xi32>
      %sub3A_432 = vector.broadcast %min3A_225 : i32 to vector<16xi32>
      %sub3A_433 = arith.subi %get3A_431, %sub3A_432 : vector<16xi32>
      %swap3A_434 = arith.index_cast %scan3A_341 : i32 to index
      %swap3A_435 = arith.constant 96 : index
      %swap3A_436 = tpu.vector_load %arg7[%swap3A_434, %swap3A_435] {strides = array<i32>} : memref<64x128xi32, #tpu.memory_space<vmem>>, vector<1x16xi32>,
      %swap3A_437 = vector.shape_cast %swap3A_436 : vector<1x16xi32> to vector<16xi32>
      %swap3A_438 = vector.shape_cast %sub3A_433 : vector<16xi32> to vector<1x16xi32>
      tpu.vector_store %arg7[%swap3A_434, %swap3A_435], %swap3A_438 {strides = array<i32>} : memref<64x128xi32, #tpu.memory_space<vmem>>, vector<1x16xi32>,
      %mul3A_439 = arith.constant 128 : i32
      %mul3A_440 = arith.muli %scan3A_341, %mul3A_439 : i32
      %add3A_441 = arith.constant 112 : i32
      %add3A_442 = arith.addi %mul3A_440, %add3A_441 : i32
      %get3A_443 = arith.index_cast %add3A_442 : i32 to index
      %get3A_444 = tpu.vector_load %arg6[%get3A_443] {strides = array<i32>} : memref<8192xi32, #tpu.memory_space<vmem>>, vector<16xi32>,
      %get3A_445 = vector.shape_cast %get3A_444 : vector<16xi32> to vector<16xi32>
      %sub3A_446 = vector.broadcast %min3A_225 : i32 to vector<16xi32>
      %sub3A_447 = arith.subi %get3A_445, %sub3A_446 : vector<16xi32>
      %swap3A_448 = arith.index_cast %scan3A_341 : i32 to index
      %swap3A_449 = arith.constant 112 : index
      %swap3A_450 = tpu.vector_load %arg7[%swap3A_448, %swap3A_449] {strides = array<i32>} : memref<64x128xi32, #tpu.memory_space<vmem>>, vector<1x16xi32>,
      %swap3A_451 = vector.shape_cast %swap3A_450 : vector<1x16xi32> to vector<16xi32>
      %swap3A_452 = vector.shape_cast %sub3A_447 : vector<16xi32> to vector<1x16xi32>
      tpu.vector_store %arg7[%swap3A_448, %swap3A_449], %swap3A_452 {strides = array<i32>} : memref<64x128xi32, #tpu.memory_space<vmem>>, vector<1x16xi32>,
    }
    %scan3A_231 = arith.constant 64 : i32
    %eq3A_232 = arith.constant 0 : i32
    %eq3A_233 = arith.cmpi eq, %arg1, %eq3A_232 : i32
    %convert_element_type3A_234 = arith.extui %eq3A_233 : i1 to i32
    %cond3A_235 = arith.constant 0 : i32
    %cond3A_236 = arith.cmpi ne, %convert_element_type3A_234, %cond3A_235 : i32
    scf.if %cond3A_236 {
      tpu.wait_dma2 semaphore(%arg35 : memref<!tpu.dma_semaphore, #tpu.memory_space<semaphore_mem>>) src(%arg4 : memref<5000x128xf32, #tpu.memory_space<hbm>>) dst(%arg8 : memref<5000x128xf32, #tpu.memory_space<vmem_shared>>)
    } else {
    }
    %barrier3A = arith.constant 0 : index
    tpu.barrier barrier_id(%barrier3A)
    %dma_start3A_237 = arith.constant 0 : i32
    %dma_start3A_238 = arith.constant 0 : i32
    %dma_start3A_239 = arith.constant 0 : i32
    %dma_start3A_240 = arith.constant 0 : i32
    %dma_start3A_241 = tpu.memref_slice %arg10[%dma_start3A_238, %dma_start3A_239, %dma_start3A_240] : memref<8x32x128xf32, #tpu.memory_space<vmem>> -> memref<1x32x128xf32, #tpu.memory_space<vmem>>
    %dma_start3A_242 = tpu.memref_squeeze %dma_start3A_241 : memref<1x32x128xf32, #tpu.memory_space<vmem>> -> memref<32x128xf32, #tpu.memory_space<vmem>>
    %dma_start3A_243 = arith.constant 0 : i32
    %dma_start3A_244 = tpu.memref_slice %arg7[%dma_start3A_237, %dma_start3A_243] : memref<64x128xi32, #tpu.memory_space<vmem>> -> memref<1x32xi32, #tpu.memory_space<vmem>>
    %dma_start3A_245 = tpu.memref_squeeze %dma_start3A_244 : memref<1x32xi32, #tpu.memory_space<vmem>> -> memref<32xi32, #tpu.memory_space<vmem>>
    %dma_start3A_246 = arith.constant 0 : i32
    %dma_start3A_247 = arith.constant 0 : i32
    %dma_start3A_248 = tpu.memref_slice %arg8[%dma_start3A_246, %dma_start3A_247] : memref<5000x128xf32, #tpu.memory_space<vmem_shared>> -> memref<5000x128xf32, #tpu.memory_space<vmem_shared>>
    tpu.enqueue_indirect_dma source(%dma_start3A_248 : memref<5000x128xf32, #tpu.memory_space<vmem_shared>>) target(%dma_start3A_242 : memref<32x128xf32, #tpu.memory_space<vmem>>) offsets(%dma_start3A_245 : memref<32xi32, #tpu.memory_space<vmem>>) semaphore(%arg19 : memref<!tpu.dma_semaphore, #tpu.memory_space<semaphore_mem>>)
    %dma_start3A_249 = arith.constant 0 : i32
    %dma_start3A_250 = arith.constant 1 : i32
    %dma_start3A_251 = arith.constant 0 : i32
    %dma_start3A_252 = arith.constant 0 : i32
    %dma_start3A_253 = tpu.memref_slice %arg10[%dma_start3A_250, %dma_start3A_251, %dma_start3A_252] : memref<8x32x128xf32, #tpu.memory_space<vmem>> -> memref<1x32x128xf32, #tpu.memory_space<vmem>>
    %dma_start3A_254 = tpu.memref_squeeze %dma_start3A_253 : memref<1x32x128xf32, #tpu.memory_space<vmem>> -> memref<32x128xf32, #tpu.memory_space<vmem>>
    %dma_start3A_255 = arith.constant 32 : i32
    %dma_start3A_256 = tpu.memref_slice %arg7[%dma_start3A_249, %dma_start3A_255] : memref<64x128xi32, #tpu.memory_space<vmem>> -> memref<1x32xi32, #tpu.memory_space<vmem>>
    %dma_start3A_257 = tpu.memref_squeeze %dma_start3A_256 : memref<1x32xi32, #tpu.memory_space<vmem>> -> memref<32xi32, #tpu.memory_space<vmem>>
    %dma_start3A_258 = arith.constant 0 : i32
    %dma_start3A_259 = arith.constant 0 : i32
    %dma_start3A_260 = tpu.memref_slice %arg8[%dma_start3A_258, %dma_start3A_259] : memref<5000x128xf32, #tpu.memory_space<vmem_shared>> -> memref<5000x128xf32, #tpu.memory_space<vmem_shared>>
    tpu.enqueue_indirect_dma source(%dma_start3A_260 : memref<5000x128xf32, #tpu.memory_space<vmem_shared>>) target(%dma_start3A_254 : memref<32x128xf32, #tpu.memory_space<vmem>>) offsets(%dma_start3A_257 : memref<32xi32, #tpu.memory_space<vmem>>) semaphore(%arg20 : memref<!tpu.dma_semaphore, #tpu.memory_space<semaphore_mem>>)
    %dma_start3A_261 = arith.constant 0 : i32
    %dma_start3A_262 = arith.constant 2 : i32
    %dma_start3A_263 = arith.constant 0 : i32
    %dma_start3A_264 = arith.constant 0 : i32
    %dma_start3A_265 = tpu.memref_slice %arg10[%dma_start3A_262, %dma_start3A_263, %dma_start3A_264] : memref<8x32x128xf32, #tpu.memory_space<vmem>> -> memref<1x32x128xf32, #tpu.memory_space<vmem>>
    %dma_start3A_266 = tpu.memref_squeeze %dma_start3A_265 : memref<1x32x128xf32, #tpu.memory_space<vmem>> -> memref<32x128xf32, #tpu.memory_space<vmem>>
    %dma_start3A_267 = arith.constant 64 : i32
    %dma_start3A_268 = tpu.memref_slice %arg7[%dma_start3A_261, %dma_start3A_267] : memref<64x128xi32, #tpu.memory_space<vmem>> -> memref<1x32xi32, #tpu.memory_space<vmem>>
    %dma_start3A_269 = tpu.memref_squeeze %dma_start3A_268 : memref<1x32xi32, #tpu.memory_space<vmem>> -> memref<32xi32, #tpu.memory_space<vmem>>
    %dma_start3A_270 = arith.constant 0 : i32
    %dma_start3A_271 = arith.constant 0 : i32
    %dma_start3A_272 = tpu.memref_slice %arg8[%dma_start3A_270, %dma_start3A_271] : memref<5000x128xf32, #tpu.memory_space<vmem_shared>> -> memref<5000x128xf32, #tpu.memory_space<vmem_shared>>
    tpu.enqueue_indirect_dma source(%dma_start3A_272 : memref<5000x128xf32, #tpu.memory_space<vmem_shared>>) target(%dma_start3A_266 : memref<32x128xf32, #tpu.memory_space<vmem>>) offsets(%dma_start3A_269 : memref<32xi32, #tpu.memory_space<vmem>>) semaphore(%arg21 : memref<!tpu.dma_semaphore, #tpu.memory_space<semaphore_mem>>)
    %dma_start3A_273 = arith.constant 0 : i32
    %dma_start3A_274 = arith.constant 3 : i32
    %dma_start3A_275 = arith.constant 0 : i32
    %dma_start3A_276 = arith.constant 0 : i32
    %dma_start3A_277 = tpu.memref_slice %arg10[%dma_start3A_274, %dma_start3A_275, %dma_start3A_276] : memref<8x32x128xf32, #tpu.memory_space<vmem>> -> memref<1x32x128xf32, #tpu.memory_space<vmem>>
    %dma_start3A_278 = tpu.memref_squeeze %dma_start3A_277 : memref<1x32x128xf32, #tpu.memory_space<vmem>> -> memref<32x128xf32, #tpu.memory_space<vmem>>
    %dma_start3A_279 = arith.constant 96 : i32
    %dma_start3A_280 = tpu.memref_slice %arg7[%dma_start3A_273, %dma_start3A_279] : memref<64x128xi32, #tpu.memory_space<vmem>> -> memref<1x32xi32, #tpu.memory_space<vmem>>
    %dma_start3A_281 = tpu.memref_squeeze %dma_start3A_280 : memref<1x32xi32, #tpu.memory_space<vmem>> -> memref<32xi32, #tpu.memory_space<vmem>>
    %dma_start3A_282 = arith.constant 0 : i32
    %dma_start3A_283 = arith.constant 0 : i32
    %dma_start3A_284 = tpu.memref_slice %arg8[%dma_start3A_282, %dma_start3A_283] : memref<5000x128xf32, #tpu.memory_space<vmem_shared>> -> memref<5000x128xf32, #tpu.memory_space<vmem_shared>>
    tpu.enqueue_indirect_dma source(%dma_start3A_284 : memref<5000x128xf32, #tpu.memory_space<vmem_shared>>) target(%dma_start3A_278 : memref<32x128xf32, #tpu.memory_space<vmem>>) offsets(%dma_start3A_281 : memref<32xi32, #tpu.memory_space<vmem>>) semaphore(%arg22 : memref<!tpu.dma_semaphore, #tpu.memory_space<semaphore_mem>>)
    %dma_start3A_285 = arith.constant 1 : i32
    %dma_start3A_286 = arith.constant 4 : i32
    %dma_start3A_287 = arith.constant 0 : i32
    %dma_start3A_288 = arith.constant 0 : i32
    %dma_start3A_289 = tpu.memref_slice %arg10[%dma_start3A_286, %dma_start3A_287, %dma_start3A_288] : memref<8x32x128xf32, #tpu.memory_space<vmem>> -> memref<1x32x128xf32, #tpu.memory_space<vmem>>
    %dma_start3A_290 = tpu.memref_squeeze %dma_start3A_289 : memref<1x32x128xf32, #tpu.memory_space<vmem>> -> memref<32x128xf32, #tpu.memory_space<vmem>>
    %dma_start3A_291 = arith.constant 0 : i32
    %dma_start3A_292 = tpu.memref_slice %arg7[%dma_start3A_285, %dma_start3A_291] : memref<64x128xi32, #tpu.memory_space<vmem>> -> memref<1x32xi32, #tpu.memory_space<vmem>>
    %dma_start3A_293 = tpu.memref_squeeze %dma_start3A_292 : memref<1x32xi32, #tpu.memory_space<vmem>> -> memref<32xi32, #tpu.memory_space<vmem>>
    %dma_start3A_294 = arith.constant 0 : i32
    %dma_start3A_295 = arith.constant 0 : i32
    %dma_start3A_296 = tpu.memref_slice %arg8[%dma_start3A_294, %dma_start3A_295] : memref<5000x128xf32, #tpu.memory_space<vmem_shared>> -> memref<5000x128xf32, #tpu.memory_space<vmem_shared>>
    tpu.enqueue_indirect_dma source(%dma_start3A_296 : memref<5000x128xf32, #tpu.memory_space<vmem_shared>>) target(%dma_start3A_290 : memref<32x128xf32, #tpu.memory_space<vmem>>) offsets(%dma_start3A_293 : memref<32xi32, #tpu.memory_space<vmem>>) semaphore(%arg23 : memref<!tpu.dma_semaphore, #tpu.memory_space<semaphore_mem>>)
    %dma_start3A_297 = arith.constant 1 : i32
    %dma_start3A_298 = arith.constant 5 : i32
    %dma_start3A_299 = arith.constant 0 : i32
    %dma_start3A_300 = arith.constant 0 : i32
    %dma_start3A_301 = tpu.memref_slice %arg10[%dma_start3A_298, %dma_start3A_299, %dma_start3A_300] : memref<8x32x128xf32, #tpu.memory_space<vmem>> -> memref<1x32x128xf32, #tpu.memory_space<vmem>>
    %dma_start3A_302 = tpu.memref_squeeze %dma_start3A_301 : memref<1x32x128xf32, #tpu.memory_space<vmem>> -> memref<32x128xf32, #tpu.memory_space<vmem>>
    %dma_start3A_303 = arith.constant 32 : i32
    %dma_start3A_304 = tpu.memref_slice %arg7[%dma_start3A_297, %dma_start3A_303] : memref<64x128xi32, #tpu.memory_space<vmem>> -> memref<1x32xi32, #tpu.memory_space<vmem>>
    %dma_start3A_305 = tpu.memref_squeeze %dma_start3A_304 : memref<1x32xi32, #tpu.memory_space<vmem>> -> memref<32xi32, #tpu.memory_space<vmem>>
    %dma_start3A_306 = arith.constant 0 : i32
    %dma_start3A_307 = arith.constant 0 : i32
    %dma_start3A_308 = tpu.memref_slice %arg8[%dma_start3A_306, %dma_start3A_307] : memref<5000x128xf32, #tpu.memory_space<vmem_shared>> -> memref<5000x128xf32, #tpu.memory_space<vmem_shared>>
    tpu.enqueue_indirect_dma source(%dma_start3A_308 : memref<5000x128xf32, #tpu.memory_space<vmem_shared>>) target(%dma_start3A_302 : memref<32x128xf32, #tpu.memory_space<vmem>>) offsets(%dma_start3A_305 : memref<32xi32, #tpu.memory_space<vmem>>) semaphore(%arg24 : memref<!tpu.dma_semaphore, #tpu.memory_space<semaphore_mem>>)
    %dma_start3A_309 = arith.constant 1 : i32
    %dma_start3A_310 = arith.constant 6 : i32
    %dma_start3A_311 = arith.constant 0 : i32
    %dma_start3A_312 = arith.constant 0 : i32
    %dma_start3A_313 = tpu.memref_slice %arg10[%dma_start3A_310, %dma_start3A_311, %dma_start3A_312] : memref<8x32x128xf32, #tpu.memory_space<vmem>> -> memref<1x32x128xf32, #tpu.memory_space<vmem>>
    %dma_start3A_314 = tpu.memref_squeeze %dma_start3A_313 : memref<1x32x128xf32, #tpu.memory_space<vmem>> -> memref<32x128xf32, #tpu.memory_space<vmem>>
    %dma_start3A_315 = arith.constant 64 : i32
    %dma_start3A_316 = tpu.memref_slice %arg7[%dma_start3A_309, %dma_start3A_315] : memref<64x128xi32, #tpu.memory_space<vmem>> -> memref<1x32xi32, #tpu.memory_space<vmem>>
    %dma_start3A_317 = tpu.memref_squeeze %dma_start3A_316 : memref<1x32xi32, #tpu.memory_space<vmem>> -> memref<32xi32, #tpu.memory_space<vmem>>
    %dma_start3A_318 = arith.constant 0 : i32
    %dma_start3A_319 = arith.constant 0 : i32
    %dma_start3A_320 = tpu.memref_slice %arg8[%dma_start3A_318, %dma_start3A_319] : memref<5000x128xf32, #tpu.memory_space<vmem_shared>> -> memref<5000x128xf32, #tpu.memory_space<vmem_shared>>
    tpu.enqueue_indirect_dma source(%dma_start3A_320 : memref<5000x128xf32, #tpu.memory_space<vmem_shared>>) target(%dma_start3A_314 : memref<32x128xf32, #tpu.memory_space<vmem>>) offsets(%dma_start3A_317 : memref<32xi32, #tpu.memory_space<vmem>>) semaphore(%arg25 : memref<!tpu.dma_semaphore, #tpu.memory_space<semaphore_mem>>)
    %scan3A_321 = arith.constant 0 : i32
    %scan3A_322 = arith.constant 32 : i32
    %scan3A_323 = arith.addi %scan3A_321, %scan3A_322 : i32
    %scan3A_324 = arith.constant 1 : i32
    scf.for %scan3A_341 = %scan3A_321 to %scan3A_323 step %scan3A_324  : i32 {
      %mul3A_342 = arith.constant 8 : i32
      %mul3A_343 = arith.muli %scan3A_341, %mul3A_342 : i32
      %add3A_344 = arith.constant 0 : i32
      %add3A_345 = arith.addi %add3A_344, %mul3A_343 : i32
      %add3A_346 = arith.constant 0 : i32
      %add3A_347 = arith.addi %add3A_345, %add3A_346 : i32
      %mul3A_348 = arith.constant 32 : i32
      %mul3A_349 = arith.muli %add3A_347, %mul3A_348 : i32
      %add3A_350 = arith.addi %mul3A_2, %mul3A_349 : i32
      %dma_wait3A_351 = arith.constant 0 : i32
      %dma_wait3A_352 = arith.constant 0 : i32
      %dma_wait3A_353 = arith.constant 0 : i32
      %dma_wait3A_354 = tpu.memref_slice %arg9[%dma_wait3A_351, %dma_wait3A_352, %dma_wait3A_353] : memref<8x32x128xf32, #tpu.memory_space<vmem>> -> memref<1x32x128xf32, #tpu.memory_space<vmem>>
      %dma_wait3A_355 = tpu.memref_squeeze %dma_wait3A_354 : memref<1x32x128xf32, #tpu.memory_space<vmem>> -> memref<32x128xf32, #tpu.memory_space<vmem>>
      %dma_wait3A_356 = arith.constant 0 : i32
      %dma_wait3A_357 = tpu.memref_slice %arg2[%add3A_350, %dma_wait3A_356] : memref<262144x128xf32, #tpu.memory_space<hbm>> -> memref<32x128xf32, #tpu.memory_space<hbm>>
      %dma_wait3A_358 = arith.constant 0 : i32
      %dma_wait3A_359 = arith.constant 0 : i32
      %dma_wait3A_360 = tpu.memref_slice %arg9[%dma_wait3A_351, %dma_wait3A_358, %dma_wait3A_359] : memref<8x32x128xf32, #tpu.memory_space<vmem>> -> memref<1x32x128xf32, #tpu.memory_space<vmem>>
      %dma_wait3A_361 = tpu.memref_squeeze %dma_wait3A_360 : memref<1x32x128xf32, #tpu.memory_space<vmem>> -> memref<32x128xf32, #tpu.memory_space<vmem>>
      %dma_wait3A_362 = arith.constant 0 : i32
      %dma_wait3A_363 = tpu.memref_slice %arg2[%add3A_350, %dma_wait3A_362] : memref<262144x128xf32, #tpu.memory_space<hbm>> -> memref<32x128xf32, #tpu.memory_space<hbm>>
      tpu.wait_dma2 semaphore(%arg11 : memref<!tpu.dma_semaphore, #tpu.memory_space<semaphore_mem>>) src(%dma_wait3A_363 : memref<32x128xf32, #tpu.memory_space<hbm>>) dst(%dma_wait3A_361 : memref<32x128xf32, #tpu.memory_space<vmem>>)
      %mul3A_364 = arith.constant 32 : i32
      %mul3A_365 = arith.muli %add3A_347, %mul3A_364 : i32
      %jit3A_366 = arith.constant 128 : i32
      %div3A_367 = arith.divsi %mul3A_365, %jit3A_366 : i32
      %sign3A_368 = arith.constant 0 : i32
      %sign3A_369 = arith.cmpi sgt, %mul3A_365, %sign3A_368 : i32
      %sign3A_370 = arith.extui %sign3A_369 : i1 to i32
      %sign3A_371 = arith.constant 0 : i32
      %sign3A_372 = arith.cmpi slt, %mul3A_365, %sign3A_371 : i32
      %sign3A_373 = arith.extui %sign3A_372 : i1 to i32
      %sign3A_374 = arith.subi %sign3A_370, %sign3A_373 : i32
      %sign3A_375 = arith.constant 0 : i32
      %sign3A_376 = arith.cmpi sgt, %jit3A_366, %sign3A_375 : i32
      %sign3A_377 = arith.extui %sign3A_376 : i1 to i32
      %sign3A_378 = arith.constant 0 : i32
      %sign3A_379 = arith.cmpi slt, %jit3A_366, %sign3A_378 : i32
      %sign3A_380 = arith.extui %sign3A_379 : i1 to i32
      %sign3A_381 = arith.subi %sign3A_377, %sign3A_380 : i32
      %ne3A_382 = arith.cmpi ne, %sign3A_374, %sign3A_381 : i32
      %rem3A_383 = arith.remsi %mul3A_365, %jit3A_366 : i32
      %ne3A_384 = arith.constant 0 : i32
      %ne3A_385 = arith.cmpi ne, %rem3A_383, %ne3A_384 : i32
      %and3A_386 = arith.andi %ne3A_382, %ne3A_385 : i1
      %sub3A_387 = arith.constant 1 : i32
      %sub3A_388 = arith.subi %div3A_367, %sub3A_387 : i32
      %select_n3A_389 = arith.select %and3A_386, %sub3A_388, %div3A_367 : i32
      %mul3A_390 = arith.constant 32 : i32
      %mul3A_391 = arith.muli %add3A_347, %mul3A_390 : i32
      %jit3A_392 = arith.constant 128 : i32
      %eq3A_393 = arith.constant 0 : i32
      %eq3A_394 = arith.cmpi eq, %jit3A_392, %eq3A_393 : i32
      %jit3A_395 = arith.constant 1 : i32
      %select_n3A_396 = arith.select %eq3A_394, %jit3A_395, %jit3A_392 : i32
      %rem3A_397 = arith.remsi %mul3A_391, %select_n3A_396 : i32
      %ne3A_398 = arith.constant 0 : i32
      %ne3A_399 = arith.cmpi ne, %rem3A_397, %ne3A_398 : i32
      %lt3A_400 = arith.constant 0 : i32
      %lt3A_401 = arith.cmpi slt, %rem3A_397, %lt3A_400 : i32
      %lt3A_402 = arith.constant 0 : i32
      %lt3A_403 = arith.cmpi slt, %select_n3A_396, %lt3A_402 : i32
      %ne3A_404 = arith.xori %lt3A_401, %lt3A_403 : i1
      %and3A_405 = arith.andi %ne3A_404, %ne3A_399 : i1
      %add3A_406 = arith.addi %rem3A_397, %select_n3A_396 : i32
      %select_n3A_407 = arith.select %and3A_405, %add3A_406, %rem3A_397 : i32
      %dma_wait3A_408 = arith.constant 0 : i32
      %dma_wait3A_409 = arith.constant 0 : i32
      %dma_wait3A_410 = arith.constant 0 : i32
      %dma_wait3A_411 = tpu.memref_slice %arg10[%dma_wait3A_408, %dma_wait3A_409, %dma_wait3A_410] : memref<8x32x128xf32, #tpu.memory_space<vmem>> -> memref<1x32x128xf32, #tpu.memory_space<vmem>>
      %dma_wait3A_412 = tpu.memref_squeeze %dma_wait3A_411 : memref<1x32x128xf32, #tpu.memory_space<vmem>> -> memref<32x128xf32, #tpu.memory_space<vmem>>
      %dma_wait3A_413 = tpu.memref_slice %arg7[%select_n3A_389, %select_n3A_407] : memref<64x128xi32, #tpu.memory_space<vmem>> -> memref<1x32xi32, #tpu.memory_space<vmem>>
      %dma_wait3A_414 = tpu.memref_squeeze %dma_wait3A_413 : memref<1x32xi32, #tpu.memory_space<vmem>> -> memref<32xi32, #tpu.memory_space<vmem>>
      %dma_wait3A_415 = arith.constant 0 : i32
      %dma_wait3A_416 = arith.constant 0 : i32
      %dma_wait3A_417 = tpu.memref_slice %arg8[%dma_wait3A_415, %dma_wait3A_416] : memref<5000x128xf32, #tpu.memory_space<vmem_shared>> -> memref<5000x128xf32, #tpu.memory_space<vmem_shared>>
      tpu.wait_indirect_dma semaphore(%arg19 : memref<!tpu.dma_semaphore, #tpu.memory_space<semaphore_mem>>) src(%dma_wait3A_417 : memref<5000x128xf32, #tpu.memory_space<vmem_shared>>) dst(%dma_wait3A_412 : memref<32x128xf32, #tpu.memory_space<vmem>>)
      %scan3A_418 = arith.constant 0 : i32
      %scan3A_419 = arith.constant 16 : i32
      %scan3A_420 = arith.addi %scan3A_418, %scan3A_419 : i32
      %scan3A_421 = arith.constant 1 : i32
      scf.for %scan3A_1257 = %scan3A_418 to %scan3A_420 step %scan3A_421  : i32 {
        %mul3A_1258 = arith.constant 2 : i32
        %mul3A_1259 = arith.muli %scan3A_1257, %mul3A_1258 : i32
        %add3A_1260 = arith.constant 0 : i32
        %add3A_1261 = arith.addi %add3A_1260, %mul3A_1259 : i32
        %add3A_1262 = arith.constant 0 : i32
        %add3A_1263 = arith.addi %add3A_1261, %add3A_1262 : i32
        %add3A_1264 = arith.constant 0 : i32
        %add3A_1265 = arith.addi %add3A_1261, %add3A_1264 : i32
        %get3A_1266 = arith.constant 0 : i32
        %get3A_1267 = arith.index_cast %get3A_1266 : i32 to index
        %get3A_1268 = arith.index_cast %add3A_1265 : i32 to index
        %get3A_1269 = arith.constant 0 : index
        %get3A_1270 = tpu.vector_load %arg9[%get3A_1267, %get3A_1268, %get3A_1269] {strides = array<i32>} : memref<8x32x128xf32, #tpu.memory_space<vmem>>, vector<1x1x16xf32>,
        %get3A_1271 = vector.shape_cast %get3A_1270 : vector<1x1x16xf32> to vector<16xf32>
        %swap3A = arith.constant 0 : i32
        %swap3A_1272 = arith.index_cast %swap3A : i32 to index
        %swap3A_1273 = arith.index_cast %add3A_1263 : i32 to index
        %swap3A_1274 = arith.constant 0 : index
        %swap3A_1275 = tpu.vector_load %arg10[%swap3A_1272, %swap3A_1273, %swap3A_1274] {strides = array<i32>} : memref<8x32x128xf32, #tpu.memory_space<vmem>>, vector<1x1x16xf32>,
        %swap3A_1276 = vector.shape_cast %swap3A_1275 : vector<1x1x16xf32> to vector<16xf32>
        %swap3A_1277 = vector.shape_cast %get3A_1271 : vector<16xf32> to vector<1x1x16xf32>
        tpu.vector_store %arg10[%swap3A_1272, %swap3A_1273, %swap3A_1274], %swap3A_1277 {add = true, strides = array<i32>} : memref<8x32x128xf32, #tpu.memory_space<vmem>>, vector<1x1x16xf32>,
        %add3A_1278 = arith.constant 0 : i32
        %add3A_1279 = arith.addi %add3A_1261, %add3A_1278 : i32
        %add3A_1280 = arith.constant 0 : i32
        %add3A_1281 = arith.addi %add3A_1261, %add3A_1280 : i32
        %get3A_1282 = arith.constant 0 : i32
        %get3A_1283 = arith.index_cast %get3A_1282 : i32 to index
        %get3A_1284 = arith.index_cast %add3A_1281 : i32 to index
        %get3A_1285 = arith.constant 16 : index
        %get3A_1286 = tpu.vector_load %arg9[%get3A_1283, %get3A_1284, %get3A_1285] {strides = array<i32>} : memref<8x32x128xf32, #tpu.memory_space<vmem>>, vector<1x1x16xf32>,
        %get3A_1287 = vector.shape_cast %get3A_1286 : vector<1x1x16xf32> to vector<16xf32>
        %swap3A_1288 = arith.constant 0 : i32
        %swap3A_1289 = arith.index_cast %swap3A_1288 : i32 to index
        %swap3A_1290 = arith.index_cast %add3A_1279 : i32 to index
        %swap3A_1291 = arith.constant 16 : index
        %swap3A_1292 = tpu.vector_load %arg10[%swap3A_1289, %swap3A_1290, %swap3A_1291] {strides = array<i32>} : memref<8x32x128xf32, #tpu.memory_space<vmem>>, vector<1x1x16xf32>,
        %swap3A_1293 = vector.shape_cast %swap3A_1292 : vector<1x1x16xf32> to vector<16xf32>
        %swap3A_1294 = vector.shape_cast %get3A_1287 : vector<16xf32> to vector<1x1x16xf32>
        tpu.vector_store %arg10[%swap3A_1289, %swap3A_1290, %swap3A_1291], %swap3A_1294 {add = true, strides = array<i32>} : memref<8x32x128xf32, #tpu.memory_space<vmem>>, vector<1x1x16xf32>,
        %add3A_1295 = arith.constant 0 : i32
        %add3A_1296 = arith.addi %add3A_1261, %add3A_1295 : i32
        %add3A_1297 = arith.constant 0 : i32
        %add3A_1298 = arith.addi %add3A_1261, %add3A_1297 : i32
        %get3A_1299 = arith.constant 0 : i32
        %get3A_1300 = arith.index_cast %get3A_1299 : i32 to index
        %get3A_1301 = arith.index_cast %add3A_1298 : i32 to index
        %get3A_1302 = arith.constant 32 : index
        %get3A_1303 = tpu.vector_load %arg9[%get3A_1300, %get3A_1301, %get3A_1302] {strides = array<i32>} : memref<8x32x128xf32, #tpu.memory_space<vmem>>, vector<1x1x16xf32>,
        %get3A_1304 = vector.shape_cast %get3A_1303 : vector<1x1x16xf32> to vector<16xf32>
        %swap3A_1305 = arith.constant 0 : i32
        %swap3A_1306 = arith.index_cast %swap3A_1305 : i32 to index
        %swap3A_1307 = arith.index_cast %add3A_1296 : i32 to index
        %swap3A_1308 = arith.constant 32 : index
        %swap3A_1309 = tpu.vector_load %arg10[%swap3A_1306, %swap3A_1307, %swap3A_1308] {strides = array<i32>} : memref<8x32x128xf32, #tpu.memory_space<vmem>>, vector<1x1x16xf32>,
        %swap3A_1310 = vector.shape_cast %swap3A_1309 : vector<1x1x16xf32> to vector<16xf32>
        %swap3A_1311 = vector.shape_cast %get3A_1304 : vector<16xf32> to vector<1x1x16xf32>
        tpu.vector_store %arg10[%swap3A_1306, %swap3A_1307, %swap3A_1308], %swap3A_1311 {add = true, strides = array<i32>} : memref<8x32x128xf32, #tpu.memory_space<vmem>>, vector<1x1x16xf32>,
        %add3A_1312 = arith.constant 0 : i32
        %add3A_1313 = arith.addi %add3A_1261, %add3A_1312 : i32
        %add3A_1314 = arith.constant 0 : i32
        %add3A_1315 = arith.addi %add3A_1261, %add3A_1314 : i32
        %get3A_1316 = arith.constant 0 : i32
        %get3A_1317 = arith.index_cast %get3A_1316 : i32 to index
        %get3A_1318 = arith.index_cast %add3A_1315 : i32 to index
        %get3A_1319 = arith.constant 48 : index
        %get3A_1320 = tpu.vector_load %arg9[%get3A_1317, %get3A_1318, %get3A_1319] {strides = array<i32>} : memref<8x32x128xf32, #tpu.memory_space<vmem>>, vector<1x1x16xf32>,
        %get3A_1321 = vector.shape_cast %get3A_1320 : vector<1x1x16xf32> to vector<16xf32>
        %swap3A_1322 = arith.constant 0 : i32
        %swap3A_1323 = arith.index_cast %swap3A_1322 : i32 to index
        %swap3A_1324 = arith.index_cast %add3A_1313 : i32 to index
        %swap3A_1325 = arith.constant 48 : index
        %swap3A_1326 = tpu.vector_load %arg10[%swap3A_1323, %swap3A_1324, %swap3A_1325] {strides = array<i32>} : memref<8x32x128xf32, #tpu.memory_space<vmem>>, vector<1x1x16xf32>,
        %swap3A_1327 = vector.shape_cast %swap3A_1326 : vector<1x1x16xf32> to vector<16xf32>
        %swap3A_1328 = vector.shape_cast %get3A_1321 : vector<16xf32> to vector<1x1x16xf32>
        tpu.vector_store %arg10[%swap3A_1323, %swap3A_1324, %swap3A_1325], %swap3A_1328 {add = true, strides = array<i32>} : memref<8x32x128xf32, #tpu.memory_space<vmem>>, vector<1x1x16xf32>,
        %add3A_1329 = arith.constant 0 : i32
        %add3A_1330 = arith.addi %add3A_1261, %add3A_1329 : i32
        %add3A_1331 = arith.constant 0 : i32
        %add3A_1332 = arith.addi %add3A_1261, %add3A_1331 : i32
        %get3A_1333 = arith.constant 0 : i32
        %get3A_1334 = arith.index_cast %get3A_1333 : i32 to index
        %get3A_1335 = arith.index_cast %add3A_1332 : i32 to index
        %get3A_1336 = arith.constant 64 : index
        %get3A_1337 = tpu.vector_load %arg9[%get3A_1334, %get3A_1335, %get3A_1336] {strides = array<i32>} : memref<8x32x128xf32, #tpu.memory_space<vmem>>, vector<1x1x16xf32>,
        %get3A_1338 = vector.shape_cast %get3A_1337 : vector<1x1x16xf32> to vector<16xf32>
        %swap3A_1339 = arith.constant 0 : i32
        %swap3A_1340 = arith.index_cast %swap3A_1339 : i32 to index
        %swap3A_1341 = arith.index_cast %add3A_1330 : i32 to index
        %swap3A_1342 = arith.constant 64 : index
        %swap3A_1343 = tpu.vector_load %arg10[%swap3A_1340, %swap3A_1341, %swap3A_1342] {strides = array<i32>} : memref<8x32x128xf32, #tpu.memory_space<vmem>>, vector<1x1x16xf32>,
        %swap3A_1344 = vector.shape_cast %swap3A_1343 : vector<1x1x16xf32> to vector<16xf32>
        %swap3A_1345 = vector.shape_cast %get3A_1338 : vector<16xf32> to vector<1x1x16xf32>
        tpu.vector_store %arg10[%swap3A_1340, %swap3A_1341, %swap3A_1342], %swap3A_1345 {add = true, strides = array<i32>} : memref<8x32x128xf32, #tpu.memory_space<vmem>>, vector<1x1x16xf32>,
        %add3A_1346 = arith.constant 0 : i32
        %add3A_1347 = arith.addi %add3A_1261, %add3A_1346 : i32
        %add3A_1348 = arith.constant 0 : i32
        %add3A_1349 = arith.addi %add3A_1261, %add3A_1348 : i32
        %get3A_1350 = arith.constant 0 : i32
        %get3A_1351 = arith.index_cast %get3A_1350 : i32 to index
        %get3A_1352 = arith.index_cast %add3A_1349 : i32 to index
        %get3A_1353 = arith.constant 80 : index
        %get3A_1354 = tpu.vector_load %arg9[%get3A_1351, %get3A_1352, %get3A_1353] {strides = array<i32>} : memref<8x32x128xf32, #tpu.memory_space<vmem>>, vector<1x1x16xf32>,
        %get3A_1355 = vector.shape_cast %get3A_1354 : vector<1x1x16xf32> to vector<16xf32>
        %swap3A_1356 = arith.constant 0 : i32
        %swap3A_1357 = arith.index_cast %swap3A_1356 : i32 to index
        %swap3A_1358 = arith.index_cast %add3A_1347 : i32 to index
        %swap3A_1359 = arith.constant 80 : index
        %swap3A_1360 = tpu.vector_load %arg10[%swap3A_1357, %swap3A_1358, %swap3A_1359] {strides = array<i32>} : memref<8x32x128xf32, #tpu.memory_space<vmem>>, vector<1x1x16xf32>,
        %swap3A_1361 = vector.shape_cast %swap3A_1360 : vector<1x1x16xf32> to vector<16xf32>
        %swap3A_1362 = vector.shape_cast %get3A_1355 : vector<16xf32> to vector<1x1x16xf32>
        tpu.vector_store %arg10[%swap3A_1357, %swap3A_1358, %swap3A_1359], %swap3A_1362 {add = true, strides = array<i32>} : memref<8x32x128xf32, #tpu.memory_space<vmem>>, vector<1x1x16xf32>,
        %add3A_1363 = arith.constant 0 : i32
        %add3A_1364 = arith.addi %add3A_1261, %add3A_1363 : i32
        %add3A_1365 = arith.constant 0 : i32
        %add3A_1366 = arith.addi %add3A_1261, %add3A_1365 : i32
        %get3A_1367 = arith.constant 0 : i32
        %get3A_1368 = arith.index_cast %get3A_1367 : i32 to index
        %get3A_1369 = arith.index_cast %add3A_1366 : i32 to index
        %get3A_1370 = arith.constant 96 : index
        %get3A_1371 = tpu.vector_load %arg9[%get3A_1368, %get3A_1369, %get3A_1370] {strides = array<i32>} : memref<8x32x128xf32, #tpu.memory_space<vmem>>, vector<1x1x16xf32>,
        %get3A_1372 = vector.shape_cast %get3A_1371 : vector<1x1x16xf32> to vector<16xf32>
        %swap3A_1373 = arith.constant 0 : i32
        %swap3A_1374 = arith.index_cast %swap3A_1373 : i32 to index
        %swap3A_1375 = arith.index_cast %add3A_1364 : i32 to index
        %swap3A_1376 = arith.constant 96 : index
        %swap3A_1377 = tpu.vector_load %arg10[%swap3A_1374, %swap3A_1375, %swap3A_1376] {strides = array<i32>} : memref<8x32x128xf32, #tpu.memory_space<vmem>>, vector<1x1x16xf32>,
        %swap3A_1378 = vector.shape_cast %swap3A_1377 : vector<1x1x16xf32> to vector<16xf32>
        %swap3A_1379 = vector.shape_cast %get3A_1372 : vector<16xf32> to vector<1x1x16xf32>
        tpu.vector_store %arg10[%swap3A_1374, %swap3A_1375, %swap3A_1376], %swap3A_1379 {add = true, strides = array<i32>} : memref<8x32x128xf32, #tpu.memory_space<vmem>>, vector<1x1x16xf32>,
        %add3A_1380 = arith.constant 0 : i32
        %add3A_1381 = arith.addi %add3A_1261, %add3A_1380 : i32
        %add3A_1382 = arith.constant 0 : i32
        %add3A_1383 = arith.addi %add3A_1261, %add3A_1382 : i32
        %get3A_1384 = arith.constant 0 : i32
        %get3A_1385 = arith.index_cast %get3A_1384 : i32 to index
        %get3A_1386 = arith.index_cast %add3A_1383 : i32 to index
        %get3A_1387 = arith.constant 112 : index
        %get3A_1388 = tpu.vector_load %arg9[%get3A_1385, %get3A_1386, %get3A_1387] {strides = array<i32>} : memref<8x32x128xf32, #tpu.memory_space<vmem>>, vector<1x1x16xf32>,
        %get3A_1389 = vector.shape_cast %get3A_1388 : vector<1x1x16xf32> to vector<16xf32>
        %swap3A_1390 = arith.constant 0 : i32
        %swap3A_1391 = arith.index_cast %swap3A_1390 : i32 to index
        %swap3A_1392 = arith.index_cast %add3A_1381 : i32 to index
        %swap3A_1393 = arith.constant 112 : index
        %swap3A_1394 = tpu.vector_load %arg10[%swap3A_1391, %swap3A_1392, %swap3A_1393] {strides = array<i32>} : memref<8x32x128xf32, #tpu.memory_space<vmem>>, vector<1x1x16xf32>,
        %swap3A_1395 = vector.shape_cast %swap3A_1394 : vector<1x1x16xf32> to vector<16xf32>
        %swap3A_1396 = vector.shape_cast %get3A_1389 : vector<16xf32> to vector<1x1x16xf32>
        tpu.vector_store %arg10[%swap3A_1391, %swap3A_1392, %swap3A_1393], %swap3A_1396 {add = true, strides = array<i32>} : memref<8x32x128xf32, #tpu.memory_space<vmem>>, vector<1x1x16xf32>,
        %add3A_1397 = arith.constant 1 : i32
        %add3A_1398 = arith.addi %add3A_1261, %add3A_1397 : i32
        %add3A_1399 = arith.constant 1 : i32
        %add3A_1400 = arith.addi %add3A_1261, %add3A_1399 : i32
        %get3A_1401 = arith.constant 0 : i32
        %get3A_1402 = arith.index_cast %get3A_1401 : i32 to index
        %get3A_1403 = arith.index_cast %add3A_1400 : i32 to index
        %get3A_1404 = arith.constant 0 : index
        %get3A_1405 = tpu.vector_load %arg9[%get3A_1402, %get3A_1403, %get3A_1404] {strides = array<i32>} : memref<8x32x128xf32, #tpu.memory_space<vmem>>, vector<1x1x16xf32>,
        %get3A_1406 = vector.shape_cast %get3A_1405 : vector<1x1x16xf32> to vector<16xf32>
        %swap3A_1407 = arith.constant 0 : i32
        %swap3A_1408 = arith.index_cast %swap3A_1407 : i32 to index
        %swap3A_1409 = arith.index_cast %add3A_1398 : i32 to index
        %swap3A_1410 = arith.constant 0 : index
        %swap3A_1411 = tpu.vector_load %arg10[%swap3A_1408, %swap3A_1409, %swap3A_1410] {strides = array<i32>} : memref<8x32x128xf32, #tpu.memory_space<vmem>>, vector<1x1x16xf32>,
        %swap3A_1412 = vector.shape_cast %swap3A_1411 : vector<1x1x16xf32> to vector<16xf32>
        %swap3A_1413 = vector.shape_cast %get3A_1406 : vector<16xf32> to vector<1x1x16xf32>
        tpu.vector_store %arg10[%swap3A_1408, %swap3A_1409, %swap3A_1410], %swap3A_1413 {add = true, strides = array<i32>} : memref<8x32x128xf32, #tpu.memory_space<vmem>>, vector<1x1x16xf32>,
        %add3A_1414 = arith.constant 1 : i32
        %add3A_1415 = arith.addi %add3A_1261, %add3A_1414 : i32
        %add3A_1416 = arith.constant 1 : i32
        %add3A_1417 = arith.addi %add3A_1261, %add3A_1416 : i32
        %get3A_1418 = arith.constant 0 : i32
        %get3A_1419 = arith.index_cast %get3A_1418 : i32 to index
        %get3A_1420 = arith.index_cast %add3A_1417 : i32 to index
        %get3A_1421 = arith.constant 16 : index
        %get3A_1422 = tpu.vector_load %arg9[%get3A_1419, %get3A_1420, %get3A_1421] {strides = array<i32>} : memref<8x32x128xf32, #tpu.memory_space<vmem>>, vector<1x1x16xf32>,
        %get3A_1423 = vector.shape_cast %get3A_1422 : vector<1x1x16xf32> to vector<16xf32>
        %swap3A_1424 = arith.constant 0 : i32
        %swap3A_1425 = arith.index_cast %swap3A_1424 : i32 to index
        %swap3A_1426 = arith.index_cast %add3A_1415 : i32 to index
        %swap3A_1427 = arith.constant 16 : index
        %swap3A_1428 = tpu.vector_load %arg10[%swap3A_1425, %swap3A_1426, %swap3A_1427] {strides = array<i32>} : memref<8x32x128xf32, #tpu.memory_space<vmem>>, vector<1x1x16xf32>,
        %swap3A_1429 = vector.shape_cast %swap3A_1428 : vector<1x1x16xf32> to vector<16xf32>
        %swap3A_1430 = vector.shape_cast %get3A_1423 : vector<16xf32> to vector<1x1x16xf32>
        tpu.vector_store %arg10[%swap3A_1425, %swap3A_1426, %swap3A_1427], %swap3A_1430 {add = true, strides = array<i32>} : memref<8x32x128xf32, #tpu.memory_space<vmem>>, vector<1x1x16xf32>,
        %add3A_1431 = arith.constant 1 : i32
        %add3A_1432 = arith.addi %add3A_1261, %add3A_1431 : i32
        %add3A_1433 = arith.constant 1 : i32
        %add3A_1434 = arith.addi %add3A_1261, %add3A_1433 : i32
        %get3A_1435 = arith.constant 0 : i32
        %get3A_1436 = arith.index_cast %get3A_1435 : i32 to index
        %get3A_1437 = arith.index_cast %add3A_1434 : i32 to index
        %get3A_1438 = arith.constant 32 : index
        %get3A_1439 = tpu.vector_load %arg9[%get3A_1436, %get3A_1437, %get3A_1438] {strides = array<i32>} : memref<8x32x128xf32, #tpu.memory_space<vmem>>, vector<1x1x16xf32>,
        %get3A_1440 = vector.shape_cast %get3A_1439 : vector<1x1x16xf32> to vector<16xf32>
        %swap3A_1441 = arith.constant 0 : i32
        %swap3A_1442 = arith.index_cast %swap3A_1441 : i32 to index
        %swap3A_1443 = arith.index_cast %add3A_1432 : i32 to index
        %swap3A_1444 = arith.constant 32 : index
        %swap3A_1445 = tpu.vector_load %arg10[%swap3A_1442, %swap3A_1443, %swap3A_1444] {strides = array<i32>} : memref<8x32x128xf32, #tpu.memory_space<vmem>>, vector<1x1x16xf32>,
        %swap3A_1446 = vector.shape_cast %swap3A_1445 : vector<1x1x16xf32> to vector<16xf32>
        %swap3A_1447 = vector.shape_cast %get3A_1440 : vector<16xf32> to vector<1x1x16xf32>
        tpu.vector_store %arg10[%swap3A_1442, %swap3A_1443, %swap3A_1444], %swap3A_1447 {add = true, strides = array<i32>} : memref<8x32x128xf32, #tpu.memory_space<vmem>>, vector<1x1x16xf32>,
        %add3A_1448 = arith.constant 1 : i32
        %add3A_1449 = arith.addi %add3A_1261, %add3A_1448 : i32
        %add3A_1450 = arith.constant 1 : i32
        %add3A_1451 = arith.addi %add3A_1261, %add3A_1450 : i32
        %get3A_1452 = arith.constant 0 : i32
        %get3A_1453 = arith.index_cast %get3A_1452 : i32 to index
        %get3A_1454 = arith.index_cast %add3A_1451 : i32 to index
        %get3A_1455 = arith.constant 48 : index
        %get3A_1456 = tpu.vector_load %arg9[%get3A_1453, %get3A_1454, %get3A_1455] {strides = array<i32>} : memref<8x32x128xf32, #tpu.memory_space<vmem>>, vector<1x1x16xf32>,
        %get3A_1457 = vector.shape_cast %get3A_1456 : vector<1x1x16xf32> to vector<16xf32>
        %swap3A_1458 = arith.constant 0 : i32
        %swap3A_1459 = arith.index_cast %swap3A_1458 : i32 to index
        %swap3A_1460 = arith.index_cast %add3A_1449 : i32 to index
        %swap3A_1461 = arith.constant 48 : index
        %swap3A_1462 = tpu.vector_load %arg10[%swap3A_1459, %swap3A_1460, %swap3A_1461] {strides = array<i32>} : memref<8x32x128xf32, #tpu.memory_space<vmem>>, vector<1x1x16xf32>,
        %swap3A_1463 = vector.shape_cast %swap3A_1462 : vector<1x1x16xf32> to vector<16xf32>
        %swap3A_1464 = vector.shape_cast %get3A_1457 : vector<16xf32> to vector<1x1x16xf32>
        tpu.vector_store %arg10[%swap3A_1459, %swap3A_1460, %swap3A_1461], %swap3A_1464 {add = true, strides = array<i32>} : memref<8x32x128xf32, #tpu.memory_space<vmem>>, vector<1x1x16xf32>,
        %add3A_1465 = arith.constant 1 : i32
        %add3A_1466 = arith.addi %add3A_1261, %add3A_1465 : i32
        %add3A_1467 = arith.constant 1 : i32
        %add3A_1468 = arith.addi %add3A_1261, %add3A_1467 : i32
        %get3A_1469 = arith.constant 0 : i32
        %get3A_1470 = arith.index_cast %get3A_1469 : i32 to index
        %get3A_1471 = arith.index_cast %add3A_1468 : i32 to index
        %get3A_1472 = arith.constant 64 : index
        %get3A_1473 = tpu.vector_load %arg9[%get3A_1470, %get3A_1471, %get3A_1472] {strides = array<i32>} : memref<8x32x128xf32, #tpu.memory_space<vmem>>, vector<1x1x16xf32>,
        %get3A_1474 = vector.shape_cast %get3A_1473 : vector<1x1x16xf32> to vector<16xf32>
        %swap3A_1475 = arith.constant 0 : i32
        %swap3A_1476 = arith.index_cast %swap3A_1475 : i32 to index
        %swap3A_1477 = arith.index_cast %add3A_1466 : i32 to index
        %swap3A_1478 = arith.constant 64 : index
        %swap3A_1479 = tpu.vector_load %arg10[%swap3A_1476, %swap3A_1477, %swap3A_1478] {strides = array<i32>} : memref<8x32x128xf32, #tpu.memory_space<vmem>>, vector<1x1x16xf32>,
        %swap3A_1480 = vector.shape_cast %swap3A_1479 : vector<1x1x16xf32> to vector<16xf32>
        %swap3A_1481 = vector.shape_cast %get3A_1474 : vector<16xf32> to vector<1x1x16xf32>
        tpu.vector_store %arg10[%swap3A_1476, %swap3A_1477, %swap3A_1478], %swap3A_1481 {add = true, strides = array<i32>} : memref<8x32x128xf32, #tpu.memory_space<vmem>>, vector<1x1x16xf32>,
        %add3A_1482 = arith.constant 1 : i32
        %add3A_1483 = arith.addi %add3A_1261, %add3A_1482 : i32
        %add3A_1484 = arith.constant 1 : i32
        %add3A_1485 = arith.addi %add3A_1261, %add3A_1484 : i32
        %get3A_1486 = arith.constant 0 : i32
        %get3A_1487 = arith.index_cast %get3A_1486 : i32 to index
        %get3A_1488 = arith.index_cast %add3A_1485 : i32 to index
        %get3A_1489 = arith.constant 80 : index
        %get3A_1490 = tpu.vector_load %arg9[%get3A_1487, %get3A_1488, %get3A_1489] {strides = array<i32>} : memref<8x32x128xf32, #tpu.memory_space<vmem>>, vector<1x1x16xf32>,
        %get3A_1491 = vector.shape_cast %get3A_1490 : vector<1x1x16xf32> to vector<16xf32>
        %swap3A_1492 = arith.constant 0 : i32
        %swap3A_1493 = arith.index_cast %swap3A_1492 : i32 to index
        %swap3A_1494 = arith.index_cast %add3A_1483 : i32 to index
        %swap3A_1495 = arith.constant 80 : index
        %swap3A_1496 = tpu.vector_load %arg10[%swap3A_1493, %swap3A_1494, %swap3A_1495] {strides = array<i32>} : memref<8x32x128xf32, #tpu.memory_space<vmem>>, vector<1x1x16xf32>,
        %swap3A_1497 = vector.shape_cast %swap3A_1496 : vector<1x1x16xf32> to vector<16xf32>
        %swap3A_1498 = vector.shape_cast %get3A_1491 : vector<16xf32> to vector<1x1x16xf32>
        tpu.vector_store %arg10[%swap3A_1493, %swap3A_1494, %swap3A_1495], %swap3A_1498 {add = true, strides = array<i32>} : memref<8x32x128xf32, #tpu.memory_space<vmem>>, vector<1x1x16xf32>,
        %add3A_1499 = arith.constant 1 : i32
        %add3A_1500 = arith.addi %add3A_1261, %add3A_1499 : i32
        %add3A_1501 = arith.constant 1 : i32
        %add3A_1502 = arith.addi %add3A_1261, %add3A_1501 : i32
        %get3A_1503 = arith.constant 0 : i32
        %get3A_1504 = arith.index_cast %get3A_1503 : i32 to index
        %get3A_1505 = arith.index_cast %add3A_1502 : i32 to index
        %get3A_1506 = arith.constant 96 : index
        %get3A_1507 = tpu.vector_load %arg9[%get3A_1504, %get3A_1505, %get3A_1506] {strides = array<i32>} : memref<8x32x128xf32, #tpu.memory_space<vmem>>, vector<1x1x16xf32>,
        %get3A_1508 = vector.shape_cast %get3A_1507 : vector<1x1x16xf32> to vector<16xf32>
        %swap3A_1509 = arith.constant 0 : i32
        %swap3A_1510 = arith.index_cast %swap3A_1509 : i32 to index
        %swap3A_1511 = arith.index_cast %add3A_1500 : i32 to index
        %swap3A_1512 = arith.constant 96 : index
        %swap3A_1513 = tpu.vector_load %arg10[%swap3A_1510, %swap3A_1511, %swap3A_1512] {strides = array<i32>} : memref<8x32x128xf32, #tpu.memory_space<vmem>>, vector<1x1x16xf32>,
        %swap3A_1514 = vector.shape_cast %swap3A_1513 : vector<1x1x16xf32> to vector<16xf32>
        %swap3A_1515 = vector.shape_cast %get3A_1508 : vector<16xf32> to vector<1x1x16xf32>
        tpu.vector_store %arg10[%swap3A_1510, %swap3A_1511, %swap3A_1512], %swap3A_1515 {add = true, strides = array<i32>} : memref<8x32x128xf32, #tpu.memory_space<vmem>>, vector<1x1x16xf32>,
        %add3A_1516 = arith.constant 1 : i32
        %add3A_1517 = arith.addi %add3A_1261, %add3A_1516 : i32
        %add3A_1518 = arith.constant 1 : i32
        %add3A_1519 = arith.addi %add3A_1261, %add3A_1518 : i32
        %get3A_1520 = arith.constant 0 : i32
        %get3A_1521 = arith.index_cast %get3A_1520 : i32 to index
        %get3A_1522 = arith.index_cast %add3A_1519 : i32 to index
        %get3A_1523 = arith.constant 112 : index
        %get3A_1524 = tpu.vector_load %arg9[%get3A_1521, %get3A_1522, %get3A_1523] {strides = array<i32>} : memref<8x32x128xf32, #tpu.memory_space<vmem>>, vector<1x1x16xf32>,
        %get3A_1525 = vector.shape_cast %get3A_1524 : vector<1x1x16xf32> to vector<16xf32>
        %swap3A_1526 = arith.constant 0 : i32
        %swap3A_1527 = arith.index_cast %swap3A_1526 : i32 to index
        %swap3A_1528 = arith.index_cast %add3A_1517 : i32 to index
        %swap3A_1529 = arith.constant 112 : index
        %swap3A_1530 = tpu.vector_load %arg10[%swap3A_1527, %swap3A_1528, %swap3A_1529] {strides = array<i32>} : memref<8x32x128xf32, #tpu.memory_space<vmem>>, vector<1x1x16xf32>,
        %swap3A_1531 = vector.shape_cast %swap3A_1530 : vector<1x1x16xf32> to vector<16xf32>
        %swap3A_1532 = vector.shape_cast %get3A_1525 : vector<16xf32> to vector<1x1x16xf32>
        tpu.vector_store %arg10[%swap3A_1527, %swap3A_1528, %swap3A_1529], %swap3A_1532 {add = true, strides = array<i32>} : memref<8x32x128xf32, #tpu.memory_space<vmem>>, vector<1x1x16xf32>,
      }
      %scan3A_422 = arith.constant 16 : i32
      %mul3A_423 = arith.constant 32 : i32
      %mul3A_424 = arith.muli %add3A_347, %mul3A_423 : i32
      %add3A_425 = arith.addi %mul3A_2, %mul3A_424 : i32
      %dma_start3A_426 = arith.constant 0 : i32
      %dma_start3A_427 = arith.constant 0 : i32
      %dma_start3A_428 = arith.constant 0 : i32
      %dma_start3A_429 = tpu.memref_slice %arg10[%dma_start3A_426, %dma_start3A_427, %dma_start3A_428] : memref<8x32x128xf32, #tpu.memory_space<vmem>> -> memref<1x32x128xf32, #tpu.memory_space<vmem>>
      %dma_start3A_430 = tpu.memref_squeeze %dma_start3A_429 : memref<1x32x128xf32, #tpu.memory_space<vmem>> -> memref<32x128xf32, #tpu.memory_space<vmem>>
      %dma_start3A_431 = arith.constant 0 : i32
      %dma_start3A_432 = tpu.memref_slice %arg5[%add3A_425, %dma_start3A_431] : memref<262144x128xf32, #tpu.memory_space<hbm>> -> memref<32x128xf32, #tpu.memory_space<hbm>>
      %dma_start3A_433 = arith.constant 0 : i32
      %dma_start3A_434 = tpu.memref_slice %arg5[%add3A_425, %dma_start3A_433] : memref<262144x128xf32, #tpu.memory_space<hbm>> -> memref<32x128xf32, #tpu.memory_space<hbm>>
      %dma_start3A_435 = arith.constant 0 : i32
      %dma_start3A_436 = arith.constant 0 : i32
      %dma_start3A_437 = tpu.memref_slice %arg10[%dma_start3A_426, %dma_start3A_435, %dma_start3A_436] : memref<8x32x128xf32, #tpu.memory_space<vmem>> -> memref<1x32x128xf32, #tpu.memory_space<vmem>>
      %dma_start3A_438 = tpu.memref_squeeze %dma_start3A_437 : memref<1x32x128xf32, #tpu.memory_space<vmem>> -> memref<32x128xf32, #tpu.memory_space<vmem>>
      tpu.enqueue_dma source(%dma_start3A_438 : memref<32x128xf32, #tpu.memory_space<vmem>>) target(%dma_start3A_434 : memref<32x128xf32, #tpu.memory_space<hbm>>) target_semaphore(%arg27 : memref<!tpu.dma_semaphore, #tpu.memory_space<semaphore_mem>>)
      %add3A_439 = arith.constant 8 : i32
      %add3A_440 = arith.addi %add3A_347, %add3A_439 : i32
      %lt3A_441 = arith.constant 256 : i32
      %lt3A_442 = arith.cmpi slt, %add3A_440, %lt3A_441 : i32
      %convert_element_type3A_443 = arith.extui %lt3A_442 : i1 to i32
      %cond3A_444 = arith.constant 0 : i32
      %cond3A_445 = arith.cmpi ne, %convert_element_type3A_443, %cond3A_444 : i32
      scf.if %cond3A_445 {
        %add3A_1257 = arith.constant 8 : i32
        %add3A_1258 = arith.addi %add3A_347, %add3A_1257 : i32
        %mul3A_1259 = arith.constant 32 : i32
        %mul3A_1260 = arith.muli %add3A_1258, %mul3A_1259 : i32
        %add3A_1261 = arith.addi %mul3A_2, %mul3A_1260 : i32
        %dma_start3A_1262 = arith.constant 0 : i32
        %dma_start3A_1263 = arith.constant 0 : i32
        %dma_start3A_1264 = arith.constant 0 : i32
        %dma_start3A_1265 = tpu.memref_slice %arg9[%dma_start3A_1262, %dma_start3A_1263, %dma_start3A_1264] : memref<8x32x128xf32, #tpu.memory_space<vmem>> -> memref<1x32x128xf32, #tpu.memory_space<vmem>>
        %dma_start3A_1266 = tpu.memref_squeeze %dma_start3A_1265 : memref<1x32x128xf32, #tpu.memory_space<vmem>> -> memref<32x128xf32, #tpu.memory_space<vmem>>
        %dma_start3A_1267 = arith.constant 0 : i32
        %dma_start3A_1268 = tpu.memref_slice %arg2[%add3A_1261, %dma_start3A_1267] : memref<262144x128xf32, #tpu.memory_space<hbm>> -> memref<32x128xf32, #tpu.memory_space<hbm>>
        %dma_start3A_1269 = arith.constant 0 : i32
        %dma_start3A_1270 = arith.constant 0 : i32
        %dma_start3A_1271 = tpu.memref_slice %arg9[%dma_start3A_1262, %dma_start3A_1269, %dma_start3A_1270] : memref<8x32x128xf32, #tpu.memory_space<vmem>> -> memref<1x32x128xf32, #tpu.memory_space<vmem>>
        %dma_start3A_1272 = tpu.memref_squeeze %dma_start3A_1271 : memref<1x32x128xf32, #tpu.memory_space<vmem>> -> memref<32x128xf32, #tpu.memory_space<vmem>>
        %dma_start3A_1273 = arith.constant 0 : i32
        %dma_start3A_1274 = tpu.memref_slice %arg2[%add3A_1261, %dma_start3A_1273] : memref<262144x128xf32, #tpu.memory_space<hbm>> -> memref<32x128xf32, #tpu.memory_space<hbm>>
        tpu.enqueue_dma source(%dma_start3A_1274 : memref<32x128xf32, #tpu.memory_space<hbm>>) target(%dma_start3A_1272 : memref<32x128xf32, #tpu.memory_space<vmem>>) target_semaphore(%arg11 : memref<!tpu.dma_semaphore, #tpu.memory_space<semaphore_mem>>)
      } else {
      }
      %ge3A = arith.constant 1 : i32
      %ge3A_446 = arith.cmpi sge, %add3A_347, %ge3A : i32
      %convert_element_type3A_447 = arith.extui %ge3A_446 : i1 to i32
      %cond3A_448 = arith.constant 0 : i32
      %cond3A_449 = arith.cmpi ne, %convert_element_type3A_447, %cond3A_448 : i32
      scf.if %cond3A_449 {
        %sub3A_1257 = arith.constant 1 : i32
        %sub3A_1258 = arith.subi %add3A_347, %sub3A_1257 : i32
        %mul3A_1259 = arith.constant 32 : i32
        %mul3A_1260 = arith.muli %sub3A_1258, %mul3A_1259 : i32
        %add3A_1261 = arith.addi %mul3A_2, %mul3A_1260 : i32
        %dma_wait3A_1262 = arith.constant 7 : i32
        %dma_wait3A_1263 = arith.constant 0 : i32
        %dma_wait3A_1264 = arith.constant 0 : i32
        %dma_wait3A_1265 = tpu.memref_slice %arg10[%dma_wait3A_1262, %dma_wait3A_1263, %dma_wait3A_1264] : memref<8x32x128xf32, #tpu.memory_space<vmem>> -> memref<1x32x128xf32, #tpu.memory_space<vmem>>
        %dma_wait3A_1266 = tpu.memref_squeeze %dma_wait3A_1265 : memref<1x32x128xf32, #tpu.memory_space<vmem>> -> memref<32x128xf32, #tpu.memory_space<vmem>>
        %dma_wait3A_1267 = arith.constant 0 : i32
        %dma_wait3A_1268 = tpu.memref_slice %arg5[%add3A_1261, %dma_wait3A_1267] : memref<262144x128xf32, #tpu.memory_space<hbm>> -> memref<32x128xf32, #tpu.memory_space<hbm>>
        %dma_wait3A_1269 = arith.constant 0 : i32
        %dma_wait3A_1270 = tpu.memref_slice %arg5[%add3A_1261, %dma_wait3A_1269] : memref<262144x128xf32, #tpu.memory_space<hbm>> -> memref<32x128xf32, #tpu.memory_space<hbm>>
        %dma_wait3A_1271 = arith.constant 0 : i32
        %dma_wait3A_1272 = arith.constant 0 : i32
        %dma_wait3A_1273 = tpu.memref_slice %arg10[%dma_wait3A_1262, %dma_wait3A_1271, %dma_wait3A_1272] : memref<8x32x128xf32, #tpu.memory_space<vmem>> -> memref<1x32x128xf32, #tpu.memory_space<vmem>>
        %dma_wait3A_1274 = tpu.memref_squeeze %dma_wait3A_1273 : memref<1x32x128xf32, #tpu.memory_space<vmem>> -> memref<32x128xf32, #tpu.memory_space<vmem>>
        tpu.wait_dma2 semaphore(%arg34 : memref<!tpu.dma_semaphore, #tpu.memory_space<semaphore_mem>>) src(%dma_wait3A_1274 : memref<32x128xf32, #tpu.memory_space<vmem>>) dst(%dma_wait3A_1270 : memref<32x128xf32, #tpu.memory_space<hbm>>)
      } else {
      }
      %add3A_450 = arith.constant 8 : i32
      %add3A_451 = arith.addi %add3A_347, %add3A_450 : i32
      %sub3A_452 = arith.constant 1 : i32
      %sub3A_453 = arith.subi %add3A_451, %sub3A_452 : i32
      %lt3A_454 = arith.constant 256 : i32
      %lt3A_455 = arith.cmpi slt, %sub3A_453, %lt3A_454 : i32
      %convert_element_type3A_456 = arith.extui %lt3A_455 : i1 to i32
      %cond3A_457 = arith.constant 0 : i32
      %cond3A_458 = arith.cmpi ne, %convert_element_type3A_456, %cond3A_457 : i32
      scf.if %cond3A_458 {
        %add3A_1257 = arith.constant 8 : i32
        %add3A_1258 = arith.addi %add3A_347, %add3A_1257 : i32
        %sub3A_1259 = arith.constant 1 : i32
        %sub3A_1260 = arith.subi %add3A_1258, %sub3A_1259 : i32
        %mul3A_1261 = arith.constant 32 : i32
        %mul3A_1262 = arith.muli %sub3A_1260, %mul3A_1261 : i32
        %jit3A_1263 = arith.constant 128 : i32
        %div3A_1264 = arith.divsi %mul3A_1262, %jit3A_1263 : i32
        %sign3A_1265 = arith.constant 0 : i32
        %sign3A_1266 = arith.cmpi sgt, %mul3A_1262, %sign3A_1265 : i32
        %sign3A_1267 = arith.extui %sign3A_1266 : i1 to i32
        %sign3A_1268 = arith.constant 0 : i32
        %sign3A_1269 = arith.cmpi slt, %mul3A_1262, %sign3A_1268 : i32
        %sign3A_1270 = arith.extui %sign3A_1269 : i1 to i32
        %sign3A_1271 = arith.subi %sign3A_1267, %sign3A_1270 : i32
        %sign3A_1272 = arith.constant 0 : i32
        %sign3A_1273 = arith.cmpi sgt, %jit3A_1263, %sign3A_1272 : i32
        %sign3A_1274 = arith.extui %sign3A_1273 : i1 to i32
        %sign3A_1275 = arith.constant 0 : i32
        %sign3A_1276 = arith.cmpi slt, %jit3A_1263, %sign3A_1275 : i32
        %sign3A_1277 = arith.extui %sign3A_1276 : i1 to i32
        %sign3A_1278 = arith.subi %sign3A_1274, %sign3A_1277 : i32
        %ne3A_1279 = arith.cmpi ne, %sign3A_1271, %sign3A_1278 : i32
        %rem3A_1280 = arith.remsi %mul3A_1262, %jit3A_1263 : i32
        %ne3A_1281 = arith.constant 0 : i32
        %ne3A_1282 = arith.cmpi ne, %rem3A_1280, %ne3A_1281 : i32
        %and3A_1283 = arith.andi %ne3A_1279, %ne3A_1282 : i1
        %sub3A_1284 = arith.constant 1 : i32
        %sub3A_1285 = arith.subi %div3A_1264, %sub3A_1284 : i32
        %select_n3A_1286 = arith.select %and3A_1283, %sub3A_1285, %div3A_1264 : i32
        %mul3A_1287 = arith.constant 32 : i32
        %mul3A_1288 = arith.muli %sub3A_1260, %mul3A_1287 : i32
        %jit3A_1289 = arith.constant 128 : i32
        %eq3A_1290 = arith.constant 0 : i32
        %eq3A_1291 = arith.cmpi eq, %jit3A_1289, %eq3A_1290 : i32
        %jit3A_1292 = arith.constant 1 : i32
        %select_n3A_1293 = arith.select %eq3A_1291, %jit3A_1292, %jit3A_1289 : i32
        %rem3A_1294 = arith.remsi %mul3A_1288, %select_n3A_1293 : i32
        %ne3A_1295 = arith.constant 0 : i32
        %ne3A_1296 = arith.cmpi ne, %rem3A_1294, %ne3A_1295 : i32
        %lt3A_1297 = arith.constant 0 : i32
        %lt3A_1298 = arith.cmpi slt, %rem3A_1294, %lt3A_1297 : i32
        %lt3A_1299 = arith.constant 0 : i32
        %lt3A_1300 = arith.cmpi slt, %select_n3A_1293, %lt3A_1299 : i32
        %ne3A_1301 = arith.xori %lt3A_1298, %lt3A_1300 : i1
        %and3A_1302 = arith.andi %ne3A_1301, %ne3A_1296 : i1
        %add3A_1303 = arith.addi %rem3A_1294, %select_n3A_1293 : i32
        %select_n3A_1304 = arith.select %and3A_1302, %add3A_1303, %rem3A_1294 : i32
        %dma_start3A_1305 = arith.constant 7 : i32
        %dma_start3A_1306 = arith.constant 0 : i32
        %dma_start3A_1307 = arith.constant 0 : i32
        %dma_start3A_1308 = tpu.memref_slice %arg10[%dma_start3A_1305, %dma_start3A_1306, %dma_start3A_1307] : memref<8x32x128xf32, #tpu.memory_space<vmem>> -> memref<1x32x128xf32, #tpu.memory_space<vmem>>
        %dma_start3A_1309 = tpu.memref_squeeze %dma_start3A_1308 : memref<1x32x128xf32, #tpu.memory_space<vmem>> -> memref<32x128xf32, #tpu.memory_space<vmem>>
        %dma_start3A_1310 = tpu.memref_slice %arg7[%select_n3A_1286, %select_n3A_1304] : memref<64x128xi32, #tpu.memory_space<vmem>> -> memref<1x32xi32, #tpu.memory_space<vmem>>
        %dma_start3A_1311 = tpu.memref_squeeze %dma_start3A_1310 : memref<1x32xi32, #tpu.memory_space<vmem>> -> memref<32xi32, #tpu.memory_space<vmem>>
        %dma_start3A_1312 = arith.constant 0 : i32
        %dma_start3A_1313 = arith.constant 0 : i32
        %dma_start3A_1314 = tpu.memref_slice %arg8[%dma_start3A_1312, %dma_start3A_1313] : memref<5000x128xf32, #tpu.memory_space<vmem_shared>> -> memref<5000x128xf32, #tpu.memory_space<vmem_shared>>
        tpu.enqueue_indirect_dma source(%dma_start3A_1314 : memref<5000x128xf32, #tpu.memory_space<vmem_shared>>) target(%dma_start3A_1309 : memref<32x128xf32, #tpu.memory_space<vmem>>) offsets(%dma_start3A_1311 : memref<32xi32, #tpu.memory_space<vmem>>) semaphore(%arg26 : memref<!tpu.dma_semaphore, #tpu.memory_space<semaphore_mem>>)
      } else {
      }
      %add3A_459 = arith.constant 1 : i32
      %add3A_460 = arith.addi %add3A_345, %add3A_459 : i32
      %mul3A_461 = arith.constant 32 : i32
      %mul3A_462 = arith.muli %add3A_460, %mul3A_461 : i32
      %add3A_463 = arith.addi %mul3A_2, %mul3A_462 : i32
      %dma_wait3A_464 = arith.constant 1 : i32
      %dma_wait3A_465 = arith.constant 0 : i32
      %dma_wait3A_466 = arith.constant 0 : i32
      %dma_wait3A_467 = tpu.memref_slice %arg9[%dma_wait3A_464, %dma_wait3A_465, %dma_wait3A_466] : memref<8x32x128xf32, #tpu.memory_space<vmem>> -> memref<1x32x128xf32, #tpu.memory_space<vmem>>
      %dma_wait3A_468 = tpu.memref_squeeze %dma_wait3A_467 : memref<1x32x128xf32, #tpu.memory_space<vmem>> -> memref<32x128xf32, #tpu.memory_space<vmem>>
      %dma_wait3A_469 = arith.constant 0 : i32
      %dma_wait3A_470 = tpu.memref_slice %arg2[%add3A_463, %dma_wait3A_469] : memref<262144x128xf32, #tpu.memory_space<hbm>> -> memref<32x128xf32, #tpu.memory_space<hbm>>
      %dma_wait3A_471 = arith.constant 0 : i32
      %dma_wait3A_472 = arith.constant 0 : i32
      %dma_wait3A_473 = tpu.memref_slice %arg9[%dma_wait3A_464, %dma_wait3A_471, %dma_wait3A_472] : memref<8x32x128xf32, #tpu.memory_space<vmem>> -> memref<1x32x128xf32, #tpu.memory_space<vmem>>
      %dma_wait3A_474 = tpu.memref_squeeze %dma_wait3A_473 : memref<1x32x128xf32, #tpu.memory_space<vmem>> -> memref<32x128xf32, #tpu.memory_space<vmem>>
      %dma_wait3A_475 = arith.constant 0 : i32
      %dma_wait3A_476 = tpu.memref_slice %arg2[%add3A_463, %dma_wait3A_475] : memref<262144x128xf32, #tpu.memory_space<hbm>> -> memref<32x128xf32, #tpu.memory_space<hbm>>
      tpu.wait_dma2 semaphore(%arg12 : memref<!tpu.dma_semaphore, #tpu.memory_space<semaphore_mem>>) src(%dma_wait3A_476 : memref<32x128xf32, #tpu.memory_space<hbm>>) dst(%dma_wait3A_474 : memref<32x128xf32, #tpu.memory_space<vmem>>)
      %mul3A_477 = arith.constant 32 : i32
      %mul3A_478 = arith.muli %add3A_460, %mul3A_477 : i32
      %jit3A_479 = arith.constant 128 : i32
      %div3A_480 = arith.divsi %mul3A_478, %jit3A_479 : i32
      %sign3A_481 = arith.constant 0 : i32
      %sign3A_482 = arith.cmpi sgt, %mul3A_478, %sign3A_481 : i32
      %sign3A_483 = arith.extui %sign3A_482 : i1 to i32
      %sign3A_484 = arith.constant 0 : i32
      %sign3A_485 = arith.cmpi slt, %mul3A_478, %sign3A_484 : i32
      %sign3A_486 = arith.extui %sign3A_485 : i1 to i32
      %sign3A_487 = arith.subi %sign3A_483, %sign3A_486 : i32
      %sign3A_488 = arith.constant 0 : i32
      %sign3A_489 = arith.cmpi sgt, %jit3A_479, %sign3A_488 : i32
      %sign3A_490 = arith.extui %sign3A_489 : i1 to i32
      %sign3A_491 = arith.constant 0 : i32
      %sign3A_492 = arith.cmpi slt, %jit3A_479, %sign3A_491 : i32
      %sign3A_493 = arith.extui %sign3A_492 : i1 to i32
      %sign3A_494 = arith.subi %sign3A_490, %sign3A_493 : i32
      %ne3A_495 = arith.cmpi ne, %sign3A_487, %sign3A_494 : i32
      %rem3A_496 = arith.remsi %mul3A_478, %jit3A_479 : i32
      %ne3A_497 = arith.constant 0 : i32
      %ne3A_498 = arith.cmpi ne, %rem3A_496, %ne3A_497 : i32
      %and3A_499 = arith.andi %ne3A_495, %ne3A_498 : i1
      %sub3A_500 = arith.constant 1 : i32
      %sub3A_501 = arith.subi %div3A_480, %sub3A_500 : i32
      %select_n3A_502 = arith.select %and3A_499, %sub3A_501, %div3A_480 : i32
      %mul3A_503 = arith.constant 32 : i32
      %mul3A_504 = arith.muli %add3A_460, %mul3A_503 : i32
      %jit3A_505 = arith.constant 128 : i32
      %eq3A_506 = arith.constant 0 : i32
      %eq3A_507 = arith.cmpi eq, %jit3A_505, %eq3A_506 : i32
      %jit3A_508 = arith.constant 1 : i32
      %select_n3A_509 = arith.select %eq3A_507, %jit3A_508, %jit3A_505 : i32
      %rem3A_510 = arith.remsi %mul3A_504, %select_n3A_509 : i32
      %ne3A_511 = arith.constant 0 : i32
      %ne3A_512 = arith.cmpi ne, %rem3A_510, %ne3A_511 : i32
      %lt3A_513 = arith.constant 0 : i32
      %lt3A_514 = arith.cmpi slt, %rem3A_510, %lt3A_513 : i32
      %lt3A_515 = arith.constant 0 : i32
      %lt3A_516 = arith.cmpi slt, %select_n3A_509, %lt3A_515 : i32
      %ne3A_517 = arith.xori %lt3A_514, %lt3A_516 : i1
      %and3A_518 = arith.andi %ne3A_517, %ne3A_512 : i1
      %add3A_519 = arith.addi %rem3A_510, %select_n3A_509 : i32
      %select_n3A_520 = arith.select %and3A_518, %add3A_519, %rem3A_510 : i32
      %dma_wait3A_521 = arith.constant 1 : i32
      %dma_wait3A_522 = arith.constant 0 : i32
      %dma_wait3A_523 = arith.constant 0 : i32
      %dma_wait3A_524 = tpu.memref_slice %arg10[%dma_wait3A_521, %dma_wait3A_522, %dma_wait3A_523] : memref<8x32x128xf32, #tpu.memory_space<vmem>> -> memref<1x32x128xf32, #tpu.memory_space<vmem>>
      %dma_wait3A_525 = tpu.memref_squeeze %dma_wait3A_524 : memref<1x32x128xf32, #tpu.memory_space<vmem>> -> memref<32x128xf32, #tpu.memory_space<vmem>>
      %dma_wait3A_526 = tpu.memref_slice %arg7[%select_n3A_502, %select_n3A_520] : memref<64x128xi32, #tpu.memory_space<vmem>> -> memref<1x32xi32, #tpu.memory_space<vmem>>
      %dma_wait3A_527 = tpu.memref_squeeze %dma_wait3A_526 : memref<1x32xi32, #tpu.memory_space<vmem>> -> memref<32xi32, #tpu.memory_space<vmem>>
      %dma_wait3A_528 = arith.constant 0 : i32
      %dma_wait3A_529 = arith.constant 0 : i32
      %dma_wait3A_530 = tpu.memref_slice %arg8[%dma_wait3A_528, %dma_wait3A_529] : memref<5000x128xf32, #tpu.memory_space<vmem_shared>> -> memref<5000x128xf32, #tpu.memory_space<vmem_shared>>
      tpu.wait_indirect_dma semaphore(%arg20 : memref<!tpu.dma_semaphore, #tpu.memory_space<semaphore_mem>>) src(%dma_wait3A_530 : memref<5000x128xf32, #tpu.memory_space<vmem_shared>>) dst(%dma_wait3A_525 : memref<32x128xf32, #tpu.memory_space<vmem>>)
      %scan3A_531 = arith.constant 0 : i32
      %scan3A_532 = arith.constant 16 : i32
      %scan3A_533 = arith.addi %scan3A_531, %scan3A_532 : i32
      %scan3A_534 = arith.constant 1 : i32
      scf.for %scan3A_1257 = %scan3A_531 to %scan3A_533 step %scan3A_534  : i32 {
        %mul3A_1258 = arith.constant 2 : i32
        %mul3A_1259 = arith.muli %scan3A_1257, %mul3A_1258 : i32
        %add3A_1260 = arith.constant 0 : i32
        %add3A_1261 = arith.addi %add3A_1260, %mul3A_1259 : i32
        %add3A_1262 = arith.constant 0 : i32
        %add3A_1263 = arith.addi %add3A_1261, %add3A_1262 : i32
        %add3A_1264 = arith.constant 0 : i32
        %add3A_1265 = arith.addi %add3A_1261, %add3A_1264 : i32
        %get3A_1266 = arith.constant 1 : i32
        %get3A_1267 = arith.index_cast %get3A_1266 : i32 to index
        %get3A_1268 = arith.index_cast %add3A_1265 : i32 to index
        %get3A_1269 = arith.constant 0 : index
        %get3A_1270 = tpu.vector_load %arg9[%get3A_1267, %get3A_1268, %get3A_1269] {strides = array<i32>} : memref<8x32x128xf32, #tpu.memory_space<vmem>>, vector<1x1x16xf32>,
        %get3A_1271 = vector.shape_cast %get3A_1270 : vector<1x1x16xf32> to vector<16xf32>
        %swap3A = arith.constant 1 : i32
        %swap3A_1272 = arith.index_cast %swap3A : i32 to index
        %swap3A_1273 = arith.index_cast %add3A_1263 : i32 to index
        %swap3A_1274 = arith.constant 0 : index
        %swap3A_1275 = tpu.vector_load %arg10[%swap3A_1272, %swap3A_1273, %swap3A_1274] {strides = array<i32>} : memref<8x32x128xf32, #tpu.memory_space<vmem>>, vector<1x1x16xf32>,
        %swap3A_1276 = vector.shape_cast %swap3A_1275 : vector<1x1x16xf32> to vector<16xf32>
        %swap3A_1277 = vector.shape_cast %get3A_1271 : vector<16xf32> to vector<1x1x16xf32>
        tpu.vector_store %arg10[%swap3A_1272, %swap3A_1273, %swap3A_1274], %swap3A_1277 {add = true, strides = array<i32>} : memref<8x32x128xf32, #tpu.memory_space<vmem>>, vector<1x1x16xf32>,
        %add3A_1278 = arith.constant 0 : i32
        %add3A_1279 = arith.addi %add3A_1261, %add3A_1278 : i32
        %add3A_1280 = arith.constant 0 : i32
        %add3A_1281 = arith.addi %add3A_1261, %add3A_1280 : i32
        %get3A_1282 = arith.constant 1 : i32
        %get3A_1283 = arith.index_cast %get3A_1282 : i32 to index
        %get3A_1284 = arith.index_cast %add3A_1281 : i32 to index
        %get3A_1285 = arith.constant 16 : index
        %get3A_1286 = tpu.vector_load %arg9[%get3A_1283, %get3A_1284, %get3A_1285] {strides = array<i32>} : memref<8x32x128xf32, #tpu.memory_space<vmem>>, vector<1x1x16xf32>,
        %get3A_1287 = vector.shape_cast %get3A_1286 : vector<1x1x16xf32> to vector<16xf32>
        %swap3A_1288 = arith.constant 1 : i32
        %swap3A_1289 = arith.index_cast %swap3A_1288 : i32 to index
        %swap3A_1290 = arith.index_cast %add3A_1279 : i32 to index
        %swap3A_1291 = arith.constant 16 : index
        %swap3A_1292 = tpu.vector_load %arg10[%swap3A_1289, %swap3A_1290, %swap3A_1291] {strides = array<i32>} : memref<8x32x128xf32, #tpu.memory_space<vmem>>, vector<1x1x16xf32>,
        %swap3A_1293 = vector.shape_cast %swap3A_1292 : vector<1x1x16xf32> to vector<16xf32>
        %swap3A_1294 = vector.shape_cast %get3A_1287 : vector<16xf32> to vector<1x1x16xf32>
        tpu.vector_store %arg10[%swap3A_1289, %swap3A_1290, %swap3A_1291], %swap3A_1294 {add = true, strides = array<i32>} : memref<8x32x128xf32, #tpu.memory_space<vmem>>, vector<1x1x16xf32>,
        %add3A_1295 = arith.constant 0 : i32
        %add3A_1296 = arith.addi %add3A_1261, %add3A_1295 : i32
        %add3A_1297 = arith.constant 0 : i32
        %add3A_1298 = arith.addi %add3A_1261, %add3A_1297 : i32
        %get3A_1299 = arith.constant 1 : i32
        %get3A_1300 = arith.index_cast %get3A_1299 : i32 to index
        %get3A_1301 = arith.index_cast %add3A_1298 : i32 to index
        %get3A_1302 = arith.constant 32 : index
        %get3A_1303 = tpu.vector_load %arg9[%get3A_1300, %get3A_1301, %get3A_1302] {strides = array<i32>} : memref<8x32x128xf32, #tpu.memory_space<vmem>>, vector<1x1x16xf32>,
        %get3A_1304 = vector.shape_cast %get3A_1303 : vector<1x1x16xf32> to vector<16xf32>
        %swap3A_1305 = arith.constant 1 : i32
        %swap3A_1306 = arith.index_cast %swap3A_1305 : i32 to index
        %swap3A_1307 = arith.index_cast %add3A_1296 : i32 to index
        %swap3A_1308 = arith.constant 32 : index
        %swap3A_1309 = tpu.vector_load %arg10[%swap3A_1306, %swap3A_1307, %swap3A_1308] {strides = array<i32>} : memref<8x32x128xf32, #tpu.memory_space<vmem>>, vector<1x1x16xf32>,
        %swap3A_1310 = vector.shape_cast %swap3A_1309 : vector<1x1x16xf32> to vector<16xf32>
        %swap3A_1311 = vector.shape_cast %get3A_1304 : vector<16xf32> to vector<1x1x16xf32>
        tpu.vector_store %arg10[%swap3A_1306, %swap3A_1307, %swap3A_1308], %swap3A_1311 {add = true, strides = array<i32>} : memref<8x32x128xf32, #tpu.memory_space<vmem>>, vector<1x1x16xf32>,
        %add3A_1312 = arith.constant 0 : i32
        %add3A_1313 = arith.addi %add3A_1261, %add3A_1312 : i32
        %add3A_1314 = arith.constant 0 : i32
        %add3A_1315 = arith.addi %add3A_1261, %add3A_1314 : i32
        %get3A_1316 = arith.constant 1 : i32
        %get3A_1317 = arith.index_cast %get3A_1316 : i32 to index
        %get3A_1318 = arith.index_cast %add3A_1315 : i32 to index
        %get3A_1319 = arith.constant 48 : index
        %get3A_1320 = tpu.vector_load %arg9[%get3A_1317, %get3A_1318, %get3A_1319] {strides = array<i32>} : memref<8x32x128xf32, #tpu.memory_space<vmem>>, vector<1x1x16xf32>,
        %get3A_1321 = vector.shape_cast %get3A_1320 : vector<1x1x16xf32> to vector<16xf32>
        %swap3A_1322 = arith.constant 1 : i32
        %swap3A_1323 = arith.index_cast %swap3A_1322 : i32 to index
        %swap3A_1324 = arith.index_cast %add3A_1313 : i32 to index
        %swap3A_1325 = arith.constant 48 : index
        %swap3A_1326 = tpu.vector_load %arg10[%swap3A_1323, %swap3A_1324, %swap3A_1325] {strides = array<i32>} : memref<8x32x128xf32, #tpu.memory_space<vmem>>, vector<1x1x16xf32>,
        %swap3A_1327 = vector.shape_cast %swap3A_1326 : vector<1x1x16xf32> to vector<16xf32>
        %swap3A_1328 = vector.shape_cast %get3A_1321 : vector<16xf32> to vector<1x1x16xf32>
        tpu.vector_store %arg10[%swap3A_1323, %swap3A_1324, %swap3A_1325], %swap3A_1328 {add = true, strides = array<i32>} : memref<8x32x128xf32, #tpu.memory_space<vmem>>, vector<1x1x16xf32>,
        %add3A_1329 = arith.constant 0 : i32
        %add3A_1330 = arith.addi %add3A_1261, %add3A_1329 : i32
        %add3A_1331 = arith.constant 0 : i32
        %add3A_1332 = arith.addi %add3A_1261, %add3A_1331 : i32
        %get3A_1333 = arith.constant 1 : i32
        %get3A_1334 = arith.index_cast %get3A_1333 : i32 to index
        %get3A_1335 = arith.index_cast %add3A_1332 : i32 to index
        %get3A_1336 = arith.constant 64 : index
        %get3A_1337 = tpu.vector_load %arg9[%get3A_1334, %get3A_1335, %get3A_1336] {strides = array<i32>} : memref<8x32x128xf32, #tpu.memory_space<vmem>>, vector<1x1x16xf32>,
        %get3A_1338 = vector.shape_cast %get3A_1337 : vector<1x1x16xf32> to vector<16xf32>
        %swap3A_1339 = arith.constant 1 : i32
        %swap3A_1340 = arith.index_cast %swap3A_1339 : i32 to index
        %swap3A_1341 = arith.index_cast %add3A_1330 : i32 to index
        %swap3A_1342 = arith.constant 64 : index
        %swap3A_1343 = tpu.vector_load %arg10[%swap3A_1340, %swap3A_1341, %swap3A_1342] {strides = array<i32>} : memref<8x32x128xf32, #tpu.memory_space<vmem>>, vector<1x1x16xf32>,
        %swap3A_1344 = vector.shape_cast %swap3A_1343 : vector<1x1x16xf32> to vector<16xf32>
        %swap3A_1345 = vector.shape_cast %get3A_1338 : vector<16xf32> to vector<1x1x16xf32>
        tpu.vector_store %arg10[%swap3A_1340, %swap3A_1341, %swap3A_1342], %swap3A_1345 {add = true, strides = array<i32>} : memref<8x32x128xf32, #tpu.memory_space<vmem>>, vector<1x1x16xf32>,
        %add3A_1346 = arith.constant 0 : i32
        %add3A_1347 = arith.addi %add3A_1261, %add3A_1346 : i32
        %add3A_1348 = arith.constant 0 : i32
        %add3A_1349 = arith.addi %add3A_1261, %add3A_1348 : i32
        %get3A_1350 = arith.constant 1 : i32
        %get3A_1351 = arith.index_cast %get3A_1350 : i32 to index
        %get3A_1352 = arith.index_cast %add3A_1349 : i32 to index
        %get3A_1353 = arith.constant 80 : index
        %get3A_1354 = tpu.vector_load %arg9[%get3A_1351, %get3A_1352, %get3A_1353] {strides = array<i32>} : memref<8x32x128xf32, #tpu.memory_space<vmem>>, vector<1x1x16xf32>,
        %get3A_1355 = vector.shape_cast %get3A_1354 : vector<1x1x16xf32> to vector<16xf32>
        %swap3A_1356 = arith.constant 1 : i32
        %swap3A_1357 = arith.index_cast %swap3A_1356 : i32 to index
        %swap3A_1358 = arith.index_cast %add3A_1347 : i32 to index
        %swap3A_1359 = arith.constant 80 : index
        %swap3A_1360 = tpu.vector_load %arg10[%swap3A_1357, %swap3A_1358, %swap3A_1359] {strides = array<i32>} : memref<8x32x128xf32, #tpu.memory_space<vmem>>, vector<1x1x16xf32>,
        %swap3A_1361 = vector.shape_cast %swap3A_1360 : vector<1x1x16xf32> to vector<16xf32>
        %swap3A_1362 = vector.shape_cast %get3A_1355 : vector<16xf32> to vector<1x1x16xf32>
        tpu.vector_store %arg10[%swap3A_1357, %swap3A_1358, %swap3A_1359], %swap3A_1362 {add = true, strides = array<i32>} : memref<8x32x128xf32, #tpu.memory_space<vmem>>, vector<1x1x16xf32>,
        %add3A_1363 = arith.constant 0 : i32
        %add3A_1364 = arith.addi %add3A_1261, %add3A_1363 : i32
        %add3A_1365 = arith.constant 0 : i32
        %add3A_1366 = arith.addi %add3A_1261, %add3A_1365 : i32
        %get3A_1367 = arith.constant 1 : i32
        %get3A_1368 = arith.index_cast %get3A_1367 : i32 to index
        %get3A_1369 = arith.index_cast %add3A_1366 : i32 to index
        %get3A_1370 = arith.constant 96 : index
        %get3A_1371 = tpu.vector_load %arg9[%get3A_1368, %get3A_1369, %get3A_1370] {strides = array<i32>} : memref<8x32x128xf32, #tpu.memory_space<vmem>>, vector<1x1x16xf32>,
        %get3A_1372 = vector.shape_cast %get3A_1371 : vector<1x1x16xf32> to vector<16xf32>
        %swap3A_1373 = arith.constant 1 : i32
        %swap3A_1374 = arith.index_cast %swap3A_1373 : i32 to index
        %swap3A_1375 = arith.index_cast %add3A_1364 : i32 to index
        %swap3A_1376 = arith.constant 96 : index
        %swap3A_1377 = tpu.vector_load %arg10[%swap3A_1374, %swap3A_1375, %swap3A_1376] {strides = array<i32>} : memref<8x32x128xf32, #tpu.memory_space<vmem>>, vector<1x1x16xf32>,
        %swap3A_1378 = vector.shape_cast %swap3A_1377 : vector<1x1x16xf32> to vector<16xf32>
        %swap3A_1379 = vector.shape_cast %get3A_1372 : vector<16xf32> to vector<1x1x16xf32>
        tpu.vector_store %arg10[%swap3A_1374, %swap3A_1375, %swap3A_1376], %swap3A_1379 {add = true, strides = array<i32>} : memref<8x32x128xf32, #tpu.memory_space<vmem>>, vector<1x1x16xf32>,
        %add3A_1380 = arith.constant 0 : i32
        %add3A_1381 = arith.addi %add3A_1261, %add3A_1380 : i32
        %add3A_1382 = arith.constant 0 : i32
        %add3A_1383 = arith.addi %add3A_1261, %add3A_1382 : i32
        %get3A_1384 = arith.constant 1 : i32
        %get3A_1385 = arith.index_cast %get3A_1384 : i32 to index
        %get3A_1386 = arith.index_cast %add3A_1383 : i32 to index
        %get3A_1387 = arith.constant 112 : index
        %get3A_1388 = tpu.vector_load %arg9[%get3A_1385, %get3A_1386, %get3A_1387] {strides = array<i32>} : memref<8x32x128xf32, #tpu.memory_space<vmem>>, vector<1x1x16xf32>,
        %get3A_1389 = vector.shape_cast %get3A_1388 : vector<1x1x16xf32> to vector<16xf32>
        %swap3A_1390 = arith.constant 1 : i32
        %swap3A_1391 = arith.index_cast %swap3A_1390 : i32 to index
        %swap3A_1392 = arith.index_cast %add3A_1381 : i32 to index
        %swap3A_1393 = arith.constant 112 : index
        %swap3A_1394 = tpu.vector_load %arg10[%swap3A_1391, %swap3A_1392, %swap3A_1393] {strides = array<i32>} : memref<8x32x128xf32, #tpu.memory_space<vmem>>, vector<1x1x16xf32>,
        %swap3A_1395 = vector.shape_cast %swap3A_1394 : vector<1x1x16xf32> to vector<16xf32>
        %swap3A_1396 = vector.shape_cast %get3A_1389 : vector<16xf32> to vector<1x1x16xf32>
        tpu.vector_store %arg10[%swap3A_1391, %swap3A_1392, %swap3A_1393], %swap3A_1396 {add = true, strides = array<i32>} : memref<8x32x128xf32, #tpu.memory_space<vmem>>, vector<1x1x16xf32>,
        %add3A_1397 = arith.constant 1 : i32
        %add3A_1398 = arith.addi %add3A_1261, %add3A_1397 : i32
        %add3A_1399 = arith.constant 1 : i32
        %add3A_1400 = arith.addi %add3A_1261, %add3A_1399 : i32
        %get3A_1401 = arith.constant 1 : i32
        %get3A_1402 = arith.index_cast %get3A_1401 : i32 to index
        %get3A_1403 = arith.index_cast %add3A_1400 : i32 to index
        %get3A_1404 = arith.constant 0 : index
        %get3A_1405 = tpu.vector_load %arg9[%get3A_1402, %get3A_1403, %get3A_1404] {strides = array<i32>} : memref<8x32x128xf32, #tpu.memory_space<vmem>>, vector<1x1x16xf32>,
        %get3A_1406 = vector.shape_cast %get3A_1405 : vector<1x1x16xf32> to vector<16xf32>
        %swap3A_1407 = arith.constant 1 : i32
        %swap3A_1408 = arith.index_cast %swap3A_1407 : i32 to index
        %swap3A_1409 = arith.index_cast %add3A_1398 : i32 to index
        %swap3A_1410 = arith.constant 0 : index
        %swap3A_1411 = tpu.vector_load %arg10[%swap3A_1408, %swap3A_1409, %swap3A_1410] {strides = array<i32>} : memref<8x32x128xf32, #tpu.memory_space<vmem>>, vector<1x1x16xf32>,
        %swap3A_1412 = vector.shape_cast %swap3A_1411 : vector<1x1x16xf32> to vector<16xf32>
        %swap3A_1413 = vector.shape_cast %get3A_1406 : vector<16xf32> to vector<1x1x16xf32>
        tpu.vector_store %arg10[%swap3A_1408, %swap3A_1409, %swap3A_1410], %swap3A_1413 {add = true, strides = array<i32>} : memref<8x32x128xf32, #tpu.memory_space<vmem>>, vector<1x1x16xf32>,
        %add3A_1414 = arith.constant 1 : i32
        %add3A_1415 = arith.addi %add3A_1261, %add3A_1414 : i32
        %add3A_1416 = arith.constant 1 : i32
        %add3A_1417 = arith.addi %add3A_1261, %add3A_1416 : i32
        %get3A_1418 = arith.constant 1 : i32
        %get3A_1419 = arith.index_cast %get3A_1418 : i32 to index
        %get3A_1420 = arith.index_cast %add3A_1417 : i32 to index
        %get3A_1421 = arith.constant 16 : index
        %get3A_1422 = tpu.vector_load %arg9[%get3A_1419, %get3A_1420, %get3A_1421] {strides = array<i32>} : memref<8x32x128xf32, #tpu.memory_space<vmem>>, vector<1x1x16xf32>,
        %get3A_1423 = vector.shape_cast %get3A_1422 : vector<1x1x16xf32> to vector<16xf32>
        %swap3A_1424 = arith.constant 1 : i32
        %swap3A_1425 = arith.index_cast %swap3A_1424 : i32 to index
        %swap3A_1426 = arith.index_cast %add3A_1415 : i32 to index
        %swap3A_1427 = arith.constant 16 : index
        %swap3A_1428 = tpu.vector_load %arg10[%swap3A_1425, %swap3A_1426, %swap3A_1427] {strides = array<i32>} : memref<8x32x128xf32, #tpu.memory_space<vmem>>, vector<1x1x16xf32>,
        %swap3A_1429 = vector.shape_cast %swap3A_1428 : vector<1x1x16xf32> to vector<16xf32>
        %swap3A_1430 = vector.shape_cast %get3A_1423 : vector<16xf32> to vector<1x1x16xf32>
        tpu.vector_store %arg10[%swap3A_1425, %swap3A_1426, %swap3A_1427], %swap3A_1430 {add = true, strides = array<i32>} : memref<8x32x128xf32, #tpu.memory_space<vmem>>, vector<1x1x16xf32>,
        %add3A_1431 = arith.constant 1 : i32
        %add3A_1432 = arith.addi %add3A_1261, %add3A_1431 : i32
        %add3A_1433 = arith.constant 1 : i32
        %add3A_1434 = arith.addi %add3A_1261, %add3A_1433 : i32
        %get3A_1435 = arith.constant 1 : i32
        %get3A_1436 = arith.index_cast %get3A_1435 : i32 to index
        %get3A_1437 = arith.index_cast %add3A_1434 : i32 to index
        %get3A_1438 = arith.constant 32 : index
        %get3A_1439 = tpu.vector_load %arg9[%get3A_1436, %get3A_1437, %get3A_1438] {strides = array<i32>} : memref<8x32x128xf32, #tpu.memory_space<vmem>>, vector<1x1x16xf32>,
        %get3A_1440 = vector.shape_cast %get3A_1439 : vector<1x1x16xf32> to vector<16xf32>
        %swap3A_1441 = arith.constant 1 : i32
        %swap3A_1442 = arith.index_cast %swap3A_1441 : i32 to index
        %swap3A_1443 = arith.index_cast %add3A_1432 : i32 to index
        %swap3A_1444 = arith.constant 32 : index
        %swap3A_1445 = tpu.vector_load %arg10[%swap3A_1442, %swap3A_1443, %swap3A_1444] {strides = array<i32>} : memref<8x32x128xf32, #tpu.memory_space<vmem>>, vector<1x1x16xf32>,
        %swap3A_1446 = vector.shape_cast %swap3A_1445 : vector<1x1x16xf32> to vector<16xf32>
        %swap3A_1447 = vector.shape_cast %get3A_1440 : vector<16xf32> to vector<1x1x16xf32>
        tpu.vector_store %arg10[%swap3A_1442, %swap3A_1443, %swap3A_1444], %swap3A_1447 {add = true, strides = array<i32>} : memref<8x32x128xf32, #tpu.memory_space<vmem>>, vector<1x1x16xf32>,
        %add3A_1448 = arith.constant 1 : i32
        %add3A_1449 = arith.addi %add3A_1261, %add3A_1448 : i32
        %add3A_1450 = arith.constant 1 : i32
        %add3A_1451 = arith.addi %add3A_1261, %add3A_1450 : i32
        %get3A_1452 = arith.constant 1 : i32
        %get3A_1453 = arith.index_cast %get3A_1452 : i32 to index
        %get3A_1454 = arith.index_cast %add3A_1451 : i32 to index
        %get3A_1455 = arith.constant 48 : index
        %get3A_1456 = tpu.vector_load %arg9[%get3A_1453, %get3A_1454, %get3A_1455] {strides = array<i32>} : memref<8x32x128xf32, #tpu.memory_space<vmem>>, vector<1x1x16xf32>,
        %get3A_1457 = vector.shape_cast %get3A_1456 : vector<1x1x16xf32> to vector<16xf32>
        %swap3A_1458 = arith.constant 1 : i32
        %swap3A_1459 = arith.index_cast %swap3A_1458 : i32 to index
        %swap3A_1460 = arith.index_cast %add3A_1449 : i32 to index
        %swap3A_1461 = arith.constant 48 : index
        %swap3A_1462 = tpu.vector_load %arg10[%swap3A_1459, %swap3A_1460, %swap3A_1461] {strides = array<i32>} : memref<8x32x128xf32, #tpu.memory_space<vmem>>, vector<1x1x16xf32>,
        %swap3A_1463 = vector.shape_cast %swap3A_1462 : vector<1x1x16xf32> to vector<16xf32>
        %swap3A_1464 = vector.shape_cast %get3A_1457 : vector<16xf32> to vector<1x1x16xf32>
        tpu.vector_store %arg10[%swap3A_1459, %swap3A_1460, %swap3A_1461], %swap3A_1464 {add = true, strides = array<i32>} : memref<8x32x128xf32, #tpu.memory_space<vmem>>, vector<1x1x16xf32>,
        %add3A_1465 = arith.constant 1 : i32
        %add3A_1466 = arith.addi %add3A_1261, %add3A_1465 : i32
        %add3A_1467 = arith.constant 1 : i32
        %add3A_1468 = arith.addi %add3A_1261, %add3A_1467 : i32
        %get3A_1469 = arith.constant 1 : i32
        %get3A_1470 = arith.index_cast %get3A_1469 : i32 to index
        %get3A_1471 = arith.index_cast %add3A_1468 : i32 to index
        %get3A_1472 = arith.constant 64 : index
        %get3A_1473 = tpu.vector_load %arg9[%get3A_1470, %get3A_1471, %get3A_1472] {strides = array<i32>} : memref<8x32x128xf32, #tpu.memory_space<vmem>>, vector<1x1x16xf32>,
        %get3A_1474 = vector.shape_cast %get3A_1473 : vector<1x1x16xf32> to vector<16xf32>
        %swap3A_1475 = arith.constant 1 : i32
        %swap3A_1476 = arith.index_cast %swap3A_1475 : i32 to index
        %swap3A_1477 = arith.index_cast %add3A_1466 : i32 to index
        %swap3A_1478 = arith.constant 64 : index
        %swap3A_1479 = tpu.vector_load %arg10[%swap3A_1476, %swap3A_1477, %swap3A_1478] {strides = array<i32>} : memref<8x32x128xf32, #tpu.memory_space<vmem>>, vector<1x1x16xf32>,
        %swap3A_1480 = vector.shape_cast %swap3A_1479 : vector<1x1x16xf32> to vector<16xf32>
        %swap3A_1481 = vector.shape_cast %get3A_1474 : vector<16xf32> to vector<1x1x16xf32>
        tpu.vector_store %arg10[%swap3A_1476, %swap3A_1477, %swap3A_1478], %swap3A_1481 {add = true, strides = array<i32>} : memref<8x32x128xf32, #tpu.memory_space<vmem>>, vector<1x1x16xf32>,
        %add3A_1482 = arith.constant 1 : i32
        %add3A_1483 = arith.addi %add3A_1261, %add3A_1482 : i32
        %add3A_1484 = arith.constant 1 : i32
        %add3A_1485 = arith.addi %add3A_1261, %add3A_1484 : i32
        %get3A_1486 = arith.constant 1 : i32
        %get3A_1487 = arith.index_cast %get3A_1486 : i32 to index
        %get3A_1488 = arith.index_cast %add3A_1485 : i32 to index
        %get3A_1489 = arith.constant 80 : index
        %get3A_1490 = tpu.vector_load %arg9[%get3A_1487, %get3A_1488, %get3A_1489] {strides = array<i32>} : memref<8x32x128xf32, #tpu.memory_space<vmem>>, vector<1x1x16xf32>,
        %get3A_1491 = vector.shape_cast %get3A_1490 : vector<1x1x16xf32> to vector<16xf32>
        %swap3A_1492 = arith.constant 1 : i32
        %swap3A_1493 = arith.index_cast %swap3A_1492 : i32 to index
        %swap3A_1494 = arith.index_cast %add3A_1483 : i32 to index
        %swap3A_1495 = arith.constant 80 : index
        %swap3A_1496 = tpu.vector_load %arg10[%swap3A_1493, %swap3A_1494, %swap3A_1495] {strides = array<i32>} : memref<8x32x128xf32, #tpu.memory_space<vmem>>, vector<1x1x16xf32>,
        %swap3A_1497 = vector.shape_cast %swap3A_1496 : vector<1x1x16xf32> to vector<16xf32>
        %swap3A_1498 = vector.shape_cast %get3A_1491 : vector<16xf32> to vector<1x1x16xf32>
        tpu.vector_store %arg10[%swap3A_1493, %swap3A_1494, %swap3A_1495], %swap3A_1498 {add = true, strides = array<i32>} : memref<8x32x128xf32, #tpu.memory_space<vmem>>, vector<1x1x16xf32>,
        %add3A_1499 = arith.constant 1 : i32
        %add3A_1500 = arith.addi %add3A_1261, %add3A_1499 : i32
        %add3A_1501 = arith.constant 1 : i32
        %add3A_1502 = arith.addi %add3A_1261, %add3A_1501 : i32
        %get3A_1503 = arith.constant 1 : i32
        %get3A_1504 = arith.index_cast %get3A_1503 : i32 to index
        %get3A_1505 = arith.index_cast %add3A_1502 : i32 to index
        %get3A_1506 = arith.constant 96 : index
        %get3A_1507 = tpu.vector_load %arg9[%get3A_1504, %get3A_1505, %get3A_1506] {strides = array<i32>} : memref<8x32x128xf32, #tpu.memory_space<vmem>>, vector<1x1x16xf32>,
        %get3A_1508 = vector.shape_cast %get3A_1507 : vector<1x1x16xf32> to vector<16xf32>
        %swap3A_1509 = arith.constant 1 : i32
        %swap3A_1510 = arith.index_cast %swap3A_1509 : i32 to index
        %swap3A_1511 = arith.index_cast %add3A_1500 : i32 to index
        %swap3A_1512 = arith.constant 96 : index
        %swap3A_1513 = tpu.vector_load %arg10[%swap3A_1510, %swap3A_1511, %swap3A_1512] {strides = array<i32>} : memref<8x32x128xf32, #tpu.memory_space<vmem>>, vector<1x1x16xf32>,
        %swap3A_1514 = vector.shape_cast %swap3A_1513 : vector<1x1x16xf32> to vector<16xf32>
        %swap3A_1515 = vector.shape_cast %get3A_1508 : vector<16xf32> to vector<1x1x16xf32>
        tpu.vector_store %arg10[%swap3A_1510, %swap3A_1511, %swap3A_1512], %swap3A_1515 {add = true, strides = array<i32>} : memref<8x32x128xf32, #tpu.memory_space<vmem>>, vector<1x1x16xf32>,
        %add3A_1516 = arith.constant 1 : i32
        %add3A_1517 = arith.addi %add3A_1261, %add3A_1516 : i32
        %add3A_1518 = arith.constant 1 : i32
        %add3A_1519 = arith.addi %add3A_1261, %add3A_1518 : i32
        %get3A_1520 = arith.constant 1 : i32
        %get3A_1521 = arith.index_cast %get3A_1520 : i32 to index
        %get3A_1522 = arith.index_cast %add3A_1519 : i32 to index
        %get3A_1523 = arith.constant 112 : index
        %get3A_1524 = tpu.vector_load %arg9[%get3A_1521, %get3A_1522, %get3A_1523] {strides = array<i32>} : memref<8x32x128xf32, #tpu.memory_space<vmem>>, vector<1x1x16xf32>,
        %get3A_1525 = vector.shape_cast %get3A_1524 : vector<1x1x16xf32> to vector<16xf32>
        %swap3A_1526 = arith.constant 1 : i32
        %swap3A_1527 = arith.index_cast %swap3A_1526 : i32 to index
        %swap3A_1528 = arith.index_cast %add3A_1517 : i32 to index
        %swap3A_1529 = arith.constant 112 : index
        %swap3A_1530 = tpu.vector_load %arg10[%swap3A_1527, %swap3A_1528, %swap3A_1529] {strides = array<i32>} : memref<8x32x128xf32, #tpu.memory_space<vmem>>, vector<1x1x16xf32>,
        %swap3A_1531 = vector.shape_cast %swap3A_1530 : vector<1x1x16xf32> to vector<16xf32>
        %swap3A_1532 = vector.shape_cast %get3A_1525 : vector<16xf32> to vector<1x1x16xf32>
        tpu.vector_store %arg10[%swap3A_1527, %swap3A_1528, %swap3A_1529], %swap3A_1532 {add = true, strides = array<i32>} : memref<8x32x128xf32, #tpu.memory_space<vmem>>, vector<1x1x16xf32>,
      }
      %scan3A_535 = arith.constant 16 : i32
      %mul3A_536 = arith.constant 32 : i32
      %mul3A_537 = arith.muli %add3A_460, %mul3A_536 : i32
      %add3A_538 = arith.addi %mul3A_2, %mul3A_537 : i32
      %dma_start3A_539 = arith.constant 1 : i32
      %dma_start3A_540 = arith.constant 0 : i32
      %dma_start3A_541 = arith.constant 0 : i32
      %dma_start3A_542 = tpu.memref_slice %arg10[%dma_start3A_539, %dma_start3A_540, %dma_start3A_541] : memref<8x32x128xf32, #tpu.memory_space<vmem>> -> memref<1x32x128xf32, #tpu.memory_space<vmem>>
      %dma_start3A_543 = tpu.memref_squeeze %dma_start3A_542 : memref<1x32x128xf32, #tpu.memory_space<vmem>> -> memref<32x128xf32, #tpu.memory_space<vmem>>
      %dma_start3A_544 = arith.constant 0 : i32
      %dma_start3A_545 = tpu.memref_slice %arg5[%add3A_538, %dma_start3A_544] : memref<262144x128xf32, #tpu.memory_space<hbm>> -> memref<32x128xf32, #tpu.memory_space<hbm>>
      %dma_start3A_546 = arith.constant 0 : i32
      %dma_start3A_547 = tpu.memref_slice %arg5[%add3A_538, %dma_start3A_546] : memref<262144x128xf32, #tpu.memory_space<hbm>> -> memref<32x128xf32, #tpu.memory_space<hbm>>
      %dma_start3A_548 = arith.constant 0 : i32
      %dma_start3A_549 = arith.constant 0 : i32
      %dma_start3A_550 = tpu.memref_slice %arg10[%dma_start3A_539, %dma_start3A_548, %dma_start3A_549] : memref<8x32x128xf32, #tpu.memory_space<vmem>> -> memref<1x32x128xf32, #tpu.memory_space<vmem>>
      %dma_start3A_551 = tpu.memref_squeeze %dma_start3A_550 : memref<1x32x128xf32, #tpu.memory_space<vmem>> -> memref<32x128xf32, #tpu.memory_space<vmem>>
      tpu.enqueue_dma source(%dma_start3A_551 : memref<32x128xf32, #tpu.memory_space<vmem>>) target(%dma_start3A_547 : memref<32x128xf32, #tpu.memory_space<hbm>>) target_semaphore(%arg28 : memref<!tpu.dma_semaphore, #tpu.memory_space<semaphore_mem>>)
      %add3A_552 = arith.constant 8 : i32
      %add3A_553 = arith.addi %add3A_460, %add3A_552 : i32
      %lt3A_554 = arith.constant 256 : i32
      %lt3A_555 = arith.cmpi slt, %add3A_553, %lt3A_554 : i32
      %convert_element_type3A_556 = arith.extui %lt3A_555 : i1 to i32
      %cond3A_557 = arith.constant 0 : i32
      %cond3A_558 = arith.cmpi ne, %convert_element_type3A_556, %cond3A_557 : i32
      scf.if %cond3A_558 {
        %add3A_1257 = arith.constant 8 : i32
        %add3A_1258 = arith.addi %add3A_460, %add3A_1257 : i32
        %mul3A_1259 = arith.constant 32 : i32
        %mul3A_1260 = arith.muli %add3A_1258, %mul3A_1259 : i32
        %add3A_1261 = arith.addi %mul3A_2, %mul3A_1260 : i32
        %dma_start3A_1262 = arith.constant 1 : i32
        %dma_start3A_1263 = arith.constant 0 : i32
        %dma_start3A_1264 = arith.constant 0 : i32
        %dma_start3A_1265 = tpu.memref_slice %arg9[%dma_start3A_1262, %dma_start3A_1263, %dma_start3A_1264] : memref<8x32x128xf32, #tpu.memory_space<vmem>> -> memref<1x32x128xf32, #tpu.memory_space<vmem>>
        %dma_start3A_1266 = tpu.memref_squeeze %dma_start3A_1265 : memref<1x32x128xf32, #tpu.memory_space<vmem>> -> memref<32x128xf32, #tpu.memory_space<vmem>>
        %dma_start3A_1267 = arith.constant 0 : i32
        %dma_start3A_1268 = tpu.memref_slice %arg2[%add3A_1261, %dma_start3A_1267] : memref<262144x128xf32, #tpu.memory_space<hbm>> -> memref<32x128xf32, #tpu.memory_space<hbm>>
        %dma_start3A_1269 = arith.constant 0 : i32
        %dma_start3A_1270 = arith.constant 0 : i32
        %dma_start3A_1271 = tpu.memref_slice %arg9[%dma_start3A_1262, %dma_start3A_1269, %dma_start3A_1270] : memref<8x32x128xf32, #tpu.memory_space<vmem>> -> memref<1x32x128xf32, #tpu.memory_space<vmem>>
        %dma_start3A_1272 = tpu.memref_squeeze %dma_start3A_1271 : memref<1x32x128xf32, #tpu.memory_space<vmem>> -> memref<32x128xf32, #tpu.memory_space<vmem>>
        %dma_start3A_1273 = arith.constant 0 : i32
        %dma_start3A_1274 = tpu.memref_slice %arg2[%add3A_1261, %dma_start3A_1273] : memref<262144x128xf32, #tpu.memory_space<hbm>> -> memref<32x128xf32, #tpu.memory_space<hbm>>
        tpu.enqueue_dma source(%dma_start3A_1274 : memref<32x128xf32, #tpu.memory_space<hbm>>) target(%dma_start3A_1272 : memref<32x128xf32, #tpu.memory_space<vmem>>) target_semaphore(%arg12 : memref<!tpu.dma_semaphore, #tpu.memory_space<semaphore_mem>>)
      } else {
      }
      %ge3A_559 = arith.constant 1 : i32
      %ge3A_560 = arith.cmpi sge, %add3A_460, %ge3A_559 : i32
      %convert_element_type3A_561 = arith.extui %ge3A_560 : i1 to i32
      %cond3A_562 = arith.constant 0 : i32
      %cond3A_563 = arith.cmpi ne, %convert_element_type3A_561, %cond3A_562 : i32
      scf.if %cond3A_563 {
        %sub3A_1257 = arith.constant 1 : i32
        %sub3A_1258 = arith.subi %add3A_460, %sub3A_1257 : i32
        %mul3A_1259 = arith.constant 32 : i32
        %mul3A_1260 = arith.muli %sub3A_1258, %mul3A_1259 : i32
        %add3A_1261 = arith.addi %mul3A_2, %mul3A_1260 : i32
        %dma_wait3A_1262 = arith.constant 0 : i32
        %dma_wait3A_1263 = arith.constant 0 : i32
        %dma_wait3A_1264 = arith.constant 0 : i32
        %dma_wait3A_1265 = tpu.memref_slice %arg10[%dma_wait3A_1262, %dma_wait3A_1263, %dma_wait3A_1264] : memref<8x32x128xf32, #tpu.memory_space<vmem>> -> memref<1x32x128xf32, #tpu.memory_space<vmem>>
        %dma_wait3A_1266 = tpu.memref_squeeze %dma_wait3A_1265 : memref<1x32x128xf32, #tpu.memory_space<vmem>> -> memref<32x128xf32, #tpu.memory_space<vmem>>
        %dma_wait3A_1267 = arith.constant 0 : i32
        %dma_wait3A_1268 = tpu.memref_slice %arg5[%add3A_1261, %dma_wait3A_1267] : memref<262144x128xf32, #tpu.memory_space<hbm>> -> memref<32x128xf32, #tpu.memory_space<hbm>>
        %dma_wait3A_1269 = arith.constant 0 : i32
        %dma_wait3A_1270 = tpu.memref_slice %arg5[%add3A_1261, %dma_wait3A_1269] : memref<262144x128xf32, #tpu.memory_space<hbm>> -> memref<32x128xf32, #tpu.memory_space<hbm>>
        %dma_wait3A_1271 = arith.constant 0 : i32
        %dma_wait3A_1272 = arith.constant 0 : i32
        %dma_wait3A_1273 = tpu.memref_slice %arg10[%dma_wait3A_1262, %dma_wait3A_1271, %dma_wait3A_1272] : memref<8x32x128xf32, #tpu.memory_space<vmem>> -> memref<1x32x128xf32, #tpu.memory_space<vmem>>
        %dma_wait3A_1274 = tpu.memref_squeeze %dma_wait3A_1273 : memref<1x32x128xf32, #tpu.memory_space<vmem>> -> memref<32x128xf32, #tpu.memory_space<vmem>>
        tpu.wait_dma2 semaphore(%arg27 : memref<!tpu.dma_semaphore, #tpu.memory_space<semaphore_mem>>) src(%dma_wait3A_1274 : memref<32x128xf32, #tpu.memory_space<vmem>>) dst(%dma_wait3A_1270 : memref<32x128xf32, #tpu.memory_space<hbm>>)
      } else {
      }
      %add3A_564 = arith.constant 8 : i32
      %add3A_565 = arith.addi %add3A_460, %add3A_564 : i32
      %sub3A_566 = arith.constant 1 : i32
      %sub3A_567 = arith.subi %add3A_565, %sub3A_566 : i32
      %lt3A_568 = arith.constant 256 : i32
      %lt3A_569 = arith.cmpi slt, %sub3A_567, %lt3A_568 : i32
      %convert_element_type3A_570 = arith.extui %lt3A_569 : i1 to i32
      %cond3A_571 = arith.constant 0 : i32
      %cond3A_572 = arith.cmpi ne, %convert_element_type3A_570, %cond3A_571 : i32
      scf.if %cond3A_572 {
        %add3A_1257 = arith.constant 8 : i32
        %add3A_1258 = arith.addi %add3A_460, %add3A_1257 : i32
        %sub3A_1259 = arith.constant 1 : i32
        %sub3A_1260 = arith.subi %add3A_1258, %sub3A_1259 : i32
        %mul3A_1261 = arith.constant 32 : i32
        %mul3A_1262 = arith.muli %sub3A_1260, %mul3A_1261 : i32
        %jit3A_1263 = arith.constant 128 : i32
        %div3A_1264 = arith.divsi %mul3A_1262, %jit3A_1263 : i32
        %sign3A_1265 = arith.constant 0 : i32
        %sign3A_1266 = arith.cmpi sgt, %mul3A_1262, %sign3A_1265 : i32
        %sign3A_1267 = arith.extui %sign3A_1266 : i1 to i32
        %sign3A_1268 = arith.constant 0 : i32
        %sign3A_1269 = arith.cmpi slt, %mul3A_1262, %sign3A_1268 : i32
        %sign3A_1270 = arith.extui %sign3A_1269 : i1 to i32
        %sign3A_1271 = arith.subi %sign3A_1267, %sign3A_1270 : i32
        %sign3A_1272 = arith.constant 0 : i32
        %sign3A_1273 = arith.cmpi sgt, %jit3A_1263, %sign3A_1272 : i32
        %sign3A_1274 = arith.extui %sign3A_1273 : i1 to i32
        %sign3A_1275 = arith.constant 0 : i32
        %sign3A_1276 = arith.cmpi slt, %jit3A_1263, %sign3A_1275 : i32
        %sign3A_1277 = arith.extui %sign3A_1276 : i1 to i32
        %sign3A_1278 = arith.subi %sign3A_1274, %sign3A_1277 : i32
        %ne3A_1279 = arith.cmpi ne, %sign3A_1271, %sign3A_1278 : i32
        %rem3A_1280 = arith.remsi %mul3A_1262, %jit3A_1263 : i32
        %ne3A_1281 = arith.constant 0 : i32
        %ne3A_1282 = arith.cmpi ne, %rem3A_1280, %ne3A_1281 : i32
        %and3A_1283 = arith.andi %ne3A_1279, %ne3A_1282 : i1
        %sub3A_1284 = arith.constant 1 : i32
        %sub3A_1285 = arith.subi %div3A_1264, %sub3A_1284 : i32
        %select_n3A_1286 = arith.select %and3A_1283, %sub3A_1285, %div3A_1264 : i32
        %mul3A_1287 = arith.constant 32 : i32
        %mul3A_1288 = arith.muli %sub3A_1260, %mul3A_1287 : i32
        %jit3A_1289 = arith.constant 128 : i32
        %eq3A_1290 = arith.constant 0 : i32
        %eq3A_1291 = arith.cmpi eq, %jit3A_1289, %eq3A_1290 : i32
        %jit3A_1292 = arith.constant 1 : i32
        %select_n3A_1293 = arith.select %eq3A_1291, %jit3A_1292, %jit3A_1289 : i32
        %rem3A_1294 = arith.remsi %mul3A_1288, %select_n3A_1293 : i32
        %ne3A_1295 = arith.constant 0 : i32
        %ne3A_1296 = arith.cmpi ne, %rem3A_1294, %ne3A_1295 : i32
        %lt3A_1297 = arith.constant 0 : i32
        %lt3A_1298 = arith.cmpi slt, %rem3A_1294, %lt3A_1297 : i32
        %lt3A_1299 = arith.constant 0 : i32
        %lt3A_1300 = arith.cmpi slt, %select_n3A_1293, %lt3A_1299 : i32
        %ne3A_1301 = arith.xori %lt3A_1298, %lt3A_1300 : i1
        %and3A_1302 = arith.andi %ne3A_1301, %ne3A_1296 : i1
        %add3A_1303 = arith.addi %rem3A_1294, %select_n3A_1293 : i32
        %select_n3A_1304 = arith.select %and3A_1302, %add3A_1303, %rem3A_1294 : i32
        %dma_start3A_1305 = arith.constant 0 : i32
        %dma_start3A_1306 = arith.constant 0 : i32
        %dma_start3A_1307 = arith.constant 0 : i32
        %dma_start3A_1308 = tpu.memref_slice %arg10[%dma_start3A_1305, %dma_start3A_1306, %dma_start3A_1307] : memref<8x32x128xf32, #tpu.memory_space<vmem>> -> memref<1x32x128xf32, #tpu.memory_space<vmem>>
        %dma_start3A_1309 = tpu.memref_squeeze %dma_start3A_1308 : memref<1x32x128xf32, #tpu.memory_space<vmem>> -> memref<32x128xf32, #tpu.memory_space<vmem>>
        %dma_start3A_1310 = tpu.memref_slice %arg7[%select_n3A_1286, %select_n3A_1304] : memref<64x128xi32, #tpu.memory_space<vmem>> -> memref<1x32xi32, #tpu.memory_space<vmem>>
        %dma_start3A_1311 = tpu.memref_squeeze %dma_start3A_1310 : memref<1x32xi32, #tpu.memory_space<vmem>> -> memref<32xi32, #tpu.memory_space<vmem>>
        %dma_start3A_1312 = arith.constant 0 : i32
        %dma_start3A_1313 = arith.constant 0 : i32
        %dma_start3A_1314 = tpu.memref_slice %arg8[%dma_start3A_1312, %dma_start3A_1313] : memref<5000x128xf32, #tpu.memory_space<vmem_shared>> -> memref<5000x128xf32, #tpu.memory_space<vmem_shared>>
        tpu.enqueue_indirect_dma source(%dma_start3A_1314 : memref<5000x128xf32, #tpu.memory_space<vmem_shared>>) target(%dma_start3A_1309 : memref<32x128xf32, #tpu.memory_space<vmem>>) offsets(%dma_start3A_1311 : memref<32xi32, #tpu.memory_space<vmem>>) semaphore(%arg19 : memref<!tpu.dma_semaphore, #tpu.memory_space<semaphore_mem>>)
      } else {
      }
      %add3A_573 = arith.constant 2 : i32
      %add3A_574 = arith.addi %add3A_345, %add3A_573 : i32
      %mul3A_575 = arith.constant 32 : i32
      %mul3A_576 = arith.muli %add3A_574, %mul3A_575 : i32
      %add3A_577 = arith.addi %mul3A_2, %mul3A_576 : i32
      %dma_wait3A_578 = arith.constant 2 : i32
      %dma_wait3A_579 = arith.constant 0 : i32
      %dma_wait3A_580 = arith.constant 0 : i32
      %dma_wait3A_581 = tpu.memref_slice %arg9[%dma_wait3A_578, %dma_wait3A_579, %dma_wait3A_580] : memref<8x32x128xf32, #tpu.memory_space<vmem>> -> memref<1x32x128xf32, #tpu.memory_space<vmem>>
      %dma_wait3A_582 = tpu.memref_squeeze %dma_wait3A_581 : memref<1x32x128xf32, #tpu.memory_space<vmem>> -> memref<32x128xf32, #tpu.memory_space<vmem>>
      %dma_wait3A_583 = arith.constant 0 : i32
      %dma_wait3A_584 = tpu.memref_slice %arg2[%add3A_577, %dma_wait3A_583] : memref<262144x128xf32, #tpu.memory_space<hbm>> -> memref<32x128xf32, #tpu.memory_space<hbm>>
      %dma_wait3A_585 = arith.constant 0 : i32
      %dma_wait3A_586 = arith.constant 0 : i32
      %dma_wait3A_587 = tpu.memref_slice %arg9[%dma_wait3A_578, %dma_wait3A_585, %dma_wait3A_586] : memref<8x32x128xf32, #tpu.memory_space<vmem>> -> memref<1x32x128xf32, #tpu.memory_space<vmem>>
      %dma_wait3A_588 = tpu.memref_squeeze %dma_wait3A_587 : memref<1x32x128xf32, #tpu.memory_space<vmem>> -> memref<32x128xf32, #tpu.memory_space<vmem>>
      %dma_wait3A_589 = arith.constant 0 : i32
      %dma_wait3A_590 = tpu.memref_slice %arg2[%add3A_577, %dma_wait3A_589] : memref<262144x128xf32, #tpu.memory_space<hbm>> -> memref<32x128xf32, #tpu.memory_space<hbm>>
      tpu.wait_dma2 semaphore(%arg13 : memref<!tpu.dma_semaphore, #tpu.memory_space<semaphore_mem>>) src(%dma_wait3A_590 : memref<32x128xf32, #tpu.memory_space<hbm>>) dst(%dma_wait3A_588 : memref<32x128xf32, #tpu.memory_space<vmem>>)
      %mul3A_591 = arith.constant 32 : i32
      %mul3A_592 = arith.muli %add3A_574, %mul3A_591 : i32
      %jit3A_593 = arith.constant 128 : i32
      %div3A_594 = arith.divsi %mul3A_592, %jit3A_593 : i32
      %sign3A_595 = arith.constant 0 : i32
      %sign3A_596 = arith.cmpi sgt, %mul3A_592, %sign3A_595 : i32
      %sign3A_597 = arith.extui %sign3A_596 : i1 to i32
      %sign3A_598 = arith.constant 0 : i32
      %sign3A_599 = arith.cmpi slt, %mul3A_592, %sign3A_598 : i32
      %sign3A_600 = arith.extui %sign3A_599 : i1 to i32
      %sign3A_601 = arith.subi %sign3A_597, %sign3A_600 : i32
      %sign3A_602 = arith.constant 0 : i32
      %sign3A_603 = arith.cmpi sgt, %jit3A_593, %sign3A_602 : i32
      %sign3A_604 = arith.extui %sign3A_603 : i1 to i32
      %sign3A_605 = arith.constant 0 : i32
      %sign3A_606 = arith.cmpi slt, %jit3A_593, %sign3A_605 : i32
      %sign3A_607 = arith.extui %sign3A_606 : i1 to i32
      %sign3A_608 = arith.subi %sign3A_604, %sign3A_607 : i32
      %ne3A_609 = arith.cmpi ne, %sign3A_601, %sign3A_608 : i32
      %rem3A_610 = arith.remsi %mul3A_592, %jit3A_593 : i32
      %ne3A_611 = arith.constant 0 : i32
      %ne3A_612 = arith.cmpi ne, %rem3A_610, %ne3A_611 : i32
      %and3A_613 = arith.andi %ne3A_609, %ne3A_612 : i1
      %sub3A_614 = arith.constant 1 : i32
      %sub3A_615 = arith.subi %div3A_594, %sub3A_614 : i32
      %select_n3A_616 = arith.select %and3A_613, %sub3A_615, %div3A_594 : i32
      %mul3A_617 = arith.constant 32 : i32
      %mul3A_618 = arith.muli %add3A_574, %mul3A_617 : i32
      %jit3A_619 = arith.constant 128 : i32
      %eq3A_620 = arith.constant 0 : i32
      %eq3A_621 = arith.cmpi eq, %jit3A_619, %eq3A_620 : i32
      %jit3A_622 = arith.constant 1 : i32
      %select_n3A_623 = arith.select %eq3A_621, %jit3A_622, %jit3A_619 : i32
      %rem3A_624 = arith.remsi %mul3A_618, %select_n3A_623 : i32
      %ne3A_625 = arith.constant 0 : i32
      %ne3A_626 = arith.cmpi ne, %rem3A_624, %ne3A_625 : i32
      %lt3A_627 = arith.constant 0 : i32
      %lt3A_628 = arith.cmpi slt, %rem3A_624, %lt3A_627 : i32
      %lt3A_629 = arith.constant 0 : i32
      %lt3A_630 = arith.cmpi slt, %select_n3A_623, %lt3A_629 : i32
      %ne3A_631 = arith.xori %lt3A_628, %lt3A_630 : i1
      %and3A_632 = arith.andi %ne3A_631, %ne3A_626 : i1
      %add3A_633 = arith.addi %rem3A_624, %select_n3A_623 : i32
      %select_n3A_634 = arith.select %and3A_632, %add3A_633, %rem3A_624 : i32
      %dma_wait3A_635 = arith.constant 2 : i32
      %dma_wait3A_636 = arith.constant 0 : i32
      %dma_wait3A_637 = arith.constant 0 : i32
      %dma_wait3A_638 = tpu.memref_slice %arg10[%dma_wait3A_635, %dma_wait3A_636, %dma_wait3A_637] : memref<8x32x128xf32, #tpu.memory_space<vmem>> -> memref<1x32x128xf32, #tpu.memory_space<vmem>>
      %dma_wait3A_639 = tpu.memref_squeeze %dma_wait3A_638 : memref<1x32x128xf32, #tpu.memory_space<vmem>> -> memref<32x128xf32, #tpu.memory_space<vmem>>
      %dma_wait3A_640 = tpu.memref_slice %arg7[%select_n3A_616, %select_n3A_634] : memref<64x128xi32, #tpu.memory_space<vmem>> -> memref<1x32xi32, #tpu.memory_space<vmem>>
      %dma_wait3A_641 = tpu.memref_squeeze %dma_wait3A_640 : memref<1x32xi32, #tpu.memory_space<vmem>> -> memref<32xi32, #tpu.memory_space<vmem>>
      %dma_wait3A_642 = arith.constant 0 : i32
      %dma_wait3A_643 = arith.constant 0 : i32
      %dma_wait3A_644 = tpu.memref_slice %arg8[%dma_wait3A_642, %dma_wait3A_643] : memref<5000x128xf32, #tpu.memory_space<vmem_shared>> -> memref<5000x128xf32, #tpu.memory_space<vmem_shared>>
      tpu.wait_indirect_dma semaphore(%arg21 : memref<!tpu.dma_semaphore, #tpu.memory_space<semaphore_mem>>) src(%dma_wait3A_644 : memref<5000x128xf32, #tpu.memory_space<vmem_shared>>) dst(%dma_wait3A_639 : memref<32x128xf32, #tpu.memory_space<vmem>>)
      %scan3A_645 = arith.constant 0 : i32
      %scan3A_646 = arith.constant 16 : i32
      %scan3A_647 = arith.addi %scan3A_645, %scan3A_646 : i32
      %scan3A_648 = arith.constant 1 : i32
      scf.for %scan3A_1257 = %scan3A_645 to %scan3A_647 step %scan3A_648  : i32 {
        %mul3A_1258 = arith.constant 2 : i32
        %mul3A_1259 = arith.muli %scan3A_1257, %mul3A_1258 : i32
        %add3A_1260 = arith.constant 0 : i32
        %add3A_1261 = arith.addi %add3A_1260, %mul3A_1259 : i32
        %add3A_1262 = arith.constant 0 : i32
        %add3A_1263 = arith.addi %add3A_1261, %add3A_1262 : i32
        %add3A_1264 = arith.constant 0 : i32
        %add3A_1265 = arith.addi %add3A_1261, %add3A_1264 : i32
        %get3A_1266 = arith.constant 2 : i32
        %get3A_1267 = arith.index_cast %get3A_1266 : i32 to index
        %get3A_1268 = arith.index_cast %add3A_1265 : i32 to index
        %get3A_1269 = arith.constant 0 : index
        %get3A_1270 = tpu.vector_load %arg9[%get3A_1267, %get3A_1268, %get3A_1269] {strides = array<i32>} : memref<8x32x128xf32, #tpu.memory_space<vmem>>, vector<1x1x16xf32>,
        %get3A_1271 = vector.shape_cast %get3A_1270 : vector<1x1x16xf32> to vector<16xf32>
        %swap3A = arith.constant 2 : i32
        %swap3A_1272 = arith.index_cast %swap3A : i32 to index
        %swap3A_1273 = arith.index_cast %add3A_1263 : i32 to index
        %swap3A_1274 = arith.constant 0 : index
        %swap3A_1275 = tpu.vector_load %arg10[%swap3A_1272, %swap3A_1273, %swap3A_1274] {strides = array<i32>} : memref<8x32x128xf32, #tpu.memory_space<vmem>>, vector<1x1x16xf32>,
        %swap3A_1276 = vector.shape_cast %swap3A_1275 : vector<1x1x16xf32> to vector<16xf32>
        %swap3A_1277 = vector.shape_cast %get3A_1271 : vector<16xf32> to vector<1x1x16xf32>
        tpu.vector_store %arg10[%swap3A_1272, %swap3A_1273, %swap3A_1274], %swap3A_1277 {add = true, strides = array<i32>} : memref<8x32x128xf32, #tpu.memory_space<vmem>>, vector<1x1x16xf32>,
        %add3A_1278 = arith.constant 0 : i32
        %add3A_1279 = arith.addi %add3A_1261, %add3A_1278 : i32
        %add3A_1280 = arith.constant 0 : i32
        %add3A_1281 = arith.addi %add3A_1261, %add3A_1280 : i32
        %get3A_1282 = arith.constant 2 : i32
        %get3A_1283 = arith.index_cast %get3A_1282 : i32 to index
        %get3A_1284 = arith.index_cast %add3A_1281 : i32 to index
        %get3A_1285 = arith.constant 16 : index
        %get3A_1286 = tpu.vector_load %arg9[%get3A_1283, %get3A_1284, %get3A_1285] {strides = array<i32>} : memref<8x32x128xf32, #tpu.memory_space<vmem>>, vector<1x1x16xf32>,
        %get3A_1287 = vector.shape_cast %get3A_1286 : vector<1x1x16xf32> to vector<16xf32>
        %swap3A_1288 = arith.constant 2 : i32
        %swap3A_1289 = arith.index_cast %swap3A_1288 : i32 to index
        %swap3A_1290 = arith.index_cast %add3A_1279 : i32 to index
        %swap3A_1291 = arith.constant 16 : index
        %swap3A_1292 = tpu.vector_load %arg10[%swap3A_1289, %swap3A_1290, %swap3A_1291] {strides = array<i32>} : memref<8x32x128xf32, #tpu.memory_space<vmem>>, vector<1x1x16xf32>,
        %swap3A_1293 = vector.shape_cast %swap3A_1292 : vector<1x1x16xf32> to vector<16xf32>
        %swap3A_1294 = vector.shape_cast %get3A_1287 : vector<16xf32> to vector<1x1x16xf32>
        tpu.vector_store %arg10[%swap3A_1289, %swap3A_1290, %swap3A_1291], %swap3A_1294 {add = true, strides = array<i32>} : memref<8x32x128xf32, #tpu.memory_space<vmem>>, vector<1x1x16xf32>,
        %add3A_1295 = arith.constant 0 : i32
        %add3A_1296 = arith.addi %add3A_1261, %add3A_1295 : i32
        %add3A_1297 = arith.constant 0 : i32
        %add3A_1298 = arith.addi %add3A_1261, %add3A_1297 : i32
        %get3A_1299 = arith.constant 2 : i32
        %get3A_1300 = arith.index_cast %get3A_1299 : i32 to index
        %get3A_1301 = arith.index_cast %add3A_1298 : i32 to index
        %get3A_1302 = arith.constant 32 : index
        %get3A_1303 = tpu.vector_load %arg9[%get3A_1300, %get3A_1301, %get3A_1302] {strides = array<i32>} : memref<8x32x128xf32, #tpu.memory_space<vmem>>, vector<1x1x16xf32>,
        %get3A_1304 = vector.shape_cast %get3A_1303 : vector<1x1x16xf32> to vector<16xf32>
        %swap3A_1305 = arith.constant 2 : i32
        %swap3A_1306 = arith.index_cast %swap3A_1305 : i32 to index
        %swap3A_1307 = arith.index_cast %add3A_1296 : i32 to index
        %swap3A_1308 = arith.constant 32 : index
        %swap3A_1309 = tpu.vector_load %arg10[%swap3A_1306, %swap3A_1307, %swap3A_1308] {strides = array<i32>} : memref<8x32x128xf32, #tpu.memory_space<vmem>>, vector<1x1x16xf32>,
        %swap3A_1310 = vector.shape_cast %swap3A_1309 : vector<1x1x16xf32> to vector<16xf32>
        %swap3A_1311 = vector.shape_cast %get3A_1304 : vector<16xf32> to vector<1x1x16xf32>
        tpu.vector_store %arg10[%swap3A_1306, %swap3A_1307, %swap3A_1308], %swap3A_1311 {add = true, strides = array<i32>} : memref<8x32x128xf32, #tpu.memory_space<vmem>>, vector<1x1x16xf32>,
        %add3A_1312 = arith.constant 0 : i32
        %add3A_1313 = arith.addi %add3A_1261, %add3A_1312 : i32
        %add3A_1314 = arith.constant 0 : i32
        %add3A_1315 = arith.addi %add3A_1261, %add3A_1314 : i32
        %get3A_1316 = arith.constant 2 : i32
        %get3A_1317 = arith.index_cast %get3A_1316 : i32 to index
        %get3A_1318 = arith.index_cast %add3A_1315 : i32 to index
        %get3A_1319 = arith.constant 48 : index
        %get3A_1320 = tpu.vector_load %arg9[%get3A_1317, %get3A_1318, %get3A_1319] {strides = array<i32>} : memref<8x32x128xf32, #tpu.memory_space<vmem>>, vector<1x1x16xf32>,
        %get3A_1321 = vector.shape_cast %get3A_1320 : vector<1x1x16xf32> to vector<16xf32>
        %swap3A_1322 = arith.constant 2 : i32
        %swap3A_1323 = arith.index_cast %swap3A_1322 : i32 to index
        %swap3A_1324 = arith.index_cast %add3A_1313 : i32 to index
        %swap3A_1325 = arith.constant 48 : index
        %swap3A_1326 = tpu.vector_load %arg10[%swap3A_1323, %swap3A_1324, %swap3A_1325] {strides = array<i32>} : memref<8x32x128xf32, #tpu.memory_space<vmem>>, vector<1x1x16xf32>,
        %swap3A_1327 = vector.shape_cast %swap3A_1326 : vector<1x1x16xf32> to vector<16xf32>
        %swap3A_1328 = vector.shape_cast %get3A_1321 : vector<16xf32> to vector<1x1x16xf32>
        tpu.vector_store %arg10[%swap3A_1323, %swap3A_1324, %swap3A_1325], %swap3A_1328 {add = true, strides = array<i32>} : memref<8x32x128xf32, #tpu.memory_space<vmem>>, vector<1x1x16xf32>,
        %add3A_1329 = arith.constant 0 : i32
        %add3A_1330 = arith.addi %add3A_1261, %add3A_1329 : i32
        %add3A_1331 = arith.constant 0 : i32
        %add3A_1332 = arith.addi %add3A_1261, %add3A_1331 : i32
        %get3A_1333 = arith.constant 2 : i32
        %get3A_1334 = arith.index_cast %get3A_1333 : i32 to index
        %get3A_1335 = arith.index_cast %add3A_1332 : i32 to index
        %get3A_1336 = arith.constant 64 : index
        %get3A_1337 = tpu.vector_load %arg9[%get3A_1334, %get3A_1335, %get3A_1336] {strides = array<i32>} : memref<8x32x128xf32, #tpu.memory_space<vmem>>, vector<1x1x16xf32>,
        %get3A_1338 = vector.shape_cast %get3A_1337 : vector<1x1x16xf32> to vector<16xf32>
        %swap3A_1339 = arith.constant 2 : i32
        %swap3A_1340 = arith.index_cast %swap3A_1339 : i32 to index
        %swap3A_1341 = arith.index_cast %add3A_1330 : i32 to index
        %swap3A_1342 = arith.constant 64 : index
        %swap3A_1343 = tpu.vector_load %arg10[%swap3A_1340, %swap3A_1341, %swap3A_1342] {strides = array<i32>} : memref<8x32x128xf32, #tpu.memory_space<vmem>>, vector<1x1x16xf32>,
        %swap3A_1344 = vector.shape_cast %swap3A_1343 : vector<1x1x16xf32> to vector<16xf32>
        %swap3A_1345 = vector.shape_cast %get3A_1338 : vector<16xf32> to vector<1x1x16xf32>
        tpu.vector_store %arg10[%swap3A_1340, %swap3A_1341, %swap3A_1342], %swap3A_1345 {add = true, strides = array<i32>} : memref<8x32x128xf32, #tpu.memory_space<vmem>>, vector<1x1x16xf32>,
        %add3A_1346 = arith.constant 0 : i32
        %add3A_1347 = arith.addi %add3A_1261, %add3A_1346 : i32
        %add3A_1348 = arith.constant 0 : i32
        %add3A_1349 = arith.addi %add3A_1261, %add3A_1348 : i32
        %get3A_1350 = arith.constant 2 : i32
        %get3A_1351 = arith.index_cast %get3A_1350 : i32 to index
        %get3A_1352 = arith.index_cast %add3A_1349 : i32 to index
        %get3A_1353 = arith.constant 80 : index
        %get3A_1354 = tpu.vector_load %arg9[%get3A_1351, %get3A_1352, %get3A_1353] {strides = array<i32>} : memref<8x32x128xf32, #tpu.memory_space<vmem>>, vector<1x1x16xf32>,
        %get3A_1355 = vector.shape_cast %get3A_1354 : vector<1x1x16xf32> to vector<16xf32>
        %swap3A_1356 = arith.constant 2 : i32
        %swap3A_1357 = arith.index_cast %swap3A_1356 : i32 to index
        %swap3A_1358 = arith.index_cast %add3A_1347 : i32 to index
        %swap3A_1359 = arith.constant 80 : index
        %swap3A_1360 = tpu.vector_load %arg10[%swap3A_1357, %swap3A_1358, %swap3A_1359] {strides = array<i32>} : memref<8x32x128xf32, #tpu.memory_space<vmem>>, vector<1x1x16xf32>,
        %swap3A_1361 = vector.shape_cast %swap3A_1360 : vector<1x1x16xf32> to vector<16xf32>
        %swap3A_1362 = vector.shape_cast %get3A_1355 : vector<16xf32> to vector<1x1x16xf32>
        tpu.vector_store %arg10[%swap3A_1357, %swap3A_1358, %swap3A_1359], %swap3A_1362 {add = true, strides = array<i32>} : memref<8x32x128xf32, #tpu.memory_space<vmem>>, vector<1x1x16xf32>,
        %add3A_1363 = arith.constant 0 : i32
        %add3A_1364 = arith.addi %add3A_1261, %add3A_1363 : i32
        %add3A_1365 = arith.constant 0 : i32
        %add3A_1366 = arith.addi %add3A_1261, %add3A_1365 : i32
        %get3A_1367 = arith.constant 2 : i32
        %get3A_1368 = arith.index_cast %get3A_1367 : i32 to index
        %get3A_1369 = arith.index_cast %add3A_1366 : i32 to index
        %get3A_1370 = arith.constant 96 : index
        %get3A_1371 = tpu.vector_load %arg9[%get3A_1368, %get3A_1369, %get3A_1370] {strides = array<i32>} : memref<8x32x128xf32, #tpu.memory_space<vmem>>, vector<1x1x16xf32>,
        %get3A_1372 = vector.shape_cast %get3A_1371 : vector<1x1x16xf32> to vector<16xf32>
        %swap3A_1373 = arith.constant 2 : i32
        %swap3A_1374 = arith.index_cast %swap3A_1373 : i32 to index
        %swap3A_1375 = arith.index_cast %add3A_1364 : i32 to index
        %swap3A_1376 = arith.constant 96 : index
        %swap3A_1377 = tpu.vector_load %arg10[%swap3A_1374, %swap3A_1375, %swap3A_1376] {strides = array<i32>} : memref<8x32x128xf32, #tpu.memory_space<vmem>>, vector<1x1x16xf32>,
        %swap3A_1378 = vector.shape_cast %swap3A_1377 : vector<1x1x16xf32> to vector<16xf32>
        %swap3A_1379 = vector.shape_cast %get3A_1372 : vector<16xf32> to vector<1x1x16xf32>
        tpu.vector_store %arg10[%swap3A_1374, %swap3A_1375, %swap3A_1376], %swap3A_1379 {add = true, strides = array<i32>} : memref<8x32x128xf32, #tpu.memory_space<vmem>>, vector<1x1x16xf32>,
        %add3A_1380 = arith.constant 0 : i32
        %add3A_1381 = arith.addi %add3A_1261, %add3A_1380 : i32
        %add3A_1382 = arith.constant 0 : i32
        %add3A_1383 = arith.addi %add3A_1261, %add3A_1382 : i32
        %get3A_1384 = arith.constant 2 : i32
        %get3A_1385 = arith.index_cast %get3A_1384 : i32 to index
        %get3A_1386 = arith.index_cast %add3A_1383 : i32 to index
        %get3A_1387 = arith.constant 112 : index
        %get3A_1388 = tpu.vector_load %arg9[%get3A_1385, %get3A_1386, %get3A_1387] {strides = array<i32>} : memref<8x32x128xf32, #tpu.memory_space<vmem>>, vector<1x1x16xf32>,
        %get3A_1389 = vector.shape_cast %get3A_1388 : vector<1x1x16xf32> to vector<16xf32>
        %swap3A_1390 = arith.constant 2 : i32
        %swap3A_1391 = arith.index_cast %swap3A_1390 : i32 to index
        %swap3A_1392 = arith.index_cast %add3A_1381 : i32 to index
        %swap3A_1393 = arith.constant 112 : index
        %swap3A_1394 = tpu.vector_load %arg10[%swap3A_1391, %swap3A_1392, %swap3A_1393] {strides = array<i32>} : memref<8x32x128xf32, #tpu.memory_space<vmem>>, vector<1x1x16xf32>,
        %swap3A_1395 = vector.shape_cast %swap3A_1394 : vector<1x1x16xf32> to vector<16xf32>
        %swap3A_1396 = vector.shape_cast %get3A_1389 : vector<16xf32> to vector<1x1x16xf32>
        tpu.vector_store %arg10[%swap3A_1391, %swap3A_1392, %swap3A_1393], %swap3A_1396 {add = true, strides = array<i32>} : memref<8x32x128xf32, #tpu.memory_space<vmem>>, vector<1x1x16xf32>,
        %add3A_1397 = arith.constant 1 : i32
        %add3A_1398 = arith.addi %add3A_1261, %add3A_1397 : i32
        %add3A_1399 = arith.constant 1 : i32
        %add3A_1400 = arith.addi %add3A_1261, %add3A_1399 : i32
        %get3A_1401 = arith.constant 2 : i32
        %get3A_1402 = arith.index_cast %get3A_1401 : i32 to index
        %get3A_1403 = arith.index_cast %add3A_1400 : i32 to index
        %get3A_1404 = arith.constant 0 : index
        %get3A_1405 = tpu.vector_load %arg9[%get3A_1402, %get3A_1403, %get3A_1404] {strides = array<i32>} : memref<8x32x128xf32, #tpu.memory_space<vmem>>, vector<1x1x16xf32>,
        %get3A_1406 = vector.shape_cast %get3A_1405 : vector<1x1x16xf32> to vector<16xf32>
        %swap3A_1407 = arith.constant 2 : i32
        %swap3A_1408 = arith.index_cast %swap3A_1407 : i32 to index
        %swap3A_1409 = arith.index_cast %add3A_1398 : i32 to index
        %swap3A_1410 = arith.constant 0 : index
        %swap3A_1411 = tpu.vector_load %arg10[%swap3A_1408, %swap3A_1409, %swap3A_1410] {strides = array<i32>} : memref<8x32x128xf32, #tpu.memory_space<vmem>>, vector<1x1x16xf32>,
        %swap3A_1412 = vector.shape_cast %swap3A_1411 : vector<1x1x16xf32> to vector<16xf32>
        %swap3A_1413 = vector.shape_cast %get3A_1406 : vector<16xf32> to vector<1x1x16xf32>
        tpu.vector_store %arg10[%swap3A_1408, %swap3A_1409, %swap3A_1410], %swap3A_1413 {add = true, strides = array<i32>} : memref<8x32x128xf32, #tpu.memory_space<vmem>>, vector<1x1x16xf32>,
        %add3A_1414 = arith.constant 1 : i32
        %add3A_1415 = arith.addi %add3A_1261, %add3A_1414 : i32
        %add3A_1416 = arith.constant 1 : i32
        %add3A_1417 = arith.addi %add3A_1261, %add3A_1416 : i32
        %get3A_1418 = arith.constant 2 : i32
        %get3A_1419 = arith.index_cast %get3A_1418 : i32 to index
        %get3A_1420 = arith.index_cast %add3A_1417 : i32 to index
        %get3A_1421 = arith.constant 16 : index
        %get3A_1422 = tpu.vector_load %arg9[%get3A_1419, %get3A_1420, %get3A_1421] {strides = array<i32>} : memref<8x32x128xf32, #tpu.memory_space<vmem>>, vector<1x1x16xf32>,
        %get3A_1423 = vector.shape_cast %get3A_1422 : vector<1x1x16xf32> to vector<16xf32>
        %swap3A_1424 = arith.constant 2 : i32
        %swap3A_1425 = arith.index_cast %swap3A_1424 : i32 to index
        %swap3A_1426 = arith.index_cast %add3A_1415 : i32 to index
        %swap3A_1427 = arith.constant 16 : index
        %swap3A_1428 = tpu.vector_load %arg10[%swap3A_1425, %swap3A_1426, %swap3A_1427] {strides = array<i32>} : memref<8x32x128xf32, #tpu.memory_space<vmem>>, vector<1x1x16xf32>,
        %swap3A_1429 = vector.shape_cast %swap3A_1428 : vector<1x1x16xf32> to vector<16xf32>
        %swap3A_1430 = vector.shape_cast %get3A_1423 : vector<16xf32> to vector<1x1x16xf32>
        tpu.vector_store %arg10[%swap3A_1425, %swap3A_1426, %swap3A_1427], %swap3A_1430 {add = true, strides = array<i32>} : memref<8x32x128xf32, #tpu.memory_space<vmem>>, vector<1x1x16xf32>,
        %add3A_1431 = arith.constant 1 : i32
        %add3A_1432 = arith.addi %add3A_1261, %add3A_1431 : i32
        %add3A_1433 = arith.constant 1 : i32
        %add3A_1434 = arith.addi %add3A_1261, %add3A_1433 : i32
        %get3A_1435 = arith.constant 2 : i32
        %get3A_1436 = arith.index_cast %get3A_1435 : i32 to index
        %get3A_1437 = arith.index_cast %add3A_1434 : i32 to index
        %get3A_1438 = arith.constant 32 : index
        %get3A_1439 = tpu.vector_load %arg9[%get3A_1436, %get3A_1437, %get3A_1438] {strides = array<i32>} : memref<8x32x128xf32, #tpu.memory_space<vmem>>, vector<1x1x16xf32>,
        %get3A_1440 = vector.shape_cast %get3A_1439 : vector<1x1x16xf32> to vector<16xf32>
        %swap3A_1441 = arith.constant 2 : i32
        %swap3A_1442 = arith.index_cast %swap3A_1441 : i32 to index
        %swap3A_1443 = arith.index_cast %add3A_1432 : i32 to index
        %swap3A_1444 = arith.constant 32 : index
        %swap3A_1445 = tpu.vector_load %arg10[%swap3A_1442, %swap3A_1443, %swap3A_1444] {strides = array<i32>} : memref<8x32x128xf32, #tpu.memory_space<vmem>>, vector<1x1x16xf32>,
        %swap3A_1446 = vector.shape_cast %swap3A_1445 : vector<1x1x16xf32> to vector<16xf32>
        %swap3A_1447 = vector.shape_cast %get3A_1440 : vector<16xf32> to vector<1x1x16xf32>
        tpu.vector_store %arg10[%swap3A_1442, %swap3A_1443, %swap3A_1444], %swap3A_1447 {add = true, strides = array<i32>} : memref<8x32x128xf32, #tpu.memory_space<vmem>>, vector<1x1x16xf32>,
        %add3A_1448 = arith.constant 1 : i32
        %add3A_1449 = arith.addi %add3A_1261, %add3A_1448 : i32
        %add3A_1450 = arith.constant 1 : i32
        %add3A_1451 = arith.addi %add3A_1261, %add3A_1450 : i32
        %get3A_1452 = arith.constant 2 : i32
        %get3A_1453 = arith.index_cast %get3A_1452 : i32 to index
        %get3A_1454 = arith.index_cast %add3A_1451 : i32 to index
        %get3A_1455 = arith.constant 48 : index
        %get3A_1456 = tpu.vector_load %arg9[%get3A_1453, %get3A_1454, %get3A_1455] {strides = array<i32>} : memref<8x32x128xf32, #tpu.memory_space<vmem>>, vector<1x1x16xf32>,
        %get3A_1457 = vector.shape_cast %get3A_1456 : vector<1x1x16xf32> to vector<16xf32>
        %swap3A_1458 = arith.constant 2 : i32
        %swap3A_1459 = arith.index_cast %swap3A_1458 : i32 to index
        %swap3A_1460 = arith.index_cast %add3A_1449 : i32 to index
        %swap3A_1461 = arith.constant 48 : index
        %swap3A_1462 = tpu.vector_load %arg10[%swap3A_1459, %swap3A_1460, %swap3A_1461] {strides = array<i32>} : memref<8x32x128xf32, #tpu.memory_space<vmem>>, vector<1x1x16xf32>,
        %swap3A_1463 = vector.shape_cast %swap3A_1462 : vector<1x1x16xf32> to vector<16xf32>
        %swap3A_1464 = vector.shape_cast %get3A_1457 : vector<16xf32> to vector<1x1x16xf32>
        tpu.vector_store %arg10[%swap3A_1459, %swap3A_1460, %swap3A_1461], %swap3A_1464 {add = true, strides = array<i32>} : memref<8x32x128xf32, #tpu.memory_space<vmem>>, vector<1x1x16xf32>,
        %add3A_1465 = arith.constant 1 : i32
        %add3A_1466 = arith.addi %add3A_1261, %add3A_1465 : i32
        %add3A_1467 = arith.constant 1 : i32
        %add3A_1468 = arith.addi %add3A_1261, %add3A_1467 : i32
        %get3A_1469 = arith.constant 2 : i32
        %get3A_1470 = arith.index_cast %get3A_1469 : i32 to index
        %get3A_1471 = arith.index_cast %add3A_1468 : i32 to index
        %get3A_1472 = arith.constant 64 : index
        %get3A_1473 = tpu.vector_load %arg9[%get3A_1470, %get3A_1471, %get3A_1472] {strides = array<i32>} : memref<8x32x128xf32, #tpu.memory_space<vmem>>, vector<1x1x16xf32>,
        %get3A_1474 = vector.shape_cast %get3A_1473 : vector<1x1x16xf32> to vector<16xf32>
        %swap3A_1475 = arith.constant 2 : i32
        %swap3A_1476 = arith.index_cast %swap3A_1475 : i32 to index
        %swap3A_1477 = arith.index_cast %add3A_1466 : i32 to index
        %swap3A_1478 = arith.constant 64 : index
        %swap3A_1479 = tpu.vector_load %arg10[%swap3A_1476, %swap3A_1477, %swap3A_1478] {strides = array<i32>} : memref<8x32x128xf32, #tpu.memory_space<vmem>>, vector<1x1x16xf32>,
        %swap3A_1480 = vector.shape_cast %swap3A_1479 : vector<1x1x16xf32> to vector<16xf32>
        %swap3A_1481 = vector.shape_cast %get3A_1474 : vector<16xf32> to vector<1x1x16xf32>
        tpu.vector_store %arg10[%swap3A_1476, %swap3A_1477, %swap3A_1478], %swap3A_1481 {add = true, strides = array<i32>} : memref<8x32x128xf32, #tpu.memory_space<vmem>>, vector<1x1x16xf32>,
        %add3A_1482 = arith.constant 1 : i32
        %add3A_1483 = arith.addi %add3A_1261, %add3A_1482 : i32
        %add3A_1484 = arith.constant 1 : i32
        %add3A_1485 = arith.addi %add3A_1261, %add3A_1484 : i32
        %get3A_1486 = arith.constant 2 : i32
        %get3A_1487 = arith.index_cast %get3A_1486 : i32 to index
        %get3A_1488 = arith.index_cast %add3A_1485 : i32 to index
        %get3A_1489 = arith.constant 80 : index
        %get3A_1490 = tpu.vector_load %arg9[%get3A_1487, %get3A_1488, %get3A_1489] {strides = array<i32>} : memref<8x32x128xf32, #tpu.memory_space<vmem>>, vector<1x1x16xf32>,
        %get3A_1491 = vector.shape_cast %get3A_1490 : vector<1x1x16xf32> to vector<16xf32>
        %swap3A_1492 = arith.constant 2 : i32
        %swap3A_1493 = arith.index_cast %swap3A_1492 : i32 to index
        %swap3A_1494 = arith.index_cast %add3A_1483 : i32 to index
        %swap3A_1495 = arith.constant 80 : index
        %swap3A_1496 = tpu.vector_load %arg10[%swap3A_1493, %swap3A_1494, %swap3A_1495] {strides = array<i32>} : memref<8x32x128xf32, #tpu.memory_space<vmem>>, vector<1x1x16xf32>,
        %swap3A_1497 = vector.shape_cast %swap3A_1496 : vector<1x1x16xf32> to vector<16xf32>
        %swap3A_1498 = vector.shape_cast %get3A_1491 : vector<16xf32> to vector<1x1x16xf32>
        tpu.vector_store %arg10[%swap3A_1493, %swap3A_1494, %swap3A_1495], %swap3A_1498 {add = true, strides = array<i32>} : memref<8x32x128xf32, #tpu.memory_space<vmem>>, vector<1x1x16xf32>,
        %add3A_1499 = arith.constant 1 : i32
        %add3A_1500 = arith.addi %add3A_1261, %add3A_1499 : i32
        %add3A_1501 = arith.constant 1 : i32
        %add3A_1502 = arith.addi %add3A_1261, %add3A_1501 : i32
        %get3A_1503 = arith.constant 2 : i32
        %get3A_1504 = arith.index_cast %get3A_1503 : i32 to index
        %get3A_1505 = arith.index_cast %add3A_1502 : i32 to index
        %get3A_1506 = arith.constant 96 : index
        %get3A_1507 = tpu.vector_load %arg9[%get3A_1504, %get3A_1505, %get3A_1506] {strides = array<i32>} : memref<8x32x128xf32, #tpu.memory_space<vmem>>, vector<1x1x16xf32>,
        %get3A_1508 = vector.shape_cast %get3A_1507 : vector<1x1x16xf32> to vector<16xf32>
        %swap3A_1509 = arith.constant 2 : i32
        %swap3A_1510 = arith.index_cast %swap3A_1509 : i32 to index
        %swap3A_1511 = arith.index_cast %add3A_1500 : i32 to index
        %swap3A_1512 = arith.constant 96 : index
        %swap3A_1513 = tpu.vector_load %arg10[%swap3A_1510, %swap3A_1511, %swap3A_1512] {strides = array<i32>} : memref<8x32x128xf32, #tpu.memory_space<vmem>>, vector<1x1x16xf32>,
        %swap3A_1514 = vector.shape_cast %swap3A_1513 : vector<1x1x16xf32> to vector<16xf32>
        %swap3A_1515 = vector.shape_cast %get3A_1508 : vector<16xf32> to vector<1x1x16xf32>
        tpu.vector_store %arg10[%swap3A_1510, %swap3A_1511, %swap3A_1512], %swap3A_1515 {add = true, strides = array<i32>} : memref<8x32x128xf32, #tpu.memory_space<vmem>>, vector<1x1x16xf32>,
        %add3A_1516 = arith.constant 1 : i32
        %add3A_1517 = arith.addi %add3A_1261, %add3A_1516 : i32
        %add3A_1518 = arith.constant 1 : i32
        %add3A_1519 = arith.addi %add3A_1261, %add3A_1518 : i32
        %get3A_1520 = arith.constant 2 : i32
        %get3A_1521 = arith.index_cast %get3A_1520 : i32 to index
        %get3A_1522 = arith.index_cast %add3A_1519 : i32 to index
        %get3A_1523 = arith.constant 112 : index
        %get3A_1524 = tpu.vector_load %arg9[%get3A_1521, %get3A_1522, %get3A_1523] {strides = array<i32>} : memref<8x32x128xf32, #tpu.memory_space<vmem>>, vector<1x1x16xf32>,
        %get3A_1525 = vector.shape_cast %get3A_1524 : vector<1x1x16xf32> to vector<16xf32>
        %swap3A_1526 = arith.constant 2 : i32
        %swap3A_1527 = arith.index_cast %swap3A_1526 : i32 to index
        %swap3A_1528 = arith.index_cast %add3A_1517 : i32 to index
        %swap3A_1529 = arith.constant 112 : index
        %swap3A_1530 = tpu.vector_load %arg10[%swap3A_1527, %swap3A_1528, %swap3A_1529] {strides = array<i32>} : memref<8x32x128xf32, #tpu.memory_space<vmem>>, vector<1x1x16xf32>,
        %swap3A_1531 = vector.shape_cast %swap3A_1530 : vector<1x1x16xf32> to vector<16xf32>
        %swap3A_1532 = vector.shape_cast %get3A_1525 : vector<16xf32> to vector<1x1x16xf32>
        tpu.vector_store %arg10[%swap3A_1527, %swap3A_1528, %swap3A_1529], %swap3A_1532 {add = true, strides = array<i32>} : memref<8x32x128xf32, #tpu.memory_space<vmem>>, vector<1x1x16xf32>,
      }
      %scan3A_649 = arith.constant 16 : i32
      %mul3A_650 = arith.constant 32 : i32
      %mul3A_651 = arith.muli %add3A_574, %mul3A_650 : i32
      %add3A_652 = arith.addi %mul3A_2, %mul3A_651 : i32
      %dma_start3A_653 = arith.constant 2 : i32
      %dma_start3A_654 = arith.constant 0 : i32
      %dma_start3A_655 = arith.constant 0 : i32
      %dma_start3A_656 = tpu.memref_slice %arg10[%dma_start3A_653, %dma_start3A_654, %dma_start3A_655] : memref<8x32x128xf32, #tpu.memory_space<vmem>> -> memref<1x32x128xf32, #tpu.memory_space<vmem>>
      %dma_start3A_657 = tpu.memref_squeeze %dma_start3A_656 : memref<1x32x128xf32, #tpu.memory_space<vmem>> -> memref<32x128xf32, #tpu.memory_space<vmem>>
      %dma_start3A_658 = arith.constant 0 : i32
      %dma_start3A_659 = tpu.memref_slice %arg5[%add3A_652, %dma_start3A_658] : memref<262144x128xf32, #tpu.memory_space<hbm>> -> memref<32x128xf32, #tpu.memory_space<hbm>>
      %dma_start3A_660 = arith.constant 0 : i32
      %dma_start3A_661 = tpu.memref_slice %arg5[%add3A_652, %dma_start3A_660] : memref<262144x128xf32, #tpu.memory_space<hbm>> -> memref<32x128xf32, #tpu.memory_space<hbm>>
      %dma_start3A_662 = arith.constant 0 : i32
      %dma_start3A_663 = arith.constant 0 : i32
      %dma_start3A_664 = tpu.memref_slice %arg10[%dma_start3A_653, %dma_start3A_662, %dma_start3A_663] : memref<8x32x128xf32, #tpu.memory_space<vmem>> -> memref<1x32x128xf32, #tpu.memory_space<vmem>>
      %dma_start3A_665 = tpu.memref_squeeze %dma_start3A_664 : memref<1x32x128xf32, #tpu.memory_space<vmem>> -> memref<32x128xf32, #tpu.memory_space<vmem>>
      tpu.enqueue_dma source(%dma_start3A_665 : memref<32x128xf32, #tpu.memory_space<vmem>>) target(%dma_start3A_661 : memref<32x128xf32, #tpu.memory_space<hbm>>) target_semaphore(%arg29 : memref<!tpu.dma_semaphore, #tpu.memory_space<semaphore_mem>>)
      %add3A_666 = arith.constant 8 : i32
      %add3A_667 = arith.addi %add3A_574, %add3A_666 : i32
      %lt3A_668 = arith.constant 256 : i32
      %lt3A_669 = arith.cmpi slt, %add3A_667, %lt3A_668 : i32
      %convert_element_type3A_670 = arith.extui %lt3A_669 : i1 to i32
      %cond3A_671 = arith.constant 0 : i32
      %cond3A_672 = arith.cmpi ne, %convert_element_type3A_670, %cond3A_671 : i32
      scf.if %cond3A_672 {
        %add3A_1257 = arith.constant 8 : i32
        %add3A_1258 = arith.addi %add3A_574, %add3A_1257 : i32
        %mul3A_1259 = arith.constant 32 : i32
        %mul3A_1260 = arith.muli %add3A_1258, %mul3A_1259 : i32
        %add3A_1261 = arith.addi %mul3A_2, %mul3A_1260 : i32
        %dma_start3A_1262 = arith.constant 2 : i32
        %dma_start3A_1263 = arith.constant 0 : i32
        %dma_start3A_1264 = arith.constant 0 : i32
        %dma_start3A_1265 = tpu.memref_slice %arg9[%dma_start3A_1262, %dma_start3A_1263, %dma_start3A_1264] : memref<8x32x128xf32, #tpu.memory_space<vmem>> -> memref<1x32x128xf32, #tpu.memory_space<vmem>>
        %dma_start3A_1266 = tpu.memref_squeeze %dma_start3A_1265 : memref<1x32x128xf32, #tpu.memory_space<vmem>> -> memref<32x128xf32, #tpu.memory_space<vmem>>
        %dma_start3A_1267 = arith.constant 0 : i32
        %dma_start3A_1268 = tpu.memref_slice %arg2[%add3A_1261, %dma_start3A_1267] : memref<262144x128xf32, #tpu.memory_space<hbm>> -> memref<32x128xf32, #tpu.memory_space<hbm>>
        %dma_start3A_1269 = arith.constant 0 : i32
        %dma_start3A_1270 = arith.constant 0 : i32
        %dma_start3A_1271 = tpu.memref_slice %arg9[%dma_start3A_1262, %dma_start3A_1269, %dma_start3A_1270] : memref<8x32x128xf32, #tpu.memory_space<vmem>> -> memref<1x32x128xf32, #tpu.memory_space<vmem>>
        %dma_start3A_1272 = tpu.memref_squeeze %dma_start3A_1271 : memref<1x32x128xf32, #tpu.memory_space<vmem>> -> memref<32x128xf32, #tpu.memory_space<vmem>>
        %dma_start3A_1273 = arith.constant 0 : i32
        %dma_start3A_1274 = tpu.memref_slice %arg2[%add3A_1261, %dma_start3A_1273] : memref<262144x128xf32, #tpu.memory_space<hbm>> -> memref<32x128xf32, #tpu.memory_space<hbm>>
        tpu.enqueue_dma source(%dma_start3A_1274 : memref<32x128xf32, #tpu.memory_space<hbm>>) target(%dma_start3A_1272 : memref<32x128xf32, #tpu.memory_space<vmem>>) target_semaphore(%arg13 : memref<!tpu.dma_semaphore, #tpu.memory_space<semaphore_mem>>)
      } else {
      }
      %ge3A_673 = arith.constant 1 : i32
      %ge3A_674 = arith.cmpi sge, %add3A_574, %ge3A_673 : i32
      %convert_element_type3A_675 = arith.extui %ge3A_674 : i1 to i32
      %cond3A_676 = arith.constant 0 : i32
      %cond3A_677 = arith.cmpi ne, %convert_element_type3A_675, %cond3A_676 : i32
      scf.if %cond3A_677 {
        %sub3A_1257 = arith.constant 1 : i32
        %sub3A_1258 = arith.subi %add3A_574, %sub3A_1257 : i32
        %mul3A_1259 = arith.constant 32 : i32
        %mul3A_1260 = arith.muli %sub3A_1258, %mul3A_1259 : i32
        %add3A_1261 = arith.addi %mul3A_2, %mul3A_1260 : i32
        %dma_wait3A_1262 = arith.constant 1 : i32
        %dma_wait3A_1263 = arith.constant 0 : i32
        %dma_wait3A_1264 = arith.constant 0 : i32
        %dma_wait3A_1265 = tpu.memref_slice %arg10[%dma_wait3A_1262, %dma_wait3A_1263, %dma_wait3A_1264] : memref<8x32x128xf32, #tpu.memory_space<vmem>> -> memref<1x32x128xf32, #tpu.memory_space<vmem>>
        %dma_wait3A_1266 = tpu.memref_squeeze %dma_wait3A_1265 : memref<1x32x128xf32, #tpu.memory_space<vmem>> -> memref<32x128xf32, #tpu.memory_space<vmem>>
        %dma_wait3A_1267 = arith.constant 0 : i32
        %dma_wait3A_1268 = tpu.memref_slice %arg5[%add3A_1261, %dma_wait3A_1267] : memref<262144x128xf32, #tpu.memory_space<hbm>> -> memref<32x128xf32, #tpu.memory_space<hbm>>
        %dma_wait3A_1269 = arith.constant 0 : i32
        %dma_wait3A_1270 = tpu.memref_slice %arg5[%add3A_1261, %dma_wait3A_1269] : memref<262144x128xf32, #tpu.memory_space<hbm>> -> memref<32x128xf32, #tpu.memory_space<hbm>>
        %dma_wait3A_1271 = arith.constant 0 : i32
        %dma_wait3A_1272 = arith.constant 0 : i32
        %dma_wait3A_1273 = tpu.memref_slice %arg10[%dma_wait3A_1262, %dma_wait3A_1271, %dma_wait3A_1272] : memref<8x32x128xf32, #tpu.memory_space<vmem>> -> memref<1x32x128xf32, #tpu.memory_space<vmem>>
        %dma_wait3A_1274 = tpu.memref_squeeze %dma_wait3A_1273 : memref<1x32x128xf32, #tpu.memory_space<vmem>> -> memref<32x128xf32, #tpu.memory_space<vmem>>
        tpu.wait_dma2 semaphore(%arg28 : memref<!tpu.dma_semaphore, #tpu.memory_space<semaphore_mem>>) src(%dma_wait3A_1274 : memref<32x128xf32, #tpu.memory_space<vmem>>) dst(%dma_wait3A_1270 : memref<32x128xf32, #tpu.memory_space<hbm>>)
      } else {
      }
      %add3A_678 = arith.constant 8 : i32
      %add3A_679 = arith.addi %add3A_574, %add3A_678 : i32
      %sub3A_680 = arith.constant 1 : i32
      %sub3A_681 = arith.subi %add3A_679, %sub3A_680 : i32
      %lt3A_682 = arith.constant 256 : i32
      %lt3A_683 = arith.cmpi slt, %sub3A_681, %lt3A_682 : i32
      %convert_element_type3A_684 = arith.extui %lt3A_683 : i1 to i32
      %cond3A_685 = arith.constant 0 : i32
      %cond3A_686 = arith.cmpi ne, %convert_element_type3A_684, %cond3A_685 : i32
      scf.if %cond3A_686 {
        %add3A_1257 = arith.constant 8 : i32
        %add3A_1258 = arith.addi %add3A_574, %add3A_1257 : i32
        %sub3A_1259 = arith.constant 1 : i32
        %sub3A_1260 = arith.subi %add3A_1258, %sub3A_1259 : i32
        %mul3A_1261 = arith.constant 32 : i32
        %mul3A_1262 = arith.muli %sub3A_1260, %mul3A_1261 : i32
        %jit3A_1263 = arith.constant 128 : i32
        %div3A_1264 = arith.divsi %mul3A_1262, %jit3A_1263 : i32
        %sign3A_1265 = arith.constant 0 : i32
        %sign3A_1266 = arith.cmpi sgt, %mul3A_1262, %sign3A_1265 : i32
        %sign3A_1267 = arith.extui %sign3A_1266 : i1 to i32
        %sign3A_1268 = arith.constant 0 : i32
        %sign3A_1269 = arith.cmpi slt, %mul3A_1262, %sign3A_1268 : i32
        %sign3A_1270 = arith.extui %sign3A_1269 : i1 to i32
        %sign3A_1271 = arith.subi %sign3A_1267, %sign3A_1270 : i32
        %sign3A_1272 = arith.constant 0 : i32
        %sign3A_1273 = arith.cmpi sgt, %jit3A_1263, %sign3A_1272 : i32
        %sign3A_1274 = arith.extui %sign3A_1273 : i1 to i32
        %sign3A_1275 = arith.constant 0 : i32
        %sign3A_1276 = arith.cmpi slt, %jit3A_1263, %sign3A_1275 : i32
        %sign3A_1277 = arith.extui %sign3A_1276 : i1 to i32
        %sign3A_1278 = arith.subi %sign3A_1274, %sign3A_1277 : i32
        %ne3A_1279 = arith.cmpi ne, %sign3A_1271, %sign3A_1278 : i32
        %rem3A_1280 = arith.remsi %mul3A_1262, %jit3A_1263 : i32
        %ne3A_1281 = arith.constant 0 : i32
        %ne3A_1282 = arith.cmpi ne, %rem3A_1280, %ne3A_1281 : i32
        %and3A_1283 = arith.andi %ne3A_1279, %ne3A_1282 : i1
        %sub3A_1284 = arith.constant 1 : i32
        %sub3A_1285 = arith.subi %div3A_1264, %sub3A_1284 : i32
        %select_n3A_1286 = arith.select %and3A_1283, %sub3A_1285, %div3A_1264 : i32
        %mul3A_1287 = arith.constant 32 : i32
        %mul3A_1288 = arith.muli %sub3A_1260, %mul3A_1287 : i32
        %jit3A_1289 = arith.constant 128 : i32
        %eq3A_1290 = arith.constant 0 : i32
        %eq3A_1291 = arith.cmpi eq, %jit3A_1289, %eq3A_1290 : i32
        %jit3A_1292 = arith.constant 1 : i32
        %select_n3A_1293 = arith.select %eq3A_1291, %jit3A_1292, %jit3A_1289 : i32
        %rem3A_1294 = arith.remsi %mul3A_1288, %select_n3A_1293 : i32
        %ne3A_1295 = arith.constant 0 : i32
        %ne3A_1296 = arith.cmpi ne, %rem3A_1294, %ne3A_1295 : i32
        %lt3A_1297 = arith.constant 0 : i32
        %lt3A_1298 = arith.cmpi slt, %rem3A_1294, %lt3A_1297 : i32
        %lt3A_1299 = arith.constant 0 : i32
        %lt3A_1300 = arith.cmpi slt, %select_n3A_1293, %lt3A_1299 : i32
        %ne3A_1301 = arith.xori %lt3A_1298, %lt3A_1300 : i1
        %and3A_1302 = arith.andi %ne3A_1301, %ne3A_1296 : i1
        %add3A_1303 = arith.addi %rem3A_1294, %select_n3A_1293 : i32
        %select_n3A_1304 = arith.select %and3A_1302, %add3A_1303, %rem3A_1294 : i32
        %dma_start3A_1305 = arith.constant 1 : i32
        %dma_start3A_1306 = arith.constant 0 : i32
        %dma_start3A_1307 = arith.constant 0 : i32
        %dma_start3A_1308 = tpu.memref_slice %arg10[%dma_start3A_1305, %dma_start3A_1306, %dma_start3A_1307] : memref<8x32x128xf32, #tpu.memory_space<vmem>> -> memref<1x32x128xf32, #tpu.memory_space<vmem>>
        %dma_start3A_1309 = tpu.memref_squeeze %dma_start3A_1308 : memref<1x32x128xf32, #tpu.memory_space<vmem>> -> memref<32x128xf32, #tpu.memory_space<vmem>>
        %dma_start3A_1310 = tpu.memref_slice %arg7[%select_n3A_1286, %select_n3A_1304] : memref<64x128xi32, #tpu.memory_space<vmem>> -> memref<1x32xi32, #tpu.memory_space<vmem>>
        %dma_start3A_1311 = tpu.memref_squeeze %dma_start3A_1310 : memref<1x32xi32, #tpu.memory_space<vmem>> -> memref<32xi32, #tpu.memory_space<vmem>>
        %dma_start3A_1312 = arith.constant 0 : i32
        %dma_start3A_1313 = arith.constant 0 : i32
        %dma_start3A_1314 = tpu.memref_slice %arg8[%dma_start3A_1312, %dma_start3A_1313] : memref<5000x128xf32, #tpu.memory_space<vmem_shared>> -> memref<5000x128xf32, #tpu.memory_space<vmem_shared>>
        tpu.enqueue_indirect_dma source(%dma_start3A_1314 : memref<5000x128xf32, #tpu.memory_space<vmem_shared>>) target(%dma_start3A_1309 : memref<32x128xf32, #tpu.memory_space<vmem>>) offsets(%dma_start3A_1311 : memref<32xi32, #tpu.memory_space<vmem>>) semaphore(%arg20 : memref<!tpu.dma_semaphore, #tpu.memory_space<semaphore_mem>>)
      } else {
      }
      %add3A_687 = arith.constant 3 : i32
      %add3A_688 = arith.addi %add3A_345, %add3A_687 : i32
      %mul3A_689 = arith.constant 32 : i32
      %mul3A_690 = arith.muli %add3A_688, %mul3A_689 : i32
      %add3A_691 = arith.addi %mul3A_2, %mul3A_690 : i32
      %dma_wait3A_692 = arith.constant 3 : i32
      %dma_wait3A_693 = arith.constant 0 : i32
      %dma_wait3A_694 = arith.constant 0 : i32
      %dma_wait3A_695 = tpu.memref_slice %arg9[%dma_wait3A_692, %dma_wait3A_693, %dma_wait3A_694] : memref<8x32x128xf32, #tpu.memory_space<vmem>> -> memref<1x32x128xf32, #tpu.memory_space<vmem>>
      %dma_wait3A_696 = tpu.memref_squeeze %dma_wait3A_695 : memref<1x32x128xf32, #tpu.memory_space<vmem>> -> memref<32x128xf32, #tpu.memory_space<vmem>>
      %dma_wait3A_697 = arith.constant 0 : i32
      %dma_wait3A_698 = tpu.memref_slice %arg2[%add3A_691, %dma_wait3A_697] : memref<262144x128xf32, #tpu.memory_space<hbm>> -> memref<32x128xf32, #tpu.memory_space<hbm>>
      %dma_wait3A_699 = arith.constant 0 : i32
      %dma_wait3A_700 = arith.constant 0 : i32
      %dma_wait3A_701 = tpu.memref_slice %arg9[%dma_wait3A_692, %dma_wait3A_699, %dma_wait3A_700] : memref<8x32x128xf32, #tpu.memory_space<vmem>> -> memref<1x32x128xf32, #tpu.memory_space<vmem>>
      %dma_wait3A_702 = tpu.memref_squeeze %dma_wait3A_701 : memref<1x32x128xf32, #tpu.memory_space<vmem>> -> memref<32x128xf32, #tpu.memory_space<vmem>>
      %dma_wait3A_703 = arith.constant 0 : i32
      %dma_wait3A_704 = tpu.memref_slice %arg2[%add3A_691, %dma_wait3A_703] : memref<262144x128xf32, #tpu.memory_space<hbm>> -> memref<32x128xf32, #tpu.memory_space<hbm>>
      tpu.wait_dma2 semaphore(%arg14 : memref<!tpu.dma_semaphore, #tpu.memory_space<semaphore_mem>>) src(%dma_wait3A_704 : memref<32x128xf32, #tpu.memory_space<hbm>>) dst(%dma_wait3A_702 : memref<32x128xf32, #tpu.memory_space<vmem>>)
      %mul3A_705 = arith.constant 32 : i32
      %mul3A_706 = arith.muli %add3A_688, %mul3A_705 : i32
      %jit3A_707 = arith.constant 128 : i32
      %div3A_708 = arith.divsi %mul3A_706, %jit3A_707 : i32
      %sign3A_709 = arith.constant 0 : i32
      %sign3A_710 = arith.cmpi sgt, %mul3A_706, %sign3A_709 : i32
      %sign3A_711 = arith.extui %sign3A_710 : i1 to i32
      %sign3A_712 = arith.constant 0 : i32
      %sign3A_713 = arith.cmpi slt, %mul3A_706, %sign3A_712 : i32
      %sign3A_714 = arith.extui %sign3A_713 : i1 to i32
      %sign3A_715 = arith.subi %sign3A_711, %sign3A_714 : i32
      %sign3A_716 = arith.constant 0 : i32
      %sign3A_717 = arith.cmpi sgt, %jit3A_707, %sign3A_716 : i32
      %sign3A_718 = arith.extui %sign3A_717 : i1 to i32
      %sign3A_719 = arith.constant 0 : i32
      %sign3A_720 = arith.cmpi slt, %jit3A_707, %sign3A_719 : i32
      %sign3A_721 = arith.extui %sign3A_720 : i1 to i32
      %sign3A_722 = arith.subi %sign3A_718, %sign3A_721 : i32
      %ne3A_723 = arith.cmpi ne, %sign3A_715, %sign3A_722 : i32
      %rem3A_724 = arith.remsi %mul3A_706, %jit3A_707 : i32
      %ne3A_725 = arith.constant 0 : i32
      %ne3A_726 = arith.cmpi ne, %rem3A_724, %ne3A_725 : i32
      %and3A_727 = arith.andi %ne3A_723, %ne3A_726 : i1
      %sub3A_728 = arith.constant 1 : i32
      %sub3A_729 = arith.subi %div3A_708, %sub3A_728 : i32
      %select_n3A_730 = arith.select %and3A_727, %sub3A_729, %div3A_708 : i32
      %mul3A_731 = arith.constant 32 : i32
      %mul3A_732 = arith.muli %add3A_688, %mul3A_731 : i32
      %jit3A_733 = arith.constant 128 : i32
      %eq3A_734 = arith.constant 0 : i32
      %eq3A_735 = arith.cmpi eq, %jit3A_733, %eq3A_734 : i32
      %jit3A_736 = arith.constant 1 : i32
      %select_n3A_737 = arith.select %eq3A_735, %jit3A_736, %jit3A_733 : i32
      %rem3A_738 = arith.remsi %mul3A_732, %select_n3A_737 : i32
      %ne3A_739 = arith.constant 0 : i32
      %ne3A_740 = arith.cmpi ne, %rem3A_738, %ne3A_739 : i32
      %lt3A_741 = arith.constant 0 : i32
      %lt3A_742 = arith.cmpi slt, %rem3A_738, %lt3A_741 : i32
      %lt3A_743 = arith.constant 0 : i32
      %lt3A_744 = arith.cmpi slt, %select_n3A_737, %lt3A_743 : i32
      %ne3A_745 = arith.xori %lt3A_742, %lt3A_744 : i1
      %and3A_746 = arith.andi %ne3A_745, %ne3A_740 : i1
      %add3A_747 = arith.addi %rem3A_738, %select_n3A_737 : i32
      %select_n3A_748 = arith.select %and3A_746, %add3A_747, %rem3A_738 : i32
      %dma_wait3A_749 = arith.constant 3 : i32
      %dma_wait3A_750 = arith.constant 0 : i32
      %dma_wait3A_751 = arith.constant 0 : i32
      %dma_wait3A_752 = tpu.memref_slice %arg10[%dma_wait3A_749, %dma_wait3A_750, %dma_wait3A_751] : memref<8x32x128xf32, #tpu.memory_space<vmem>> -> memref<1x32x128xf32, #tpu.memory_space<vmem>>
      %dma_wait3A_753 = tpu.memref_squeeze %dma_wait3A_752 : memref<1x32x128xf32, #tpu.memory_space<vmem>> -> memref<32x128xf32, #tpu.memory_space<vmem>>
      %dma_wait3A_754 = tpu.memref_slice %arg7[%select_n3A_730, %select_n3A_748] : memref<64x128xi32, #tpu.memory_space<vmem>> -> memref<1x32xi32, #tpu.memory_space<vmem>>
      %dma_wait3A_755 = tpu.memref_squeeze %dma_wait3A_754 : memref<1x32xi32, #tpu.memory_space<vmem>> -> memref<32xi32, #tpu.memory_space<vmem>>
      %dma_wait3A_756 = arith.constant 0 : i32
      %dma_wait3A_757 = arith.constant 0 : i32
      %dma_wait3A_758 = tpu.memref_slice %arg8[%dma_wait3A_756, %dma_wait3A_757] : memref<5000x128xf32, #tpu.memory_space<vmem_shared>> -> memref<5000x128xf32, #tpu.memory_space<vmem_shared>>
      tpu.wait_indirect_dma semaphore(%arg22 : memref<!tpu.dma_semaphore, #tpu.memory_space<semaphore_mem>>) src(%dma_wait3A_758 : memref<5000x128xf32, #tpu.memory_space<vmem_shared>>) dst(%dma_wait3A_753 : memref<32x128xf32, #tpu.memory_space<vmem>>)
      %scan3A_759 = arith.constant 0 : i32
      %scan3A_760 = arith.constant 16 : i32
      %scan3A_761 = arith.addi %scan3A_759, %scan3A_760 : i32
      %scan3A_762 = arith.constant 1 : i32
      scf.for %scan3A_1257 = %scan3A_759 to %scan3A_761 step %scan3A_762  : i32 {
        %mul3A_1258 = arith.constant 2 : i32
        %mul3A_1259 = arith.muli %scan3A_1257, %mul3A_1258 : i32
        %add3A_1260 = arith.constant 0 : i32
        %add3A_1261 = arith.addi %add3A_1260, %mul3A_1259 : i32
        %add3A_1262 = arith.constant 0 : i32
        %add3A_1263 = arith.addi %add3A_1261, %add3A_1262 : i32
        %add3A_1264 = arith.constant 0 : i32
        %add3A_1265 = arith.addi %add3A_1261, %add3A_1264 : i32
        %get3A_1266 = arith.constant 3 : i32
        %get3A_1267 = arith.index_cast %get3A_1266 : i32 to index
        %get3A_1268 = arith.index_cast %add3A_1265 : i32 to index
        %get3A_1269 = arith.constant 0 : index
        %get3A_1270 = tpu.vector_load %arg9[%get3A_1267, %get3A_1268, %get3A_1269] {strides = array<i32>} : memref<8x32x128xf32, #tpu.memory_space<vmem>>, vector<1x1x16xf32>,
        %get3A_1271 = vector.shape_cast %get3A_1270 : vector<1x1x16xf32> to vector<16xf32>
        %swap3A = arith.constant 3 : i32
        %swap3A_1272 = arith.index_cast %swap3A : i32 to index
        %swap3A_1273 = arith.index_cast %add3A_1263 : i32 to index
        %swap3A_1274 = arith.constant 0 : index
        %swap3A_1275 = tpu.vector_load %arg10[%swap3A_1272, %swap3A_1273, %swap3A_1274] {strides = array<i32>} : memref<8x32x128xf32, #tpu.memory_space<vmem>>, vector<1x1x16xf32>,
        %swap3A_1276 = vector.shape_cast %swap3A_1275 : vector<1x1x16xf32> to vector<16xf32>
        %swap3A_1277 = vector.shape_cast %get3A_1271 : vector<16xf32> to vector<1x1x16xf32>
        tpu.vector_store %arg10[%swap3A_1272, %swap3A_1273, %swap3A_1274], %swap3A_1277 {add = true, strides = array<i32>} : memref<8x32x128xf32, #tpu.memory_space<vmem>>, vector<1x1x16xf32>,
        %add3A_1278 = arith.constant 0 : i32
        %add3A_1279 = arith.addi %add3A_1261, %add3A_1278 : i32
        %add3A_1280 = arith.constant 0 : i32
        %add3A_1281 = arith.addi %add3A_1261, %add3A_1280 : i32
        %get3A_1282 = arith.constant 3 : i32
        %get3A_1283 = arith.index_cast %get3A_1282 : i32 to index
        %get3A_1284 = arith.index_cast %add3A_1281 : i32 to index
        %get3A_1285 = arith.constant 16 : index
        %get3A_1286 = tpu.vector_load %arg9[%get3A_1283, %get3A_1284, %get3A_1285] {strides = array<i32>} : memref<8x32x128xf32, #tpu.memory_space<vmem>>, vector<1x1x16xf32>,
        %get3A_1287 = vector.shape_cast %get3A_1286 : vector<1x1x16xf32> to vector<16xf32>
        %swap3A_1288 = arith.constant 3 : i32
        %swap3A_1289 = arith.index_cast %swap3A_1288 : i32 to index
        %swap3A_1290 = arith.index_cast %add3A_1279 : i32 to index
        %swap3A_1291 = arith.constant 16 : index
        %swap3A_1292 = tpu.vector_load %arg10[%swap3A_1289, %swap3A_1290, %swap3A_1291] {strides = array<i32>} : memref<8x32x128xf32, #tpu.memory_space<vmem>>, vector<1x1x16xf32>,
        %swap3A_1293 = vector.shape_cast %swap3A_1292 : vector<1x1x16xf32> to vector<16xf32>
        %swap3A_1294 = vector.shape_cast %get3A_1287 : vector<16xf32> to vector<1x1x16xf32>
        tpu.vector_store %arg10[%swap3A_1289, %swap3A_1290, %swap3A_1291], %swap3A_1294 {add = true, strides = array<i32>} : memref<8x32x128xf32, #tpu.memory_space<vmem>>, vector<1x1x16xf32>,
        %add3A_1295 = arith.constant 0 : i32
        %add3A_1296 = arith.addi %add3A_1261, %add3A_1295 : i32
        %add3A_1297 = arith.constant 0 : i32
        %add3A_1298 = arith.addi %add3A_1261, %add3A_1297 : i32
        %get3A_1299 = arith.constant 3 : i32
        %get3A_1300 = arith.index_cast %get3A_1299 : i32 to index
        %get3A_1301 = arith.index_cast %add3A_1298 : i32 to index
        %get3A_1302 = arith.constant 32 : index
        %get3A_1303 = tpu.vector_load %arg9[%get3A_1300, %get3A_1301, %get3A_1302] {strides = array<i32>} : memref<8x32x128xf32, #tpu.memory_space<vmem>>, vector<1x1x16xf32>,
        %get3A_1304 = vector.shape_cast %get3A_1303 : vector<1x1x16xf32> to vector<16xf32>
        %swap3A_1305 = arith.constant 3 : i32
        %swap3A_1306 = arith.index_cast %swap3A_1305 : i32 to index
        %swap3A_1307 = arith.index_cast %add3A_1296 : i32 to index
        %swap3A_1308 = arith.constant 32 : index
        %swap3A_1309 = tpu.vector_load %arg10[%swap3A_1306, %swap3A_1307, %swap3A_1308] {strides = array<i32>} : memref<8x32x128xf32, #tpu.memory_space<vmem>>, vector<1x1x16xf32>,
        %swap3A_1310 = vector.shape_cast %swap3A_1309 : vector<1x1x16xf32> to vector<16xf32>
        %swap3A_1311 = vector.shape_cast %get3A_1304 : vector<16xf32> to vector<1x1x16xf32>
        tpu.vector_store %arg10[%swap3A_1306, %swap3A_1307, %swap3A_1308], %swap3A_1311 {add = true, strides = array<i32>} : memref<8x32x128xf32, #tpu.memory_space<vmem>>, vector<1x1x16xf32>,
        %add3A_1312 = arith.constant 0 : i32
        %add3A_1313 = arith.addi %add3A_1261, %add3A_1312 : i32
        %add3A_1314 = arith.constant 0 : i32
        %add3A_1315 = arith.addi %add3A_1261, %add3A_1314 : i32
        %get3A_1316 = arith.constant 3 : i32
        %get3A_1317 = arith.index_cast %get3A_1316 : i32 to index
        %get3A_1318 = arith.index_cast %add3A_1315 : i32 to index
        %get3A_1319 = arith.constant 48 : index
        %get3A_1320 = tpu.vector_load %arg9[%get3A_1317, %get3A_1318, %get3A_1319] {strides = array<i32>} : memref<8x32x128xf32, #tpu.memory_space<vmem>>, vector<1x1x16xf32>,
        %get3A_1321 = vector.shape_cast %get3A_1320 : vector<1x1x16xf32> to vector<16xf32>
        %swap3A_1322 = arith.constant 3 : i32
        %swap3A_1323 = arith.index_cast %swap3A_1322 : i32 to index
        %swap3A_1324 = arith.index_cast %add3A_1313 : i32 to index
        %swap3A_1325 = arith.constant 48 : index
        %swap3A_1326 = tpu.vector_load %arg10[%swap3A_1323, %swap3A_1324, %swap3A_1325] {strides = array<i32>} : memref<8x32x128xf32, #tpu.memory_space<vmem>>, vector<1x1x16xf32>,
        %swap3A_1327 = vector.shape_cast %swap3A_1326 : vector<1x1x16xf32> to vector<16xf32>
        %swap3A_1328 = vector.shape_cast %get3A_1321 : vector<16xf32> to vector<1x1x16xf32>
        tpu.vector_store %arg10[%swap3A_1323, %swap3A_1324, %swap3A_1325], %swap3A_1328 {add = true, strides = array<i32>} : memref<8x32x128xf32, #tpu.memory_space<vmem>>, vector<1x1x16xf32>,
        %add3A_1329 = arith.constant 0 : i32
        %add3A_1330 = arith.addi %add3A_1261, %add3A_1329 : i32
        %add3A_1331 = arith.constant 0 : i32
        %add3A_1332 = arith.addi %add3A_1261, %add3A_1331 : i32
        %get3A_1333 = arith.constant 3 : i32
        %get3A_1334 = arith.index_cast %get3A_1333 : i32 to index
        %get3A_1335 = arith.index_cast %add3A_1332 : i32 to index
        %get3A_1336 = arith.constant 64 : index
        %get3A_1337 = tpu.vector_load %arg9[%get3A_1334, %get3A_1335, %get3A_1336] {strides = array<i32>} : memref<8x32x128xf32, #tpu.memory_space<vmem>>, vector<1x1x16xf32>,
        %get3A_1338 = vector.shape_cast %get3A_1337 : vector<1x1x16xf32> to vector<16xf32>
        %swap3A_1339 = arith.constant 3 : i32
        %swap3A_1340 = arith.index_cast %swap3A_1339 : i32 to index
        %swap3A_1341 = arith.index_cast %add3A_1330 : i32 to index
        %swap3A_1342 = arith.constant 64 : index
        %swap3A_1343 = tpu.vector_load %arg10[%swap3A_1340, %swap3A_1341, %swap3A_1342] {strides = array<i32>} : memref<8x32x128xf32, #tpu.memory_space<vmem>>, vector<1x1x16xf32>,
        %swap3A_1344 = vector.shape_cast %swap3A_1343 : vector<1x1x16xf32> to vector<16xf32>
        %swap3A_1345 = vector.shape_cast %get3A_1338 : vector<16xf32> to vector<1x1x16xf32>
        tpu.vector_store %arg10[%swap3A_1340, %swap3A_1341, %swap3A_1342], %swap3A_1345 {add = true, strides = array<i32>} : memref<8x32x128xf32, #tpu.memory_space<vmem>>, vector<1x1x16xf32>,
        %add3A_1346 = arith.constant 0 : i32
        %add3A_1347 = arith.addi %add3A_1261, %add3A_1346 : i32
        %add3A_1348 = arith.constant 0 : i32
        %add3A_1349 = arith.addi %add3A_1261, %add3A_1348 : i32
        %get3A_1350 = arith.constant 3 : i32
        %get3A_1351 = arith.index_cast %get3A_1350 : i32 to index
        %get3A_1352 = arith.index_cast %add3A_1349 : i32 to index
        %get3A_1353 = arith.constant 80 : index
        %get3A_1354 = tpu.vector_load %arg9[%get3A_1351, %get3A_1352, %get3A_1353] {strides = array<i32>} : memref<8x32x128xf32, #tpu.memory_space<vmem>>, vector<1x1x16xf32>,
        %get3A_1355 = vector.shape_cast %get3A_1354 : vector<1x1x16xf32> to vector<16xf32>
        %swap3A_1356 = arith.constant 3 : i32
        %swap3A_1357 = arith.index_cast %swap3A_1356 : i32 to index
        %swap3A_1358 = arith.index_cast %add3A_1347 : i32 to index
        %swap3A_1359 = arith.constant 80 : index
        %swap3A_1360 = tpu.vector_load %arg10[%swap3A_1357, %swap3A_1358, %swap3A_1359] {strides = array<i32>} : memref<8x32x128xf32, #tpu.memory_space<vmem>>, vector<1x1x16xf32>,
        %swap3A_1361 = vector.shape_cast %swap3A_1360 : vector<1x1x16xf32> to vector<16xf32>
        %swap3A_1362 = vector.shape_cast %get3A_1355 : vector<16xf32> to vector<1x1x16xf32>
        tpu.vector_store %arg10[%swap3A_1357, %swap3A_1358, %swap3A_1359], %swap3A_1362 {add = true, strides = array<i32>} : memref<8x32x128xf32, #tpu.memory_space<vmem>>, vector<1x1x16xf32>,
        %add3A_1363 = arith.constant 0 : i32
        %add3A_1364 = arith.addi %add3A_1261, %add3A_1363 : i32
        %add3A_1365 = arith.constant 0 : i32
        %add3A_1366 = arith.addi %add3A_1261, %add3A_1365 : i32
        %get3A_1367 = arith.constant 3 : i32
        %get3A_1368 = arith.index_cast %get3A_1367 : i32 to index
        %get3A_1369 = arith.index_cast %add3A_1366 : i32 to index
        %get3A_1370 = arith.constant 96 : index
        %get3A_1371 = tpu.vector_load %arg9[%get3A_1368, %get3A_1369, %get3A_1370] {strides = array<i32>} : memref<8x32x128xf32, #tpu.memory_space<vmem>>, vector<1x1x16xf32>,
        %get3A_1372 = vector.shape_cast %get3A_1371 : vector<1x1x16xf32> to vector<16xf32>
        %swap3A_1373 = arith.constant 3 : i32
        %swap3A_1374 = arith.index_cast %swap3A_1373 : i32 to index
        %swap3A_1375 = arith.index_cast %add3A_1364 : i32 to index
        %swap3A_1376 = arith.constant 96 : index
        %swap3A_1377 = tpu.vector_load %arg10[%swap3A_1374, %swap3A_1375, %swap3A_1376] {strides = array<i32>} : memref<8x32x128xf32, #tpu.memory_space<vmem>>, vector<1x1x16xf32>,
        %swap3A_1378 = vector.shape_cast %swap3A_1377 : vector<1x1x16xf32> to vector<16xf32>
        %swap3A_1379 = vector.shape_cast %get3A_1372 : vector<16xf32> to vector<1x1x16xf32>
        tpu.vector_store %arg10[%swap3A_1374, %swap3A_1375, %swap3A_1376], %swap3A_1379 {add = true, strides = array<i32>} : memref<8x32x128xf32, #tpu.memory_space<vmem>>, vector<1x1x16xf32>,
        %add3A_1380 = arith.constant 0 : i32
        %add3A_1381 = arith.addi %add3A_1261, %add3A_1380 : i32
        %add3A_1382 = arith.constant 0 : i32
        %add3A_1383 = arith.addi %add3A_1261, %add3A_1382 : i32
        %get3A_1384 = arith.constant 3 : i32
        %get3A_1385 = arith.index_cast %get3A_1384 : i32 to index
        %get3A_1386 = arith.index_cast %add3A_1383 : i32 to index
        %get3A_1387 = arith.constant 112 : index
        %get3A_1388 = tpu.vector_load %arg9[%get3A_1385, %get3A_1386, %get3A_1387] {strides = array<i32>} : memref<8x32x128xf32, #tpu.memory_space<vmem>>, vector<1x1x16xf32>,
        %get3A_1389 = vector.shape_cast %get3A_1388 : vector<1x1x16xf32> to vector<16xf32>
        %swap3A_1390 = arith.constant 3 : i32
        %swap3A_1391 = arith.index_cast %swap3A_1390 : i32 to index
        %swap3A_1392 = arith.index_cast %add3A_1381 : i32 to index
        %swap3A_1393 = arith.constant 112 : index
        %swap3A_1394 = tpu.vector_load %arg10[%swap3A_1391, %swap3A_1392, %swap3A_1393] {strides = array<i32>} : memref<8x32x128xf32, #tpu.memory_space<vmem>>, vector<1x1x16xf32>,
        %swap3A_1395 = vector.shape_cast %swap3A_1394 : vector<1x1x16xf32> to vector<16xf32>
        %swap3A_1396 = vector.shape_cast %get3A_1389 : vector<16xf32> to vector<1x1x16xf32>
        tpu.vector_store %arg10[%swap3A_1391, %swap3A_1392, %swap3A_1393], %swap3A_1396 {add = true, strides = array<i32>} : memref<8x32x128xf32, #tpu.memory_space<vmem>>, vector<1x1x16xf32>,
        %add3A_1397 = arith.constant 1 : i32
        %add3A_1398 = arith.addi %add3A_1261, %add3A_1397 : i32
        %add3A_1399 = arith.constant 1 : i32
        %add3A_1400 = arith.addi %add3A_1261, %add3A_1399 : i32
        %get3A_1401 = arith.constant 3 : i32
        %get3A_1402 = arith.index_cast %get3A_1401 : i32 to index
        %get3A_1403 = arith.index_cast %add3A_1400 : i32 to index
        %get3A_1404 = arith.constant 0 : index
        %get3A_1405 = tpu.vector_load %arg9[%get3A_1402, %get3A_1403, %get3A_1404] {strides = array<i32>} : memref<8x32x128xf32, #tpu.memory_space<vmem>>, vector<1x1x16xf32>,
        %get3A_1406 = vector.shape_cast %get3A_1405 : vector<1x1x16xf32> to vector<16xf32>
        %swap3A_1407 = arith.constant 3 : i32
        %swap3A_1408 = arith.index_cast %swap3A_1407 : i32 to index
        %swap3A_1409 = arith.index_cast %add3A_1398 : i32 to index
        %swap3A_1410 = arith.constant 0 : index
        %swap3A_1411 = tpu.vector_load %arg10[%swap3A_1408, %swap3A_1409, %swap3A_1410] {strides = array<i32>} : memref<8x32x128xf32, #tpu.memory_space<vmem>>, vector<1x1x16xf32>,
        %swap3A_1412 = vector.shape_cast %swap3A_1411 : vector<1x1x16xf32> to vector<16xf32>
        %swap3A_1413 = vector.shape_cast %get3A_1406 : vector<16xf32> to vector<1x1x16xf32>
        tpu.vector_store %arg10[%swap3A_1408, %swap3A_1409, %swap3A_1410], %swap3A_1413 {add = true, strides = array<i32>} : memref<8x32x128xf32, #tpu.memory_space<vmem>>, vector<1x1x16xf32>,
        %add3A_1414 = arith.constant 1 : i32
        %add3A_1415 = arith.addi %add3A_1261, %add3A_1414 : i32
        %add3A_1416 = arith.constant 1 : i32
        %add3A_1417 = arith.addi %add3A_1261, %add3A_1416 : i32
        %get3A_1418 = arith.constant 3 : i32
        %get3A_1419 = arith.index_cast %get3A_1418 : i32 to index
        %get3A_1420 = arith.index_cast %add3A_1417 : i32 to index
        %get3A_1421 = arith.constant 16 : index
        %get3A_1422 = tpu.vector_load %arg9[%get3A_1419, %get3A_1420, %get3A_1421] {strides = array<i32>} : memref<8x32x128xf32, #tpu.memory_space<vmem>>, vector<1x1x16xf32>,
        %get3A_1423 = vector.shape_cast %get3A_1422 : vector<1x1x16xf32> to vector<16xf32>
        %swap3A_1424 = arith.constant 3 : i32
        %swap3A_1425 = arith.index_cast %swap3A_1424 : i32 to index
        %swap3A_1426 = arith.index_cast %add3A_1415 : i32 to index
        %swap3A_1427 = arith.constant 16 : index
        %swap3A_1428 = tpu.vector_load %arg10[%swap3A_1425, %swap3A_1426, %swap3A_1427] {strides = array<i32>} : memref<8x32x128xf32, #tpu.memory_space<vmem>>, vector<1x1x16xf32>,
        %swap3A_1429 = vector.shape_cast %swap3A_1428 : vector<1x1x16xf32> to vector<16xf32>
        %swap3A_1430 = vector.shape_cast %get3A_1423 : vector<16xf32> to vector<1x1x16xf32>
        tpu.vector_store %arg10[%swap3A_1425, %swap3A_1426, %swap3A_1427], %swap3A_1430 {add = true, strides = array<i32>} : memref<8x32x128xf32, #tpu.memory_space<vmem>>, vector<1x1x16xf32>,
        %add3A_1431 = arith.constant 1 : i32
        %add3A_1432 = arith.addi %add3A_1261, %add3A_1431 : i32
        %add3A_1433 = arith.constant 1 : i32
        %add3A_1434 = arith.addi %add3A_1261, %add3A_1433 : i32
        %get3A_1435 = arith.constant 3 : i32
        %get3A_1436 = arith.index_cast %get3A_1435 : i32 to index
        %get3A_1437 = arith.index_cast %add3A_1434 : i32 to index
        %get3A_1438 = arith.constant 32 : index
        %get3A_1439 = tpu.vector_load %arg9[%get3A_1436, %get3A_1437, %get3A_1438] {strides = array<i32>} : memref<8x32x128xf32, #tpu.memory_space<vmem>>, vector<1x1x16xf32>,
        %get3A_1440 = vector.shape_cast %get3A_1439 : vector<1x1x16xf32> to vector<16xf32>
        %swap3A_1441 = arith.constant 3 : i32
        %swap3A_1442 = arith.index_cast %swap3A_1441 : i32 to index
        %swap3A_1443 = arith.index_cast %add3A_1432 : i32 to index
        %swap3A_1444 = arith.constant 32 : index
        %swap3A_1445 = tpu.vector_load %arg10[%swap3A_1442, %swap3A_1443, %swap3A_1444] {strides = array<i32>} : memref<8x32x128xf32, #tpu.memory_space<vmem>>, vector<1x1x16xf32>,
        %swap3A_1446 = vector.shape_cast %swap3A_1445 : vector<1x1x16xf32> to vector<16xf32>
        %swap3A_1447 = vector.shape_cast %get3A_1440 : vector<16xf32> to vector<1x1x16xf32>
        tpu.vector_store %arg10[%swap3A_1442, %swap3A_1443, %swap3A_1444], %swap3A_1447 {add = true, strides = array<i32>} : memref<8x32x128xf32, #tpu.memory_space<vmem>>, vector<1x1x16xf32>,
        %add3A_1448 = arith.constant 1 : i32
        %add3A_1449 = arith.addi %add3A_1261, %add3A_1448 : i32
        %add3A_1450 = arith.constant 1 : i32
        %add3A_1451 = arith.addi %add3A_1261, %add3A_1450 : i32
        %get3A_1452 = arith.constant 3 : i32
        %get3A_1453 = arith.index_cast %get3A_1452 : i32 to index
        %get3A_1454 = arith.index_cast %add3A_1451 : i32 to index
        %get3A_1455 = arith.constant 48 : index
        %get3A_1456 = tpu.vector_load %arg9[%get3A_1453, %get3A_1454, %get3A_1455] {strides = array<i32>} : memref<8x32x128xf32, #tpu.memory_space<vmem>>, vector<1x1x16xf32>,
        %get3A_1457 = vector.shape_cast %get3A_1456 : vector<1x1x16xf32> to vector<16xf32>
        %swap3A_1458 = arith.constant 3 : i32
        %swap3A_1459 = arith.index_cast %swap3A_1458 : i32 to index
        %swap3A_1460 = arith.index_cast %add3A_1449 : i32 to index
        %swap3A_1461 = arith.constant 48 : index
        %swap3A_1462 = tpu.vector_load %arg10[%swap3A_1459, %swap3A_1460, %swap3A_1461] {strides = array<i32>} : memref<8x32x128xf32, #tpu.memory_space<vmem>>, vector<1x1x16xf32>,
        %swap3A_1463 = vector.shape_cast %swap3A_1462 : vector<1x1x16xf32> to vector<16xf32>
        %swap3A_1464 = vector.shape_cast %get3A_1457 : vector<16xf32> to vector<1x1x16xf32>
        tpu.vector_store %arg10[%swap3A_1459, %swap3A_1460, %swap3A_1461], %swap3A_1464 {add = true, strides = array<i32>} : memref<8x32x128xf32, #tpu.memory_space<vmem>>, vector<1x1x16xf32>,
        %add3A_1465 = arith.constant 1 : i32
        %add3A_1466 = arith.addi %add3A_1261, %add3A_1465 : i32
        %add3A_1467 = arith.constant 1 : i32
        %add3A_1468 = arith.addi %add3A_1261, %add3A_1467 : i32
        %get3A_1469 = arith.constant 3 : i32
        %get3A_1470 = arith.index_cast %get3A_1469 : i32 to index
        %get3A_1471 = arith.index_cast %add3A_1468 : i32 to index
        %get3A_1472 = arith.constant 64 : index
        %get3A_1473 = tpu.vector_load %arg9[%get3A_1470, %get3A_1471, %get3A_1472] {strides = array<i32>} : memref<8x32x128xf32, #tpu.memory_space<vmem>>, vector<1x1x16xf32>,
        %get3A_1474 = vector.shape_cast %get3A_1473 : vector<1x1x16xf32> to vector<16xf32>
        %swap3A_1475 = arith.constant 3 : i32
        %swap3A_1476 = arith.index_cast %swap3A_1475 : i32 to index
        %swap3A_1477 = arith.index_cast %add3A_1466 : i32 to index
        %swap3A_1478 = arith.constant 64 : index
        %swap3A_1479 = tpu.vector_load %arg10[%swap3A_1476, %swap3A_1477, %swap3A_1478] {strides = array<i32>} : memref<8x32x128xf32, #tpu.memory_space<vmem>>, vector<1x1x16xf32>,
        %swap3A_1480 = vector.shape_cast %swap3A_1479 : vector<1x1x16xf32> to vector<16xf32>
        %swap3A_1481 = vector.shape_cast %get3A_1474 : vector<16xf32> to vector<1x1x16xf32>
        tpu.vector_store %arg10[%swap3A_1476, %swap3A_1477, %swap3A_1478], %swap3A_1481 {add = true, strides = array<i32>} : memref<8x32x128xf32, #tpu.memory_space<vmem>>, vector<1x1x16xf32>,
        %add3A_1482 = arith.constant 1 : i32
        %add3A_1483 = arith.addi %add3A_1261, %add3A_1482 : i32
        %add3A_1484 = arith.constant 1 : i32
        %add3A_1485 = arith.addi %add3A_1261, %add3A_1484 : i32
        %get3A_1486 = arith.constant 3 : i32
        %get3A_1487 = arith.index_cast %get3A_1486 : i32 to index
        %get3A_1488 = arith.index_cast %add3A_1485 : i32 to index
        %get3A_1489 = arith.constant 80 : index
        %get3A_1490 = tpu.vector_load %arg9[%get3A_1487, %get3A_1488, %get3A_1489] {strides = array<i32>} : memref<8x32x128xf32, #tpu.memory_space<vmem>>, vector<1x1x16xf32>,
        %get3A_1491 = vector.shape_cast %get3A_1490 : vector<1x1x16xf32> to vector<16xf32>
        %swap3A_1492 = arith.constant 3 : i32
        %swap3A_1493 = arith.index_cast %swap3A_1492 : i32 to index
        %swap3A_1494 = arith.index_cast %add3A_1483 : i32 to index
        %swap3A_1495 = arith.constant 80 : index
        %swap3A_1496 = tpu.vector_load %arg10[%swap3A_1493, %swap3A_1494, %swap3A_1495] {strides = array<i32>} : memref<8x32x128xf32, #tpu.memory_space<vmem>>, vector<1x1x16xf32>,
        %swap3A_1497 = vector.shape_cast %swap3A_1496 : vector<1x1x16xf32> to vector<16xf32>
        %swap3A_1498 = vector.shape_cast %get3A_1491 : vector<16xf32> to vector<1x1x16xf32>
        tpu.vector_store %arg10[%swap3A_1493, %swap3A_1494, %swap3A_1495], %swap3A_1498 {add = true, strides = array<i32>} : memref<8x32x128xf32, #tpu.memory_space<vmem>>, vector<1x1x16xf32>,
        %add3A_1499 = arith.constant 1 : i32
        %add3A_1500 = arith.addi %add3A_1261, %add3A_1499 : i32
        %add3A_1501 = arith.constant 1 : i32
        %add3A_1502 = arith.addi %add3A_1261, %add3A_1501 : i32
        %get3A_1503 = arith.constant 3 : i32
        %get3A_1504 = arith.index_cast %get3A_1503 : i32 to index
        %get3A_1505 = arith.index_cast %add3A_1502 : i32 to index
        %get3A_1506 = arith.constant 96 : index
        %get3A_1507 = tpu.vector_load %arg9[%get3A_1504, %get3A_1505, %get3A_1506] {strides = array<i32>} : memref<8x32x128xf32, #tpu.memory_space<vmem>>, vector<1x1x16xf32>,
        %get3A_1508 = vector.shape_cast %get3A_1507 : vector<1x1x16xf32> to vector<16xf32>
        %swap3A_1509 = arith.constant 3 : i32
        %swap3A_1510 = arith.index_cast %swap3A_1509 : i32 to index
        %swap3A_1511 = arith.index_cast %add3A_1500 : i32 to index
        %swap3A_1512 = arith.constant 96 : index
        %swap3A_1513 = tpu.vector_load %arg10[%swap3A_1510, %swap3A_1511, %swap3A_1512] {strides = array<i32>} : memref<8x32x128xf32, #tpu.memory_space<vmem>>, vector<1x1x16xf32>,
        %swap3A_1514 = vector.shape_cast %swap3A_1513 : vector<1x1x16xf32> to vector<16xf32>
        %swap3A_1515 = vector.shape_cast %get3A_1508 : vector<16xf32> to vector<1x1x16xf32>
        tpu.vector_store %arg10[%swap3A_1510, %swap3A_1511, %swap3A_1512], %swap3A_1515 {add = true, strides = array<i32>} : memref<8x32x128xf32, #tpu.memory_space<vmem>>, vector<1x1x16xf32>,
        %add3A_1516 = arith.constant 1 : i32
        %add3A_1517 = arith.addi %add3A_1261, %add3A_1516 : i32
        %add3A_1518 = arith.constant 1 : i32
        %add3A_1519 = arith.addi %add3A_1261, %add3A_1518 : i32
        %get3A_1520 = arith.constant 3 : i32
        %get3A_1521 = arith.index_cast %get3A_1520 : i32 to index
        %get3A_1522 = arith.index_cast %add3A_1519 : i32 to index
        %get3A_1523 = arith.constant 112 : index
        %get3A_1524 = tpu.vector_load %arg9[%get3A_1521, %get3A_1522, %get3A_1523] {strides = array<i32>} : memref<8x32x128xf32, #tpu.memory_space<vmem>>, vector<1x1x16xf32>,
        %get3A_1525 = vector.shape_cast %get3A_1524 : vector<1x1x16xf32> to vector<16xf32>
        %swap3A_1526 = arith.constant 3 : i32
        %swap3A_1527 = arith.index_cast %swap3A_1526 : i32 to index
        %swap3A_1528 = arith.index_cast %add3A_1517 : i32 to index
        %swap3A_1529 = arith.constant 112 : index
        %swap3A_1530 = tpu.vector_load %arg10[%swap3A_1527, %swap3A_1528, %swap3A_1529] {strides = array<i32>} : memref<8x32x128xf32, #tpu.memory_space<vmem>>, vector<1x1x16xf32>,
        %swap3A_1531 = vector.shape_cast %swap3A_1530 : vector<1x1x16xf32> to vector<16xf32>
        %swap3A_1532 = vector.shape_cast %get3A_1525 : vector<16xf32> to vector<1x1x16xf32>
        tpu.vector_store %arg10[%swap3A_1527, %swap3A_1528, %swap3A_1529], %swap3A_1532 {add = true, strides = array<i32>} : memref<8x32x128xf32, #tpu.memory_space<vmem>>, vector<1x1x16xf32>,
      }
      %scan3A_763 = arith.constant 16 : i32
      %mul3A_764 = arith.constant 32 : i32
      %mul3A_765 = arith.muli %add3A_688, %mul3A_764 : i32
      %add3A_766 = arith.addi %mul3A_2, %mul3A_765 : i32
      %dma_start3A_767 = arith.constant 3 : i32
      %dma_start3A_768 = arith.constant 0 : i32
      %dma_start3A_769 = arith.constant 0 : i32
      %dma_start3A_770 = tpu.memref_slice %arg10[%dma_start3A_767, %dma_start3A_768, %dma_start3A_769] : memref<8x32x128xf32, #tpu.memory_space<vmem>> -> memref<1x32x128xf32, #tpu.memory_space<vmem>>
      %dma_start3A_771 = tpu.memref_squeeze %dma_start3A_770 : memref<1x32x128xf32, #tpu.memory_space<vmem>> -> memref<32x128xf32, #tpu.memory_space<vmem>>
      %dma_start3A_772 = arith.constant 0 : i32
      %dma_start3A_773 = tpu.memref_slice %arg5[%add3A_766, %dma_start3A_772] : memref<262144x128xf32, #tpu.memory_space<hbm>> -> memref<32x128xf32, #tpu.memory_space<hbm>>
      %dma_start3A_774 = arith.constant 0 : i32
      %dma_start3A_775 = tpu.memref_slice %arg5[%add3A_766, %dma_start3A_774] : memref<262144x128xf32, #tpu.memory_space<hbm>> -> memref<32x128xf32, #tpu.memory_space<hbm>>
      %dma_start3A_776 = arith.constant 0 : i32
      %dma_start3A_777 = arith.constant 0 : i32
      %dma_start3A_778 = tpu.memref_slice %arg10[%dma_start3A_767, %dma_start3A_776, %dma_start3A_777] : memref<8x32x128xf32, #tpu.memory_space<vmem>> -> memref<1x32x128xf32, #tpu.memory_space<vmem>>
      %dma_start3A_779 = tpu.memref_squeeze %dma_start3A_778 : memref<1x32x128xf32, #tpu.memory_space<vmem>> -> memref<32x128xf32, #tpu.memory_space<vmem>>
      tpu.enqueue_dma source(%dma_start3A_779 : memref<32x128xf32, #tpu.memory_space<vmem>>) target(%dma_start3A_775 : memref<32x128xf32, #tpu.memory_space<hbm>>) target_semaphore(%arg30 : memref<!tpu.dma_semaphore, #tpu.memory_space<semaphore_mem>>)
      %add3A_780 = arith.constant 8 : i32
      %add3A_781 = arith.addi %add3A_688, %add3A_780 : i32
      %lt3A_782 = arith.constant 256 : i32
      %lt3A_783 = arith.cmpi slt, %add3A_781, %lt3A_782 : i32
      %convert_element_type3A_784 = arith.extui %lt3A_783 : i1 to i32
      %cond3A_785 = arith.constant 0 : i32
      %cond3A_786 = arith.cmpi ne, %convert_element_type3A_784, %cond3A_785 : i32
      scf.if %cond3A_786 {
        %add3A_1257 = arith.constant 8 : i32
        %add3A_1258 = arith.addi %add3A_688, %add3A_1257 : i32
        %mul3A_1259 = arith.constant 32 : i32
        %mul3A_1260 = arith.muli %add3A_1258, %mul3A_1259 : i32
        %add3A_1261 = arith.addi %mul3A_2, %mul3A_1260 : i32
        %dma_start3A_1262 = arith.constant 3 : i32
        %dma_start3A_1263 = arith.constant 0 : i32
        %dma_start3A_1264 = arith.constant 0 : i32
        %dma_start3A_1265 = tpu.memref_slice %arg9[%dma_start3A_1262, %dma_start3A_1263, %dma_start3A_1264] : memref<8x32x128xf32, #tpu.memory_space<vmem>> -> memref<1x32x128xf32, #tpu.memory_space<vmem>>
        %dma_start3A_1266 = tpu.memref_squeeze %dma_start3A_1265 : memref<1x32x128xf32, #tpu.memory_space<vmem>> -> memref<32x128xf32, #tpu.memory_space<vmem>>
        %dma_start3A_1267 = arith.constant 0 : i32
        %dma_start3A_1268 = tpu.memref_slice %arg2[%add3A_1261, %dma_start3A_1267] : memref<262144x128xf32, #tpu.memory_space<hbm>> -> memref<32x128xf32, #tpu.memory_space<hbm>>
        %dma_start3A_1269 = arith.constant 0 : i32
        %dma_start3A_1270 = arith.constant 0 : i32
        %dma_start3A_1271 = tpu.memref_slice %arg9[%dma_start3A_1262, %dma_start3A_1269, %dma_start3A_1270] : memref<8x32x128xf32, #tpu.memory_space<vmem>> -> memref<1x32x128xf32, #tpu.memory_space<vmem>>
        %dma_start3A_1272 = tpu.memref_squeeze %dma_start3A_1271 : memref<1x32x128xf32, #tpu.memory_space<vmem>> -> memref<32x128xf32, #tpu.memory_space<vmem>>
        %dma_start3A_1273 = arith.constant 0 : i32
        %dma_start3A_1274 = tpu.memref_slice %arg2[%add3A_1261, %dma_start3A_1273] : memref<262144x128xf32, #tpu.memory_space<hbm>> -> memref<32x128xf32, #tpu.memory_space<hbm>>
        tpu.enqueue_dma source(%dma_start3A_1274 : memref<32x128xf32, #tpu.memory_space<hbm>>) target(%dma_start3A_1272 : memref<32x128xf32, #tpu.memory_space<vmem>>) target_semaphore(%arg14 : memref<!tpu.dma_semaphore, #tpu.memory_space<semaphore_mem>>)
      } else {
      }
      %ge3A_787 = arith.constant 1 : i32
      %ge3A_788 = arith.cmpi sge, %add3A_688, %ge3A_787 : i32
      %convert_element_type3A_789 = arith.extui %ge3A_788 : i1 to i32
      %cond3A_790 = arith.constant 0 : i32
      %cond3A_791 = arith.cmpi ne, %convert_element_type3A_789, %cond3A_790 : i32
      scf.if %cond3A_791 {
        %sub3A_1257 = arith.constant 1 : i32
        %sub3A_1258 = arith.subi %add3A_688, %sub3A_1257 : i32
        %mul3A_1259 = arith.constant 32 : i32
        %mul3A_1260 = arith.muli %sub3A_1258, %mul3A_1259 : i32
        %add3A_1261 = arith.addi %mul3A_2, %mul3A_1260 : i32
        %dma_wait3A_1262 = arith.constant 2 : i32
        %dma_wait3A_1263 = arith.constant 0 : i32
        %dma_wait3A_1264 = arith.constant 0 : i32
        %dma_wait3A_1265 = tpu.memref_slice %arg10[%dma_wait3A_1262, %dma_wait3A_1263, %dma_wait3A_1264] : memref<8x32x128xf32, #tpu.memory_space<vmem>> -> memref<1x32x128xf32, #tpu.memory_space<vmem>>
        %dma_wait3A_1266 = tpu.memref_squeeze %dma_wait3A_1265 : memref<1x32x128xf32, #tpu.memory_space<vmem>> -> memref<32x128xf32, #tpu.memory_space<vmem>>
        %dma_wait3A_1267 = arith.constant 0 : i32
        %dma_wait3A_1268 = tpu.memref_slice %arg5[%add3A_1261, %dma_wait3A_1267] : memref<262144x128xf32, #tpu.memory_space<hbm>> -> memref<32x128xf32, #tpu.memory_space<hbm>>
        %dma_wait3A_1269 = arith.constant 0 : i32
        %dma_wait3A_1270 = tpu.memref_slice %arg5[%add3A_1261, %dma_wait3A_1269] : memref<262144x128xf32, #tpu.memory_space<hbm>> -> memref<32x128xf32, #tpu.memory_space<hbm>>
        %dma_wait3A_1271 = arith.constant 0 : i32
        %dma_wait3A_1272 = arith.constant 0 : i32
        %dma_wait3A_1273 = tpu.memref_slice %arg10[%dma_wait3A_1262, %dma_wait3A_1271, %dma_wait3A_1272] : memref<8x32x128xf32, #tpu.memory_space<vmem>> -> memref<1x32x128xf32, #tpu.memory_space<vmem>>
        %dma_wait3A_1274 = tpu.memref_squeeze %dma_wait3A_1273 : memref<1x32x128xf32, #tpu.memory_space<vmem>> -> memref<32x128xf32, #tpu.memory_space<vmem>>
        tpu.wait_dma2 semaphore(%arg29 : memref<!tpu.dma_semaphore, #tpu.memory_space<semaphore_mem>>) src(%dma_wait3A_1274 : memref<32x128xf32, #tpu.memory_space<vmem>>) dst(%dma_wait3A_1270 : memref<32x128xf32, #tpu.memory_space<hbm>>)
      } else {
      }
      %add3A_792 = arith.constant 8 : i32
      %add3A_793 = arith.addi %add3A_688, %add3A_792 : i32
      %sub3A_794 = arith.constant 1 : i32
      %sub3A_795 = arith.subi %add3A_793, %sub3A_794 : i32
      %lt3A_796 = arith.constant 256 : i32
      %lt3A_797 = arith.cmpi slt, %sub3A_795, %lt3A_796 : i32
      %convert_element_type3A_798 = arith.extui %lt3A_797 : i1 to i32
      %cond3A_799 = arith.constant 0 : i32
      %cond3A_800 = arith.cmpi ne, %convert_element_type3A_798, %cond3A_799 : i32
      scf.if %cond3A_800 {
        %add3A_1257 = arith.constant 8 : i32
        %add3A_1258 = arith.addi %add3A_688, %add3A_1257 : i32
        %sub3A_1259 = arith.constant 1 : i32
        %sub3A_1260 = arith.subi %add3A_1258, %sub3A_1259 : i32
        %mul3A_1261 = arith.constant 32 : i32
        %mul3A_1262 = arith.muli %sub3A_1260, %mul3A_1261 : i32
        %jit3A_1263 = arith.constant 128 : i32
        %div3A_1264 = arith.divsi %mul3A_1262, %jit3A_1263 : i32
        %sign3A_1265 = arith.constant 0 : i32
        %sign3A_1266 = arith.cmpi sgt, %mul3A_1262, %sign3A_1265 : i32
        %sign3A_1267 = arith.extui %sign3A_1266 : i1 to i32
        %sign3A_1268 = arith.constant 0 : i32
        %sign3A_1269 = arith.cmpi slt, %mul3A_1262, %sign3A_1268 : i32
        %sign3A_1270 = arith.extui %sign3A_1269 : i1 to i32
        %sign3A_1271 = arith.subi %sign3A_1267, %sign3A_1270 : i32
        %sign3A_1272 = arith.constant 0 : i32
        %sign3A_1273 = arith.cmpi sgt, %jit3A_1263, %sign3A_1272 : i32
        %sign3A_1274 = arith.extui %sign3A_1273 : i1 to i32
        %sign3A_1275 = arith.constant 0 : i32
        %sign3A_1276 = arith.cmpi slt, %jit3A_1263, %sign3A_1275 : i32
        %sign3A_1277 = arith.extui %sign3A_1276 : i1 to i32
        %sign3A_1278 = arith.subi %sign3A_1274, %sign3A_1277 : i32
        %ne3A_1279 = arith.cmpi ne, %sign3A_1271, %sign3A_1278 : i32
        %rem3A_1280 = arith.remsi %mul3A_1262, %jit3A_1263 : i32
        %ne3A_1281 = arith.constant 0 : i32
        %ne3A_1282 = arith.cmpi ne, %rem3A_1280, %ne3A_1281 : i32
        %and3A_1283 = arith.andi %ne3A_1279, %ne3A_1282 : i1
        %sub3A_1284 = arith.constant 1 : i32
        %sub3A_1285 = arith.subi %div3A_1264, %sub3A_1284 : i32
        %select_n3A_1286 = arith.select %and3A_1283, %sub3A_1285, %div3A_1264 : i32
        %mul3A_1287 = arith.constant 32 : i32
        %mul3A_1288 = arith.muli %sub3A_1260, %mul3A_1287 : i32
        %jit3A_1289 = arith.constant 128 : i32
        %eq3A_1290 = arith.constant 0 : i32
        %eq3A_1291 = arith.cmpi eq, %jit3A_1289, %eq3A_1290 : i32
        %jit3A_1292 = arith.constant 1 : i32
        %select_n3A_1293 = arith.select %eq3A_1291, %jit3A_1292, %jit3A_1289 : i32
        %rem3A_1294 = arith.remsi %mul3A_1288, %select_n3A_1293 : i32
        %ne3A_1295 = arith.constant 0 : i32
        %ne3A_1296 = arith.cmpi ne, %rem3A_1294, %ne3A_1295 : i32
        %lt3A_1297 = arith.constant 0 : i32
        %lt3A_1298 = arith.cmpi slt, %rem3A_1294, %lt3A_1297 : i32
        %lt3A_1299 = arith.constant 0 : i32
        %lt3A_1300 = arith.cmpi slt, %select_n3A_1293, %lt3A_1299 : i32
        %ne3A_1301 = arith.xori %lt3A_1298, %lt3A_1300 : i1
        %and3A_1302 = arith.andi %ne3A_1301, %ne3A_1296 : i1
        %add3A_1303 = arith.addi %rem3A_1294, %select_n3A_1293 : i32
        %select_n3A_1304 = arith.select %and3A_1302, %add3A_1303, %rem3A_1294 : i32
        %dma_start3A_1305 = arith.constant 2 : i32
        %dma_start3A_1306 = arith.constant 0 : i32
        %dma_start3A_1307 = arith.constant 0 : i32
        %dma_start3A_1308 = tpu.memref_slice %arg10[%dma_start3A_1305, %dma_start3A_1306, %dma_start3A_1307] : memref<8x32x128xf32, #tpu.memory_space<vmem>> -> memref<1x32x128xf32, #tpu.memory_space<vmem>>
        %dma_start3A_1309 = tpu.memref_squeeze %dma_start3A_1308 : memref<1x32x128xf32, #tpu.memory_space<vmem>> -> memref<32x128xf32, #tpu.memory_space<vmem>>
        %dma_start3A_1310 = tpu.memref_slice %arg7[%select_n3A_1286, %select_n3A_1304] : memref<64x128xi32, #tpu.memory_space<vmem>> -> memref<1x32xi32, #tpu.memory_space<vmem>>
        %dma_start3A_1311 = tpu.memref_squeeze %dma_start3A_1310 : memref<1x32xi32, #tpu.memory_space<vmem>> -> memref<32xi32, #tpu.memory_space<vmem>>
        %dma_start3A_1312 = arith.constant 0 : i32
        %dma_start3A_1313 = arith.constant 0 : i32
        %dma_start3A_1314 = tpu.memref_slice %arg8[%dma_start3A_1312, %dma_start3A_1313] : memref<5000x128xf32, #tpu.memory_space<vmem_shared>> -> memref<5000x128xf32, #tpu.memory_space<vmem_shared>>
        tpu.enqueue_indirect_dma source(%dma_start3A_1314 : memref<5000x128xf32, #tpu.memory_space<vmem_shared>>) target(%dma_start3A_1309 : memref<32x128xf32, #tpu.memory_space<vmem>>) offsets(%dma_start3A_1311 : memref<32xi32, #tpu.memory_space<vmem>>) semaphore(%arg21 : memref<!tpu.dma_semaphore, #tpu.memory_space<semaphore_mem>>)
      } else {
      }
      %add3A_801 = arith.constant 4 : i32
      %add3A_802 = arith.addi %add3A_345, %add3A_801 : i32
      %mul3A_803 = arith.constant 32 : i32
      %mul3A_804 = arith.muli %add3A_802, %mul3A_803 : i32
      %add3A_805 = arith.addi %mul3A_2, %mul3A_804 : i32
      %dma_wait3A_806 = arith.constant 4 : i32
      %dma_wait3A_807 = arith.constant 0 : i32
      %dma_wait3A_808 = arith.constant 0 : i32
      %dma_wait3A_809 = tpu.memref_slice %arg9[%dma_wait3A_806, %dma_wait3A_807, %dma_wait3A_808] : memref<8x32x128xf32, #tpu.memory_space<vmem>> -> memref<1x32x128xf32, #tpu.memory_space<vmem>>
      %dma_wait3A_810 = tpu.memref_squeeze %dma_wait3A_809 : memref<1x32x128xf32, #tpu.memory_space<vmem>> -> memref<32x128xf32, #tpu.memory_space<vmem>>
      %dma_wait3A_811 = arith.constant 0 : i32
      %dma_wait3A_812 = tpu.memref_slice %arg2[%add3A_805, %dma_wait3A_811] : memref<262144x128xf32, #tpu.memory_space<hbm>> -> memref<32x128xf32, #tpu.memory_space<hbm>>
      %dma_wait3A_813 = arith.constant 0 : i32
      %dma_wait3A_814 = arith.constant 0 : i32
      %dma_wait3A_815 = tpu.memref_slice %arg9[%dma_wait3A_806, %dma_wait3A_813, %dma_wait3A_814] : memref<8x32x128xf32, #tpu.memory_space<vmem>> -> memref<1x32x128xf32, #tpu.memory_space<vmem>>
      %dma_wait3A_816 = tpu.memref_squeeze %dma_wait3A_815 : memref<1x32x128xf32, #tpu.memory_space<vmem>> -> memref<32x128xf32, #tpu.memory_space<vmem>>
      %dma_wait3A_817 = arith.constant 0 : i32
      %dma_wait3A_818 = tpu.memref_slice %arg2[%add3A_805, %dma_wait3A_817] : memref<262144x128xf32, #tpu.memory_space<hbm>> -> memref<32x128xf32, #tpu.memory_space<hbm>>
      tpu.wait_dma2 semaphore(%arg15 : memref<!tpu.dma_semaphore, #tpu.memory_space<semaphore_mem>>) src(%dma_wait3A_818 : memref<32x128xf32, #tpu.memory_space<hbm>>) dst(%dma_wait3A_816 : memref<32x128xf32, #tpu.memory_space<vmem>>)
      %mul3A_819 = arith.constant 32 : i32
      %mul3A_820 = arith.muli %add3A_802, %mul3A_819 : i32
      %jit3A_821 = arith.constant 128 : i32
      %div3A_822 = arith.divsi %mul3A_820, %jit3A_821 : i32
      %sign3A_823 = arith.constant 0 : i32
      %sign3A_824 = arith.cmpi sgt, %mul3A_820, %sign3A_823 : i32
      %sign3A_825 = arith.extui %sign3A_824 : i1 to i32
      %sign3A_826 = arith.constant 0 : i32
      %sign3A_827 = arith.cmpi slt, %mul3A_820, %sign3A_826 : i32
      %sign3A_828 = arith.extui %sign3A_827 : i1 to i32
      %sign3A_829 = arith.subi %sign3A_825, %sign3A_828 : i32
      %sign3A_830 = arith.constant 0 : i32
      %sign3A_831 = arith.cmpi sgt, %jit3A_821, %sign3A_830 : i32
      %sign3A_832 = arith.extui %sign3A_831 : i1 to i32
      %sign3A_833 = arith.constant 0 : i32
      %sign3A_834 = arith.cmpi slt, %jit3A_821, %sign3A_833 : i32
      %sign3A_835 = arith.extui %sign3A_834 : i1 to i32
      %sign3A_836 = arith.subi %sign3A_832, %sign3A_835 : i32
      %ne3A_837 = arith.cmpi ne, %sign3A_829, %sign3A_836 : i32
      %rem3A_838 = arith.remsi %mul3A_820, %jit3A_821 : i32
      %ne3A_839 = arith.constant 0 : i32
      %ne3A_840 = arith.cmpi ne, %rem3A_838, %ne3A_839 : i32
      %and3A_841 = arith.andi %ne3A_837, %ne3A_840 : i1
      %sub3A_842 = arith.constant 1 : i32
      %sub3A_843 = arith.subi %div3A_822, %sub3A_842 : i32
      %select_n3A_844 = arith.select %and3A_841, %sub3A_843, %div3A_822 : i32
      %mul3A_845 = arith.constant 32 : i32
      %mul3A_846 = arith.muli %add3A_802, %mul3A_845 : i32
      %jit3A_847 = arith.constant 128 : i32
      %eq3A_848 = arith.constant 0 : i32
      %eq3A_849 = arith.cmpi eq, %jit3A_847, %eq3A_848 : i32
      %jit3A_850 = arith.constant 1 : i32
      %select_n3A_851 = arith.select %eq3A_849, %jit3A_850, %jit3A_847 : i32
      %rem3A_852 = arith.remsi %mul3A_846, %select_n3A_851 : i32
      %ne3A_853 = arith.constant 0 : i32
      %ne3A_854 = arith.cmpi ne, %rem3A_852, %ne3A_853 : i32
      %lt3A_855 = arith.constant 0 : i32
      %lt3A_856 = arith.cmpi slt, %rem3A_852, %lt3A_855 : i32
      %lt3A_857 = arith.constant 0 : i32
      %lt3A_858 = arith.cmpi slt, %select_n3A_851, %lt3A_857 : i32
      %ne3A_859 = arith.xori %lt3A_856, %lt3A_858 : i1
      %and3A_860 = arith.andi %ne3A_859, %ne3A_854 : i1
      %add3A_861 = arith.addi %rem3A_852, %select_n3A_851 : i32
      %select_n3A_862 = arith.select %and3A_860, %add3A_861, %rem3A_852 : i32
      %dma_wait3A_863 = arith.constant 4 : i32
      %dma_wait3A_864 = arith.constant 0 : i32
      %dma_wait3A_865 = arith.constant 0 : i32
      %dma_wait3A_866 = tpu.memref_slice %arg10[%dma_wait3A_863, %dma_wait3A_864, %dma_wait3A_865] : memref<8x32x128xf32, #tpu.memory_space<vmem>> -> memref<1x32x128xf32, #tpu.memory_space<vmem>>
      %dma_wait3A_867 = tpu.memref_squeeze %dma_wait3A_866 : memref<1x32x128xf32, #tpu.memory_space<vmem>> -> memref<32x128xf32, #tpu.memory_space<vmem>>
      %dma_wait3A_868 = tpu.memref_slice %arg7[%select_n3A_844, %select_n3A_862] : memref<64x128xi32, #tpu.memory_space<vmem>> -> memref<1x32xi32, #tpu.memory_space<vmem>>
      %dma_wait3A_869 = tpu.memref_squeeze %dma_wait3A_868 : memref<1x32xi32, #tpu.memory_space<vmem>> -> memref<32xi32, #tpu.memory_space<vmem>>
      %dma_wait3A_870 = arith.constant 0 : i32
      %dma_wait3A_871 = arith.constant 0 : i32
      %dma_wait3A_872 = tpu.memref_slice %arg8[%dma_wait3A_870, %dma_wait3A_871] : memref<5000x128xf32, #tpu.memory_space<vmem_shared>> -> memref<5000x128xf32, #tpu.memory_space<vmem_shared>>
      tpu.wait_indirect_dma semaphore(%arg23 : memref<!tpu.dma_semaphore, #tpu.memory_space<semaphore_mem>>) src(%dma_wait3A_872 : memref<5000x128xf32, #tpu.memory_space<vmem_shared>>) dst(%dma_wait3A_867 : memref<32x128xf32, #tpu.memory_space<vmem>>)
      %scan3A_873 = arith.constant 0 : i32
      %scan3A_874 = arith.constant 16 : i32
      %scan3A_875 = arith.addi %scan3A_873, %scan3A_874 : i32
      %scan3A_876 = arith.constant 1 : i32
      scf.for %scan3A_1257 = %scan3A_873 to %scan3A_875 step %scan3A_876  : i32 {
        %mul3A_1258 = arith.constant 2 : i32
        %mul3A_1259 = arith.muli %scan3A_1257, %mul3A_1258 : i32
        %add3A_1260 = arith.constant 0 : i32
        %add3A_1261 = arith.addi %add3A_1260, %mul3A_1259 : i32
        %add3A_1262 = arith.constant 0 : i32
        %add3A_1263 = arith.addi %add3A_1261, %add3A_1262 : i32
        %add3A_1264 = arith.constant 0 : i32
        %add3A_1265 = arith.addi %add3A_1261, %add3A_1264 : i32
        %get3A_1266 = arith.constant 4 : i32
        %get3A_1267 = arith.index_cast %get3A_1266 : i32 to index
        %get3A_1268 = arith.index_cast %add3A_1265 : i32 to index
        %get3A_1269 = arith.constant 0 : index
        %get3A_1270 = tpu.vector_load %arg9[%get3A_1267, %get3A_1268, %get3A_1269] {strides = array<i32>} : memref<8x32x128xf32, #tpu.memory_space<vmem>>, vector<1x1x16xf32>,
        %get3A_1271 = vector.shape_cast %get3A_1270 : vector<1x1x16xf32> to vector<16xf32>
        %swap3A = arith.constant 4 : i32
        %swap3A_1272 = arith.index_cast %swap3A : i32 to index
        %swap3A_1273 = arith.index_cast %add3A_1263 : i32 to index
        %swap3A_1274 = arith.constant 0 : index
        %swap3A_1275 = tpu.vector_load %arg10[%swap3A_1272, %swap3A_1273, %swap3A_1274] {strides = array<i32>} : memref<8x32x128xf32, #tpu.memory_space<vmem>>, vector<1x1x16xf32>,
        %swap3A_1276 = vector.shape_cast %swap3A_1275 : vector<1x1x16xf32> to vector<16xf32>
        %swap3A_1277 = vector.shape_cast %get3A_1271 : vector<16xf32> to vector<1x1x16xf32>
        tpu.vector_store %arg10[%swap3A_1272, %swap3A_1273, %swap3A_1274], %swap3A_1277 {add = true, strides = array<i32>} : memref<8x32x128xf32, #tpu.memory_space<vmem>>, vector<1x1x16xf32>,
        %add3A_1278 = arith.constant 0 : i32
        %add3A_1279 = arith.addi %add3A_1261, %add3A_1278 : i32
        %add3A_1280 = arith.constant 0 : i32
        %add3A_1281 = arith.addi %add3A_1261, %add3A_1280 : i32
        %get3A_1282 = arith.constant 4 : i32
        %get3A_1283 = arith.index_cast %get3A_1282 : i32 to index
        %get3A_1284 = arith.index_cast %add3A_1281 : i32 to index
        %get3A_1285 = arith.constant 16 : index
        %get3A_1286 = tpu.vector_load %arg9[%get3A_1283, %get3A_1284, %get3A_1285] {strides = array<i32>} : memref<8x32x128xf32, #tpu.memory_space<vmem>>, vector<1x1x16xf32>,
        %get3A_1287 = vector.shape_cast %get3A_1286 : vector<1x1x16xf32> to vector<16xf32>
        %swap3A_1288 = arith.constant 4 : i32
        %swap3A_1289 = arith.index_cast %swap3A_1288 : i32 to index
        %swap3A_1290 = arith.index_cast %add3A_1279 : i32 to index
        %swap3A_1291 = arith.constant 16 : index
        %swap3A_1292 = tpu.vector_load %arg10[%swap3A_1289, %swap3A_1290, %swap3A_1291] {strides = array<i32>} : memref<8x32x128xf32, #tpu.memory_space<vmem>>, vector<1x1x16xf32>,
        %swap3A_1293 = vector.shape_cast %swap3A_1292 : vector<1x1x16xf32> to vector<16xf32>
        %swap3A_1294 = vector.shape_cast %get3A_1287 : vector<16xf32> to vector<1x1x16xf32>
        tpu.vector_store %arg10[%swap3A_1289, %swap3A_1290, %swap3A_1291], %swap3A_1294 {add = true, strides = array<i32>} : memref<8x32x128xf32, #tpu.memory_space<vmem>>, vector<1x1x16xf32>,
        %add3A_1295 = arith.constant 0 : i32
        %add3A_1296 = arith.addi %add3A_1261, %add3A_1295 : i32
        %add3A_1297 = arith.constant 0 : i32
        %add3A_1298 = arith.addi %add3A_1261, %add3A_1297 : i32
        %get3A_1299 = arith.constant 4 : i32
        %get3A_1300 = arith.index_cast %get3A_1299 : i32 to index
        %get3A_1301 = arith.index_cast %add3A_1298 : i32 to index
        %get3A_1302 = arith.constant 32 : index
        %get3A_1303 = tpu.vector_load %arg9[%get3A_1300, %get3A_1301, %get3A_1302] {strides = array<i32>} : memref<8x32x128xf32, #tpu.memory_space<vmem>>, vector<1x1x16xf32>,
        %get3A_1304 = vector.shape_cast %get3A_1303 : vector<1x1x16xf32> to vector<16xf32>
        %swap3A_1305 = arith.constant 4 : i32
        %swap3A_1306 = arith.index_cast %swap3A_1305 : i32 to index
        %swap3A_1307 = arith.index_cast %add3A_1296 : i32 to index
        %swap3A_1308 = arith.constant 32 : index
        %swap3A_1309 = tpu.vector_load %arg10[%swap3A_1306, %swap3A_1307, %swap3A_1308] {strides = array<i32>} : memref<8x32x128xf32, #tpu.memory_space<vmem>>, vector<1x1x16xf32>,
        %swap3A_1310 = vector.shape_cast %swap3A_1309 : vector<1x1x16xf32> to vector<16xf32>
        %swap3A_1311 = vector.shape_cast %get3A_1304 : vector<16xf32> to vector<1x1x16xf32>
        tpu.vector_store %arg10[%swap3A_1306, %swap3A_1307, %swap3A_1308], %swap3A_1311 {add = true, strides = array<i32>} : memref<8x32x128xf32, #tpu.memory_space<vmem>>, vector<1x1x16xf32>,
        %add3A_1312 = arith.constant 0 : i32
        %add3A_1313 = arith.addi %add3A_1261, %add3A_1312 : i32
        %add3A_1314 = arith.constant 0 : i32
        %add3A_1315 = arith.addi %add3A_1261, %add3A_1314 : i32
        %get3A_1316 = arith.constant 4 : i32
        %get3A_1317 = arith.index_cast %get3A_1316 : i32 to index
        %get3A_1318 = arith.index_cast %add3A_1315 : i32 to index
        %get3A_1319 = arith.constant 48 : index
        %get3A_1320 = tpu.vector_load %arg9[%get3A_1317, %get3A_1318, %get3A_1319] {strides = array<i32>} : memref<8x32x128xf32, #tpu.memory_space<vmem>>, vector<1x1x16xf32>,
        %get3A_1321 = vector.shape_cast %get3A_1320 : vector<1x1x16xf32> to vector<16xf32>
        %swap3A_1322 = arith.constant 4 : i32
        %swap3A_1323 = arith.index_cast %swap3A_1322 : i32 to index
        %swap3A_1324 = arith.index_cast %add3A_1313 : i32 to index
        %swap3A_1325 = arith.constant 48 : index
        %swap3A_1326 = tpu.vector_load %arg10[%swap3A_1323, %swap3A_1324, %swap3A_1325] {strides = array<i32>} : memref<8x32x128xf32, #tpu.memory_space<vmem>>, vector<1x1x16xf32>,
        %swap3A_1327 = vector.shape_cast %swap3A_1326 : vector<1x1x16xf32> to vector<16xf32>
        %swap3A_1328 = vector.shape_cast %get3A_1321 : vector<16xf32> to vector<1x1x16xf32>
        tpu.vector_store %arg10[%swap3A_1323, %swap3A_1324, %swap3A_1325], %swap3A_1328 {add = true, strides = array<i32>} : memref<8x32x128xf32, #tpu.memory_space<vmem>>, vector<1x1x16xf32>,
        %add3A_1329 = arith.constant 0 : i32
        %add3A_1330 = arith.addi %add3A_1261, %add3A_1329 : i32
        %add3A_1331 = arith.constant 0 : i32
        %add3A_1332 = arith.addi %add3A_1261, %add3A_1331 : i32
        %get3A_1333 = arith.constant 4 : i32
        %get3A_1334 = arith.index_cast %get3A_1333 : i32 to index
        %get3A_1335 = arith.index_cast %add3A_1332 : i32 to index
        %get3A_1336 = arith.constant 64 : index
        %get3A_1337 = tpu.vector_load %arg9[%get3A_1334, %get3A_1335, %get3A_1336] {strides = array<i32>} : memref<8x32x128xf32, #tpu.memory_space<vmem>>, vector<1x1x16xf32>,
        %get3A_1338 = vector.shape_cast %get3A_1337 : vector<1x1x16xf32> to vector<16xf32>
        %swap3A_1339 = arith.constant 4 : i32
        %swap3A_1340 = arith.index_cast %swap3A_1339 : i32 to index
        %swap3A_1341 = arith.index_cast %add3A_1330 : i32 to index
        %swap3A_1342 = arith.constant 64 : index
        %swap3A_1343 = tpu.vector_load %arg10[%swap3A_1340, %swap3A_1341, %swap3A_1342] {strides = array<i32>} : memref<8x32x128xf32, #tpu.memory_space<vmem>>, vector<1x1x16xf32>,
        %swap3A_1344 = vector.shape_cast %swap3A_1343 : vector<1x1x16xf32> to vector<16xf32>
        %swap3A_1345 = vector.shape_cast %get3A_1338 : vector<16xf32> to vector<1x1x16xf32>
        tpu.vector_store %arg10[%swap3A_1340, %swap3A_1341, %swap3A_1342], %swap3A_1345 {add = true, strides = array<i32>} : memref<8x32x128xf32, #tpu.memory_space<vmem>>, vector<1x1x16xf32>,
        %add3A_1346 = arith.constant 0 : i32
        %add3A_1347 = arith.addi %add3A_1261, %add3A_1346 : i32
        %add3A_1348 = arith.constant 0 : i32
        %add3A_1349 = arith.addi %add3A_1261, %add3A_1348 : i32
        %get3A_1350 = arith.constant 4 : i32
        %get3A_1351 = arith.index_cast %get3A_1350 : i32 to index
        %get3A_1352 = arith.index_cast %add3A_1349 : i32 to index
        %get3A_1353 = arith.constant 80 : index
        %get3A_1354 = tpu.vector_load %arg9[%get3A_1351, %get3A_1352, %get3A_1353] {strides = array<i32>} : memref<8x32x128xf32, #tpu.memory_space<vmem>>, vector<1x1x16xf32>,
        %get3A_1355 = vector.shape_cast %get3A_1354 : vector<1x1x16xf32> to vector<16xf32>
        %swap3A_1356 = arith.constant 4 : i32
        %swap3A_1357 = arith.index_cast %swap3A_1356 : i32 to index
        %swap3A_1358 = arith.index_cast %add3A_1347 : i32 to index
        %swap3A_1359 = arith.constant 80 : index
        %swap3A_1360 = tpu.vector_load %arg10[%swap3A_1357, %swap3A_1358, %swap3A_1359] {strides = array<i32>} : memref<8x32x128xf32, #tpu.memory_space<vmem>>, vector<1x1x16xf32>,
        %swap3A_1361 = vector.shape_cast %swap3A_1360 : vector<1x1x16xf32> to vector<16xf32>
        %swap3A_1362 = vector.shape_cast %get3A_1355 : vector<16xf32> to vector<1x1x16xf32>
        tpu.vector_store %arg10[%swap3A_1357, %swap3A_1358, %swap3A_1359], %swap3A_1362 {add = true, strides = array<i32>} : memref<8x32x128xf32, #tpu.memory_space<vmem>>, vector<1x1x16xf32>,
        %add3A_1363 = arith.constant 0 : i32
        %add3A_1364 = arith.addi %add3A_1261, %add3A_1363 : i32
        %add3A_1365 = arith.constant 0 : i32
        %add3A_1366 = arith.addi %add3A_1261, %add3A_1365 : i32
        %get3A_1367 = arith.constant 4 : i32
        %get3A_1368 = arith.index_cast %get3A_1367 : i32 to index
        %get3A_1369 = arith.index_cast %add3A_1366 : i32 to index
        %get3A_1370 = arith.constant 96 : index
        %get3A_1371 = tpu.vector_load %arg9[%get3A_1368, %get3A_1369, %get3A_1370] {strides = array<i32>} : memref<8x32x128xf32, #tpu.memory_space<vmem>>, vector<1x1x16xf32>,
        %get3A_1372 = vector.shape_cast %get3A_1371 : vector<1x1x16xf32> to vector<16xf32>
        %swap3A_1373 = arith.constant 4 : i32
        %swap3A_1374 = arith.index_cast %swap3A_1373 : i32 to index
        %swap3A_1375 = arith.index_cast %add3A_1364 : i32 to index
        %swap3A_1376 = arith.constant 96 : index
        %swap3A_1377 = tpu.vector_load %arg10[%swap3A_1374, %swap3A_1375, %swap3A_1376] {strides = array<i32>} : memref<8x32x128xf32, #tpu.memory_space<vmem>>, vector<1x1x16xf32>,
        %swap3A_1378 = vector.shape_cast %swap3A_1377 : vector<1x1x16xf32> to vector<16xf32>
        %swap3A_1379 = vector.shape_cast %get3A_1372 : vector<16xf32> to vector<1x1x16xf32>
        tpu.vector_store %arg10[%swap3A_1374, %swap3A_1375, %swap3A_1376], %swap3A_1379 {add = true, strides = array<i32>} : memref<8x32x128xf32, #tpu.memory_space<vmem>>, vector<1x1x16xf32>,
        %add3A_1380 = arith.constant 0 : i32
        %add3A_1381 = arith.addi %add3A_1261, %add3A_1380 : i32
        %add3A_1382 = arith.constant 0 : i32
        %add3A_1383 = arith.addi %add3A_1261, %add3A_1382 : i32
        %get3A_1384 = arith.constant 4 : i32
        %get3A_1385 = arith.index_cast %get3A_1384 : i32 to index
        %get3A_1386 = arith.index_cast %add3A_1383 : i32 to index
        %get3A_1387 = arith.constant 112 : index
        %get3A_1388 = tpu.vector_load %arg9[%get3A_1385, %get3A_1386, %get3A_1387] {strides = array<i32>} : memref<8x32x128xf32, #tpu.memory_space<vmem>>, vector<1x1x16xf32>,
        %get3A_1389 = vector.shape_cast %get3A_1388 : vector<1x1x16xf32> to vector<16xf32>
        %swap3A_1390 = arith.constant 4 : i32
        %swap3A_1391 = arith.index_cast %swap3A_1390 : i32 to index
        %swap3A_1392 = arith.index_cast %add3A_1381 : i32 to index
        %swap3A_1393 = arith.constant 112 : index
        %swap3A_1394 = tpu.vector_load %arg10[%swap3A_1391, %swap3A_1392, %swap3A_1393] {strides = array<i32>} : memref<8x32x128xf32, #tpu.memory_space<vmem>>, vector<1x1x16xf32>,
        %swap3A_1395 = vector.shape_cast %swap3A_1394 : vector<1x1x16xf32> to vector<16xf32>
        %swap3A_1396 = vector.shape_cast %get3A_1389 : vector<16xf32> to vector<1x1x16xf32>
        tpu.vector_store %arg10[%swap3A_1391, %swap3A_1392, %swap3A_1393], %swap3A_1396 {add = true, strides = array<i32>} : memref<8x32x128xf32, #tpu.memory_space<vmem>>, vector<1x1x16xf32>,
        %add3A_1397 = arith.constant 1 : i32
        %add3A_1398 = arith.addi %add3A_1261, %add3A_1397 : i32
        %add3A_1399 = arith.constant 1 : i32
        %add3A_1400 = arith.addi %add3A_1261, %add3A_1399 : i32
        %get3A_1401 = arith.constant 4 : i32
        %get3A_1402 = arith.index_cast %get3A_1401 : i32 to index
        %get3A_1403 = arith.index_cast %add3A_1400 : i32 to index
        %get3A_1404 = arith.constant 0 : index
        %get3A_1405 = tpu.vector_load %arg9[%get3A_1402, %get3A_1403, %get3A_1404] {strides = array<i32>} : memref<8x32x128xf32, #tpu.memory_space<vmem>>, vector<1x1x16xf32>,
        %get3A_1406 = vector.shape_cast %get3A_1405 : vector<1x1x16xf32> to vector<16xf32>
        %swap3A_1407 = arith.constant 4 : i32
        %swap3A_1408 = arith.index_cast %swap3A_1407 : i32 to index
        %swap3A_1409 = arith.index_cast %add3A_1398 : i32 to index
        %swap3A_1410 = arith.constant 0 : index
        %swap3A_1411 = tpu.vector_load %arg10[%swap3A_1408, %swap3A_1409, %swap3A_1410] {strides = array<i32>} : memref<8x32x128xf32, #tpu.memory_space<vmem>>, vector<1x1x16xf32>,
        %swap3A_1412 = vector.shape_cast %swap3A_1411 : vector<1x1x16xf32> to vector<16xf32>
        %swap3A_1413 = vector.shape_cast %get3A_1406 : vector<16xf32> to vector<1x1x16xf32>
        tpu.vector_store %arg10[%swap3A_1408, %swap3A_1409, %swap3A_1410], %swap3A_1413 {add = true, strides = array<i32>} : memref<8x32x128xf32, #tpu.memory_space<vmem>>, vector<1x1x16xf32>,
        %add3A_1414 = arith.constant 1 : i32
        %add3A_1415 = arith.addi %add3A_1261, %add3A_1414 : i32
        %add3A_1416 = arith.constant 1 : i32
        %add3A_1417 = arith.addi %add3A_1261, %add3A_1416 : i32
        %get3A_1418 = arith.constant 4 : i32
        %get3A_1419 = arith.index_cast %get3A_1418 : i32 to index
        %get3A_1420 = arith.index_cast %add3A_1417 : i32 to index
        %get3A_1421 = arith.constant 16 : index
        %get3A_1422 = tpu.vector_load %arg9[%get3A_1419, %get3A_1420, %get3A_1421] {strides = array<i32>} : memref<8x32x128xf32, #tpu.memory_space<vmem>>, vector<1x1x16xf32>,
        %get3A_1423 = vector.shape_cast %get3A_1422 : vector<1x1x16xf32> to vector<16xf32>
        %swap3A_1424 = arith.constant 4 : i32
        %swap3A_1425 = arith.index_cast %swap3A_1424 : i32 to index
        %swap3A_1426 = arith.index_cast %add3A_1415 : i32 to index
        %swap3A_1427 = arith.constant 16 : index
        %swap3A_1428 = tpu.vector_load %arg10[%swap3A_1425, %swap3A_1426, %swap3A_1427] {strides = array<i32>} : memref<8x32x128xf32, #tpu.memory_space<vmem>>, vector<1x1x16xf32>,
        %swap3A_1429 = vector.shape_cast %swap3A_1428 : vector<1x1x16xf32> to vector<16xf32>
        %swap3A_1430 = vector.shape_cast %get3A_1423 : vector<16xf32> to vector<1x1x16xf32>
        tpu.vector_store %arg10[%swap3A_1425, %swap3A_1426, %swap3A_1427], %swap3A_1430 {add = true, strides = array<i32>} : memref<8x32x128xf32, #tpu.memory_space<vmem>>, vector<1x1x16xf32>,
        %add3A_1431 = arith.constant 1 : i32
        %add3A_1432 = arith.addi %add3A_1261, %add3A_1431 : i32
        %add3A_1433 = arith.constant 1 : i32
        %add3A_1434 = arith.addi %add3A_1261, %add3A_1433 : i32
        %get3A_1435 = arith.constant 4 : i32
        %get3A_1436 = arith.index_cast %get3A_1435 : i32 to index
        %get3A_1437 = arith.index_cast %add3A_1434 : i32 to index
        %get3A_1438 = arith.constant 32 : index
        %get3A_1439 = tpu.vector_load %arg9[%get3A_1436, %get3A_1437, %get3A_1438] {strides = array<i32>} : memref<8x32x128xf32, #tpu.memory_space<vmem>>, vector<1x1x16xf32>,
        %get3A_1440 = vector.shape_cast %get3A_1439 : vector<1x1x16xf32> to vector<16xf32>
        %swap3A_1441 = arith.constant 4 : i32
        %swap3A_1442 = arith.index_cast %swap3A_1441 : i32 to index
        %swap3A_1443 = arith.index_cast %add3A_1432 : i32 to index
        %swap3A_1444 = arith.constant 32 : index
        %swap3A_1445 = tpu.vector_load %arg10[%swap3A_1442, %swap3A_1443, %swap3A_1444] {strides = array<i32>} : memref<8x32x128xf32, #tpu.memory_space<vmem>>, vector<1x1x16xf32>,
        %swap3A_1446 = vector.shape_cast %swap3A_1445 : vector<1x1x16xf32> to vector<16xf32>
        %swap3A_1447 = vector.shape_cast %get3A_1440 : vector<16xf32> to vector<1x1x16xf32>
        tpu.vector_store %arg10[%swap3A_1442, %swap3A_1443, %swap3A_1444], %swap3A_1447 {add = true, strides = array<i32>} : memref<8x32x128xf32, #tpu.memory_space<vmem>>, vector<1x1x16xf32>,
        %add3A_1448 = arith.constant 1 : i32
        %add3A_1449 = arith.addi %add3A_1261, %add3A_1448 : i32
        %add3A_1450 = arith.constant 1 : i32
        %add3A_1451 = arith.addi %add3A_1261, %add3A_1450 : i32
        %get3A_1452 = arith.constant 4 : i32
        %get3A_1453 = arith.index_cast %get3A_1452 : i32 to index
        %get3A_1454 = arith.index_cast %add3A_1451 : i32 to index
        %get3A_1455 = arith.constant 48 : index
        %get3A_1456 = tpu.vector_load %arg9[%get3A_1453, %get3A_1454, %get3A_1455] {strides = array<i32>} : memref<8x32x128xf32, #tpu.memory_space<vmem>>, vector<1x1x16xf32>,
        %get3A_1457 = vector.shape_cast %get3A_1456 : vector<1x1x16xf32> to vector<16xf32>
        %swap3A_1458 = arith.constant 4 : i32
        %swap3A_1459 = arith.index_cast %swap3A_1458 : i32 to index
        %swap3A_1460 = arith.index_cast %add3A_1449 : i32 to index
        %swap3A_1461 = arith.constant 48 : index
        %swap3A_1462 = tpu.vector_load %arg10[%swap3A_1459, %swap3A_1460, %swap3A_1461] {strides = array<i32>} : memref<8x32x128xf32, #tpu.memory_space<vmem>>, vector<1x1x16xf32>,
        %swap3A_1463 = vector.shape_cast %swap3A_1462 : vector<1x1x16xf32> to vector<16xf32>
        %swap3A_1464 = vector.shape_cast %get3A_1457 : vector<16xf32> to vector<1x1x16xf32>
        tpu.vector_store %arg10[%swap3A_1459, %swap3A_1460, %swap3A_1461], %swap3A_1464 {add = true, strides = array<i32>} : memref<8x32x128xf32, #tpu.memory_space<vmem>>, vector<1x1x16xf32>,
        %add3A_1465 = arith.constant 1 : i32
        %add3A_1466 = arith.addi %add3A_1261, %add3A_1465 : i32
        %add3A_1467 = arith.constant 1 : i32
        %add3A_1468 = arith.addi %add3A_1261, %add3A_1467 : i32
        %get3A_1469 = arith.constant 4 : i32
        %get3A_1470 = arith.index_cast %get3A_1469 : i32 to index
        %get3A_1471 = arith.index_cast %add3A_1468 : i32 to index
        %get3A_1472 = arith.constant 64 : index
        %get3A_1473 = tpu.vector_load %arg9[%get3A_1470, %get3A_1471, %get3A_1472] {strides = array<i32>} : memref<8x32x128xf32, #tpu.memory_space<vmem>>, vector<1x1x16xf32>,
        %get3A_1474 = vector.shape_cast %get3A_1473 : vector<1x1x16xf32> to vector<16xf32>
        %swap3A_1475 = arith.constant 4 : i32
        %swap3A_1476 = arith.index_cast %swap3A_1475 : i32 to index
        %swap3A_1477 = arith.index_cast %add3A_1466 : i32 to index
        %swap3A_1478 = arith.constant 64 : index
        %swap3A_1479 = tpu.vector_load %arg10[%swap3A_1476, %swap3A_1477, %swap3A_1478] {strides = array<i32>} : memref<8x32x128xf32, #tpu.memory_space<vmem>>, vector<1x1x16xf32>,
        %swap3A_1480 = vector.shape_cast %swap3A_1479 : vector<1x1x16xf32> to vector<16xf32>
        %swap3A_1481 = vector.shape_cast %get3A_1474 : vector<16xf32> to vector<1x1x16xf32>
        tpu.vector_store %arg10[%swap3A_1476, %swap3A_1477, %swap3A_1478], %swap3A_1481 {add = true, strides = array<i32>} : memref<8x32x128xf32, #tpu.memory_space<vmem>>, vector<1x1x16xf32>,
        %add3A_1482 = arith.constant 1 : i32
        %add3A_1483 = arith.addi %add3A_1261, %add3A_1482 : i32
        %add3A_1484 = arith.constant 1 : i32
        %add3A_1485 = arith.addi %add3A_1261, %add3A_1484 : i32
        %get3A_1486 = arith.constant 4 : i32
        %get3A_1487 = arith.index_cast %get3A_1486 : i32 to index
        %get3A_1488 = arith.index_cast %add3A_1485 : i32 to index
        %get3A_1489 = arith.constant 80 : index
        %get3A_1490 = tpu.vector_load %arg9[%get3A_1487, %get3A_1488, %get3A_1489] {strides = array<i32>} : memref<8x32x128xf32, #tpu.memory_space<vmem>>, vector<1x1x16xf32>,
        %get3A_1491 = vector.shape_cast %get3A_1490 : vector<1x1x16xf32> to vector<16xf32>
        %swap3A_1492 = arith.constant 4 : i32
        %swap3A_1493 = arith.index_cast %swap3A_1492 : i32 to index
        %swap3A_1494 = arith.index_cast %add3A_1483 : i32 to index
        %swap3A_1495 = arith.constant 80 : index
        %swap3A_1496 = tpu.vector_load %arg10[%swap3A_1493, %swap3A_1494, %swap3A_1495] {strides = array<i32>} : memref<8x32x128xf32, #tpu.memory_space<vmem>>, vector<1x1x16xf32>,
        %swap3A_1497 = vector.shape_cast %swap3A_1496 : vector<1x1x16xf32> to vector<16xf32>
        %swap3A_1498 = vector.shape_cast %get3A_1491 : vector<16xf32> to vector<1x1x16xf32>
        tpu.vector_store %arg10[%swap3A_1493, %swap3A_1494, %swap3A_1495], %swap3A_1498 {add = true, strides = array<i32>} : memref<8x32x128xf32, #tpu.memory_space<vmem>>, vector<1x1x16xf32>,
        %add3A_1499 = arith.constant 1 : i32
        %add3A_1500 = arith.addi %add3A_1261, %add3A_1499 : i32
        %add3A_1501 = arith.constant 1 : i32
        %add3A_1502 = arith.addi %add3A_1261, %add3A_1501 : i32
        %get3A_1503 = arith.constant 4 : i32
        %get3A_1504 = arith.index_cast %get3A_1503 : i32 to index
        %get3A_1505 = arith.index_cast %add3A_1502 : i32 to index
        %get3A_1506 = arith.constant 96 : index
        %get3A_1507 = tpu.vector_load %arg9[%get3A_1504, %get3A_1505, %get3A_1506] {strides = array<i32>} : memref<8x32x128xf32, #tpu.memory_space<vmem>>, vector<1x1x16xf32>,
        %get3A_1508 = vector.shape_cast %get3A_1507 : vector<1x1x16xf32> to vector<16xf32>
        %swap3A_1509 = arith.constant 4 : i32
        %swap3A_1510 = arith.index_cast %swap3A_1509 : i32 to index
        %swap3A_1511 = arith.index_cast %add3A_1500 : i32 to index
        %swap3A_1512 = arith.constant 96 : index
        %swap3A_1513 = tpu.vector_load %arg10[%swap3A_1510, %swap3A_1511, %swap3A_1512] {strides = array<i32>} : memref<8x32x128xf32, #tpu.memory_space<vmem>>, vector<1x1x16xf32>,
        %swap3A_1514 = vector.shape_cast %swap3A_1513 : vector<1x1x16xf32> to vector<16xf32>
        %swap3A_1515 = vector.shape_cast %get3A_1508 : vector<16xf32> to vector<1x1x16xf32>
        tpu.vector_store %arg10[%swap3A_1510, %swap3A_1511, %swap3A_1512], %swap3A_1515 {add = true, strides = array<i32>} : memref<8x32x128xf32, #tpu.memory_space<vmem>>, vector<1x1x16xf32>,
        %add3A_1516 = arith.constant 1 : i32
        %add3A_1517 = arith.addi %add3A_1261, %add3A_1516 : i32
        %add3A_1518 = arith.constant 1 : i32
        %add3A_1519 = arith.addi %add3A_1261, %add3A_1518 : i32
        %get3A_1520 = arith.constant 4 : i32
        %get3A_1521 = arith.index_cast %get3A_1520 : i32 to index
        %get3A_1522 = arith.index_cast %add3A_1519 : i32 to index
        %get3A_1523 = arith.constant 112 : index
        %get3A_1524 = tpu.vector_load %arg9[%get3A_1521, %get3A_1522, %get3A_1523] {strides = array<i32>} : memref<8x32x128xf32, #tpu.memory_space<vmem>>, vector<1x1x16xf32>,
        %get3A_1525 = vector.shape_cast %get3A_1524 : vector<1x1x16xf32> to vector<16xf32>
        %swap3A_1526 = arith.constant 4 : i32
        %swap3A_1527 = arith.index_cast %swap3A_1526 : i32 to index
        %swap3A_1528 = arith.index_cast %add3A_1517 : i32 to index
        %swap3A_1529 = arith.constant 112 : index
        %swap3A_1530 = tpu.vector_load %arg10[%swap3A_1527, %swap3A_1528, %swap3A_1529] {strides = array<i32>} : memref<8x32x128xf32, #tpu.memory_space<vmem>>, vector<1x1x16xf32>,
        %swap3A_1531 = vector.shape_cast %swap3A_1530 : vector<1x1x16xf32> to vector<16xf32>
        %swap3A_1532 = vector.shape_cast %get3A_1525 : vector<16xf32> to vector<1x1x16xf32>
        tpu.vector_store %arg10[%swap3A_1527, %swap3A_1528, %swap3A_1529], %swap3A_1532 {add = true, strides = array<i32>} : memref<8x32x128xf32, #tpu.memory_space<vmem>>, vector<1x1x16xf32>,
      }
      %scan3A_877 = arith.constant 16 : i32
      %mul3A_878 = arith.constant 32 : i32
      %mul3A_879 = arith.muli %add3A_802, %mul3A_878 : i32
      %add3A_880 = arith.addi %mul3A_2, %mul3A_879 : i32
      %dma_start3A_881 = arith.constant 4 : i32
      %dma_start3A_882 = arith.constant 0 : i32
      %dma_start3A_883 = arith.constant 0 : i32
      %dma_start3A_884 = tpu.memref_slice %arg10[%dma_start3A_881, %dma_start3A_882, %dma_start3A_883] : memref<8x32x128xf32, #tpu.memory_space<vmem>> -> memref<1x32x128xf32, #tpu.memory_space<vmem>>
      %dma_start3A_885 = tpu.memref_squeeze %dma_start3A_884 : memref<1x32x128xf32, #tpu.memory_space<vmem>> -> memref<32x128xf32, #tpu.memory_space<vmem>>
      %dma_start3A_886 = arith.constant 0 : i32
      %dma_start3A_887 = tpu.memref_slice %arg5[%add3A_880, %dma_start3A_886] : memref<262144x128xf32, #tpu.memory_space<hbm>> -> memref<32x128xf32, #tpu.memory_space<hbm>>
      %dma_start3A_888 = arith.constant 0 : i32
      %dma_start3A_889 = tpu.memref_slice %arg5[%add3A_880, %dma_start3A_888] : memref<262144x128xf32, #tpu.memory_space<hbm>> -> memref<32x128xf32, #tpu.memory_space<hbm>>
      %dma_start3A_890 = arith.constant 0 : i32
      %dma_start3A_891 = arith.constant 0 : i32
      %dma_start3A_892 = tpu.memref_slice %arg10[%dma_start3A_881, %dma_start3A_890, %dma_start3A_891] : memref<8x32x128xf32, #tpu.memory_space<vmem>> -> memref<1x32x128xf32, #tpu.memory_space<vmem>>
      %dma_start3A_893 = tpu.memref_squeeze %dma_start3A_892 : memref<1x32x128xf32, #tpu.memory_space<vmem>> -> memref<32x128xf32, #tpu.memory_space<vmem>>
      tpu.enqueue_dma source(%dma_start3A_893 : memref<32x128xf32, #tpu.memory_space<vmem>>) target(%dma_start3A_889 : memref<32x128xf32, #tpu.memory_space<hbm>>) target_semaphore(%arg31 : memref<!tpu.dma_semaphore, #tpu.memory_space<semaphore_mem>>)
      %add3A_894 = arith.constant 8 : i32
      %add3A_895 = arith.addi %add3A_802, %add3A_894 : i32
      %lt3A_896 = arith.constant 256 : i32
      %lt3A_897 = arith.cmpi slt, %add3A_895, %lt3A_896 : i32
      %convert_element_type3A_898 = arith.extui %lt3A_897 : i1 to i32
      %cond3A_899 = arith.constant 0 : i32
      %cond3A_900 = arith.cmpi ne, %convert_element_type3A_898, %cond3A_899 : i32
      scf.if %cond3A_900 {
        %add3A_1257 = arith.constant 8 : i32
        %add3A_1258 = arith.addi %add3A_802, %add3A_1257 : i32
        %mul3A_1259 = arith.constant 32 : i32
        %mul3A_1260 = arith.muli %add3A_1258, %mul3A_1259 : i32
        %add3A_1261 = arith.addi %mul3A_2, %mul3A_1260 : i32
        %dma_start3A_1262 = arith.constant 4 : i32
        %dma_start3A_1263 = arith.constant 0 : i32
        %dma_start3A_1264 = arith.constant 0 : i32
        %dma_start3A_1265 = tpu.memref_slice %arg9[%dma_start3A_1262, %dma_start3A_1263, %dma_start3A_1264] : memref<8x32x128xf32, #tpu.memory_space<vmem>> -> memref<1x32x128xf32, #tpu.memory_space<vmem>>
        %dma_start3A_1266 = tpu.memref_squeeze %dma_start3A_1265 : memref<1x32x128xf32, #tpu.memory_space<vmem>> -> memref<32x128xf32, #tpu.memory_space<vmem>>
        %dma_start3A_1267 = arith.constant 0 : i32
        %dma_start3A_1268 = tpu.memref_slice %arg2[%add3A_1261, %dma_start3A_1267] : memref<262144x128xf32, #tpu.memory_space<hbm>> -> memref<32x128xf32, #tpu.memory_space<hbm>>
        %dma_start3A_1269 = arith.constant 0 : i32
        %dma_start3A_1270 = arith.constant 0 : i32
        %dma_start3A_1271 = tpu.memref_slice %arg9[%dma_start3A_1262, %dma_start3A_1269, %dma_start3A_1270] : memref<8x32x128xf32, #tpu.memory_space<vmem>> -> memref<1x32x128xf32, #tpu.memory_space<vmem>>
        %dma_start3A_1272 = tpu.memref_squeeze %dma_start3A_1271 : memref<1x32x128xf32, #tpu.memory_space<vmem>> -> memref<32x128xf32, #tpu.memory_space<vmem>>
        %dma_start3A_1273 = arith.constant 0 : i32
        %dma_start3A_1274 = tpu.memref_slice %arg2[%add3A_1261, %dma_start3A_1273] : memref<262144x128xf32, #tpu.memory_space<hbm>> -> memref<32x128xf32, #tpu.memory_space<hbm>>
        tpu.enqueue_dma source(%dma_start3A_1274 : memref<32x128xf32, #tpu.memory_space<hbm>>) target(%dma_start3A_1272 : memref<32x128xf32, #tpu.memory_space<vmem>>) target_semaphore(%arg15 : memref<!tpu.dma_semaphore, #tpu.memory_space<semaphore_mem>>)
      } else {
      }
      %ge3A_901 = arith.constant 1 : i32
      %ge3A_902 = arith.cmpi sge, %add3A_802, %ge3A_901 : i32
      %convert_element_type3A_903 = arith.extui %ge3A_902 : i1 to i32
      %cond3A_904 = arith.constant 0 : i32
      %cond3A_905 = arith.cmpi ne, %convert_element_type3A_903, %cond3A_904 : i32
      scf.if %cond3A_905 {
        %sub3A_1257 = arith.constant 1 : i32
        %sub3A_1258 = arith.subi %add3A_802, %sub3A_1257 : i32
        %mul3A_1259 = arith.constant 32 : i32
        %mul3A_1260 = arith.muli %sub3A_1258, %mul3A_1259 : i32
        %add3A_1261 = arith.addi %mul3A_2, %mul3A_1260 : i32
        %dma_wait3A_1262 = arith.constant 3 : i32
        %dma_wait3A_1263 = arith.constant 0 : i32
        %dma_wait3A_1264 = arith.constant 0 : i32
        %dma_wait3A_1265 = tpu.memref_slice %arg10[%dma_wait3A_1262, %dma_wait3A_1263, %dma_wait3A_1264] : memref<8x32x128xf32, #tpu.memory_space<vmem>> -> memref<1x32x128xf32, #tpu.memory_space<vmem>>
        %dma_wait3A_1266 = tpu.memref_squeeze %dma_wait3A_1265 : memref<1x32x128xf32, #tpu.memory_space<vmem>> -> memref<32x128xf32, #tpu.memory_space<vmem>>
        %dma_wait3A_1267 = arith.constant 0 : i32
        %dma_wait3A_1268 = tpu.memref_slice %arg5[%add3A_1261, %dma_wait3A_1267] : memref<262144x128xf32, #tpu.memory_space<hbm>> -> memref<32x128xf32, #tpu.memory_space<hbm>>
        %dma_wait3A_1269 = arith.constant 0 : i32
        %dma_wait3A_1270 = tpu.memref_slice %arg5[%add3A_1261, %dma_wait3A_1269] : memref<262144x128xf32, #tpu.memory_space<hbm>> -> memref<32x128xf32, #tpu.memory_space<hbm>>
        %dma_wait3A_1271 = arith.constant 0 : i32
        %dma_wait3A_1272 = arith.constant 0 : i32
        %dma_wait3A_1273 = tpu.memref_slice %arg10[%dma_wait3A_1262, %dma_wait3A_1271, %dma_wait3A_1272] : memref<8x32x128xf32, #tpu.memory_space<vmem>> -> memref<1x32x128xf32, #tpu.memory_space<vmem>>
        %dma_wait3A_1274 = tpu.memref_squeeze %dma_wait3A_1273 : memref<1x32x128xf32, #tpu.memory_space<vmem>> -> memref<32x128xf32, #tpu.memory_space<vmem>>
        tpu.wait_dma2 semaphore(%arg30 : memref<!tpu.dma_semaphore, #tpu.memory_space<semaphore_mem>>) src(%dma_wait3A_1274 : memref<32x128xf32, #tpu.memory_space<vmem>>) dst(%dma_wait3A_1270 : memref<32x128xf32, #tpu.memory_space<hbm>>)
      } else {
      }
      %add3A_906 = arith.constant 8 : i32
      %add3A_907 = arith.addi %add3A_802, %add3A_906 : i32
      %sub3A_908 = arith.constant 1 : i32
      %sub3A_909 = arith.subi %add3A_907, %sub3A_908 : i32
      %lt3A_910 = arith.constant 256 : i32
      %lt3A_911 = arith.cmpi slt, %sub3A_909, %lt3A_910 : i32
      %convert_element_type3A_912 = arith.extui %lt3A_911 : i1 to i32
      %cond3A_913 = arith.constant 0 : i32
      %cond3A_914 = arith.cmpi ne, %convert_element_type3A_912, %cond3A_913 : i32
      scf.if %cond3A_914 {
        %add3A_1257 = arith.constant 8 : i32
        %add3A_1258 = arith.addi %add3A_802, %add3A_1257 : i32
        %sub3A_1259 = arith.constant 1 : i32
        %sub3A_1260 = arith.subi %add3A_1258, %sub3A_1259 : i32
        %mul3A_1261 = arith.constant 32 : i32
        %mul3A_1262 = arith.muli %sub3A_1260, %mul3A_1261 : i32
        %jit3A_1263 = arith.constant 128 : i32
        %div3A_1264 = arith.divsi %mul3A_1262, %jit3A_1263 : i32
        %sign3A_1265 = arith.constant 0 : i32
        %sign3A_1266 = arith.cmpi sgt, %mul3A_1262, %sign3A_1265 : i32
        %sign3A_1267 = arith.extui %sign3A_1266 : i1 to i32
        %sign3A_1268 = arith.constant 0 : i32
        %sign3A_1269 = arith.cmpi slt, %mul3A_1262, %sign3A_1268 : i32
        %sign3A_1270 = arith.extui %sign3A_1269 : i1 to i32
        %sign3A_1271 = arith.subi %sign3A_1267, %sign3A_1270 : i32
        %sign3A_1272 = arith.constant 0 : i32
        %sign3A_1273 = arith.cmpi sgt, %jit3A_1263, %sign3A_1272 : i32
        %sign3A_1274 = arith.extui %sign3A_1273 : i1 to i32
        %sign3A_1275 = arith.constant 0 : i32
        %sign3A_1276 = arith.cmpi slt, %jit3A_1263, %sign3A_1275 : i32
        %sign3A_1277 = arith.extui %sign3A_1276 : i1 to i32
        %sign3A_1278 = arith.subi %sign3A_1274, %sign3A_1277 : i32
        %ne3A_1279 = arith.cmpi ne, %sign3A_1271, %sign3A_1278 : i32
        %rem3A_1280 = arith.remsi %mul3A_1262, %jit3A_1263 : i32
        %ne3A_1281 = arith.constant 0 : i32
        %ne3A_1282 = arith.cmpi ne, %rem3A_1280, %ne3A_1281 : i32
        %and3A_1283 = arith.andi %ne3A_1279, %ne3A_1282 : i1
        %sub3A_1284 = arith.constant 1 : i32
        %sub3A_1285 = arith.subi %div3A_1264, %sub3A_1284 : i32
        %select_n3A_1286 = arith.select %and3A_1283, %sub3A_1285, %div3A_1264 : i32
        %mul3A_1287 = arith.constant 32 : i32
        %mul3A_1288 = arith.muli %sub3A_1260, %mul3A_1287 : i32
        %jit3A_1289 = arith.constant 128 : i32
        %eq3A_1290 = arith.constant 0 : i32
        %eq3A_1291 = arith.cmpi eq, %jit3A_1289, %eq3A_1290 : i32
        %jit3A_1292 = arith.constant 1 : i32
        %select_n3A_1293 = arith.select %eq3A_1291, %jit3A_1292, %jit3A_1289 : i32
        %rem3A_1294 = arith.remsi %mul3A_1288, %select_n3A_1293 : i32
        %ne3A_1295 = arith.constant 0 : i32
        %ne3A_1296 = arith.cmpi ne, %rem3A_1294, %ne3A_1295 : i32
        %lt3A_1297 = arith.constant 0 : i32
        %lt3A_1298 = arith.cmpi slt, %rem3A_1294, %lt3A_1297 : i32
        %lt3A_1299 = arith.constant 0 : i32
        %lt3A_1300 = arith.cmpi slt, %select_n3A_1293, %lt3A_1299 : i32
        %ne3A_1301 = arith.xori %lt3A_1298, %lt3A_1300 : i1
        %and3A_1302 = arith.andi %ne3A_1301, %ne3A_1296 : i1
        %add3A_1303 = arith.addi %rem3A_1294, %select_n3A_1293 : i32
        %select_n3A_1304 = arith.select %and3A_1302, %add3A_1303, %rem3A_1294 : i32
        %dma_start3A_1305 = arith.constant 3 : i32
        %dma_start3A_1306 = arith.constant 0 : i32
        %dma_start3A_1307 = arith.constant 0 : i32
        %dma_start3A_1308 = tpu.memref_slice %arg10[%dma_start3A_1305, %dma_start3A_1306, %dma_start3A_1307] : memref<8x32x128xf32, #tpu.memory_space<vmem>> -> memref<1x32x128xf32, #tpu.memory_space<vmem>>
        %dma_start3A_1309 = tpu.memref_squeeze %dma_start3A_1308 : memref<1x32x128xf32, #tpu.memory_space<vmem>> -> memref<32x128xf32, #tpu.memory_space<vmem>>
        %dma_start3A_1310 = tpu.memref_slice %arg7[%select_n3A_1286, %select_n3A_1304] : memref<64x128xi32, #tpu.memory_space<vmem>> -> memref<1x32xi32, #tpu.memory_space<vmem>>
        %dma_start3A_1311 = tpu.memref_squeeze %dma_start3A_1310 : memref<1x32xi32, #tpu.memory_space<vmem>> -> memref<32xi32, #tpu.memory_space<vmem>>
        %dma_start3A_1312 = arith.constant 0 : i32
        %dma_start3A_1313 = arith.constant 0 : i32
        %dma_start3A_1314 = tpu.memref_slice %arg8[%dma_start3A_1312, %dma_start3A_1313] : memref<5000x128xf32, #tpu.memory_space<vmem_shared>> -> memref<5000x128xf32, #tpu.memory_space<vmem_shared>>
        tpu.enqueue_indirect_dma source(%dma_start3A_1314 : memref<5000x128xf32, #tpu.memory_space<vmem_shared>>) target(%dma_start3A_1309 : memref<32x128xf32, #tpu.memory_space<vmem>>) offsets(%dma_start3A_1311 : memref<32xi32, #tpu.memory_space<vmem>>) semaphore(%arg22 : memref<!tpu.dma_semaphore, #tpu.memory_space<semaphore_mem>>)
      } else {
      }
      %add3A_915 = arith.constant 5 : i32
      %add3A_916 = arith.addi %add3A_345, %add3A_915 : i32
      %mul3A_917 = arith.constant 32 : i32
      %mul3A_918 = arith.muli %add3A_916, %mul3A_917 : i32
      %add3A_919 = arith.addi %mul3A_2, %mul3A_918 : i32
      %dma_wait3A_920 = arith.constant 5 : i32
      %dma_wait3A_921 = arith.constant 0 : i32
      %dma_wait3A_922 = arith.constant 0 : i32
      %dma_wait3A_923 = tpu.memref_slice %arg9[%dma_wait3A_920, %dma_wait3A_921, %dma_wait3A_922] : memref<8x32x128xf32, #tpu.memory_space<vmem>> -> memref<1x32x128xf32, #tpu.memory_space<vmem>>
      %dma_wait3A_924 = tpu.memref_squeeze %dma_wait3A_923 : memref<1x32x128xf32, #tpu.memory_space<vmem>> -> memref<32x128xf32, #tpu.memory_space<vmem>>
      %dma_wait3A_925 = arith.constant 0 : i32
      %dma_wait3A_926 = tpu.memref_slice %arg2[%add3A_919, %dma_wait3A_925] : memref<262144x128xf32, #tpu.memory_space<hbm>> -> memref<32x128xf32, #tpu.memory_space<hbm>>
      %dma_wait3A_927 = arith.constant 0 : i32
      %dma_wait3A_928 = arith.constant 0 : i32
      %dma_wait3A_929 = tpu.memref_slice %arg9[%dma_wait3A_920, %dma_wait3A_927, %dma_wait3A_928] : memref<8x32x128xf32, #tpu.memory_space<vmem>> -> memref<1x32x128xf32, #tpu.memory_space<vmem>>
      %dma_wait3A_930 = tpu.memref_squeeze %dma_wait3A_929 : memref<1x32x128xf32, #tpu.memory_space<vmem>> -> memref<32x128xf32, #tpu.memory_space<vmem>>
      %dma_wait3A_931 = arith.constant 0 : i32
      %dma_wait3A_932 = tpu.memref_slice %arg2[%add3A_919, %dma_wait3A_931] : memref<262144x128xf32, #tpu.memory_space<hbm>> -> memref<32x128xf32, #tpu.memory_space<hbm>>
      tpu.wait_dma2 semaphore(%arg16 : memref<!tpu.dma_semaphore, #tpu.memory_space<semaphore_mem>>) src(%dma_wait3A_932 : memref<32x128xf32, #tpu.memory_space<hbm>>) dst(%dma_wait3A_930 : memref<32x128xf32, #tpu.memory_space<vmem>>)
      %mul3A_933 = arith.constant 32 : i32
      %mul3A_934 = arith.muli %add3A_916, %mul3A_933 : i32
      %jit3A_935 = arith.constant 128 : i32
      %div3A_936 = arith.divsi %mul3A_934, %jit3A_935 : i32
      %sign3A_937 = arith.constant 0 : i32
      %sign3A_938 = arith.cmpi sgt, %mul3A_934, %sign3A_937 : i32
      %sign3A_939 = arith.extui %sign3A_938 : i1 to i32
      %sign3A_940 = arith.constant 0 : i32
      %sign3A_941 = arith.cmpi slt, %mul3A_934, %sign3A_940 : i32
      %sign3A_942 = arith.extui %sign3A_941 : i1 to i32
      %sign3A_943 = arith.subi %sign3A_939, %sign3A_942 : i32
      %sign3A_944 = arith.constant 0 : i32
      %sign3A_945 = arith.cmpi sgt, %jit3A_935, %sign3A_944 : i32
      %sign3A_946 = arith.extui %sign3A_945 : i1 to i32
      %sign3A_947 = arith.constant 0 : i32
      %sign3A_948 = arith.cmpi slt, %jit3A_935, %sign3A_947 : i32
      %sign3A_949 = arith.extui %sign3A_948 : i1 to i32
      %sign3A_950 = arith.subi %sign3A_946, %sign3A_949 : i32
      %ne3A_951 = arith.cmpi ne, %sign3A_943, %sign3A_950 : i32
      %rem3A_952 = arith.remsi %mul3A_934, %jit3A_935 : i32
      %ne3A_953 = arith.constant 0 : i32
      %ne3A_954 = arith.cmpi ne, %rem3A_952, %ne3A_953 : i32
      %and3A_955 = arith.andi %ne3A_951, %ne3A_954 : i1
      %sub3A_956 = arith.constant 1 : i32
      %sub3A_957 = arith.subi %div3A_936, %sub3A_956 : i32
      %select_n3A_958 = arith.select %and3A_955, %sub3A_957, %div3A_936 : i32
      %mul3A_959 = arith.constant 32 : i32
      %mul3A_960 = arith.muli %add3A_916, %mul3A_959 : i32
      %jit3A_961 = arith.constant 128 : i32
      %eq3A_962 = arith.constant 0 : i32
      %eq3A_963 = arith.cmpi eq, %jit3A_961, %eq3A_962 : i32
      %jit3A_964 = arith.constant 1 : i32
      %select_n3A_965 = arith.select %eq3A_963, %jit3A_964, %jit3A_961 : i32
      %rem3A_966 = arith.remsi %mul3A_960, %select_n3A_965 : i32
      %ne3A_967 = arith.constant 0 : i32
      %ne3A_968 = arith.cmpi ne, %rem3A_966, %ne3A_967 : i32
      %lt3A_969 = arith.constant 0 : i32
      %lt3A_970 = arith.cmpi slt, %rem3A_966, %lt3A_969 : i32
      %lt3A_971 = arith.constant 0 : i32
      %lt3A_972 = arith.cmpi slt, %select_n3A_965, %lt3A_971 : i32
      %ne3A_973 = arith.xori %lt3A_970, %lt3A_972 : i1
      %and3A_974 = arith.andi %ne3A_973, %ne3A_968 : i1
      %add3A_975 = arith.addi %rem3A_966, %select_n3A_965 : i32
      %select_n3A_976 = arith.select %and3A_974, %add3A_975, %rem3A_966 : i32
      %dma_wait3A_977 = arith.constant 5 : i32
      %dma_wait3A_978 = arith.constant 0 : i32
      %dma_wait3A_979 = arith.constant 0 : i32
      %dma_wait3A_980 = tpu.memref_slice %arg10[%dma_wait3A_977, %dma_wait3A_978, %dma_wait3A_979] : memref<8x32x128xf32, #tpu.memory_space<vmem>> -> memref<1x32x128xf32, #tpu.memory_space<vmem>>
      %dma_wait3A_981 = tpu.memref_squeeze %dma_wait3A_980 : memref<1x32x128xf32, #tpu.memory_space<vmem>> -> memref<32x128xf32, #tpu.memory_space<vmem>>
      %dma_wait3A_982 = tpu.memref_slice %arg7[%select_n3A_958, %select_n3A_976] : memref<64x128xi32, #tpu.memory_space<vmem>> -> memref<1x32xi32, #tpu.memory_space<vmem>>
      %dma_wait3A_983 = tpu.memref_squeeze %dma_wait3A_982 : memref<1x32xi32, #tpu.memory_space<vmem>> -> memref<32xi32, #tpu.memory_space<vmem>>
      %dma_wait3A_984 = arith.constant 0 : i32
      %dma_wait3A_985 = arith.constant 0 : i32
      %dma_wait3A_986 = tpu.memref_slice %arg8[%dma_wait3A_984, %dma_wait3A_985] : memref<5000x128xf32, #tpu.memory_space<vmem_shared>> -> memref<5000x128xf32, #tpu.memory_space<vmem_shared>>
      tpu.wait_indirect_dma semaphore(%arg24 : memref<!tpu.dma_semaphore, #tpu.memory_space<semaphore_mem>>) src(%dma_wait3A_986 : memref<5000x128xf32, #tpu.memory_space<vmem_shared>>) dst(%dma_wait3A_981 : memref<32x128xf32, #tpu.memory_space<vmem>>)
      %scan3A_987 = arith.constant 0 : i32
      %scan3A_988 = arith.constant 16 : i32
      %scan3A_989 = arith.addi %scan3A_987, %scan3A_988 : i32
      %scan3A_990 = arith.constant 1 : i32
      scf.for %scan3A_1257 = %scan3A_987 to %scan3A_989 step %scan3A_990  : i32 {
        %mul3A_1258 = arith.constant 2 : i32
        %mul3A_1259 = arith.muli %scan3A_1257, %mul3A_1258 : i32
        %add3A_1260 = arith.constant 0 : i32
        %add3A_1261 = arith.addi %add3A_1260, %mul3A_1259 : i32
        %add3A_1262 = arith.constant 0 : i32
        %add3A_1263 = arith.addi %add3A_1261, %add3A_1262 : i32
        %add3A_1264 = arith.constant 0 : i32
        %add3A_1265 = arith.addi %add3A_1261, %add3A_1264 : i32
        %get3A_1266 = arith.constant 5 : i32
        %get3A_1267 = arith.index_cast %get3A_1266 : i32 to index
        %get3A_1268 = arith.index_cast %add3A_1265 : i32 to index
        %get3A_1269 = arith.constant 0 : index
        %get3A_1270 = tpu.vector_load %arg9[%get3A_1267, %get3A_1268, %get3A_1269] {strides = array<i32>} : memref<8x32x128xf32, #tpu.memory_space<vmem>>, vector<1x1x16xf32>,
        %get3A_1271 = vector.shape_cast %get3A_1270 : vector<1x1x16xf32> to vector<16xf32>
        %swap3A = arith.constant 5 : i32
        %swap3A_1272 = arith.index_cast %swap3A : i32 to index
        %swap3A_1273 = arith.index_cast %add3A_1263 : i32 to index
        %swap3A_1274 = arith.constant 0 : index
        %swap3A_1275 = tpu.vector_load %arg10[%swap3A_1272, %swap3A_1273, %swap3A_1274] {strides = array<i32>} : memref<8x32x128xf32, #tpu.memory_space<vmem>>, vector<1x1x16xf32>,
        %swap3A_1276 = vector.shape_cast %swap3A_1275 : vector<1x1x16xf32> to vector<16xf32>
        %swap3A_1277 = vector.shape_cast %get3A_1271 : vector<16xf32> to vector<1x1x16xf32>
        tpu.vector_store %arg10[%swap3A_1272, %swap3A_1273, %swap3A_1274], %swap3A_1277 {add = true, strides = array<i32>} : memref<8x32x128xf32, #tpu.memory_space<vmem>>, vector<1x1x16xf32>,
        %add3A_1278 = arith.constant 0 : i32
        %add3A_1279 = arith.addi %add3A_1261, %add3A_1278 : i32
        %add3A_1280 = arith.constant 0 : i32
        %add3A_1281 = arith.addi %add3A_1261, %add3A_1280 : i32
        %get3A_1282 = arith.constant 5 : i32
        %get3A_1283 = arith.index_cast %get3A_1282 : i32 to index
        %get3A_1284 = arith.index_cast %add3A_1281 : i32 to index
        %get3A_1285 = arith.constant 16 : index
        %get3A_1286 = tpu.vector_load %arg9[%get3A_1283, %get3A_1284, %get3A_1285] {strides = array<i32>} : memref<8x32x128xf32, #tpu.memory_space<vmem>>, vector<1x1x16xf32>,
        %get3A_1287 = vector.shape_cast %get3A_1286 : vector<1x1x16xf32> to vector<16xf32>
        %swap3A_1288 = arith.constant 5 : i32
        %swap3A_1289 = arith.index_cast %swap3A_1288 : i32 to index
        %swap3A_1290 = arith.index_cast %add3A_1279 : i32 to index
        %swap3A_1291 = arith.constant 16 : index
        %swap3A_1292 = tpu.vector_load %arg10[%swap3A_1289, %swap3A_1290, %swap3A_1291] {strides = array<i32>} : memref<8x32x128xf32, #tpu.memory_space<vmem>>, vector<1x1x16xf32>,
        %swap3A_1293 = vector.shape_cast %swap3A_1292 : vector<1x1x16xf32> to vector<16xf32>
        %swap3A_1294 = vector.shape_cast %get3A_1287 : vector<16xf32> to vector<1x1x16xf32>
        tpu.vector_store %arg10[%swap3A_1289, %swap3A_1290, %swap3A_1291], %swap3A_1294 {add = true, strides = array<i32>} : memref<8x32x128xf32, #tpu.memory_space<vmem>>, vector<1x1x16xf32>,
        %add3A_1295 = arith.constant 0 : i32
        %add3A_1296 = arith.addi %add3A_1261, %add3A_1295 : i32
        %add3A_1297 = arith.constant 0 : i32
        %add3A_1298 = arith.addi %add3A_1261, %add3A_1297 : i32
        %get3A_1299 = arith.constant 5 : i32
        %get3A_1300 = arith.index_cast %get3A_1299 : i32 to index
        %get3A_1301 = arith.index_cast %add3A_1298 : i32 to index
        %get3A_1302 = arith.constant 32 : index
        %get3A_1303 = tpu.vector_load %arg9[%get3A_1300, %get3A_1301, %get3A_1302] {strides = array<i32>} : memref<8x32x128xf32, #tpu.memory_space<vmem>>, vector<1x1x16xf32>,
        %get3A_1304 = vector.shape_cast %get3A_1303 : vector<1x1x16xf32> to vector<16xf32>
        %swap3A_1305 = arith.constant 5 : i32
        %swap3A_1306 = arith.index_cast %swap3A_1305 : i32 to index
        %swap3A_1307 = arith.index_cast %add3A_1296 : i32 to index
        %swap3A_1308 = arith.constant 32 : index
        %swap3A_1309 = tpu.vector_load %arg10[%swap3A_1306, %swap3A_1307, %swap3A_1308] {strides = array<i32>} : memref<8x32x128xf32, #tpu.memory_space<vmem>>, vector<1x1x16xf32>,
        %swap3A_1310 = vector.shape_cast %swap3A_1309 : vector<1x1x16xf32> to vector<16xf32>
        %swap3A_1311 = vector.shape_cast %get3A_1304 : vector<16xf32> to vector<1x1x16xf32>
        tpu.vector_store %arg10[%swap3A_1306, %swap3A_1307, %swap3A_1308], %swap3A_1311 {add = true, strides = array<i32>} : memref<8x32x128xf32, #tpu.memory_space<vmem>>, vector<1x1x16xf32>,
        %add3A_1312 = arith.constant 0 : i32
        %add3A_1313 = arith.addi %add3A_1261, %add3A_1312 : i32
        %add3A_1314 = arith.constant 0 : i32
        %add3A_1315 = arith.addi %add3A_1261, %add3A_1314 : i32
        %get3A_1316 = arith.constant 5 : i32
        %get3A_1317 = arith.index_cast %get3A_1316 : i32 to index
        %get3A_1318 = arith.index_cast %add3A_1315 : i32 to index
        %get3A_1319 = arith.constant 48 : index
        %get3A_1320 = tpu.vector_load %arg9[%get3A_1317, %get3A_1318, %get3A_1319] {strides = array<i32>} : memref<8x32x128xf32, #tpu.memory_space<vmem>>, vector<1x1x16xf32>,
        %get3A_1321 = vector.shape_cast %get3A_1320 : vector<1x1x16xf32> to vector<16xf32>
        %swap3A_1322 = arith.constant 5 : i32
        %swap3A_1323 = arith.index_cast %swap3A_1322 : i32 to index
        %swap3A_1324 = arith.index_cast %add3A_1313 : i32 to index
        %swap3A_1325 = arith.constant 48 : index
        %swap3A_1326 = tpu.vector_load %arg10[%swap3A_1323, %swap3A_1324, %swap3A_1325] {strides = array<i32>} : memref<8x32x128xf32, #tpu.memory_space<vmem>>, vector<1x1x16xf32>,
        %swap3A_1327 = vector.shape_cast %swap3A_1326 : vector<1x1x16xf32> to vector<16xf32>
        %swap3A_1328 = vector.shape_cast %get3A_1321 : vector<16xf32> to vector<1x1x16xf32>
        tpu.vector_store %arg10[%swap3A_1323, %swap3A_1324, %swap3A_1325], %swap3A_1328 {add = true, strides = array<i32>} : memref<8x32x128xf32, #tpu.memory_space<vmem>>, vector<1x1x16xf32>,
        %add3A_1329 = arith.constant 0 : i32
        %add3A_1330 = arith.addi %add3A_1261, %add3A_1329 : i32
        %add3A_1331 = arith.constant 0 : i32
        %add3A_1332 = arith.addi %add3A_1261, %add3A_1331 : i32
        %get3A_1333 = arith.constant 5 : i32
        %get3A_1334 = arith.index_cast %get3A_1333 : i32 to index
        %get3A_1335 = arith.index_cast %add3A_1332 : i32 to index
        %get3A_1336 = arith.constant 64 : index
        %get3A_1337 = tpu.vector_load %arg9[%get3A_1334, %get3A_1335, %get3A_1336] {strides = array<i32>} : memref<8x32x128xf32, #tpu.memory_space<vmem>>, vector<1x1x16xf32>,
        %get3A_1338 = vector.shape_cast %get3A_1337 : vector<1x1x16xf32> to vector<16xf32>
        %swap3A_1339 = arith.constant 5 : i32
        %swap3A_1340 = arith.index_cast %swap3A_1339 : i32 to index
        %swap3A_1341 = arith.index_cast %add3A_1330 : i32 to index
        %swap3A_1342 = arith.constant 64 : index
        %swap3A_1343 = tpu.vector_load %arg10[%swap3A_1340, %swap3A_1341, %swap3A_1342] {strides = array<i32>} : memref<8x32x128xf32, #tpu.memory_space<vmem>>, vector<1x1x16xf32>,
        %swap3A_1344 = vector.shape_cast %swap3A_1343 : vector<1x1x16xf32> to vector<16xf32>
        %swap3A_1345 = vector.shape_cast %get3A_1338 : vector<16xf32> to vector<1x1x16xf32>
        tpu.vector_store %arg10[%swap3A_1340, %swap3A_1341, %swap3A_1342], %swap3A_1345 {add = true, strides = array<i32>} : memref<8x32x128xf32, #tpu.memory_space<vmem>>, vector<1x1x16xf32>,
        %add3A_1346 = arith.constant 0 : i32
        %add3A_1347 = arith.addi %add3A_1261, %add3A_1346 : i32
        %add3A_1348 = arith.constant 0 : i32
        %add3A_1349 = arith.addi %add3A_1261, %add3A_1348 : i32
        %get3A_1350 = arith.constant 5 : i32
        %get3A_1351 = arith.index_cast %get3A_1350 : i32 to index
        %get3A_1352 = arith.index_cast %add3A_1349 : i32 to index
        %get3A_1353 = arith.constant 80 : index
        %get3A_1354 = tpu.vector_load %arg9[%get3A_1351, %get3A_1352, %get3A_1353] {strides = array<i32>} : memref<8x32x128xf32, #tpu.memory_space<vmem>>, vector<1x1x16xf32>,
        %get3A_1355 = vector.shape_cast %get3A_1354 : vector<1x1x16xf32> to vector<16xf32>
        %swap3A_1356 = arith.constant 5 : i32
        %swap3A_1357 = arith.index_cast %swap3A_1356 : i32 to index
        %swap3A_1358 = arith.index_cast %add3A_1347 : i32 to index
        %swap3A_1359 = arith.constant 80 : index
        %swap3A_1360 = tpu.vector_load %arg10[%swap3A_1357, %swap3A_1358, %swap3A_1359] {strides = array<i32>} : memref<8x32x128xf32, #tpu.memory_space<vmem>>, vector<1x1x16xf32>,
        %swap3A_1361 = vector.shape_cast %swap3A_1360 : vector<1x1x16xf32> to vector<16xf32>
        %swap3A_1362 = vector.shape_cast %get3A_1355 : vector<16xf32> to vector<1x1x16xf32>
        tpu.vector_store %arg10[%swap3A_1357, %swap3A_1358, %swap3A_1359], %swap3A_1362 {add = true, strides = array<i32>} : memref<8x32x128xf32, #tpu.memory_space<vmem>>, vector<1x1x16xf32>,
        %add3A_1363 = arith.constant 0 : i32
        %add3A_1364 = arith.addi %add3A_1261, %add3A_1363 : i32
        %add3A_1365 = arith.constant 0 : i32
        %add3A_1366 = arith.addi %add3A_1261, %add3A_1365 : i32
        %get3A_1367 = arith.constant 5 : i32
        %get3A_1368 = arith.index_cast %get3A_1367 : i32 to index
        %get3A_1369 = arith.index_cast %add3A_1366 : i32 to index
        %get3A_1370 = arith.constant 96 : index
        %get3A_1371 = tpu.vector_load %arg9[%get3A_1368, %get3A_1369, %get3A_1370] {strides = array<i32>} : memref<8x32x128xf32, #tpu.memory_space<vmem>>, vector<1x1x16xf32>,
        %get3A_1372 = vector.shape_cast %get3A_1371 : vector<1x1x16xf32> to vector<16xf32>
        %swap3A_1373 = arith.constant 5 : i32
        %swap3A_1374 = arith.index_cast %swap3A_1373 : i32 to index
        %swap3A_1375 = arith.index_cast %add3A_1364 : i32 to index
        %swap3A_1376 = arith.constant 96 : index
        %swap3A_1377 = tpu.vector_load %arg10[%swap3A_1374, %swap3A_1375, %swap3A_1376] {strides = array<i32>} : memref<8x32x128xf32, #tpu.memory_space<vmem>>, vector<1x1x16xf32>,
        %swap3A_1378 = vector.shape_cast %swap3A_1377 : vector<1x1x16xf32> to vector<16xf32>
        %swap3A_1379 = vector.shape_cast %get3A_1372 : vector<16xf32> to vector<1x1x16xf32>
        tpu.vector_store %arg10[%swap3A_1374, %swap3A_1375, %swap3A_1376], %swap3A_1379 {add = true, strides = array<i32>} : memref<8x32x128xf32, #tpu.memory_space<vmem>>, vector<1x1x16xf32>,
        %add3A_1380 = arith.constant 0 : i32
        %add3A_1381 = arith.addi %add3A_1261, %add3A_1380 : i32
        %add3A_1382 = arith.constant 0 : i32
        %add3A_1383 = arith.addi %add3A_1261, %add3A_1382 : i32
        %get3A_1384 = arith.constant 5 : i32
        %get3A_1385 = arith.index_cast %get3A_1384 : i32 to index
        %get3A_1386 = arith.index_cast %add3A_1383 : i32 to index
        %get3A_1387 = arith.constant 112 : index
        %get3A_1388 = tpu.vector_load %arg9[%get3A_1385, %get3A_1386, %get3A_1387] {strides = array<i32>} : memref<8x32x128xf32, #tpu.memory_space<vmem>>, vector<1x1x16xf32>,
        %get3A_1389 = vector.shape_cast %get3A_1388 : vector<1x1x16xf32> to vector<16xf32>
        %swap3A_1390 = arith.constant 5 : i32
        %swap3A_1391 = arith.index_cast %swap3A_1390 : i32 to index
        %swap3A_1392 = arith.index_cast %add3A_1381 : i32 to index
        %swap3A_1393 = arith.constant 112 : index
        %swap3A_1394 = tpu.vector_load %arg10[%swap3A_1391, %swap3A_1392, %swap3A_1393] {strides = array<i32>} : memref<8x32x128xf32, #tpu.memory_space<vmem>>, vector<1x1x16xf32>,
        %swap3A_1395 = vector.shape_cast %swap3A_1394 : vector<1x1x16xf32> to vector<16xf32>
        %swap3A_1396 = vector.shape_cast %get3A_1389 : vector<16xf32> to vector<1x1x16xf32>
        tpu.vector_store %arg10[%swap3A_1391, %swap3A_1392, %swap3A_1393], %swap3A_1396 {add = true, strides = array<i32>} : memref<8x32x128xf32, #tpu.memory_space<vmem>>, vector<1x1x16xf32>,
        %add3A_1397 = arith.constant 1 : i32
        %add3A_1398 = arith.addi %add3A_1261, %add3A_1397 : i32
        %add3A_1399 = arith.constant 1 : i32
        %add3A_1400 = arith.addi %add3A_1261, %add3A_1399 : i32
        %get3A_1401 = arith.constant 5 : i32
        %get3A_1402 = arith.index_cast %get3A_1401 : i32 to index
        %get3A_1403 = arith.index_cast %add3A_1400 : i32 to index
        %get3A_1404 = arith.constant 0 : index
        %get3A_1405 = tpu.vector_load %arg9[%get3A_1402, %get3A_1403, %get3A_1404] {strides = array<i32>} : memref<8x32x128xf32, #tpu.memory_space<vmem>>, vector<1x1x16xf32>,
        %get3A_1406 = vector.shape_cast %get3A_1405 : vector<1x1x16xf32> to vector<16xf32>
        %swap3A_1407 = arith.constant 5 : i32
        %swap3A_1408 = arith.index_cast %swap3A_1407 : i32 to index
        %swap3A_1409 = arith.index_cast %add3A_1398 : i32 to index
        %swap3A_1410 = arith.constant 0 : index
        %swap3A_1411 = tpu.vector_load %arg10[%swap3A_1408, %swap3A_1409, %swap3A_1410] {strides = array<i32>} : memref<8x32x128xf32, #tpu.memory_space<vmem>>, vector<1x1x16xf32>,
        %swap3A_1412 = vector.shape_cast %swap3A_1411 : vector<1x1x16xf32> to vector<16xf32>
        %swap3A_1413 = vector.shape_cast %get3A_1406 : vector<16xf32> to vector<1x1x16xf32>
        tpu.vector_store %arg10[%swap3A_1408, %swap3A_1409, %swap3A_1410], %swap3A_1413 {add = true, strides = array<i32>} : memref<8x32x128xf32, #tpu.memory_space<vmem>>, vector<1x1x16xf32>,
        %add3A_1414 = arith.constant 1 : i32
        %add3A_1415 = arith.addi %add3A_1261, %add3A_1414 : i32
        %add3A_1416 = arith.constant 1 : i32
        %add3A_1417 = arith.addi %add3A_1261, %add3A_1416 : i32
        %get3A_1418 = arith.constant 5 : i32
        %get3A_1419 = arith.index_cast %get3A_1418 : i32 to index
        %get3A_1420 = arith.index_cast %add3A_1417 : i32 to index
        %get3A_1421 = arith.constant 16 : index
        %get3A_1422 = tpu.vector_load %arg9[%get3A_1419, %get3A_1420, %get3A_1421] {strides = array<i32>} : memref<8x32x128xf32, #tpu.memory_space<vmem>>, vector<1x1x16xf32>,
        %get3A_1423 = vector.shape_cast %get3A_1422 : vector<1x1x16xf32> to vector<16xf32>
        %swap3A_1424 = arith.constant 5 : i32
        %swap3A_1425 = arith.index_cast %swap3A_1424 : i32 to index
        %swap3A_1426 = arith.index_cast %add3A_1415 : i32 to index
        %swap3A_1427 = arith.constant 16 : index
        %swap3A_1428 = tpu.vector_load %arg10[%swap3A_1425, %swap3A_1426, %swap3A_1427] {strides = array<i32>} : memref<8x32x128xf32, #tpu.memory_space<vmem>>, vector<1x1x16xf32>,
        %swap3A_1429 = vector.shape_cast %swap3A_1428 : vector<1x1x16xf32> to vector<16xf32>
        %swap3A_1430 = vector.shape_cast %get3A_1423 : vector<16xf32> to vector<1x1x16xf32>
        tpu.vector_store %arg10[%swap3A_1425, %swap3A_1426, %swap3A_1427], %swap3A_1430 {add = true, strides = array<i32>} : memref<8x32x128xf32, #tpu.memory_space<vmem>>, vector<1x1x16xf32>,
        %add3A_1431 = arith.constant 1 : i32
        %add3A_1432 = arith.addi %add3A_1261, %add3A_1431 : i32
        %add3A_1433 = arith.constant 1 : i32
        %add3A_1434 = arith.addi %add3A_1261, %add3A_1433 : i32
        %get3A_1435 = arith.constant 5 : i32
        %get3A_1436 = arith.index_cast %get3A_1435 : i32 to index
        %get3A_1437 = arith.index_cast %add3A_1434 : i32 to index
        %get3A_1438 = arith.constant 32 : index
        %get3A_1439 = tpu.vector_load %arg9[%get3A_1436, %get3A_1437, %get3A_1438] {strides = array<i32>} : memref<8x32x128xf32, #tpu.memory_space<vmem>>, vector<1x1x16xf32>,
        %get3A_1440 = vector.shape_cast %get3A_1439 : vector<1x1x16xf32> to vector<16xf32>
        %swap3A_1441 = arith.constant 5 : i32
        %swap3A_1442 = arith.index_cast %swap3A_1441 : i32 to index
        %swap3A_1443 = arith.index_cast %add3A_1432 : i32 to index
        %swap3A_1444 = arith.constant 32 : index
        %swap3A_1445 = tpu.vector_load %arg10[%swap3A_1442, %swap3A_1443, %swap3A_1444] {strides = array<i32>} : memref<8x32x128xf32, #tpu.memory_space<vmem>>, vector<1x1x16xf32>,
        %swap3A_1446 = vector.shape_cast %swap3A_1445 : vector<1x1x16xf32> to vector<16xf32>
        %swap3A_1447 = vector.shape_cast %get3A_1440 : vector<16xf32> to vector<1x1x16xf32>
        tpu.vector_store %arg10[%swap3A_1442, %swap3A_1443, %swap3A_1444], %swap3A_1447 {add = true, strides = array<i32>} : memref<8x32x128xf32, #tpu.memory_space<vmem>>, vector<1x1x16xf32>,
        %add3A_1448 = arith.constant 1 : i32
        %add3A_1449 = arith.addi %add3A_1261, %add3A_1448 : i32
        %add3A_1450 = arith.constant 1 : i32
        %add3A_1451 = arith.addi %add3A_1261, %add3A_1450 : i32
        %get3A_1452 = arith.constant 5 : i32
        %get3A_1453 = arith.index_cast %get3A_1452 : i32 to index
        %get3A_1454 = arith.index_cast %add3A_1451 : i32 to index
        %get3A_1455 = arith.constant 48 : index
        %get3A_1456 = tpu.vector_load %arg9[%get3A_1453, %get3A_1454, %get3A_1455] {strides = array<i32>} : memref<8x32x128xf32, #tpu.memory_space<vmem>>, vector<1x1x16xf32>,
        %get3A_1457 = vector.shape_cast %get3A_1456 : vector<1x1x16xf32> to vector<16xf32>
        %swap3A_1458 = arith.constant 5 : i32
        %swap3A_1459 = arith.index_cast %swap3A_1458 : i32 to index
        %swap3A_1460 = arith.index_cast %add3A_1449 : i32 to index
        %swap3A_1461 = arith.constant 48 : index
        %swap3A_1462 = tpu.vector_load %arg10[%swap3A_1459, %swap3A_1460, %swap3A_1461] {strides = array<i32>} : memref<8x32x128xf32, #tpu.memory_space<vmem>>, vector<1x1x16xf32>,
        %swap3A_1463 = vector.shape_cast %swap3A_1462 : vector<1x1x16xf32> to vector<16xf32>
        %swap3A_1464 = vector.shape_cast %get3A_1457 : vector<16xf32> to vector<1x1x16xf32>
        tpu.vector_store %arg10[%swap3A_1459, %swap3A_1460, %swap3A_1461], %swap3A_1464 {add = true, strides = array<i32>} : memref<8x32x128xf32, #tpu.memory_space<vmem>>, vector<1x1x16xf32>,
        %add3A_1465 = arith.constant 1 : i32
        %add3A_1466 = arith.addi %add3A_1261, %add3A_1465 : i32
        %add3A_1467 = arith.constant 1 : i32
        %add3A_1468 = arith.addi %add3A_1261, %add3A_1467 : i32
        %get3A_1469 = arith.constant 5 : i32
        %get3A_1470 = arith.index_cast %get3A_1469 : i32 to index
        %get3A_1471 = arith.index_cast %add3A_1468 : i32 to index
        %get3A_1472 = arith.constant 64 : index
        %get3A_1473 = tpu.vector_load %arg9[%get3A_1470, %get3A_1471, %get3A_1472] {strides = array<i32>} : memref<8x32x128xf32, #tpu.memory_space<vmem>>, vector<1x1x16xf32>,
        %get3A_1474 = vector.shape_cast %get3A_1473 : vector<1x1x16xf32> to vector<16xf32>
        %swap3A_1475 = arith.constant 5 : i32
        %swap3A_1476 = arith.index_cast %swap3A_1475 : i32 to index
        %swap3A_1477 = arith.index_cast %add3A_1466 : i32 to index
        %swap3A_1478 = arith.constant 64 : index
        %swap3A_1479 = tpu.vector_load %arg10[%swap3A_1476, %swap3A_1477, %swap3A_1478] {strides = array<i32>} : memref<8x32x128xf32, #tpu.memory_space<vmem>>, vector<1x1x16xf32>,
        %swap3A_1480 = vector.shape_cast %swap3A_1479 : vector<1x1x16xf32> to vector<16xf32>
        %swap3A_1481 = vector.shape_cast %get3A_1474 : vector<16xf32> to vector<1x1x16xf32>
        tpu.vector_store %arg10[%swap3A_1476, %swap3A_1477, %swap3A_1478], %swap3A_1481 {add = true, strides = array<i32>} : memref<8x32x128xf32, #tpu.memory_space<vmem>>, vector<1x1x16xf32>,
        %add3A_1482 = arith.constant 1 : i32
        %add3A_1483 = arith.addi %add3A_1261, %add3A_1482 : i32
        %add3A_1484 = arith.constant 1 : i32
        %add3A_1485 = arith.addi %add3A_1261, %add3A_1484 : i32
        %get3A_1486 = arith.constant 5 : i32
        %get3A_1487 = arith.index_cast %get3A_1486 : i32 to index
        %get3A_1488 = arith.index_cast %add3A_1485 : i32 to index
        %get3A_1489 = arith.constant 80 : index
        %get3A_1490 = tpu.vector_load %arg9[%get3A_1487, %get3A_1488, %get3A_1489] {strides = array<i32>} : memref<8x32x128xf32, #tpu.memory_space<vmem>>, vector<1x1x16xf32>,
        %get3A_1491 = vector.shape_cast %get3A_1490 : vector<1x1x16xf32> to vector<16xf32>
        %swap3A_1492 = arith.constant 5 : i32
        %swap3A_1493 = arith.index_cast %swap3A_1492 : i32 to index
        %swap3A_1494 = arith.index_cast %add3A_1483 : i32 to index
        %swap3A_1495 = arith.constant 80 : index
        %swap3A_1496 = tpu.vector_load %arg10[%swap3A_1493, %swap3A_1494, %swap3A_1495] {strides = array<i32>} : memref<8x32x128xf32, #tpu.memory_space<vmem>>, vector<1x1x16xf32>,
        %swap3A_1497 = vector.shape_cast %swap3A_1496 : vector<1x1x16xf32> to vector<16xf32>
        %swap3A_1498 = vector.shape_cast %get3A_1491 : vector<16xf32> to vector<1x1x16xf32>
        tpu.vector_store %arg10[%swap3A_1493, %swap3A_1494, %swap3A_1495], %swap3A_1498 {add = true, strides = array<i32>} : memref<8x32x128xf32, #tpu.memory_space<vmem>>, vector<1x1x16xf32>,
        %add3A_1499 = arith.constant 1 : i32
        %add3A_1500 = arith.addi %add3A_1261, %add3A_1499 : i32
        %add3A_1501 = arith.constant 1 : i32
        %add3A_1502 = arith.addi %add3A_1261, %add3A_1501 : i32
        %get3A_1503 = arith.constant 5 : i32
        %get3A_1504 = arith.index_cast %get3A_1503 : i32 to index
        %get3A_1505 = arith.index_cast %add3A_1502 : i32 to index
        %get3A_1506 = arith.constant 96 : index
        %get3A_1507 = tpu.vector_load %arg9[%get3A_1504, %get3A_1505, %get3A_1506] {strides = array<i32>} : memref<8x32x128xf32, #tpu.memory_space<vmem>>, vector<1x1x16xf32>,
        %get3A_1508 = vector.shape_cast %get3A_1507 : vector<1x1x16xf32> to vector<16xf32>
        %swap3A_1509 = arith.constant 5 : i32
        %swap3A_1510 = arith.index_cast %swap3A_1509 : i32 to index
        %swap3A_1511 = arith.index_cast %add3A_1500 : i32 to index
        %swap3A_1512 = arith.constant 96 : index
        %swap3A_1513 = tpu.vector_load %arg10[%swap3A_1510, %swap3A_1511, %swap3A_1512] {strides = array<i32>} : memref<8x32x128xf32, #tpu.memory_space<vmem>>, vector<1x1x16xf32>,
        %swap3A_1514 = vector.shape_cast %swap3A_1513 : vector<1x1x16xf32> to vector<16xf32>
        %swap3A_1515 = vector.shape_cast %get3A_1508 : vector<16xf32> to vector<1x1x16xf32>
        tpu.vector_store %arg10[%swap3A_1510, %swap3A_1511, %swap3A_1512], %swap3A_1515 {add = true, strides = array<i32>} : memref<8x32x128xf32, #tpu.memory_space<vmem>>, vector<1x1x16xf32>,
        %add3A_1516 = arith.constant 1 : i32
        %add3A_1517 = arith.addi %add3A_1261, %add3A_1516 : i32
        %add3A_1518 = arith.constant 1 : i32
        %add3A_1519 = arith.addi %add3A_1261, %add3A_1518 : i32
        %get3A_1520 = arith.constant 5 : i32
        %get3A_1521 = arith.index_cast %get3A_1520 : i32 to index
        %get3A_1522 = arith.index_cast %add3A_1519 : i32 to index
        %get3A_1523 = arith.constant 112 : index
        %get3A_1524 = tpu.vector_load %arg9[%get3A_1521, %get3A_1522, %get3A_1523] {strides = array<i32>} : memref<8x32x128xf32, #tpu.memory_space<vmem>>, vector<1x1x16xf32>,
        %get3A_1525 = vector.shape_cast %get3A_1524 : vector<1x1x16xf32> to vector<16xf32>
        %swap3A_1526 = arith.constant 5 : i32
        %swap3A_1527 = arith.index_cast %swap3A_1526 : i32 to index
        %swap3A_1528 = arith.index_cast %add3A_1517 : i32 to index
        %swap3A_1529 = arith.constant 112 : index
        %swap3A_1530 = tpu.vector_load %arg10[%swap3A_1527, %swap3A_1528, %swap3A_1529] {strides = array<i32>} : memref<8x32x128xf32, #tpu.memory_space<vmem>>, vector<1x1x16xf32>,
        %swap3A_1531 = vector.shape_cast %swap3A_1530 : vector<1x1x16xf32> to vector<16xf32>
        %swap3A_1532 = vector.shape_cast %get3A_1525 : vector<16xf32> to vector<1x1x16xf32>
        tpu.vector_store %arg10[%swap3A_1527, %swap3A_1528, %swap3A_1529], %swap3A_1532 {add = true, strides = array<i32>} : memref<8x32x128xf32, #tpu.memory_space<vmem>>, vector<1x1x16xf32>,
      }
      %scan3A_991 = arith.constant 16 : i32
      %mul3A_992 = arith.constant 32 : i32
      %mul3A_993 = arith.muli %add3A_916, %mul3A_992 : i32
      %add3A_994 = arith.addi %mul3A_2, %mul3A_993 : i32
      %dma_start3A_995 = arith.constant 5 : i32
      %dma_start3A_996 = arith.constant 0 : i32
      %dma_start3A_997 = arith.constant 0 : i32
      %dma_start3A_998 = tpu.memref_slice %arg10[%dma_start3A_995, %dma_start3A_996, %dma_start3A_997] : memref<8x32x128xf32, #tpu.memory_space<vmem>> -> memref<1x32x128xf32, #tpu.memory_space<vmem>>
      %dma_start3A_999 = tpu.memref_squeeze %dma_start3A_998 : memref<1x32x128xf32, #tpu.memory_space<vmem>> -> memref<32x128xf32, #tpu.memory_space<vmem>>
      %dma_start3A_1000 = arith.constant 0 : i32
      %dma_start3A_1001 = tpu.memref_slice %arg5[%add3A_994, %dma_start3A_1000] : memref<262144x128xf32, #tpu.memory_space<hbm>> -> memref<32x128xf32, #tpu.memory_space<hbm>>
      %dma_start3A_1002 = arith.constant 0 : i32
      %dma_start3A_1003 = tpu.memref_slice %arg5[%add3A_994, %dma_start3A_1002] : memref<262144x128xf32, #tpu.memory_space<hbm>> -> memref<32x128xf32, #tpu.memory_space<hbm>>
      %dma_start3A_1004 = arith.constant 0 : i32
      %dma_start3A_1005 = arith.constant 0 : i32
      %dma_start3A_1006 = tpu.memref_slice %arg10[%dma_start3A_995, %dma_start3A_1004, %dma_start3A_1005] : memref<8x32x128xf32, #tpu.memory_space<vmem>> -> memref<1x32x128xf32, #tpu.memory_space<vmem>>
      %dma_start3A_1007 = tpu.memref_squeeze %dma_start3A_1006 : memref<1x32x128xf32, #tpu.memory_space<vmem>> -> memref<32x128xf32, #tpu.memory_space<vmem>>
      tpu.enqueue_dma source(%dma_start3A_1007 : memref<32x128xf32, #tpu.memory_space<vmem>>) target(%dma_start3A_1003 : memref<32x128xf32, #tpu.memory_space<hbm>>) target_semaphore(%arg32 : memref<!tpu.dma_semaphore, #tpu.memory_space<semaphore_mem>>)
      %add3A_1008 = arith.constant 8 : i32
      %add3A_1009 = arith.addi %add3A_916, %add3A_1008 : i32
      %lt3A_1010 = arith.constant 256 : i32
      %lt3A_1011 = arith.cmpi slt, %add3A_1009, %lt3A_1010 : i32
      %convert_element_type3A_1012 = arith.extui %lt3A_1011 : i1 to i32
      %cond3A_1013 = arith.constant 0 : i32
      %cond3A_1014 = arith.cmpi ne, %convert_element_type3A_1012, %cond3A_1013 : i32
      scf.if %cond3A_1014 {
        %add3A_1257 = arith.constant 8 : i32
        %add3A_1258 = arith.addi %add3A_916, %add3A_1257 : i32
        %mul3A_1259 = arith.constant 32 : i32
        %mul3A_1260 = arith.muli %add3A_1258, %mul3A_1259 : i32
        %add3A_1261 = arith.addi %mul3A_2, %mul3A_1260 : i32
        %dma_start3A_1262 = arith.constant 5 : i32
        %dma_start3A_1263 = arith.constant 0 : i32
        %dma_start3A_1264 = arith.constant 0 : i32
        %dma_start3A_1265 = tpu.memref_slice %arg9[%dma_start3A_1262, %dma_start3A_1263, %dma_start3A_1264] : memref<8x32x128xf32, #tpu.memory_space<vmem>> -> memref<1x32x128xf32, #tpu.memory_space<vmem>>
        %dma_start3A_1266 = tpu.memref_squeeze %dma_start3A_1265 : memref<1x32x128xf32, #tpu.memory_space<vmem>> -> memref<32x128xf32, #tpu.memory_space<vmem>>
        %dma_start3A_1267 = arith.constant 0 : i32
        %dma_start3A_1268 = tpu.memref_slice %arg2[%add3A_1261, %dma_start3A_1267] : memref<262144x128xf32, #tpu.memory_space<hbm>> -> memref<32x128xf32, #tpu.memory_space<hbm>>
        %dma_start3A_1269 = arith.constant 0 : i32
        %dma_start3A_1270 = arith.constant 0 : i32
        %dma_start3A_1271 = tpu.memref_slice %arg9[%dma_start3A_1262, %dma_start3A_1269, %dma_start3A_1270] : memref<8x32x128xf32, #tpu.memory_space<vmem>> -> memref<1x32x128xf32, #tpu.memory_space<vmem>>
        %dma_start3A_1272 = tpu.memref_squeeze %dma_start3A_1271 : memref<1x32x128xf32, #tpu.memory_space<vmem>> -> memref<32x128xf32, #tpu.memory_space<vmem>>
        %dma_start3A_1273 = arith.constant 0 : i32
        %dma_start3A_1274 = tpu.memref_slice %arg2[%add3A_1261, %dma_start3A_1273] : memref<262144x128xf32, #tpu.memory_space<hbm>> -> memref<32x128xf32, #tpu.memory_space<hbm>>
        tpu.enqueue_dma source(%dma_start3A_1274 : memref<32x128xf32, #tpu.memory_space<hbm>>) target(%dma_start3A_1272 : memref<32x128xf32, #tpu.memory_space<vmem>>) target_semaphore(%arg16 : memref<!tpu.dma_semaphore, #tpu.memory_space<semaphore_mem>>)
      } else {
      }
      %ge3A_1015 = arith.constant 1 : i32
      %ge3A_1016 = arith.cmpi sge, %add3A_916, %ge3A_1015 : i32
      %convert_element_type3A_1017 = arith.extui %ge3A_1016 : i1 to i32
      %cond3A_1018 = arith.constant 0 : i32
      %cond3A_1019 = arith.cmpi ne, %convert_element_type3A_1017, %cond3A_1018 : i32
      scf.if %cond3A_1019 {
        %sub3A_1257 = arith.constant 1 : i32
        %sub3A_1258 = arith.subi %add3A_916, %sub3A_1257 : i32
        %mul3A_1259 = arith.constant 32 : i32
        %mul3A_1260 = arith.muli %sub3A_1258, %mul3A_1259 : i32
        %add3A_1261 = arith.addi %mul3A_2, %mul3A_1260 : i32
        %dma_wait3A_1262 = arith.constant 4 : i32
        %dma_wait3A_1263 = arith.constant 0 : i32
        %dma_wait3A_1264 = arith.constant 0 : i32
        %dma_wait3A_1265 = tpu.memref_slice %arg10[%dma_wait3A_1262, %dma_wait3A_1263, %dma_wait3A_1264] : memref<8x32x128xf32, #tpu.memory_space<vmem>> -> memref<1x32x128xf32, #tpu.memory_space<vmem>>
        %dma_wait3A_1266 = tpu.memref_squeeze %dma_wait3A_1265 : memref<1x32x128xf32, #tpu.memory_space<vmem>> -> memref<32x128xf32, #tpu.memory_space<vmem>>
        %dma_wait3A_1267 = arith.constant 0 : i32
        %dma_wait3A_1268 = tpu.memref_slice %arg5[%add3A_1261, %dma_wait3A_1267] : memref<262144x128xf32, #tpu.memory_space<hbm>> -> memref<32x128xf32, #tpu.memory_space<hbm>>
        %dma_wait3A_1269 = arith.constant 0 : i32
        %dma_wait3A_1270 = tpu.memref_slice %arg5[%add3A_1261, %dma_wait3A_1269] : memref<262144x128xf32, #tpu.memory_space<hbm>> -> memref<32x128xf32, #tpu.memory_space<hbm>>
        %dma_wait3A_1271 = arith.constant 0 : i32
        %dma_wait3A_1272 = arith.constant 0 : i32
        %dma_wait3A_1273 = tpu.memref_slice %arg10[%dma_wait3A_1262, %dma_wait3A_1271, %dma_wait3A_1272] : memref<8x32x128xf32, #tpu.memory_space<vmem>> -> memref<1x32x128xf32, #tpu.memory_space<vmem>>
        %dma_wait3A_1274 = tpu.memref_squeeze %dma_wait3A_1273 : memref<1x32x128xf32, #tpu.memory_space<vmem>> -> memref<32x128xf32, #tpu.memory_space<vmem>>
        tpu.wait_dma2 semaphore(%arg31 : memref<!tpu.dma_semaphore, #tpu.memory_space<semaphore_mem>>) src(%dma_wait3A_1274 : memref<32x128xf32, #tpu.memory_space<vmem>>) dst(%dma_wait3A_1270 : memref<32x128xf32, #tpu.memory_space<hbm>>)
      } else {
      }
      %add3A_1020 = arith.constant 8 : i32
      %add3A_1021 = arith.addi %add3A_916, %add3A_1020 : i32
      %sub3A_1022 = arith.constant 1 : i32
      %sub3A_1023 = arith.subi %add3A_1021, %sub3A_1022 : i32
      %lt3A_1024 = arith.constant 256 : i32
      %lt3A_1025 = arith.cmpi slt, %sub3A_1023, %lt3A_1024 : i32
      %convert_element_type3A_1026 = arith.extui %lt3A_1025 : i1 to i32
      %cond3A_1027 = arith.constant 0 : i32
      %cond3A_1028 = arith.cmpi ne, %convert_element_type3A_1026, %cond3A_1027 : i32
      scf.if %cond3A_1028 {
        %add3A_1257 = arith.constant 8 : i32
        %add3A_1258 = arith.addi %add3A_916, %add3A_1257 : i32
        %sub3A_1259 = arith.constant 1 : i32
        %sub3A_1260 = arith.subi %add3A_1258, %sub3A_1259 : i32
        %mul3A_1261 = arith.constant 32 : i32
        %mul3A_1262 = arith.muli %sub3A_1260, %mul3A_1261 : i32
        %jit3A_1263 = arith.constant 128 : i32
        %div3A_1264 = arith.divsi %mul3A_1262, %jit3A_1263 : i32
        %sign3A_1265 = arith.constant 0 : i32
        %sign3A_1266 = arith.cmpi sgt, %mul3A_1262, %sign3A_1265 : i32
        %sign3A_1267 = arith.extui %sign3A_1266 : i1 to i32
        %sign3A_1268 = arith.constant 0 : i32
        %sign3A_1269 = arith.cmpi slt, %mul3A_1262, %sign3A_1268 : i32
        %sign3A_1270 = arith.extui %sign3A_1269 : i1 to i32
        %sign3A_1271 = arith.subi %sign3A_1267, %sign3A_1270 : i32
        %sign3A_1272 = arith.constant 0 : i32
        %sign3A_1273 = arith.cmpi sgt, %jit3A_1263, %sign3A_1272 : i32
        %sign3A_1274 = arith.extui %sign3A_1273 : i1 to i32
        %sign3A_1275 = arith.constant 0 : i32
        %sign3A_1276 = arith.cmpi slt, %jit3A_1263, %sign3A_1275 : i32
        %sign3A_1277 = arith.extui %sign3A_1276 : i1 to i32
        %sign3A_1278 = arith.subi %sign3A_1274, %sign3A_1277 : i32
        %ne3A_1279 = arith.cmpi ne, %sign3A_1271, %sign3A_1278 : i32
        %rem3A_1280 = arith.remsi %mul3A_1262, %jit3A_1263 : i32
        %ne3A_1281 = arith.constant 0 : i32
        %ne3A_1282 = arith.cmpi ne, %rem3A_1280, %ne3A_1281 : i32
        %and3A_1283 = arith.andi %ne3A_1279, %ne3A_1282 : i1
        %sub3A_1284 = arith.constant 1 : i32
        %sub3A_1285 = arith.subi %div3A_1264, %sub3A_1284 : i32
        %select_n3A_1286 = arith.select %and3A_1283, %sub3A_1285, %div3A_1264 : i32
        %mul3A_1287 = arith.constant 32 : i32
        %mul3A_1288 = arith.muli %sub3A_1260, %mul3A_1287 : i32
        %jit3A_1289 = arith.constant 128 : i32
        %eq3A_1290 = arith.constant 0 : i32
        %eq3A_1291 = arith.cmpi eq, %jit3A_1289, %eq3A_1290 : i32
        %jit3A_1292 = arith.constant 1 : i32
        %select_n3A_1293 = arith.select %eq3A_1291, %jit3A_1292, %jit3A_1289 : i32
        %rem3A_1294 = arith.remsi %mul3A_1288, %select_n3A_1293 : i32
        %ne3A_1295 = arith.constant 0 : i32
        %ne3A_1296 = arith.cmpi ne, %rem3A_1294, %ne3A_1295 : i32
        %lt3A_1297 = arith.constant 0 : i32
        %lt3A_1298 = arith.cmpi slt, %rem3A_1294, %lt3A_1297 : i32
        %lt3A_1299 = arith.constant 0 : i32
        %lt3A_1300 = arith.cmpi slt, %select_n3A_1293, %lt3A_1299 : i32
        %ne3A_1301 = arith.xori %lt3A_1298, %lt3A_1300 : i1
        %and3A_1302 = arith.andi %ne3A_1301, %ne3A_1296 : i1
        %add3A_1303 = arith.addi %rem3A_1294, %select_n3A_1293 : i32
        %select_n3A_1304 = arith.select %and3A_1302, %add3A_1303, %rem3A_1294 : i32
        %dma_start3A_1305 = arith.constant 4 : i32
        %dma_start3A_1306 = arith.constant 0 : i32
        %dma_start3A_1307 = arith.constant 0 : i32
        %dma_start3A_1308 = tpu.memref_slice %arg10[%dma_start3A_1305, %dma_start3A_1306, %dma_start3A_1307] : memref<8x32x128xf32, #tpu.memory_space<vmem>> -> memref<1x32x128xf32, #tpu.memory_space<vmem>>
        %dma_start3A_1309 = tpu.memref_squeeze %dma_start3A_1308 : memref<1x32x128xf32, #tpu.memory_space<vmem>> -> memref<32x128xf32, #tpu.memory_space<vmem>>
        %dma_start3A_1310 = tpu.memref_slice %arg7[%select_n3A_1286, %select_n3A_1304] : memref<64x128xi32, #tpu.memory_space<vmem>> -> memref<1x32xi32, #tpu.memory_space<vmem>>
        %dma_start3A_1311 = tpu.memref_squeeze %dma_start3A_1310 : memref<1x32xi32, #tpu.memory_space<vmem>> -> memref<32xi32, #tpu.memory_space<vmem>>
        %dma_start3A_1312 = arith.constant 0 : i32
        %dma_start3A_1313 = arith.constant 0 : i32
        %dma_start3A_1314 = tpu.memref_slice %arg8[%dma_start3A_1312, %dma_start3A_1313] : memref<5000x128xf32, #tpu.memory_space<vmem_shared>> -> memref<5000x128xf32, #tpu.memory_space<vmem_shared>>
        tpu.enqueue_indirect_dma source(%dma_start3A_1314 : memref<5000x128xf32, #tpu.memory_space<vmem_shared>>) target(%dma_start3A_1309 : memref<32x128xf32, #tpu.memory_space<vmem>>) offsets(%dma_start3A_1311 : memref<32xi32, #tpu.memory_space<vmem>>) semaphore(%arg23 : memref<!tpu.dma_semaphore, #tpu.memory_space<semaphore_mem>>)
      } else {
      }
      %add3A_1029 = arith.constant 6 : i32
      %add3A_1030 = arith.addi %add3A_345, %add3A_1029 : i32
      %mul3A_1031 = arith.constant 32 : i32
      %mul3A_1032 = arith.muli %add3A_1030, %mul3A_1031 : i32
      %add3A_1033 = arith.addi %mul3A_2, %mul3A_1032 : i32
      %dma_wait3A_1034 = arith.constant 6 : i32
      %dma_wait3A_1035 = arith.constant 0 : i32
      %dma_wait3A_1036 = arith.constant 0 : i32
      %dma_wait3A_1037 = tpu.memref_slice %arg9[%dma_wait3A_1034, %dma_wait3A_1035, %dma_wait3A_1036] : memref<8x32x128xf32, #tpu.memory_space<vmem>> -> memref<1x32x128xf32, #tpu.memory_space<vmem>>
      %dma_wait3A_1038 = tpu.memref_squeeze %dma_wait3A_1037 : memref<1x32x128xf32, #tpu.memory_space<vmem>> -> memref<32x128xf32, #tpu.memory_space<vmem>>
      %dma_wait3A_1039 = arith.constant 0 : i32
      %dma_wait3A_1040 = tpu.memref_slice %arg2[%add3A_1033, %dma_wait3A_1039] : memref<262144x128xf32, #tpu.memory_space<hbm>> -> memref<32x128xf32, #tpu.memory_space<hbm>>
      %dma_wait3A_1041 = arith.constant 0 : i32
      %dma_wait3A_1042 = arith.constant 0 : i32
      %dma_wait3A_1043 = tpu.memref_slice %arg9[%dma_wait3A_1034, %dma_wait3A_1041, %dma_wait3A_1042] : memref<8x32x128xf32, #tpu.memory_space<vmem>> -> memref<1x32x128xf32, #tpu.memory_space<vmem>>
      %dma_wait3A_1044 = tpu.memref_squeeze %dma_wait3A_1043 : memref<1x32x128xf32, #tpu.memory_space<vmem>> -> memref<32x128xf32, #tpu.memory_space<vmem>>
      %dma_wait3A_1045 = arith.constant 0 : i32
      %dma_wait3A_1046 = tpu.memref_slice %arg2[%add3A_1033, %dma_wait3A_1045] : memref<262144x128xf32, #tpu.memory_space<hbm>> -> memref<32x128xf32, #tpu.memory_space<hbm>>
      tpu.wait_dma2 semaphore(%arg17 : memref<!tpu.dma_semaphore, #tpu.memory_space<semaphore_mem>>) src(%dma_wait3A_1046 : memref<32x128xf32, #tpu.memory_space<hbm>>) dst(%dma_wait3A_1044 : memref<32x128xf32, #tpu.memory_space<vmem>>)
      %mul3A_1047 = arith.constant 32 : i32
      %mul3A_1048 = arith.muli %add3A_1030, %mul3A_1047 : i32
      %jit3A_1049 = arith.constant 128 : i32
      %div3A_1050 = arith.divsi %mul3A_1048, %jit3A_1049 : i32
      %sign3A_1051 = arith.constant 0 : i32
      %sign3A_1052 = arith.cmpi sgt, %mul3A_1048, %sign3A_1051 : i32
      %sign3A_1053 = arith.extui %sign3A_1052 : i1 to i32
      %sign3A_1054 = arith.constant 0 : i32
      %sign3A_1055 = arith.cmpi slt, %mul3A_1048, %sign3A_1054 : i32
      %sign3A_1056 = arith.extui %sign3A_1055 : i1 to i32
      %sign3A_1057 = arith.subi %sign3A_1053, %sign3A_1056 : i32
      %sign3A_1058 = arith.constant 0 : i32
      %sign3A_1059 = arith.cmpi sgt, %jit3A_1049, %sign3A_1058 : i32
      %sign3A_1060 = arith.extui %sign3A_1059 : i1 to i32
      %sign3A_1061 = arith.constant 0 : i32
      %sign3A_1062 = arith.cmpi slt, %jit3A_1049, %sign3A_1061 : i32
      %sign3A_1063 = arith.extui %sign3A_1062 : i1 to i32
      %sign3A_1064 = arith.subi %sign3A_1060, %sign3A_1063 : i32
      %ne3A_1065 = arith.cmpi ne, %sign3A_1057, %sign3A_1064 : i32
      %rem3A_1066 = arith.remsi %mul3A_1048, %jit3A_1049 : i32
      %ne3A_1067 = arith.constant 0 : i32
      %ne3A_1068 = arith.cmpi ne, %rem3A_1066, %ne3A_1067 : i32
      %and3A_1069 = arith.andi %ne3A_1065, %ne3A_1068 : i1
      %sub3A_1070 = arith.constant 1 : i32
      %sub3A_1071 = arith.subi %div3A_1050, %sub3A_1070 : i32
      %select_n3A_1072 = arith.select %and3A_1069, %sub3A_1071, %div3A_1050 : i32
      %mul3A_1073 = arith.constant 32 : i32
      %mul3A_1074 = arith.muli %add3A_1030, %mul3A_1073 : i32
      %jit3A_1075 = arith.constant 128 : i32
      %eq3A_1076 = arith.constant 0 : i32
      %eq3A_1077 = arith.cmpi eq, %jit3A_1075, %eq3A_1076 : i32
      %jit3A_1078 = arith.constant 1 : i32
      %select_n3A_1079 = arith.select %eq3A_1077, %jit3A_1078, %jit3A_1075 : i32
      %rem3A_1080 = arith.remsi %mul3A_1074, %select_n3A_1079 : i32
      %ne3A_1081 = arith.constant 0 : i32
      %ne3A_1082 = arith.cmpi ne, %rem3A_1080, %ne3A_1081 : i32
      %lt3A_1083 = arith.constant 0 : i32
      %lt3A_1084 = arith.cmpi slt, %rem3A_1080, %lt3A_1083 : i32
      %lt3A_1085 = arith.constant 0 : i32
      %lt3A_1086 = arith.cmpi slt, %select_n3A_1079, %lt3A_1085 : i32
      %ne3A_1087 = arith.xori %lt3A_1084, %lt3A_1086 : i1
      %and3A_1088 = arith.andi %ne3A_1087, %ne3A_1082 : i1
      %add3A_1089 = arith.addi %rem3A_1080, %select_n3A_1079 : i32
      %select_n3A_1090 = arith.select %and3A_1088, %add3A_1089, %rem3A_1080 : i32
      %dma_wait3A_1091 = arith.constant 6 : i32
      %dma_wait3A_1092 = arith.constant 0 : i32
      %dma_wait3A_1093 = arith.constant 0 : i32
      %dma_wait3A_1094 = tpu.memref_slice %arg10[%dma_wait3A_1091, %dma_wait3A_1092, %dma_wait3A_1093] : memref<8x32x128xf32, #tpu.memory_space<vmem>> -> memref<1x32x128xf32, #tpu.memory_space<vmem>>
      %dma_wait3A_1095 = tpu.memref_squeeze %dma_wait3A_1094 : memref<1x32x128xf32, #tpu.memory_space<vmem>> -> memref<32x128xf32, #tpu.memory_space<vmem>>
      %dma_wait3A_1096 = tpu.memref_slice %arg7[%select_n3A_1072, %select_n3A_1090] : memref<64x128xi32, #tpu.memory_space<vmem>> -> memref<1x32xi32, #tpu.memory_space<vmem>>
      %dma_wait3A_1097 = tpu.memref_squeeze %dma_wait3A_1096 : memref<1x32xi32, #tpu.memory_space<vmem>> -> memref<32xi32, #tpu.memory_space<vmem>>
      %dma_wait3A_1098 = arith.constant 0 : i32
      %dma_wait3A_1099 = arith.constant 0 : i32
      %dma_wait3A_1100 = tpu.memref_slice %arg8[%dma_wait3A_1098, %dma_wait3A_1099] : memref<5000x128xf32, #tpu.memory_space<vmem_shared>> -> memref<5000x128xf32, #tpu.memory_space<vmem_shared>>
      tpu.wait_indirect_dma semaphore(%arg25 : memref<!tpu.dma_semaphore, #tpu.memory_space<semaphore_mem>>) src(%dma_wait3A_1100 : memref<5000x128xf32, #tpu.memory_space<vmem_shared>>) dst(%dma_wait3A_1095 : memref<32x128xf32, #tpu.memory_space<vmem>>)
      %scan3A_1101 = arith.constant 0 : i32
      %scan3A_1102 = arith.constant 16 : i32
      %scan3A_1103 = arith.addi %scan3A_1101, %scan3A_1102 : i32
      %scan3A_1104 = arith.constant 1 : i32
      scf.for %scan3A_1257 = %scan3A_1101 to %scan3A_1103 step %scan3A_1104  : i32 {
        %mul3A_1258 = arith.constant 2 : i32
        %mul3A_1259 = arith.muli %scan3A_1257, %mul3A_1258 : i32
        %add3A_1260 = arith.constant 0 : i32
        %add3A_1261 = arith.addi %add3A_1260, %mul3A_1259 : i32
        %add3A_1262 = arith.constant 0 : i32
        %add3A_1263 = arith.addi %add3A_1261, %add3A_1262 : i32
        %add3A_1264 = arith.constant 0 : i32
        %add3A_1265 = arith.addi %add3A_1261, %add3A_1264 : i32
        %get3A_1266 = arith.constant 6 : i32
        %get3A_1267 = arith.index_cast %get3A_1266 : i32 to index
        %get3A_1268 = arith.index_cast %add3A_1265 : i32 to index
        %get3A_1269 = arith.constant 0 : index
        %get3A_1270 = tpu.vector_load %arg9[%get3A_1267, %get3A_1268, %get3A_1269] {strides = array<i32>} : memref<8x32x128xf32, #tpu.memory_space<vmem>>, vector<1x1x16xf32>,
        %get3A_1271 = vector.shape_cast %get3A_1270 : vector<1x1x16xf32> to vector<16xf32>
        %swap3A = arith.constant 6 : i32
        %swap3A_1272 = arith.index_cast %swap3A : i32 to index
        %swap3A_1273 = arith.index_cast %add3A_1263 : i32 to index
        %swap3A_1274 = arith.constant 0 : index
        %swap3A_1275 = tpu.vector_load %arg10[%swap3A_1272, %swap3A_1273, %swap3A_1274] {strides = array<i32>} : memref<8x32x128xf32, #tpu.memory_space<vmem>>, vector<1x1x16xf32>,
        %swap3A_1276 = vector.shape_cast %swap3A_1275 : vector<1x1x16xf32> to vector<16xf32>
        %swap3A_1277 = vector.shape_cast %get3A_1271 : vector<16xf32> to vector<1x1x16xf32>
        tpu.vector_store %arg10[%swap3A_1272, %swap3A_1273, %swap3A_1274], %swap3A_1277 {add = true, strides = array<i32>} : memref<8x32x128xf32, #tpu.memory_space<vmem>>, vector<1x1x16xf32>,
        %add3A_1278 = arith.constant 0 : i32
        %add3A_1279 = arith.addi %add3A_1261, %add3A_1278 : i32
        %add3A_1280 = arith.constant 0 : i32
        %add3A_1281 = arith.addi %add3A_1261, %add3A_1280 : i32
        %get3A_1282 = arith.constant 6 : i32
        %get3A_1283 = arith.index_cast %get3A_1282 : i32 to index
        %get3A_1284 = arith.index_cast %add3A_1281 : i32 to index
        %get3A_1285 = arith.constant 16 : index
        %get3A_1286 = tpu.vector_load %arg9[%get3A_1283, %get3A_1284, %get3A_1285] {strides = array<i32>} : memref<8x32x128xf32, #tpu.memory_space<vmem>>, vector<1x1x16xf32>,
        %get3A_1287 = vector.shape_cast %get3A_1286 : vector<1x1x16xf32> to vector<16xf32>
        %swap3A_1288 = arith.constant 6 : i32
        %swap3A_1289 = arith.index_cast %swap3A_1288 : i32 to index
        %swap3A_1290 = arith.index_cast %add3A_1279 : i32 to index
        %swap3A_1291 = arith.constant 16 : index
        %swap3A_1292 = tpu.vector_load %arg10[%swap3A_1289, %swap3A_1290, %swap3A_1291] {strides = array<i32>} : memref<8x32x128xf32, #tpu.memory_space<vmem>>, vector<1x1x16xf32>,
        %swap3A_1293 = vector.shape_cast %swap3A_1292 : vector<1x1x16xf32> to vector<16xf32>
        %swap3A_1294 = vector.shape_cast %get3A_1287 : vector<16xf32> to vector<1x1x16xf32>
        tpu.vector_store %arg10[%swap3A_1289, %swap3A_1290, %swap3A_1291], %swap3A_1294 {add = true, strides = array<i32>} : memref<8x32x128xf32, #tpu.memory_space<vmem>>, vector<1x1x16xf32>,
        %add3A_1295 = arith.constant 0 : i32
        %add3A_1296 = arith.addi %add3A_1261, %add3A_1295 : i32
        %add3A_1297 = arith.constant 0 : i32
        %add3A_1298 = arith.addi %add3A_1261, %add3A_1297 : i32
        %get3A_1299 = arith.constant 6 : i32
        %get3A_1300 = arith.index_cast %get3A_1299 : i32 to index
        %get3A_1301 = arith.index_cast %add3A_1298 : i32 to index
        %get3A_1302 = arith.constant 32 : index
        %get3A_1303 = tpu.vector_load %arg9[%get3A_1300, %get3A_1301, %get3A_1302] {strides = array<i32>} : memref<8x32x128xf32, #tpu.memory_space<vmem>>, vector<1x1x16xf32>,
        %get3A_1304 = vector.shape_cast %get3A_1303 : vector<1x1x16xf32> to vector<16xf32>
        %swap3A_1305 = arith.constant 6 : i32
        %swap3A_1306 = arith.index_cast %swap3A_1305 : i32 to index
        %swap3A_1307 = arith.index_cast %add3A_1296 : i32 to index
        %swap3A_1308 = arith.constant 32 : index
        %swap3A_1309 = tpu.vector_load %arg10[%swap3A_1306, %swap3A_1307, %swap3A_1308] {strides = array<i32>} : memref<8x32x128xf32, #tpu.memory_space<vmem>>, vector<1x1x16xf32>,
        %swap3A_1310 = vector.shape_cast %swap3A_1309 : vector<1x1x16xf32> to vector<16xf32>
        %swap3A_1311 = vector.shape_cast %get3A_1304 : vector<16xf32> to vector<1x1x16xf32>
        tpu.vector_store %arg10[%swap3A_1306, %swap3A_1307, %swap3A_1308], %swap3A_1311 {add = true, strides = array<i32>} : memref<8x32x128xf32, #tpu.memory_space<vmem>>, vector<1x1x16xf32>,
        %add3A_1312 = arith.constant 0 : i32
        %add3A_1313 = arith.addi %add3A_1261, %add3A_1312 : i32
        %add3A_1314 = arith.constant 0 : i32
        %add3A_1315 = arith.addi %add3A_1261, %add3A_1314 : i32
        %get3A_1316 = arith.constant 6 : i32
        %get3A_1317 = arith.index_cast %get3A_1316 : i32 to index
        %get3A_1318 = arith.index_cast %add3A_1315 : i32 to index
        %get3A_1319 = arith.constant 48 : index
        %get3A_1320 = tpu.vector_load %arg9[%get3A_1317, %get3A_1318, %get3A_1319] {strides = array<i32>} : memref<8x32x128xf32, #tpu.memory_space<vmem>>, vector<1x1x16xf32>,
        %get3A_1321 = vector.shape_cast %get3A_1320 : vector<1x1x16xf32> to vector<16xf32>
        %swap3A_1322 = arith.constant 6 : i32
        %swap3A_1323 = arith.index_cast %swap3A_1322 : i32 to index
        %swap3A_1324 = arith.index_cast %add3A_1313 : i32 to index
        %swap3A_1325 = arith.constant 48 : index
        %swap3A_1326 = tpu.vector_load %arg10[%swap3A_1323, %swap3A_1324, %swap3A_1325] {strides = array<i32>} : memref<8x32x128xf32, #tpu.memory_space<vmem>>, vector<1x1x16xf32>,
        %swap3A_1327 = vector.shape_cast %swap3A_1326 : vector<1x1x16xf32> to vector<16xf32>
        %swap3A_1328 = vector.shape_cast %get3A_1321 : vector<16xf32> to vector<1x1x16xf32>
        tpu.vector_store %arg10[%swap3A_1323, %swap3A_1324, %swap3A_1325], %swap3A_1328 {add = true, strides = array<i32>} : memref<8x32x128xf32, #tpu.memory_space<vmem>>, vector<1x1x16xf32>,
        %add3A_1329 = arith.constant 0 : i32
        %add3A_1330 = arith.addi %add3A_1261, %add3A_1329 : i32
        %add3A_1331 = arith.constant 0 : i32
        %add3A_1332 = arith.addi %add3A_1261, %add3A_1331 : i32
        %get3A_1333 = arith.constant 6 : i32
        %get3A_1334 = arith.index_cast %get3A_1333 : i32 to index
        %get3A_1335 = arith.index_cast %add3A_1332 : i32 to index
        %get3A_1336 = arith.constant 64 : index
        %get3A_1337 = tpu.vector_load %arg9[%get3A_1334, %get3A_1335, %get3A_1336] {strides = array<i32>} : memref<8x32x128xf32, #tpu.memory_space<vmem>>, vector<1x1x16xf32>,
        %get3A_1338 = vector.shape_cast %get3A_1337 : vector<1x1x16xf32> to vector<16xf32>
        %swap3A_1339 = arith.constant 6 : i32
        %swap3A_1340 = arith.index_cast %swap3A_1339 : i32 to index
        %swap3A_1341 = arith.index_cast %add3A_1330 : i32 to index
        %swap3A_1342 = arith.constant 64 : index
        %swap3A_1343 = tpu.vector_load %arg10[%swap3A_1340, %swap3A_1341, %swap3A_1342] {strides = array<i32>} : memref<8x32x128xf32, #tpu.memory_space<vmem>>, vector<1x1x16xf32>,
        %swap3A_1344 = vector.shape_cast %swap3A_1343 : vector<1x1x16xf32> to vector<16xf32>
        %swap3A_1345 = vector.shape_cast %get3A_1338 : vector<16xf32> to vector<1x1x16xf32>
        tpu.vector_store %arg10[%swap3A_1340, %swap3A_1341, %swap3A_1342], %swap3A_1345 {add = true, strides = array<i32>} : memref<8x32x128xf32, #tpu.memory_space<vmem>>, vector<1x1x16xf32>,
        %add3A_1346 = arith.constant 0 : i32
        %add3A_1347 = arith.addi %add3A_1261, %add3A_1346 : i32
        %add3A_1348 = arith.constant 0 : i32
        %add3A_1349 = arith.addi %add3A_1261, %add3A_1348 : i32
        %get3A_1350 = arith.constant 6 : i32
        %get3A_1351 = arith.index_cast %get3A_1350 : i32 to index
        %get3A_1352 = arith.index_cast %add3A_1349 : i32 to index
        %get3A_1353 = arith.constant 80 : index
        %get3A_1354 = tpu.vector_load %arg9[%get3A_1351, %get3A_1352, %get3A_1353] {strides = array<i32>} : memref<8x32x128xf32, #tpu.memory_space<vmem>>, vector<1x1x16xf32>,
        %get3A_1355 = vector.shape_cast %get3A_1354 : vector<1x1x16xf32> to vector<16xf32>
        %swap3A_1356 = arith.constant 6 : i32
        %swap3A_1357 = arith.index_cast %swap3A_1356 : i32 to index
        %swap3A_1358 = arith.index_cast %add3A_1347 : i32 to index
        %swap3A_1359 = arith.constant 80 : index
        %swap3A_1360 = tpu.vector_load %arg10[%swap3A_1357, %swap3A_1358, %swap3A_1359] {strides = array<i32>} : memref<8x32x128xf32, #tpu.memory_space<vmem>>, vector<1x1x16xf32>,
        %swap3A_1361 = vector.shape_cast %swap3A_1360 : vector<1x1x16xf32> to vector<16xf32>
        %swap3A_1362 = vector.shape_cast %get3A_1355 : vector<16xf32> to vector<1x1x16xf32>
        tpu.vector_store %arg10[%swap3A_1357, %swap3A_1358, %swap3A_1359], %swap3A_1362 {add = true, strides = array<i32>} : memref<8x32x128xf32, #tpu.memory_space<vmem>>, vector<1x1x16xf32>,
        %add3A_1363 = arith.constant 0 : i32
        %add3A_1364 = arith.addi %add3A_1261, %add3A_1363 : i32
        %add3A_1365 = arith.constant 0 : i32
        %add3A_1366 = arith.addi %add3A_1261, %add3A_1365 : i32
        %get3A_1367 = arith.constant 6 : i32
        %get3A_1368 = arith.index_cast %get3A_1367 : i32 to index
        %get3A_1369 = arith.index_cast %add3A_1366 : i32 to index
        %get3A_1370 = arith.constant 96 : index
        %get3A_1371 = tpu.vector_load %arg9[%get3A_1368, %get3A_1369, %get3A_1370] {strides = array<i32>} : memref<8x32x128xf32, #tpu.memory_space<vmem>>, vector<1x1x16xf32>,
        %get3A_1372 = vector.shape_cast %get3A_1371 : vector<1x1x16xf32> to vector<16xf32>
        %swap3A_1373 = arith.constant 6 : i32
        %swap3A_1374 = arith.index_cast %swap3A_1373 : i32 to index
        %swap3A_1375 = arith.index_cast %add3A_1364 : i32 to index
        %swap3A_1376 = arith.constant 96 : index
        %swap3A_1377 = tpu.vector_load %arg10[%swap3A_1374, %swap3A_1375, %swap3A_1376] {strides = array<i32>} : memref<8x32x128xf32, #tpu.memory_space<vmem>>, vector<1x1x16xf32>,
        %swap3A_1378 = vector.shape_cast %swap3A_1377 : vector<1x1x16xf32> to vector<16xf32>
        %swap3A_1379 = vector.shape_cast %get3A_1372 : vector<16xf32> to vector<1x1x16xf32>
        tpu.vector_store %arg10[%swap3A_1374, %swap3A_1375, %swap3A_1376], %swap3A_1379 {add = true, strides = array<i32>} : memref<8x32x128xf32, #tpu.memory_space<vmem>>, vector<1x1x16xf32>,
        %add3A_1380 = arith.constant 0 : i32
        %add3A_1381 = arith.addi %add3A_1261, %add3A_1380 : i32
        %add3A_1382 = arith.constant 0 : i32
        %add3A_1383 = arith.addi %add3A_1261, %add3A_1382 : i32
        %get3A_1384 = arith.constant 6 : i32
        %get3A_1385 = arith.index_cast %get3A_1384 : i32 to index
        %get3A_1386 = arith.index_cast %add3A_1383 : i32 to index
        %get3A_1387 = arith.constant 112 : index
        %get3A_1388 = tpu.vector_load %arg9[%get3A_1385, %get3A_1386, %get3A_1387] {strides = array<i32>} : memref<8x32x128xf32, #tpu.memory_space<vmem>>, vector<1x1x16xf32>,
        %get3A_1389 = vector.shape_cast %get3A_1388 : vector<1x1x16xf32> to vector<16xf32>
        %swap3A_1390 = arith.constant 6 : i32
        %swap3A_1391 = arith.index_cast %swap3A_1390 : i32 to index
        %swap3A_1392 = arith.index_cast %add3A_1381 : i32 to index
        %swap3A_1393 = arith.constant 112 : index
        %swap3A_1394 = tpu.vector_load %arg10[%swap3A_1391, %swap3A_1392, %swap3A_1393] {strides = array<i32>} : memref<8x32x128xf32, #tpu.memory_space<vmem>>, vector<1x1x16xf32>,
        %swap3A_1395 = vector.shape_cast %swap3A_1394 : vector<1x1x16xf32> to vector<16xf32>
        %swap3A_1396 = vector.shape_cast %get3A_1389 : vector<16xf32> to vector<1x1x16xf32>
        tpu.vector_store %arg10[%swap3A_1391, %swap3A_1392, %swap3A_1393], %swap3A_1396 {add = true, strides = array<i32>} : memref<8x32x128xf32, #tpu.memory_space<vmem>>, vector<1x1x16xf32>,
        %add3A_1397 = arith.constant 1 : i32
        %add3A_1398 = arith.addi %add3A_1261, %add3A_1397 : i32
        %add3A_1399 = arith.constant 1 : i32
        %add3A_1400 = arith.addi %add3A_1261, %add3A_1399 : i32
        %get3A_1401 = arith.constant 6 : i32
        %get3A_1402 = arith.index_cast %get3A_1401 : i32 to index
        %get3A_1403 = arith.index_cast %add3A_1400 : i32 to index
        %get3A_1404 = arith.constant 0 : index
        %get3A_1405 = tpu.vector_load %arg9[%get3A_1402, %get3A_1403, %get3A_1404] {strides = array<i32>} : memref<8x32x128xf32, #tpu.memory_space<vmem>>, vector<1x1x16xf32>,
        %get3A_1406 = vector.shape_cast %get3A_1405 : vector<1x1x16xf32> to vector<16xf32>
        %swap3A_1407 = arith.constant 6 : i32
        %swap3A_1408 = arith.index_cast %swap3A_1407 : i32 to index
        %swap3A_1409 = arith.index_cast %add3A_1398 : i32 to index
        %swap3A_1410 = arith.constant 0 : index
        %swap3A_1411 = tpu.vector_load %arg10[%swap3A_1408, %swap3A_1409, %swap3A_1410] {strides = array<i32>} : memref<8x32x128xf32, #tpu.memory_space<vmem>>, vector<1x1x16xf32>,
        %swap3A_1412 = vector.shape_cast %swap3A_1411 : vector<1x1x16xf32> to vector<16xf32>
        %swap3A_1413 = vector.shape_cast %get3A_1406 : vector<16xf32> to vector<1x1x16xf32>
        tpu.vector_store %arg10[%swap3A_1408, %swap3A_1409, %swap3A_1410], %swap3A_1413 {add = true, strides = array<i32>} : memref<8x32x128xf32, #tpu.memory_space<vmem>>, vector<1x1x16xf32>,
        %add3A_1414 = arith.constant 1 : i32
        %add3A_1415 = arith.addi %add3A_1261, %add3A_1414 : i32
        %add3A_1416 = arith.constant 1 : i32
        %add3A_1417 = arith.addi %add3A_1261, %add3A_1416 : i32
        %get3A_1418 = arith.constant 6 : i32
        %get3A_1419 = arith.index_cast %get3A_1418 : i32 to index
        %get3A_1420 = arith.index_cast %add3A_1417 : i32 to index
        %get3A_1421 = arith.constant 16 : index
        %get3A_1422 = tpu.vector_load %arg9[%get3A_1419, %get3A_1420, %get3A_1421] {strides = array<i32>} : memref<8x32x128xf32, #tpu.memory_space<vmem>>, vector<1x1x16xf32>,
        %get3A_1423 = vector.shape_cast %get3A_1422 : vector<1x1x16xf32> to vector<16xf32>
        %swap3A_1424 = arith.constant 6 : i32
        %swap3A_1425 = arith.index_cast %swap3A_1424 : i32 to index
        %swap3A_1426 = arith.index_cast %add3A_1415 : i32 to index
        %swap3A_1427 = arith.constant 16 : index
        %swap3A_1428 = tpu.vector_load %arg10[%swap3A_1425, %swap3A_1426, %swap3A_1427] {strides = array<i32>} : memref<8x32x128xf32, #tpu.memory_space<vmem>>, vector<1x1x16xf32>,
        %swap3A_1429 = vector.shape_cast %swap3A_1428 : vector<1x1x16xf32> to vector<16xf32>
        %swap3A_1430 = vector.shape_cast %get3A_1423 : vector<16xf32> to vector<1x1x16xf32>
        tpu.vector_store %arg10[%swap3A_1425, %swap3A_1426, %swap3A_1427], %swap3A_1430 {add = true, strides = array<i32>} : memref<8x32x128xf32, #tpu.memory_space<vmem>>, vector<1x1x16xf32>,
        %add3A_1431 = arith.constant 1 : i32
        %add3A_1432 = arith.addi %add3A_1261, %add3A_1431 : i32
        %add3A_1433 = arith.constant 1 : i32
        %add3A_1434 = arith.addi %add3A_1261, %add3A_1433 : i32
        %get3A_1435 = arith.constant 6 : i32
        %get3A_1436 = arith.index_cast %get3A_1435 : i32 to index
        %get3A_1437 = arith.index_cast %add3A_1434 : i32 to index
        %get3A_1438 = arith.constant 32 : index
        %get3A_1439 = tpu.vector_load %arg9[%get3A_1436, %get3A_1437, %get3A_1438] {strides = array<i32>} : memref<8x32x128xf32, #tpu.memory_space<vmem>>, vector<1x1x16xf32>,
        %get3A_1440 = vector.shape_cast %get3A_1439 : vector<1x1x16xf32> to vector<16xf32>
        %swap3A_1441 = arith.constant 6 : i32
        %swap3A_1442 = arith.index_cast %swap3A_1441 : i32 to index
        %swap3A_1443 = arith.index_cast %add3A_1432 : i32 to index
        %swap3A_1444 = arith.constant 32 : index
        %swap3A_1445 = tpu.vector_load %arg10[%swap3A_1442, %swap3A_1443, %swap3A_1444] {strides = array<i32>} : memref<8x32x128xf32, #tpu.memory_space<vmem>>, vector<1x1x16xf32>,
        %swap3A_1446 = vector.shape_cast %swap3A_1445 : vector<1x1x16xf32> to vector<16xf32>
        %swap3A_1447 = vector.shape_cast %get3A_1440 : vector<16xf32> to vector<1x1x16xf32>
        tpu.vector_store %arg10[%swap3A_1442, %swap3A_1443, %swap3A_1444], %swap3A_1447 {add = true, strides = array<i32>} : memref<8x32x128xf32, #tpu.memory_space<vmem>>, vector<1x1x16xf32>,
        %add3A_1448 = arith.constant 1 : i32
        %add3A_1449 = arith.addi %add3A_1261, %add3A_1448 : i32
        %add3A_1450 = arith.constant 1 : i32
        %add3A_1451 = arith.addi %add3A_1261, %add3A_1450 : i32
        %get3A_1452 = arith.constant 6 : i32
        %get3A_1453 = arith.index_cast %get3A_1452 : i32 to index
        %get3A_1454 = arith.index_cast %add3A_1451 : i32 to index
        %get3A_1455 = arith.constant 48 : index
        %get3A_1456 = tpu.vector_load %arg9[%get3A_1453, %get3A_1454, %get3A_1455] {strides = array<i32>} : memref<8x32x128xf32, #tpu.memory_space<vmem>>, vector<1x1x16xf32>,
        %get3A_1457 = vector.shape_cast %get3A_1456 : vector<1x1x16xf32> to vector<16xf32>
        %swap3A_1458 = arith.constant 6 : i32
        %swap3A_1459 = arith.index_cast %swap3A_1458 : i32 to index
        %swap3A_1460 = arith.index_cast %add3A_1449 : i32 to index
        %swap3A_1461 = arith.constant 48 : index
        %swap3A_1462 = tpu.vector_load %arg10[%swap3A_1459, %swap3A_1460, %swap3A_1461] {strides = array<i32>} : memref<8x32x128xf32, #tpu.memory_space<vmem>>, vector<1x1x16xf32>,
        %swap3A_1463 = vector.shape_cast %swap3A_1462 : vector<1x1x16xf32> to vector<16xf32>
        %swap3A_1464 = vector.shape_cast %get3A_1457 : vector<16xf32> to vector<1x1x16xf32>
        tpu.vector_store %arg10[%swap3A_1459, %swap3A_1460, %swap3A_1461], %swap3A_1464 {add = true, strides = array<i32>} : memref<8x32x128xf32, #tpu.memory_space<vmem>>, vector<1x1x16xf32>,
        %add3A_1465 = arith.constant 1 : i32
        %add3A_1466 = arith.addi %add3A_1261, %add3A_1465 : i32
        %add3A_1467 = arith.constant 1 : i32
        %add3A_1468 = arith.addi %add3A_1261, %add3A_1467 : i32
        %get3A_1469 = arith.constant 6 : i32
        %get3A_1470 = arith.index_cast %get3A_1469 : i32 to index
        %get3A_1471 = arith.index_cast %add3A_1468 : i32 to index
        %get3A_1472 = arith.constant 64 : index
        %get3A_1473 = tpu.vector_load %arg9[%get3A_1470, %get3A_1471, %get3A_1472] {strides = array<i32>} : memref<8x32x128xf32, #tpu.memory_space<vmem>>, vector<1x1x16xf32>,
        %get3A_1474 = vector.shape_cast %get3A_1473 : vector<1x1x16xf32> to vector<16xf32>
        %swap3A_1475 = arith.constant 6 : i32
        %swap3A_1476 = arith.index_cast %swap3A_1475 : i32 to index
        %swap3A_1477 = arith.index_cast %add3A_1466 : i32 to index
        %swap3A_1478 = arith.constant 64 : index
        %swap3A_1479 = tpu.vector_load %arg10[%swap3A_1476, %swap3A_1477, %swap3A_1478] {strides = array<i32>} : memref<8x32x128xf32, #tpu.memory_space<vmem>>, vector<1x1x16xf32>,
        %swap3A_1480 = vector.shape_cast %swap3A_1479 : vector<1x1x16xf32> to vector<16xf32>
        %swap3A_1481 = vector.shape_cast %get3A_1474 : vector<16xf32> to vector<1x1x16xf32>
        tpu.vector_store %arg10[%swap3A_1476, %swap3A_1477, %swap3A_1478], %swap3A_1481 {add = true, strides = array<i32>} : memref<8x32x128xf32, #tpu.memory_space<vmem>>, vector<1x1x16xf32>,
        %add3A_1482 = arith.constant 1 : i32
        %add3A_1483 = arith.addi %add3A_1261, %add3A_1482 : i32
        %add3A_1484 = arith.constant 1 : i32
        %add3A_1485 = arith.addi %add3A_1261, %add3A_1484 : i32
        %get3A_1486 = arith.constant 6 : i32
        %get3A_1487 = arith.index_cast %get3A_1486 : i32 to index
        %get3A_1488 = arith.index_cast %add3A_1485 : i32 to index
        %get3A_1489 = arith.constant 80 : index
        %get3A_1490 = tpu.vector_load %arg9[%get3A_1487, %get3A_1488, %get3A_1489] {strides = array<i32>} : memref<8x32x128xf32, #tpu.memory_space<vmem>>, vector<1x1x16xf32>,
        %get3A_1491 = vector.shape_cast %get3A_1490 : vector<1x1x16xf32> to vector<16xf32>
        %swap3A_1492 = arith.constant 6 : i32
        %swap3A_1493 = arith.index_cast %swap3A_1492 : i32 to index
        %swap3A_1494 = arith.index_cast %add3A_1483 : i32 to index
        %swap3A_1495 = arith.constant 80 : index
        %swap3A_1496 = tpu.vector_load %arg10[%swap3A_1493, %swap3A_1494, %swap3A_1495] {strides = array<i32>} : memref<8x32x128xf32, #tpu.memory_space<vmem>>, vector<1x1x16xf32>,
        %swap3A_1497 = vector.shape_cast %swap3A_1496 : vector<1x1x16xf32> to vector<16xf32>
        %swap3A_1498 = vector.shape_cast %get3A_1491 : vector<16xf32> to vector<1x1x16xf32>
        tpu.vector_store %arg10[%swap3A_1493, %swap3A_1494, %swap3A_1495], %swap3A_1498 {add = true, strides = array<i32>} : memref<8x32x128xf32, #tpu.memory_space<vmem>>, vector<1x1x16xf32>,
        %add3A_1499 = arith.constant 1 : i32
        %add3A_1500 = arith.addi %add3A_1261, %add3A_1499 : i32
        %add3A_1501 = arith.constant 1 : i32
        %add3A_1502 = arith.addi %add3A_1261, %add3A_1501 : i32
        %get3A_1503 = arith.constant 6 : i32
        %get3A_1504 = arith.index_cast %get3A_1503 : i32 to index
        %get3A_1505 = arith.index_cast %add3A_1502 : i32 to index
        %get3A_1506 = arith.constant 96 : index
        %get3A_1507 = tpu.vector_load %arg9[%get3A_1504, %get3A_1505, %get3A_1506] {strides = array<i32>} : memref<8x32x128xf32, #tpu.memory_space<vmem>>, vector<1x1x16xf32>,
        %get3A_1508 = vector.shape_cast %get3A_1507 : vector<1x1x16xf32> to vector<16xf32>
        %swap3A_1509 = arith.constant 6 : i32
        %swap3A_1510 = arith.index_cast %swap3A_1509 : i32 to index
        %swap3A_1511 = arith.index_cast %add3A_1500 : i32 to index
        %swap3A_1512 = arith.constant 96 : index
        %swap3A_1513 = tpu.vector_load %arg10[%swap3A_1510, %swap3A_1511, %swap3A_1512] {strides = array<i32>} : memref<8x32x128xf32, #tpu.memory_space<vmem>>, vector<1x1x16xf32>,
        %swap3A_1514 = vector.shape_cast %swap3A_1513 : vector<1x1x16xf32> to vector<16xf32>
        %swap3A_1515 = vector.shape_cast %get3A_1508 : vector<16xf32> to vector<1x1x16xf32>
        tpu.vector_store %arg10[%swap3A_1510, %swap3A_1511, %swap3A_1512], %swap3A_1515 {add = true, strides = array<i32>} : memref<8x32x128xf32, #tpu.memory_space<vmem>>, vector<1x1x16xf32>,
        %add3A_1516 = arith.constant 1 : i32
        %add3A_1517 = arith.addi %add3A_1261, %add3A_1516 : i32
        %add3A_1518 = arith.constant 1 : i32
        %add3A_1519 = arith.addi %add3A_1261, %add3A_1518 : i32
        %get3A_1520 = arith.constant 6 : i32
        %get3A_1521 = arith.index_cast %get3A_1520 : i32 to index
        %get3A_1522 = arith.index_cast %add3A_1519 : i32 to index
        %get3A_1523 = arith.constant 112 : index
        %get3A_1524 = tpu.vector_load %arg9[%get3A_1521, %get3A_1522, %get3A_1523] {strides = array<i32>} : memref<8x32x128xf32, #tpu.memory_space<vmem>>, vector<1x1x16xf32>,
        %get3A_1525 = vector.shape_cast %get3A_1524 : vector<1x1x16xf32> to vector<16xf32>
        %swap3A_1526 = arith.constant 6 : i32
        %swap3A_1527 = arith.index_cast %swap3A_1526 : i32 to index
        %swap3A_1528 = arith.index_cast %add3A_1517 : i32 to index
        %swap3A_1529 = arith.constant 112 : index
        %swap3A_1530 = tpu.vector_load %arg10[%swap3A_1527, %swap3A_1528, %swap3A_1529] {strides = array<i32>} : memref<8x32x128xf32, #tpu.memory_space<vmem>>, vector<1x1x16xf32>,
        %swap3A_1531 = vector.shape_cast %swap3A_1530 : vector<1x1x16xf32> to vector<16xf32>
        %swap3A_1532 = vector.shape_cast %get3A_1525 : vector<16xf32> to vector<1x1x16xf32>
        tpu.vector_store %arg10[%swap3A_1527, %swap3A_1528, %swap3A_1529], %swap3A_1532 {add = true, strides = array<i32>} : memref<8x32x128xf32, #tpu.memory_space<vmem>>, vector<1x1x16xf32>,
      }
      %scan3A_1105 = arith.constant 16 : i32
      %mul3A_1106 = arith.constant 32 : i32
      %mul3A_1107 = arith.muli %add3A_1030, %mul3A_1106 : i32
      %add3A_1108 = arith.addi %mul3A_2, %mul3A_1107 : i32
      %dma_start3A_1109 = arith.constant 6 : i32
      %dma_start3A_1110 = arith.constant 0 : i32
      %dma_start3A_1111 = arith.constant 0 : i32
      %dma_start3A_1112 = tpu.memref_slice %arg10[%dma_start3A_1109, %dma_start3A_1110, %dma_start3A_1111] : memref<8x32x128xf32, #tpu.memory_space<vmem>> -> memref<1x32x128xf32, #tpu.memory_space<vmem>>
      %dma_start3A_1113 = tpu.memref_squeeze %dma_start3A_1112 : memref<1x32x128xf32, #tpu.memory_space<vmem>> -> memref<32x128xf32, #tpu.memory_space<vmem>>
      %dma_start3A_1114 = arith.constant 0 : i32
      %dma_start3A_1115 = tpu.memref_slice %arg5[%add3A_1108, %dma_start3A_1114] : memref<262144x128xf32, #tpu.memory_space<hbm>> -> memref<32x128xf32, #tpu.memory_space<hbm>>
      %dma_start3A_1116 = arith.constant 0 : i32
      %dma_start3A_1117 = tpu.memref_slice %arg5[%add3A_1108, %dma_start3A_1116] : memref<262144x128xf32, #tpu.memory_space<hbm>> -> memref<32x128xf32, #tpu.memory_space<hbm>>
      %dma_start3A_1118 = arith.constant 0 : i32
      %dma_start3A_1119 = arith.constant 0 : i32
      %dma_start3A_1120 = tpu.memref_slice %arg10[%dma_start3A_1109, %dma_start3A_1118, %dma_start3A_1119] : memref<8x32x128xf32, #tpu.memory_space<vmem>> -> memref<1x32x128xf32, #tpu.memory_space<vmem>>
      %dma_start3A_1121 = tpu.memref_squeeze %dma_start3A_1120 : memref<1x32x128xf32, #tpu.memory_space<vmem>> -> memref<32x128xf32, #tpu.memory_space<vmem>>
      tpu.enqueue_dma source(%dma_start3A_1121 : memref<32x128xf32, #tpu.memory_space<vmem>>) target(%dma_start3A_1117 : memref<32x128xf32, #tpu.memory_space<hbm>>) target_semaphore(%arg33 : memref<!tpu.dma_semaphore, #tpu.memory_space<semaphore_mem>>)
      %add3A_1122 = arith.constant 8 : i32
      %add3A_1123 = arith.addi %add3A_1030, %add3A_1122 : i32
      %lt3A_1124 = arith.constant 256 : i32
      %lt3A_1125 = arith.cmpi slt, %add3A_1123, %lt3A_1124 : i32
      %convert_element_type3A_1126 = arith.extui %lt3A_1125 : i1 to i32
      %cond3A_1127 = arith.constant 0 : i32
      %cond3A_1128 = arith.cmpi ne, %convert_element_type3A_1126, %cond3A_1127 : i32
      scf.if %cond3A_1128 {
        %add3A_1257 = arith.constant 8 : i32
        %add3A_1258 = arith.addi %add3A_1030, %add3A_1257 : i32
        %mul3A_1259 = arith.constant 32 : i32
        %mul3A_1260 = arith.muli %add3A_1258, %mul3A_1259 : i32
        %add3A_1261 = arith.addi %mul3A_2, %mul3A_1260 : i32
        %dma_start3A_1262 = arith.constant 6 : i32
        %dma_start3A_1263 = arith.constant 0 : i32
        %dma_start3A_1264 = arith.constant 0 : i32
        %dma_start3A_1265 = tpu.memref_slice %arg9[%dma_start3A_1262, %dma_start3A_1263, %dma_start3A_1264] : memref<8x32x128xf32, #tpu.memory_space<vmem>> -> memref<1x32x128xf32, #tpu.memory_space<vmem>>
        %dma_start3A_1266 = tpu.memref_squeeze %dma_start3A_1265 : memref<1x32x128xf32, #tpu.memory_space<vmem>> -> memref<32x128xf32, #tpu.memory_space<vmem>>
        %dma_start3A_1267 = arith.constant 0 : i32
        %dma_start3A_1268 = tpu.memref_slice %arg2[%add3A_1261, %dma_start3A_1267] : memref<262144x128xf32, #tpu.memory_space<hbm>> -> memref<32x128xf32, #tpu.memory_space<hbm>>
        %dma_start3A_1269 = arith.constant 0 : i32
        %dma_start3A_1270 = arith.constant 0 : i32
        %dma_start3A_1271 = tpu.memref_slice %arg9[%dma_start3A_1262, %dma_start3A_1269, %dma_start3A_1270] : memref<8x32x128xf32, #tpu.memory_space<vmem>> -> memref<1x32x128xf32, #tpu.memory_space<vmem>>
        %dma_start3A_1272 = tpu.memref_squeeze %dma_start3A_1271 : memref<1x32x128xf32, #tpu.memory_space<vmem>> -> memref<32x128xf32, #tpu.memory_space<vmem>>
        %dma_start3A_1273 = arith.constant 0 : i32
        %dma_start3A_1274 = tpu.memref_slice %arg2[%add3A_1261, %dma_start3A_1273] : memref<262144x128xf32, #tpu.memory_space<hbm>> -> memref<32x128xf32, #tpu.memory_space<hbm>>
        tpu.enqueue_dma source(%dma_start3A_1274 : memref<32x128xf32, #tpu.memory_space<hbm>>) target(%dma_start3A_1272 : memref<32x128xf32, #tpu.memory_space<vmem>>) target_semaphore(%arg17 : memref<!tpu.dma_semaphore, #tpu.memory_space<semaphore_mem>>)
      } else {
      }
      %ge3A_1129 = arith.constant 1 : i32
      %ge3A_1130 = arith.cmpi sge, %add3A_1030, %ge3A_1129 : i32
      %convert_element_type3A_1131 = arith.extui %ge3A_1130 : i1 to i32
      %cond3A_1132 = arith.constant 0 : i32
      %cond3A_1133 = arith.cmpi ne, %convert_element_type3A_1131, %cond3A_1132 : i32
      scf.if %cond3A_1133 {
        %sub3A_1257 = arith.constant 1 : i32
        %sub3A_1258 = arith.subi %add3A_1030, %sub3A_1257 : i32
        %mul3A_1259 = arith.constant 32 : i32
        %mul3A_1260 = arith.muli %sub3A_1258, %mul3A_1259 : i32
        %add3A_1261 = arith.addi %mul3A_2, %mul3A_1260 : i32
        %dma_wait3A_1262 = arith.constant 5 : i32
        %dma_wait3A_1263 = arith.constant 0 : i32
        %dma_wait3A_1264 = arith.constant 0 : i32
        %dma_wait3A_1265 = tpu.memref_slice %arg10[%dma_wait3A_1262, %dma_wait3A_1263, %dma_wait3A_1264] : memref<8x32x128xf32, #tpu.memory_space<vmem>> -> memref<1x32x128xf32, #tpu.memory_space<vmem>>
        %dma_wait3A_1266 = tpu.memref_squeeze %dma_wait3A_1265 : memref<1x32x128xf32, #tpu.memory_space<vmem>> -> memref<32x128xf32, #tpu.memory_space<vmem>>
        %dma_wait3A_1267 = arith.constant 0 : i32
        %dma_wait3A_1268 = tpu.memref_slice %arg5[%add3A_1261, %dma_wait3A_1267] : memref<262144x128xf32, #tpu.memory_space<hbm>> -> memref<32x128xf32, #tpu.memory_space<hbm>>
        %dma_wait3A_1269 = arith.constant 0 : i32
        %dma_wait3A_1270 = tpu.memref_slice %arg5[%add3A_1261, %dma_wait3A_1269] : memref<262144x128xf32, #tpu.memory_space<hbm>> -> memref<32x128xf32, #tpu.memory_space<hbm>>
        %dma_wait3A_1271 = arith.constant 0 : i32
        %dma_wait3A_1272 = arith.constant 0 : i32
        %dma_wait3A_1273 = tpu.memref_slice %arg10[%dma_wait3A_1262, %dma_wait3A_1271, %dma_wait3A_1272] : memref<8x32x128xf32, #tpu.memory_space<vmem>> -> memref<1x32x128xf32, #tpu.memory_space<vmem>>
        %dma_wait3A_1274 = tpu.memref_squeeze %dma_wait3A_1273 : memref<1x32x128xf32, #tpu.memory_space<vmem>> -> memref<32x128xf32, #tpu.memory_space<vmem>>
        tpu.wait_dma2 semaphore(%arg32 : memref<!tpu.dma_semaphore, #tpu.memory_space<semaphore_mem>>) src(%dma_wait3A_1274 : memref<32x128xf32, #tpu.memory_space<vmem>>) dst(%dma_wait3A_1270 : memref<32x128xf32, #tpu.memory_space<hbm>>)
      } else {
      }
      %add3A_1134 = arith.constant 8 : i32
      %add3A_1135 = arith.addi %add3A_1030, %add3A_1134 : i32
      %sub3A_1136 = arith.constant 1 : i32
      %sub3A_1137 = arith.subi %add3A_1135, %sub3A_1136 : i32
      %lt3A_1138 = arith.constant 256 : i32
      %lt3A_1139 = arith.cmpi slt, %sub3A_1137, %lt3A_1138 : i32
      %convert_element_type3A_1140 = arith.extui %lt3A_1139 : i1 to i32
      %cond3A_1141 = arith.constant 0 : i32
      %cond3A_1142 = arith.cmpi ne, %convert_element_type3A_1140, %cond3A_1141 : i32
      scf.if %cond3A_1142 {
        %add3A_1257 = arith.constant 8 : i32
        %add3A_1258 = arith.addi %add3A_1030, %add3A_1257 : i32
        %sub3A_1259 = arith.constant 1 : i32
        %sub3A_1260 = arith.subi %add3A_1258, %sub3A_1259 : i32
        %mul3A_1261 = arith.constant 32 : i32
        %mul3A_1262 = arith.muli %sub3A_1260, %mul3A_1261 : i32
        %jit3A_1263 = arith.constant 128 : i32
        %div3A_1264 = arith.divsi %mul3A_1262, %jit3A_1263 : i32
        %sign3A_1265 = arith.constant 0 : i32
        %sign3A_1266 = arith.cmpi sgt, %mul3A_1262, %sign3A_1265 : i32
        %sign3A_1267 = arith.extui %sign3A_1266 : i1 to i32
        %sign3A_1268 = arith.constant 0 : i32
        %sign3A_1269 = arith.cmpi slt, %mul3A_1262, %sign3A_1268 : i32
        %sign3A_1270 = arith.extui %sign3A_1269 : i1 to i32
        %sign3A_1271 = arith.subi %sign3A_1267, %sign3A_1270 : i32
        %sign3A_1272 = arith.constant 0 : i32
        %sign3A_1273 = arith.cmpi sgt, %jit3A_1263, %sign3A_1272 : i32
        %sign3A_1274 = arith.extui %sign3A_1273 : i1 to i32
        %sign3A_1275 = arith.constant 0 : i32
        %sign3A_1276 = arith.cmpi slt, %jit3A_1263, %sign3A_1275 : i32
        %sign3A_1277 = arith.extui %sign3A_1276 : i1 to i32
        %sign3A_1278 = arith.subi %sign3A_1274, %sign3A_1277 : i32
        %ne3A_1279 = arith.cmpi ne, %sign3A_1271, %sign3A_1278 : i32
        %rem3A_1280 = arith.remsi %mul3A_1262, %jit3A_1263 : i32
        %ne3A_1281 = arith.constant 0 : i32
        %ne3A_1282 = arith.cmpi ne, %rem3A_1280, %ne3A_1281 : i32
        %and3A_1283 = arith.andi %ne3A_1279, %ne3A_1282 : i1
        %sub3A_1284 = arith.constant 1 : i32
        %sub3A_1285 = arith.subi %div3A_1264, %sub3A_1284 : i32
        %select_n3A_1286 = arith.select %and3A_1283, %sub3A_1285, %div3A_1264 : i32
        %mul3A_1287 = arith.constant 32 : i32
        %mul3A_1288 = arith.muli %sub3A_1260, %mul3A_1287 : i32
        %jit3A_1289 = arith.constant 128 : i32
        %eq3A_1290 = arith.constant 0 : i32
        %eq3A_1291 = arith.cmpi eq, %jit3A_1289, %eq3A_1290 : i32
        %jit3A_1292 = arith.constant 1 : i32
        %select_n3A_1293 = arith.select %eq3A_1291, %jit3A_1292, %jit3A_1289 : i32
        %rem3A_1294 = arith.remsi %mul3A_1288, %select_n3A_1293 : i32
        %ne3A_1295 = arith.constant 0 : i32
        %ne3A_1296 = arith.cmpi ne, %rem3A_1294, %ne3A_1295 : i32
        %lt3A_1297 = arith.constant 0 : i32
        %lt3A_1298 = arith.cmpi slt, %rem3A_1294, %lt3A_1297 : i32
        %lt3A_1299 = arith.constant 0 : i32
        %lt3A_1300 = arith.cmpi slt, %select_n3A_1293, %lt3A_1299 : i32
        %ne3A_1301 = arith.xori %lt3A_1298, %lt3A_1300 : i1
        %and3A_1302 = arith.andi %ne3A_1301, %ne3A_1296 : i1
        %add3A_1303 = arith.addi %rem3A_1294, %select_n3A_1293 : i32
        %select_n3A_1304 = arith.select %and3A_1302, %add3A_1303, %rem3A_1294 : i32
        %dma_start3A_1305 = arith.constant 5 : i32
        %dma_start3A_1306 = arith.constant 0 : i32
        %dma_start3A_1307 = arith.constant 0 : i32
        %dma_start3A_1308 = tpu.memref_slice %arg10[%dma_start3A_1305, %dma_start3A_1306, %dma_start3A_1307] : memref<8x32x128xf32, #tpu.memory_space<vmem>> -> memref<1x32x128xf32, #tpu.memory_space<vmem>>
        %dma_start3A_1309 = tpu.memref_squeeze %dma_start3A_1308 : memref<1x32x128xf32, #tpu.memory_space<vmem>> -> memref<32x128xf32, #tpu.memory_space<vmem>>
        %dma_start3A_1310 = tpu.memref_slice %arg7[%select_n3A_1286, %select_n3A_1304] : memref<64x128xi32, #tpu.memory_space<vmem>> -> memref<1x32xi32, #tpu.memory_space<vmem>>
        %dma_start3A_1311 = tpu.memref_squeeze %dma_start3A_1310 : memref<1x32xi32, #tpu.memory_space<vmem>> -> memref<32xi32, #tpu.memory_space<vmem>>
        %dma_start3A_1312 = arith.constant 0 : i32
        %dma_start3A_1313 = arith.constant 0 : i32
        %dma_start3A_1314 = tpu.memref_slice %arg8[%dma_start3A_1312, %dma_start3A_1313] : memref<5000x128xf32, #tpu.memory_space<vmem_shared>> -> memref<5000x128xf32, #tpu.memory_space<vmem_shared>>
        tpu.enqueue_indirect_dma source(%dma_start3A_1314 : memref<5000x128xf32, #tpu.memory_space<vmem_shared>>) target(%dma_start3A_1309 : memref<32x128xf32, #tpu.memory_space<vmem>>) offsets(%dma_start3A_1311 : memref<32xi32, #tpu.memory_space<vmem>>) semaphore(%arg24 : memref<!tpu.dma_semaphore, #tpu.memory_space<semaphore_mem>>)
      } else {
      }
      %add3A_1143 = arith.constant 7 : i32
      %add3A_1144 = arith.addi %add3A_345, %add3A_1143 : i32
      %mul3A_1145 = arith.constant 32 : i32
      %mul3A_1146 = arith.muli %add3A_1144, %mul3A_1145 : i32
      %add3A_1147 = arith.addi %mul3A_2, %mul3A_1146 : i32
      %dma_wait3A_1148 = arith.constant 7 : i32
      %dma_wait3A_1149 = arith.constant 0 : i32
      %dma_wait3A_1150 = arith.constant 0 : i32
      %dma_wait3A_1151 = tpu.memref_slice %arg9[%dma_wait3A_1148, %dma_wait3A_1149, %dma_wait3A_1150] : memref<8x32x128xf32, #tpu.memory_space<vmem>> -> memref<1x32x128xf32, #tpu.memory_space<vmem>>
      %dma_wait3A_1152 = tpu.memref_squeeze %dma_wait3A_1151 : memref<1x32x128xf32, #tpu.memory_space<vmem>> -> memref<32x128xf32, #tpu.memory_space<vmem>>
      %dma_wait3A_1153 = arith.constant 0 : i32
      %dma_wait3A_1154 = tpu.memref_slice %arg2[%add3A_1147, %dma_wait3A_1153] : memref<262144x128xf32, #tpu.memory_space<hbm>> -> memref<32x128xf32, #tpu.memory_space<hbm>>
      %dma_wait3A_1155 = arith.constant 0 : i32
      %dma_wait3A_1156 = arith.constant 0 : i32
      %dma_wait3A_1157 = tpu.memref_slice %arg9[%dma_wait3A_1148, %dma_wait3A_1155, %dma_wait3A_1156] : memref<8x32x128xf32, #tpu.memory_space<vmem>> -> memref<1x32x128xf32, #tpu.memory_space<vmem>>
      %dma_wait3A_1158 = tpu.memref_squeeze %dma_wait3A_1157 : memref<1x32x128xf32, #tpu.memory_space<vmem>> -> memref<32x128xf32, #tpu.memory_space<vmem>>
      %dma_wait3A_1159 = arith.constant 0 : i32
      %dma_wait3A_1160 = tpu.memref_slice %arg2[%add3A_1147, %dma_wait3A_1159] : memref<262144x128xf32, #tpu.memory_space<hbm>> -> memref<32x128xf32, #tpu.memory_space<hbm>>
      tpu.wait_dma2 semaphore(%arg18 : memref<!tpu.dma_semaphore, #tpu.memory_space<semaphore_mem>>) src(%dma_wait3A_1160 : memref<32x128xf32, #tpu.memory_space<hbm>>) dst(%dma_wait3A_1158 : memref<32x128xf32, #tpu.memory_space<vmem>>)
      %mul3A_1161 = arith.constant 32 : i32
      %mul3A_1162 = arith.muli %add3A_1144, %mul3A_1161 : i32
      %jit3A_1163 = arith.constant 128 : i32
      %div3A_1164 = arith.divsi %mul3A_1162, %jit3A_1163 : i32
      %sign3A_1165 = arith.constant 0 : i32
      %sign3A_1166 = arith.cmpi sgt, %mul3A_1162, %sign3A_1165 : i32
      %sign3A_1167 = arith.extui %sign3A_1166 : i1 to i32
      %sign3A_1168 = arith.constant 0 : i32
      %sign3A_1169 = arith.cmpi slt, %mul3A_1162, %sign3A_1168 : i32
      %sign3A_1170 = arith.extui %sign3A_1169 : i1 to i32
      %sign3A_1171 = arith.subi %sign3A_1167, %sign3A_1170 : i32
      %sign3A_1172 = arith.constant 0 : i32
      %sign3A_1173 = arith.cmpi sgt, %jit3A_1163, %sign3A_1172 : i32
      %sign3A_1174 = arith.extui %sign3A_1173 : i1 to i32
      %sign3A_1175 = arith.constant 0 : i32
      %sign3A_1176 = arith.cmpi slt, %jit3A_1163, %sign3A_1175 : i32
      %sign3A_1177 = arith.extui %sign3A_1176 : i1 to i32
      %sign3A_1178 = arith.subi %sign3A_1174, %sign3A_1177 : i32
      %ne3A_1179 = arith.cmpi ne, %sign3A_1171, %sign3A_1178 : i32
      %rem3A_1180 = arith.remsi %mul3A_1162, %jit3A_1163 : i32
      %ne3A_1181 = arith.constant 0 : i32
      %ne3A_1182 = arith.cmpi ne, %rem3A_1180, %ne3A_1181 : i32
      %and3A_1183 = arith.andi %ne3A_1179, %ne3A_1182 : i1
      %sub3A_1184 = arith.constant 1 : i32
      %sub3A_1185 = arith.subi %div3A_1164, %sub3A_1184 : i32
      %select_n3A_1186 = arith.select %and3A_1183, %sub3A_1185, %div3A_1164 : i32
      %mul3A_1187 = arith.constant 32 : i32
      %mul3A_1188 = arith.muli %add3A_1144, %mul3A_1187 : i32
      %jit3A_1189 = arith.constant 128 : i32
      %eq3A_1190 = arith.constant 0 : i32
      %eq3A_1191 = arith.cmpi eq, %jit3A_1189, %eq3A_1190 : i32
      %jit3A_1192 = arith.constant 1 : i32
      %select_n3A_1193 = arith.select %eq3A_1191, %jit3A_1192, %jit3A_1189 : i32
      %rem3A_1194 = arith.remsi %mul3A_1188, %select_n3A_1193 : i32
      %ne3A_1195 = arith.constant 0 : i32
      %ne3A_1196 = arith.cmpi ne, %rem3A_1194, %ne3A_1195 : i32
      %lt3A_1197 = arith.constant 0 : i32
      %lt3A_1198 = arith.cmpi slt, %rem3A_1194, %lt3A_1197 : i32
      %lt3A_1199 = arith.constant 0 : i32
      %lt3A_1200 = arith.cmpi slt, %select_n3A_1193, %lt3A_1199 : i32
      %ne3A_1201 = arith.xori %lt3A_1198, %lt3A_1200 : i1
      %and3A_1202 = arith.andi %ne3A_1201, %ne3A_1196 : i1
      %add3A_1203 = arith.addi %rem3A_1194, %select_n3A_1193 : i32
      %select_n3A_1204 = arith.select %and3A_1202, %add3A_1203, %rem3A_1194 : i32
      %dma_wait3A_1205 = arith.constant 7 : i32
      %dma_wait3A_1206 = arith.constant 0 : i32
      %dma_wait3A_1207 = arith.constant 0 : i32
      %dma_wait3A_1208 = tpu.memref_slice %arg10[%dma_wait3A_1205, %dma_wait3A_1206, %dma_wait3A_1207] : memref<8x32x128xf32, #tpu.memory_space<vmem>> -> memref<1x32x128xf32, #tpu.memory_space<vmem>>
      %dma_wait3A_1209 = tpu.memref_squeeze %dma_wait3A_1208 : memref<1x32x128xf32, #tpu.memory_space<vmem>> -> memref<32x128xf32, #tpu.memory_space<vmem>>
      %dma_wait3A_1210 = tpu.memref_slice %arg7[%select_n3A_1186, %select_n3A_1204] : memref<64x128xi32, #tpu.memory_space<vmem>> -> memref<1x32xi32, #tpu.memory_space<vmem>>
      %dma_wait3A_1211 = tpu.memref_squeeze %dma_wait3A_1210 : memref<1x32xi32, #tpu.memory_space<vmem>> -> memref<32xi32, #tpu.memory_space<vmem>>
      %dma_wait3A_1212 = arith.constant 0 : i32
      %dma_wait3A_1213 = arith.constant 0 : i32
      %dma_wait3A_1214 = tpu.memref_slice %arg8[%dma_wait3A_1212, %dma_wait3A_1213] : memref<5000x128xf32, #tpu.memory_space<vmem_shared>> -> memref<5000x128xf32, #tpu.memory_space<vmem_shared>>
      tpu.wait_indirect_dma semaphore(%arg26 : memref<!tpu.dma_semaphore, #tpu.memory_space<semaphore_mem>>) src(%dma_wait3A_1214 : memref<5000x128xf32, #tpu.memory_space<vmem_shared>>) dst(%dma_wait3A_1209 : memref<32x128xf32, #tpu.memory_space<vmem>>)
      %scan3A_1215 = arith.constant 0 : i32
      %scan3A_1216 = arith.constant 16 : i32
      %scan3A_1217 = arith.addi %scan3A_1215, %scan3A_1216 : i32
      %scan3A_1218 = arith.constant 1 : i32
      scf.for %scan3A_1257 = %scan3A_1215 to %scan3A_1217 step %scan3A_1218  : i32 {
        %mul3A_1258 = arith.constant 2 : i32
        %mul3A_1259 = arith.muli %scan3A_1257, %mul3A_1258 : i32
        %add3A_1260 = arith.constant 0 : i32
        %add3A_1261 = arith.addi %add3A_1260, %mul3A_1259 : i32
        %add3A_1262 = arith.constant 0 : i32
        %add3A_1263 = arith.addi %add3A_1261, %add3A_1262 : i32
        %add3A_1264 = arith.constant 0 : i32
        %add3A_1265 = arith.addi %add3A_1261, %add3A_1264 : i32
        %get3A_1266 = arith.constant 7 : i32
        %get3A_1267 = arith.index_cast %get3A_1266 : i32 to index
        %get3A_1268 = arith.index_cast %add3A_1265 : i32 to index
        %get3A_1269 = arith.constant 0 : index
        %get3A_1270 = tpu.vector_load %arg9[%get3A_1267, %get3A_1268, %get3A_1269] {strides = array<i32>} : memref<8x32x128xf32, #tpu.memory_space<vmem>>, vector<1x1x16xf32>,
        %get3A_1271 = vector.shape_cast %get3A_1270 : vector<1x1x16xf32> to vector<16xf32>
        %swap3A = arith.constant 7 : i32
        %swap3A_1272 = arith.index_cast %swap3A : i32 to index
        %swap3A_1273 = arith.index_cast %add3A_1263 : i32 to index
        %swap3A_1274 = arith.constant 0 : index
        %swap3A_1275 = tpu.vector_load %arg10[%swap3A_1272, %swap3A_1273, %swap3A_1274] {strides = array<i32>} : memref<8x32x128xf32, #tpu.memory_space<vmem>>, vector<1x1x16xf32>,
        %swap3A_1276 = vector.shape_cast %swap3A_1275 : vector<1x1x16xf32> to vector<16xf32>
        %swap3A_1277 = vector.shape_cast %get3A_1271 : vector<16xf32> to vector<1x1x16xf32>
        tpu.vector_store %arg10[%swap3A_1272, %swap3A_1273, %swap3A_1274], %swap3A_1277 {add = true, strides = array<i32>} : memref<8x32x128xf32, #tpu.memory_space<vmem>>, vector<1x1x16xf32>,
        %add3A_1278 = arith.constant 0 : i32
        %add3A_1279 = arith.addi %add3A_1261, %add3A_1278 : i32
        %add3A_1280 = arith.constant 0 : i32
        %add3A_1281 = arith.addi %add3A_1261, %add3A_1280 : i32
        %get3A_1282 = arith.constant 7 : i32
        %get3A_1283 = arith.index_cast %get3A_1282 : i32 to index
        %get3A_1284 = arith.index_cast %add3A_1281 : i32 to index
        %get3A_1285 = arith.constant 16 : index
        %get3A_1286 = tpu.vector_load %arg9[%get3A_1283, %get3A_1284, %get3A_1285] {strides = array<i32>} : memref<8x32x128xf32, #tpu.memory_space<vmem>>, vector<1x1x16xf32>,
        %get3A_1287 = vector.shape_cast %get3A_1286 : vector<1x1x16xf32> to vector<16xf32>
        %swap3A_1288 = arith.constant 7 : i32
        %swap3A_1289 = arith.index_cast %swap3A_1288 : i32 to index
        %swap3A_1290 = arith.index_cast %add3A_1279 : i32 to index
        %swap3A_1291 = arith.constant 16 : index
        %swap3A_1292 = tpu.vector_load %arg10[%swap3A_1289, %swap3A_1290, %swap3A_1291] {strides = array<i32>} : memref<8x32x128xf32, #tpu.memory_space<vmem>>, vector<1x1x16xf32>,
        %swap3A_1293 = vector.shape_cast %swap3A_1292 : vector<1x1x16xf32> to vector<16xf32>
        %swap3A_1294 = vector.shape_cast %get3A_1287 : vector<16xf32> to vector<1x1x16xf32>
        tpu.vector_store %arg10[%swap3A_1289, %swap3A_1290, %swap3A_1291], %swap3A_1294 {add = true, strides = array<i32>} : memref<8x32x128xf32, #tpu.memory_space<vmem>>, vector<1x1x16xf32>,
        %add3A_1295 = arith.constant 0 : i32
        %add3A_1296 = arith.addi %add3A_1261, %add3A_1295 : i32
        %add3A_1297 = arith.constant 0 : i32
        %add3A_1298 = arith.addi %add3A_1261, %add3A_1297 : i32
        %get3A_1299 = arith.constant 7 : i32
        %get3A_1300 = arith.index_cast %get3A_1299 : i32 to index
        %get3A_1301 = arith.index_cast %add3A_1298 : i32 to index
        %get3A_1302 = arith.constant 32 : index
        %get3A_1303 = tpu.vector_load %arg9[%get3A_1300, %get3A_1301, %get3A_1302] {strides = array<i32>} : memref<8x32x128xf32, #tpu.memory_space<vmem>>, vector<1x1x16xf32>,
        %get3A_1304 = vector.shape_cast %get3A_1303 : vector<1x1x16xf32> to vector<16xf32>
        %swap3A_1305 = arith.constant 7 : i32
        %swap3A_1306 = arith.index_cast %swap3A_1305 : i32 to index
        %swap3A_1307 = arith.index_cast %add3A_1296 : i32 to index
        %swap3A_1308 = arith.constant 32 : index
        %swap3A_1309 = tpu.vector_load %arg10[%swap3A_1306, %swap3A_1307, %swap3A_1308] {strides = array<i32>} : memref<8x32x128xf32, #tpu.memory_space<vmem>>, vector<1x1x16xf32>,
        %swap3A_1310 = vector.shape_cast %swap3A_1309 : vector<1x1x16xf32> to vector<16xf32>
        %swap3A_1311 = vector.shape_cast %get3A_1304 : vector<16xf32> to vector<1x1x16xf32>
        tpu.vector_store %arg10[%swap3A_1306, %swap3A_1307, %swap3A_1308], %swap3A_1311 {add = true, strides = array<i32>} : memref<8x32x128xf32, #tpu.memory_space<vmem>>, vector<1x1x16xf32>,
        %add3A_1312 = arith.constant 0 : i32
        %add3A_1313 = arith.addi %add3A_1261, %add3A_1312 : i32
        %add3A_1314 = arith.constant 0 : i32
        %add3A_1315 = arith.addi %add3A_1261, %add3A_1314 : i32
        %get3A_1316 = arith.constant 7 : i32
        %get3A_1317 = arith.index_cast %get3A_1316 : i32 to index
        %get3A_1318 = arith.index_cast %add3A_1315 : i32 to index
        %get3A_1319 = arith.constant 48 : index
        %get3A_1320 = tpu.vector_load %arg9[%get3A_1317, %get3A_1318, %get3A_1319] {strides = array<i32>} : memref<8x32x128xf32, #tpu.memory_space<vmem>>, vector<1x1x16xf32>,
        %get3A_1321 = vector.shape_cast %get3A_1320 : vector<1x1x16xf32> to vector<16xf32>
        %swap3A_1322 = arith.constant 7 : i32
        %swap3A_1323 = arith.index_cast %swap3A_1322 : i32 to index
        %swap3A_1324 = arith.index_cast %add3A_1313 : i32 to index
        %swap3A_1325 = arith.constant 48 : index
        %swap3A_1326 = tpu.vector_load %arg10[%swap3A_1323, %swap3A_1324, %swap3A_1325] {strides = array<i32>} : memref<8x32x128xf32, #tpu.memory_space<vmem>>, vector<1x1x16xf32>,
        %swap3A_1327 = vector.shape_cast %swap3A_1326 : vector<1x1x16xf32> to vector<16xf32>
        %swap3A_1328 = vector.shape_cast %get3A_1321 : vector<16xf32> to vector<1x1x16xf32>
        tpu.vector_store %arg10[%swap3A_1323, %swap3A_1324, %swap3A_1325], %swap3A_1328 {add = true, strides = array<i32>} : memref<8x32x128xf32, #tpu.memory_space<vmem>>, vector<1x1x16xf32>,
        %add3A_1329 = arith.constant 0 : i32
        %add3A_1330 = arith.addi %add3A_1261, %add3A_1329 : i32
        %add3A_1331 = arith.constant 0 : i32
        %add3A_1332 = arith.addi %add3A_1261, %add3A_1331 : i32
        %get3A_1333 = arith.constant 7 : i32
        %get3A_1334 = arith.index_cast %get3A_1333 : i32 to index
        %get3A_1335 = arith.index_cast %add3A_1332 : i32 to index
        %get3A_1336 = arith.constant 64 : index
        %get3A_1337 = tpu.vector_load %arg9[%get3A_1334, %get3A_1335, %get3A_1336] {strides = array<i32>} : memref<8x32x128xf32, #tpu.memory_space<vmem>>, vector<1x1x16xf32>,
        %get3A_1338 = vector.shape_cast %get3A_1337 : vector<1x1x16xf32> to vector<16xf32>
        %swap3A_1339 = arith.constant 7 : i32
        %swap3A_1340 = arith.index_cast %swap3A_1339 : i32 to index
        %swap3A_1341 = arith.index_cast %add3A_1330 : i32 to index
        %swap3A_1342 = arith.constant 64 : index
        %swap3A_1343 = tpu.vector_load %arg10[%swap3A_1340, %swap3A_1341, %swap3A_1342] {strides = array<i32>} : memref<8x32x128xf32, #tpu.memory_space<vmem>>, vector<1x1x16xf32>,
        %swap3A_1344 = vector.shape_cast %swap3A_1343 : vector<1x1x16xf32> to vector<16xf32>
        %swap3A_1345 = vector.shape_cast %get3A_1338 : vector<16xf32> to vector<1x1x16xf32>
        tpu.vector_store %arg10[%swap3A_1340, %swap3A_1341, %swap3A_1342], %swap3A_1345 {add = true, strides = array<i32>} : memref<8x32x128xf32, #tpu.memory_space<vmem>>, vector<1x1x16xf32>,
        %add3A_1346 = arith.constant 0 : i32
        %add3A_1347 = arith.addi %add3A_1261, %add3A_1346 : i32
        %add3A_1348 = arith.constant 0 : i32
        %add3A_1349 = arith.addi %add3A_1261, %add3A_1348 : i32
        %get3A_1350 = arith.constant 7 : i32
        %get3A_1351 = arith.index_cast %get3A_1350 : i32 to index
        %get3A_1352 = arith.index_cast %add3A_1349 : i32 to index
        %get3A_1353 = arith.constant 80 : index
        %get3A_1354 = tpu.vector_load %arg9[%get3A_1351, %get3A_1352, %get3A_1353] {strides = array<i32>} : memref<8x32x128xf32, #tpu.memory_space<vmem>>, vector<1x1x16xf32>,
        %get3A_1355 = vector.shape_cast %get3A_1354 : vector<1x1x16xf32> to vector<16xf32>
        %swap3A_1356 = arith.constant 7 : i32
        %swap3A_1357 = arith.index_cast %swap3A_1356 : i32 to index
        %swap3A_1358 = arith.index_cast %add3A_1347 : i32 to index
        %swap3A_1359 = arith.constant 80 : index
        %swap3A_1360 = tpu.vector_load %arg10[%swap3A_1357, %swap3A_1358, %swap3A_1359] {strides = array<i32>} : memref<8x32x128xf32, #tpu.memory_space<vmem>>, vector<1x1x16xf32>,
        %swap3A_1361 = vector.shape_cast %swap3A_1360 : vector<1x1x16xf32> to vector<16xf32>
        %swap3A_1362 = vector.shape_cast %get3A_1355 : vector<16xf32> to vector<1x1x16xf32>
        tpu.vector_store %arg10[%swap3A_1357, %swap3A_1358, %swap3A_1359], %swap3A_1362 {add = true, strides = array<i32>} : memref<8x32x128xf32, #tpu.memory_space<vmem>>, vector<1x1x16xf32>,
        %add3A_1363 = arith.constant 0 : i32
        %add3A_1364 = arith.addi %add3A_1261, %add3A_1363 : i32
        %add3A_1365 = arith.constant 0 : i32
        %add3A_1366 = arith.addi %add3A_1261, %add3A_1365 : i32
        %get3A_1367 = arith.constant 7 : i32
        %get3A_1368 = arith.index_cast %get3A_1367 : i32 to index
        %get3A_1369 = arith.index_cast %add3A_1366 : i32 to index
        %get3A_1370 = arith.constant 96 : index
        %get3A_1371 = tpu.vector_load %arg9[%get3A_1368, %get3A_1369, %get3A_1370] {strides = array<i32>} : memref<8x32x128xf32, #tpu.memory_space<vmem>>, vector<1x1x16xf32>,
        %get3A_1372 = vector.shape_cast %get3A_1371 : vector<1x1x16xf32> to vector<16xf32>
        %swap3A_1373 = arith.constant 7 : i32
        %swap3A_1374 = arith.index_cast %swap3A_1373 : i32 to index
        %swap3A_1375 = arith.index_cast %add3A_1364 : i32 to index
        %swap3A_1376 = arith.constant 96 : index
        %swap3A_1377 = tpu.vector_load %arg10[%swap3A_1374, %swap3A_1375, %swap3A_1376] {strides = array<i32>} : memref<8x32x128xf32, #tpu.memory_space<vmem>>, vector<1x1x16xf32>,
        %swap3A_1378 = vector.shape_cast %swap3A_1377 : vector<1x1x16xf32> to vector<16xf32>
        %swap3A_1379 = vector.shape_cast %get3A_1372 : vector<16xf32> to vector<1x1x16xf32>
        tpu.vector_store %arg10[%swap3A_1374, %swap3A_1375, %swap3A_1376], %swap3A_1379 {add = true, strides = array<i32>} : memref<8x32x128xf32, #tpu.memory_space<vmem>>, vector<1x1x16xf32>,
        %add3A_1380 = arith.constant 0 : i32
        %add3A_1381 = arith.addi %add3A_1261, %add3A_1380 : i32
        %add3A_1382 = arith.constant 0 : i32
        %add3A_1383 = arith.addi %add3A_1261, %add3A_1382 : i32
        %get3A_1384 = arith.constant 7 : i32
        %get3A_1385 = arith.index_cast %get3A_1384 : i32 to index
        %get3A_1386 = arith.index_cast %add3A_1383 : i32 to index
        %get3A_1387 = arith.constant 112 : index
        %get3A_1388 = tpu.vector_load %arg9[%get3A_1385, %get3A_1386, %get3A_1387] {strides = array<i32>} : memref<8x32x128xf32, #tpu.memory_space<vmem>>, vector<1x1x16xf32>,
        %get3A_1389 = vector.shape_cast %get3A_1388 : vector<1x1x16xf32> to vector<16xf32>
        %swap3A_1390 = arith.constant 7 : i32
        %swap3A_1391 = arith.index_cast %swap3A_1390 : i32 to index
        %swap3A_1392 = arith.index_cast %add3A_1381 : i32 to index
        %swap3A_1393 = arith.constant 112 : index
        %swap3A_1394 = tpu.vector_load %arg10[%swap3A_1391, %swap3A_1392, %swap3A_1393] {strides = array<i32>} : memref<8x32x128xf32, #tpu.memory_space<vmem>>, vector<1x1x16xf32>,
        %swap3A_1395 = vector.shape_cast %swap3A_1394 : vector<1x1x16xf32> to vector<16xf32>
        %swap3A_1396 = vector.shape_cast %get3A_1389 : vector<16xf32> to vector<1x1x16xf32>
        tpu.vector_store %arg10[%swap3A_1391, %swap3A_1392, %swap3A_1393], %swap3A_1396 {add = true, strides = array<i32>} : memref<8x32x128xf32, #tpu.memory_space<vmem>>, vector<1x1x16xf32>,
        %add3A_1397 = arith.constant 1 : i32
        %add3A_1398 = arith.addi %add3A_1261, %add3A_1397 : i32
        %add3A_1399 = arith.constant 1 : i32
        %add3A_1400 = arith.addi %add3A_1261, %add3A_1399 : i32
        %get3A_1401 = arith.constant 7 : i32
        %get3A_1402 = arith.index_cast %get3A_1401 : i32 to index
        %get3A_1403 = arith.index_cast %add3A_1400 : i32 to index
        %get3A_1404 = arith.constant 0 : index
        %get3A_1405 = tpu.vector_load %arg9[%get3A_1402, %get3A_1403, %get3A_1404] {strides = array<i32>} : memref<8x32x128xf32, #tpu.memory_space<vmem>>, vector<1x1x16xf32>,
        %get3A_1406 = vector.shape_cast %get3A_1405 : vector<1x1x16xf32> to vector<16xf32>
        %swap3A_1407 = arith.constant 7 : i32
        %swap3A_1408 = arith.index_cast %swap3A_1407 : i32 to index
        %swap3A_1409 = arith.index_cast %add3A_1398 : i32 to index
        %swap3A_1410 = arith.constant 0 : index
        %swap3A_1411 = tpu.vector_load %arg10[%swap3A_1408, %swap3A_1409, %swap3A_1410] {strides = array<i32>} : memref<8x32x128xf32, #tpu.memory_space<vmem>>, vector<1x1x16xf32>,
        %swap3A_1412 = vector.shape_cast %swap3A_1411 : vector<1x1x16xf32> to vector<16xf32>
        %swap3A_1413 = vector.shape_cast %get3A_1406 : vector<16xf32> to vector<1x1x16xf32>
        tpu.vector_store %arg10[%swap3A_1408, %swap3A_1409, %swap3A_1410], %swap3A_1413 {add = true, strides = array<i32>} : memref<8x32x128xf32, #tpu.memory_space<vmem>>, vector<1x1x16xf32>,
        %add3A_1414 = arith.constant 1 : i32
        %add3A_1415 = arith.addi %add3A_1261, %add3A_1414 : i32
        %add3A_1416 = arith.constant 1 : i32
        %add3A_1417 = arith.addi %add3A_1261, %add3A_1416 : i32
        %get3A_1418 = arith.constant 7 : i32
        %get3A_1419 = arith.index_cast %get3A_1418 : i32 to index
        %get3A_1420 = arith.index_cast %add3A_1417 : i32 to index
        %get3A_1421 = arith.constant 16 : index
        %get3A_1422 = tpu.vector_load %arg9[%get3A_1419, %get3A_1420, %get3A_1421] {strides = array<i32>} : memref<8x32x128xf32, #tpu.memory_space<vmem>>, vector<1x1x16xf32>,
        %get3A_1423 = vector.shape_cast %get3A_1422 : vector<1x1x16xf32> to vector<16xf32>
        %swap3A_1424 = arith.constant 7 : i32
        %swap3A_1425 = arith.index_cast %swap3A_1424 : i32 to index
        %swap3A_1426 = arith.index_cast %add3A_1415 : i32 to index
        %swap3A_1427 = arith.constant 16 : index
        %swap3A_1428 = tpu.vector_load %arg10[%swap3A_1425, %swap3A_1426, %swap3A_1427] {strides = array<i32>} : memref<8x32x128xf32, #tpu.memory_space<vmem>>, vector<1x1x16xf32>,
        %swap3A_1429 = vector.shape_cast %swap3A_1428 : vector<1x1x16xf32> to vector<16xf32>
        %swap3A_1430 = vector.shape_cast %get3A_1423 : vector<16xf32> to vector<1x1x16xf32>
        tpu.vector_store %arg10[%swap3A_1425, %swap3A_1426, %swap3A_1427], %swap3A_1430 {add = true, strides = array<i32>} : memref<8x32x128xf32, #tpu.memory_space<vmem>>, vector<1x1x16xf32>,
        %add3A_1431 = arith.constant 1 : i32
        %add3A_1432 = arith.addi %add3A_1261, %add3A_1431 : i32
        %add3A_1433 = arith.constant 1 : i32
        %add3A_1434 = arith.addi %add3A_1261, %add3A_1433 : i32
        %get3A_1435 = arith.constant 7 : i32
        %get3A_1436 = arith.index_cast %get3A_1435 : i32 to index
        %get3A_1437 = arith.index_cast %add3A_1434 : i32 to index
        %get3A_1438 = arith.constant 32 : index
        %get3A_1439 = tpu.vector_load %arg9[%get3A_1436, %get3A_1437, %get3A_1438] {strides = array<i32>} : memref<8x32x128xf32, #tpu.memory_space<vmem>>, vector<1x1x16xf32>,
        %get3A_1440 = vector.shape_cast %get3A_1439 : vector<1x1x16xf32> to vector<16xf32>
        %swap3A_1441 = arith.constant 7 : i32
        %swap3A_1442 = arith.index_cast %swap3A_1441 : i32 to index
        %swap3A_1443 = arith.index_cast %add3A_1432 : i32 to index
        %swap3A_1444 = arith.constant 32 : index
        %swap3A_1445 = tpu.vector_load %arg10[%swap3A_1442, %swap3A_1443, %swap3A_1444] {strides = array<i32>} : memref<8x32x128xf32, #tpu.memory_space<vmem>>, vector<1x1x16xf32>,
        %swap3A_1446 = vector.shape_cast %swap3A_1445 : vector<1x1x16xf32> to vector<16xf32>
        %swap3A_1447 = vector.shape_cast %get3A_1440 : vector<16xf32> to vector<1x1x16xf32>
        tpu.vector_store %arg10[%swap3A_1442, %swap3A_1443, %swap3A_1444], %swap3A_1447 {add = true, strides = array<i32>} : memref<8x32x128xf32, #tpu.memory_space<vmem>>, vector<1x1x16xf32>,
        %add3A_1448 = arith.constant 1 : i32
        %add3A_1449 = arith.addi %add3A_1261, %add3A_1448 : i32
        %add3A_1450 = arith.constant 1 : i32
        %add3A_1451 = arith.addi %add3A_1261, %add3A_1450 : i32
        %get3A_1452 = arith.constant 7 : i32
        %get3A_1453 = arith.index_cast %get3A_1452 : i32 to index
        %get3A_1454 = arith.index_cast %add3A_1451 : i32 to index
        %get3A_1455 = arith.constant 48 : index
        %get3A_1456 = tpu.vector_load %arg9[%get3A_1453, %get3A_1454, %get3A_1455] {strides = array<i32>} : memref<8x32x128xf32, #tpu.memory_space<vmem>>, vector<1x1x16xf32>,
        %get3A_1457 = vector.shape_cast %get3A_1456 : vector<1x1x16xf32> to vector<16xf32>
        %swap3A_1458 = arith.constant 7 : i32
        %swap3A_1459 = arith.index_cast %swap3A_1458 : i32 to index
        %swap3A_1460 = arith.index_cast %add3A_1449 : i32 to index
        %swap3A_1461 = arith.constant 48 : index
        %swap3A_1462 = tpu.vector_load %arg10[%swap3A_1459, %swap3A_1460, %swap3A_1461] {strides = array<i32>} : memref<8x32x128xf32, #tpu.memory_space<vmem>>, vector<1x1x16xf32>,
        %swap3A_1463 = vector.shape_cast %swap3A_1462 : vector<1x1x16xf32> to vector<16xf32>
        %swap3A_1464 = vector.shape_cast %get3A_1457 : vector<16xf32> to vector<1x1x16xf32>
        tpu.vector_store %arg10[%swap3A_1459, %swap3A_1460, %swap3A_1461], %swap3A_1464 {add = true, strides = array<i32>} : memref<8x32x128xf32, #tpu.memory_space<vmem>>, vector<1x1x16xf32>,
        %add3A_1465 = arith.constant 1 : i32
        %add3A_1466 = arith.addi %add3A_1261, %add3A_1465 : i32
        %add3A_1467 = arith.constant 1 : i32
        %add3A_1468 = arith.addi %add3A_1261, %add3A_1467 : i32
        %get3A_1469 = arith.constant 7 : i32
        %get3A_1470 = arith.index_cast %get3A_1469 : i32 to index
        %get3A_1471 = arith.index_cast %add3A_1468 : i32 to index
        %get3A_1472 = arith.constant 64 : index
        %get3A_1473 = tpu.vector_load %arg9[%get3A_1470, %get3A_1471, %get3A_1472] {strides = array<i32>} : memref<8x32x128xf32, #tpu.memory_space<vmem>>, vector<1x1x16xf32>,
        %get3A_1474 = vector.shape_cast %get3A_1473 : vector<1x1x16xf32> to vector<16xf32>
        %swap3A_1475 = arith.constant 7 : i32
        %swap3A_1476 = arith.index_cast %swap3A_1475 : i32 to index
        %swap3A_1477 = arith.index_cast %add3A_1466 : i32 to index
        %swap3A_1478 = arith.constant 64 : index
        %swap3A_1479 = tpu.vector_load %arg10[%swap3A_1476, %swap3A_1477, %swap3A_1478] {strides = array<i32>} : memref<8x32x128xf32, #tpu.memory_space<vmem>>, vector<1x1x16xf32>,
        %swap3A_1480 = vector.shape_cast %swap3A_1479 : vector<1x1x16xf32> to vector<16xf32>
        %swap3A_1481 = vector.shape_cast %get3A_1474 : vector<16xf32> to vector<1x1x16xf32>
        tpu.vector_store %arg10[%swap3A_1476, %swap3A_1477, %swap3A_1478], %swap3A_1481 {add = true, strides = array<i32>} : memref<8x32x128xf32, #tpu.memory_space<vmem>>, vector<1x1x16xf32>,
        %add3A_1482 = arith.constant 1 : i32
        %add3A_1483 = arith.addi %add3A_1261, %add3A_1482 : i32
        %add3A_1484 = arith.constant 1 : i32
        %add3A_1485 = arith.addi %add3A_1261, %add3A_1484 : i32
        %get3A_1486 = arith.constant 7 : i32
        %get3A_1487 = arith.index_cast %get3A_1486 : i32 to index
        %get3A_1488 = arith.index_cast %add3A_1485 : i32 to index
        %get3A_1489 = arith.constant 80 : index
        %get3A_1490 = tpu.vector_load %arg9[%get3A_1487, %get3A_1488, %get3A_1489] {strides = array<i32>} : memref<8x32x128xf32, #tpu.memory_space<vmem>>, vector<1x1x16xf32>,
        %get3A_1491 = vector.shape_cast %get3A_1490 : vector<1x1x16xf32> to vector<16xf32>
        %swap3A_1492 = arith.constant 7 : i32
        %swap3A_1493 = arith.index_cast %swap3A_1492 : i32 to index
        %swap3A_1494 = arith.index_cast %add3A_1483 : i32 to index
        %swap3A_1495 = arith.constant 80 : index
        %swap3A_1496 = tpu.vector_load %arg10[%swap3A_1493, %swap3A_1494, %swap3A_1495] {strides = array<i32>} : memref<8x32x128xf32, #tpu.memory_space<vmem>>, vector<1x1x16xf32>,
        %swap3A_1497 = vector.shape_cast %swap3A_1496 : vector<1x1x16xf32> to vector<16xf32>
        %swap3A_1498 = vector.shape_cast %get3A_1491 : vector<16xf32> to vector<1x1x16xf32>
        tpu.vector_store %arg10[%swap3A_1493, %swap3A_1494, %swap3A_1495], %swap3A_1498 {add = true, strides = array<i32>} : memref<8x32x128xf32, #tpu.memory_space<vmem>>, vector<1x1x16xf32>,
        %add3A_1499 = arith.constant 1 : i32
        %add3A_1500 = arith.addi %add3A_1261, %add3A_1499 : i32
        %add3A_1501 = arith.constant 1 : i32
        %add3A_1502 = arith.addi %add3A_1261, %add3A_1501 : i32
        %get3A_1503 = arith.constant 7 : i32
        %get3A_1504 = arith.index_cast %get3A_1503 : i32 to index
        %get3A_1505 = arith.index_cast %add3A_1502 : i32 to index
        %get3A_1506 = arith.constant 96 : index
        %get3A_1507 = tpu.vector_load %arg9[%get3A_1504, %get3A_1505, %get3A_1506] {strides = array<i32>} : memref<8x32x128xf32, #tpu.memory_space<vmem>>, vector<1x1x16xf32>,
        %get3A_1508 = vector.shape_cast %get3A_1507 : vector<1x1x16xf32> to vector<16xf32>
        %swap3A_1509 = arith.constant 7 : i32
        %swap3A_1510 = arith.index_cast %swap3A_1509 : i32 to index
        %swap3A_1511 = arith.index_cast %add3A_1500 : i32 to index
        %swap3A_1512 = arith.constant 96 : index
        %swap3A_1513 = tpu.vector_load %arg10[%swap3A_1510, %swap3A_1511, %swap3A_1512] {strides = array<i32>} : memref<8x32x128xf32, #tpu.memory_space<vmem>>, vector<1x1x16xf32>,
        %swap3A_1514 = vector.shape_cast %swap3A_1513 : vector<1x1x16xf32> to vector<16xf32>
        %swap3A_1515 = vector.shape_cast %get3A_1508 : vector<16xf32> to vector<1x1x16xf32>
        tpu.vector_store %arg10[%swap3A_1510, %swap3A_1511, %swap3A_1512], %swap3A_1515 {add = true, strides = array<i32>} : memref<8x32x128xf32, #tpu.memory_space<vmem>>, vector<1x1x16xf32>,
        %add3A_1516 = arith.constant 1 : i32
        %add3A_1517 = arith.addi %add3A_1261, %add3A_1516 : i32
        %add3A_1518 = arith.constant 1 : i32
        %add3A_1519 = arith.addi %add3A_1261, %add3A_1518 : i32
        %get3A_1520 = arith.constant 7 : i32
        %get3A_1521 = arith.index_cast %get3A_1520 : i32 to index
        %get3A_1522 = arith.index_cast %add3A_1519 : i32 to index
        %get3A_1523 = arith.constant 112 : index
        %get3A_1524 = tpu.vector_load %arg9[%get3A_1521, %get3A_1522, %get3A_1523] {strides = array<i32>} : memref<8x32x128xf32, #tpu.memory_space<vmem>>, vector<1x1x16xf32>,
        %get3A_1525 = vector.shape_cast %get3A_1524 : vector<1x1x16xf32> to vector<16xf32>
        %swap3A_1526 = arith.constant 7 : i32
        %swap3A_1527 = arith.index_cast %swap3A_1526 : i32 to index
        %swap3A_1528 = arith.index_cast %add3A_1517 : i32 to index
        %swap3A_1529 = arith.constant 112 : index
        %swap3A_1530 = tpu.vector_load %arg10[%swap3A_1527, %swap3A_1528, %swap3A_1529] {strides = array<i32>} : memref<8x32x128xf32, #tpu.memory_space<vmem>>, vector<1x1x16xf32>,
        %swap3A_1531 = vector.shape_cast %swap3A_1530 : vector<1x1x16xf32> to vector<16xf32>
        %swap3A_1532 = vector.shape_cast %get3A_1525 : vector<16xf32> to vector<1x1x16xf32>
        tpu.vector_store %arg10[%swap3A_1527, %swap3A_1528, %swap3A_1529], %swap3A_1532 {add = true, strides = array<i32>} : memref<8x32x128xf32, #tpu.memory_space<vmem>>, vector<1x1x16xf32>,
      }
      %scan3A_1219 = arith.constant 16 : i32
      %mul3A_1220 = arith.constant 32 : i32
      %mul3A_1221 = arith.muli %add3A_1144, %mul3A_1220 : i32
      %add3A_1222 = arith.addi %mul3A_2, %mul3A_1221 : i32
      %dma_start3A_1223 = arith.constant 7 : i32
      %dma_start3A_1224 = arith.constant 0 : i32
      %dma_start3A_1225 = arith.constant 0 : i32
      %dma_start3A_1226 = tpu.memref_slice %arg10[%dma_start3A_1223, %dma_start3A_1224, %dma_start3A_1225] : memref<8x32x128xf32, #tpu.memory_space<vmem>> -> memref<1x32x128xf32, #tpu.memory_space<vmem>>
      %dma_start3A_1227 = tpu.memref_squeeze %dma_start3A_1226 : memref<1x32x128xf32, #tpu.memory_space<vmem>> -> memref<32x128xf32, #tpu.memory_space<vmem>>
      %dma_start3A_1228 = arith.constant 0 : i32
      %dma_start3A_1229 = tpu.memref_slice %arg5[%add3A_1222, %dma_start3A_1228] : memref<262144x128xf32, #tpu.memory_space<hbm>> -> memref<32x128xf32, #tpu.memory_space<hbm>>
      %dma_start3A_1230 = arith.constant 0 : i32
      %dma_start3A_1231 = tpu.memref_slice %arg5[%add3A_1222, %dma_start3A_1230] : memref<262144x128xf32, #tpu.memory_space<hbm>> -> memref<32x128xf32, #tpu.memory_space<hbm>>
      %dma_start3A_1232 = arith.constant 0 : i32
      %dma_start3A_1233 = arith.constant 0 : i32
      %dma_start3A_1234 = tpu.memref_slice %arg10[%dma_start3A_1223, %dma_start3A_1232, %dma_start3A_1233] : memref<8x32x128xf32, #tpu.memory_space<vmem>> -> memref<1x32x128xf32, #tpu.memory_space<vmem>>
      %dma_start3A_1235 = tpu.memref_squeeze %dma_start3A_1234 : memref<1x32x128xf32, #tpu.memory_space<vmem>> -> memref<32x128xf32, #tpu.memory_space<vmem>>
      tpu.enqueue_dma source(%dma_start3A_1235 : memref<32x128xf32, #tpu.memory_space<vmem>>) target(%dma_start3A_1231 : memref<32x128xf32, #tpu.memory_space<hbm>>) target_semaphore(%arg34 : memref<!tpu.dma_semaphore, #tpu.memory_space<semaphore_mem>>)
      %add3A_1236 = arith.constant 8 : i32
      %add3A_1237 = arith.addi %add3A_1144, %add3A_1236 : i32
      %lt3A_1238 = arith.constant 256 : i32
      %lt3A_1239 = arith.cmpi slt, %add3A_1237, %lt3A_1238 : i32
      %convert_element_type3A_1240 = arith.extui %lt3A_1239 : i1 to i32
      %cond3A_1241 = arith.constant 0 : i32
      %cond3A_1242 = arith.cmpi ne, %convert_element_type3A_1240, %cond3A_1241 : i32
      scf.if %cond3A_1242 {
        %add3A_1257 = arith.constant 8 : i32
        %add3A_1258 = arith.addi %add3A_1144, %add3A_1257 : i32
        %mul3A_1259 = arith.constant 32 : i32
        %mul3A_1260 = arith.muli %add3A_1258, %mul3A_1259 : i32
        %add3A_1261 = arith.addi %mul3A_2, %mul3A_1260 : i32
        %dma_start3A_1262 = arith.constant 7 : i32
        %dma_start3A_1263 = arith.constant 0 : i32
        %dma_start3A_1264 = arith.constant 0 : i32
        %dma_start3A_1265 = tpu.memref_slice %arg9[%dma_start3A_1262, %dma_start3A_1263, %dma_start3A_1264] : memref<8x32x128xf32, #tpu.memory_space<vmem>> -> memref<1x32x128xf32, #tpu.memory_space<vmem>>
        %dma_start3A_1266 = tpu.memref_squeeze %dma_start3A_1265 : memref<1x32x128xf32, #tpu.memory_space<vmem>> -> memref<32x128xf32, #tpu.memory_space<vmem>>
        %dma_start3A_1267 = arith.constant 0 : i32
        %dma_start3A_1268 = tpu.memref_slice %arg2[%add3A_1261, %dma_start3A_1267] : memref<262144x128xf32, #tpu.memory_space<hbm>> -> memref<32x128xf32, #tpu.memory_space<hbm>>
        %dma_start3A_1269 = arith.constant 0 : i32
        %dma_start3A_1270 = arith.constant 0 : i32
        %dma_start3A_1271 = tpu.memref_slice %arg9[%dma_start3A_1262, %dma_start3A_1269, %dma_start3A_1270] : memref<8x32x128xf32, #tpu.memory_space<vmem>> -> memref<1x32x128xf32, #tpu.memory_space<vmem>>
        %dma_start3A_1272 = tpu.memref_squeeze %dma_start3A_1271 : memref<1x32x128xf32, #tpu.memory_space<vmem>> -> memref<32x128xf32, #tpu.memory_space<vmem>>
        %dma_start3A_1273 = arith.constant 0 : i32
        %dma_start3A_1274 = tpu.memref_slice %arg2[%add3A_1261, %dma_start3A_1273] : memref<262144x128xf32, #tpu.memory_space<hbm>> -> memref<32x128xf32, #tpu.memory_space<hbm>>
        tpu.enqueue_dma source(%dma_start3A_1274 : memref<32x128xf32, #tpu.memory_space<hbm>>) target(%dma_start3A_1272 : memref<32x128xf32, #tpu.memory_space<vmem>>) target_semaphore(%arg18 : memref<!tpu.dma_semaphore, #tpu.memory_space<semaphore_mem>>)
      } else {
      }
      %ge3A_1243 = arith.constant 1 : i32
      %ge3A_1244 = arith.cmpi sge, %add3A_1144, %ge3A_1243 : i32
      %convert_element_type3A_1245 = arith.extui %ge3A_1244 : i1 to i32
      %cond3A_1246 = arith.constant 0 : i32
      %cond3A_1247 = arith.cmpi ne, %convert_element_type3A_1245, %cond3A_1246 : i32
      scf.if %cond3A_1247 {
        %sub3A_1257 = arith.constant 1 : i32
        %sub3A_1258 = arith.subi %add3A_1144, %sub3A_1257 : i32
        %mul3A_1259 = arith.constant 32 : i32
        %mul3A_1260 = arith.muli %sub3A_1258, %mul3A_1259 : i32
        %add3A_1261 = arith.addi %mul3A_2, %mul3A_1260 : i32
        %dma_wait3A_1262 = arith.constant 6 : i32
        %dma_wait3A_1263 = arith.constant 0 : i32
        %dma_wait3A_1264 = arith.constant 0 : i32
        %dma_wait3A_1265 = tpu.memref_slice %arg10[%dma_wait3A_1262, %dma_wait3A_1263, %dma_wait3A_1264] : memref<8x32x128xf32, #tpu.memory_space<vmem>> -> memref<1x32x128xf32, #tpu.memory_space<vmem>>
        %dma_wait3A_1266 = tpu.memref_squeeze %dma_wait3A_1265 : memref<1x32x128xf32, #tpu.memory_space<vmem>> -> memref<32x128xf32, #tpu.memory_space<vmem>>
        %dma_wait3A_1267 = arith.constant 0 : i32
        %dma_wait3A_1268 = tpu.memref_slice %arg5[%add3A_1261, %dma_wait3A_1267] : memref<262144x128xf32, #tpu.memory_space<hbm>> -> memref<32x128xf32, #tpu.memory_space<hbm>>
        %dma_wait3A_1269 = arith.constant 0 : i32
        %dma_wait3A_1270 = tpu.memref_slice %arg5[%add3A_1261, %dma_wait3A_1269] : memref<262144x128xf32, #tpu.memory_space<hbm>> -> memref<32x128xf32, #tpu.memory_space<hbm>>
        %dma_wait3A_1271 = arith.constant 0 : i32
        %dma_wait3A_1272 = arith.constant 0 : i32
        %dma_wait3A_1273 = tpu.memref_slice %arg10[%dma_wait3A_1262, %dma_wait3A_1271, %dma_wait3A_1272] : memref<8x32x128xf32, #tpu.memory_space<vmem>> -> memref<1x32x128xf32, #tpu.memory_space<vmem>>
        %dma_wait3A_1274 = tpu.memref_squeeze %dma_wait3A_1273 : memref<1x32x128xf32, #tpu.memory_space<vmem>> -> memref<32x128xf32, #tpu.memory_space<vmem>>
        tpu.wait_dma2 semaphore(%arg33 : memref<!tpu.dma_semaphore, #tpu.memory_space<semaphore_mem>>) src(%dma_wait3A_1274 : memref<32x128xf32, #tpu.memory_space<vmem>>) dst(%dma_wait3A_1270 : memref<32x128xf32, #tpu.memory_space<hbm>>)
      } else {
      }
      %add3A_1248 = arith.constant 8 : i32
      %add3A_1249 = arith.addi %add3A_1144, %add3A_1248 : i32
      %sub3A_1250 = arith.constant 1 : i32
      %sub3A_1251 = arith.subi %add3A_1249, %sub3A_1250 : i32
      %lt3A_1252 = arith.constant 256 : i32
      %lt3A_1253 = arith.cmpi slt, %sub3A_1251, %lt3A_1252 : i32
      %convert_element_type3A_1254 = arith.extui %lt3A_1253 : i1 to i32
      %cond3A_1255 = arith.constant 0 : i32
      %cond3A_1256 = arith.cmpi ne, %convert_element_type3A_1254, %cond3A_1255 : i32
      scf.if %cond3A_1256 {
        %add3A_1257 = arith.constant 8 : i32
        %add3A_1258 = arith.addi %add3A_1144, %add3A_1257 : i32
        %sub3A_1259 = arith.constant 1 : i32
        %sub3A_1260 = arith.subi %add3A_1258, %sub3A_1259 : i32
        %mul3A_1261 = arith.constant 32 : i32
        %mul3A_1262 = arith.muli %sub3A_1260, %mul3A_1261 : i32
        %jit3A_1263 = arith.constant 128 : i32
        %div3A_1264 = arith.divsi %mul3A_1262, %jit3A_1263 : i32
        %sign3A_1265 = arith.constant 0 : i32
        %sign3A_1266 = arith.cmpi sgt, %mul3A_1262, %sign3A_1265 : i32
        %sign3A_1267 = arith.extui %sign3A_1266 : i1 to i32
        %sign3A_1268 = arith.constant 0 : i32
        %sign3A_1269 = arith.cmpi slt, %mul3A_1262, %sign3A_1268 : i32
        %sign3A_1270 = arith.extui %sign3A_1269 : i1 to i32
        %sign3A_1271 = arith.subi %sign3A_1267, %sign3A_1270 : i32
        %sign3A_1272 = arith.constant 0 : i32
        %sign3A_1273 = arith.cmpi sgt, %jit3A_1263, %sign3A_1272 : i32
        %sign3A_1274 = arith.extui %sign3A_1273 : i1 to i32
        %sign3A_1275 = arith.constant 0 : i32
        %sign3A_1276 = arith.cmpi slt, %jit3A_1263, %sign3A_1275 : i32
        %sign3A_1277 = arith.extui %sign3A_1276 : i1 to i32
        %sign3A_1278 = arith.subi %sign3A_1274, %sign3A_1277 : i32
        %ne3A_1279 = arith.cmpi ne, %sign3A_1271, %sign3A_1278 : i32
        %rem3A_1280 = arith.remsi %mul3A_1262, %jit3A_1263 : i32
        %ne3A_1281 = arith.constant 0 : i32
        %ne3A_1282 = arith.cmpi ne, %rem3A_1280, %ne3A_1281 : i32
        %and3A_1283 = arith.andi %ne3A_1279, %ne3A_1282 : i1
        %sub3A_1284 = arith.constant 1 : i32
        %sub3A_1285 = arith.subi %div3A_1264, %sub3A_1284 : i32
        %select_n3A_1286 = arith.select %and3A_1283, %sub3A_1285, %div3A_1264 : i32
        %mul3A_1287 = arith.constant 32 : i32
        %mul3A_1288 = arith.muli %sub3A_1260, %mul3A_1287 : i32
        %jit3A_1289 = arith.constant 128 : i32
        %eq3A_1290 = arith.constant 0 : i32
        %eq3A_1291 = arith.cmpi eq, %jit3A_1289, %eq3A_1290 : i32
        %jit3A_1292 = arith.constant 1 : i32
        %select_n3A_1293 = arith.select %eq3A_1291, %jit3A_1292, %jit3A_1289 : i32
        %rem3A_1294 = arith.remsi %mul3A_1288, %select_n3A_1293 : i32
        %ne3A_1295 = arith.constant 0 : i32
        %ne3A_1296 = arith.cmpi ne, %rem3A_1294, %ne3A_1295 : i32
        %lt3A_1297 = arith.constant 0 : i32
        %lt3A_1298 = arith.cmpi slt, %rem3A_1294, %lt3A_1297 : i32
        %lt3A_1299 = arith.constant 0 : i32
        %lt3A_1300 = arith.cmpi slt, %select_n3A_1293, %lt3A_1299 : i32
        %ne3A_1301 = arith.xori %lt3A_1298, %lt3A_1300 : i1
        %and3A_1302 = arith.andi %ne3A_1301, %ne3A_1296 : i1
        %add3A_1303 = arith.addi %rem3A_1294, %select_n3A_1293 : i32
        %select_n3A_1304 = arith.select %and3A_1302, %add3A_1303, %rem3A_1294 : i32
        %dma_start3A_1305 = arith.constant 6 : i32
        %dma_start3A_1306 = arith.constant 0 : i32
        %dma_start3A_1307 = arith.constant 0 : i32
        %dma_start3A_1308 = tpu.memref_slice %arg10[%dma_start3A_1305, %dma_start3A_1306, %dma_start3A_1307] : memref<8x32x128xf32, #tpu.memory_space<vmem>> -> memref<1x32x128xf32, #tpu.memory_space<vmem>>
        %dma_start3A_1309 = tpu.memref_squeeze %dma_start3A_1308 : memref<1x32x128xf32, #tpu.memory_space<vmem>> -> memref<32x128xf32, #tpu.memory_space<vmem>>
        %dma_start3A_1310 = tpu.memref_slice %arg7[%select_n3A_1286, %select_n3A_1304] : memref<64x128xi32, #tpu.memory_space<vmem>> -> memref<1x32xi32, #tpu.memory_space<vmem>>
        %dma_start3A_1311 = tpu.memref_squeeze %dma_start3A_1310 : memref<1x32xi32, #tpu.memory_space<vmem>> -> memref<32xi32, #tpu.memory_space<vmem>>
        %dma_start3A_1312 = arith.constant 0 : i32
        %dma_start3A_1313 = arith.constant 0 : i32
        %dma_start3A_1314 = tpu.memref_slice %arg8[%dma_start3A_1312, %dma_start3A_1313] : memref<5000x128xf32, #tpu.memory_space<vmem_shared>> -> memref<5000x128xf32, #tpu.memory_space<vmem_shared>>
        tpu.enqueue_indirect_dma source(%dma_start3A_1314 : memref<5000x128xf32, #tpu.memory_space<vmem_shared>>) target(%dma_start3A_1309 : memref<32x128xf32, #tpu.memory_space<vmem>>) offsets(%dma_start3A_1311 : memref<32xi32, #tpu.memory_space<vmem>>) semaphore(%arg25 : memref<!tpu.dma_semaphore, #tpu.memory_space<semaphore_mem>>)
      } else {
      }
    }
    %scan3A_325 = arith.constant 32 : i32
    %add3A_326 = arith.constant 8160 : i32
    %add3A_327 = arith.addi %mul3A_2, %add3A_326 : i32
    %dma_wait3A_328 = arith.constant 7 : i32
    %dma_wait3A_329 = arith.constant 0 : i32
    %dma_wait3A_330 = arith.constant 0 : i32
    %dma_wait3A_331 = tpu.memref_slice %arg10[%dma_wait3A_328, %dma_wait3A_329, %dma_wait3A_330] : memref<8x32x128xf32, #tpu.memory_space<vmem>> -> memref<1x32x128xf32, #tpu.memory_space<vmem>>
    %dma_wait3A_332 = tpu.memref_squeeze %dma_wait3A_331 : memref<1x32x128xf32, #tpu.memory_space<vmem>> -> memref<32x128xf32, #tpu.memory_space<vmem>>
    %dma_wait3A_333 = arith.constant 0 : i32
    %dma_wait3A_334 = tpu.memref_slice %arg5[%add3A_327, %dma_wait3A_333] : memref<262144x128xf32, #tpu.memory_space<hbm>> -> memref<32x128xf32, #tpu.memory_space<hbm>>
    %dma_wait3A_335 = arith.constant 0 : i32
    %dma_wait3A_336 = tpu.memref_slice %arg5[%add3A_327, %dma_wait3A_335] : memref<262144x128xf32, #tpu.memory_space<hbm>> -> memref<32x128xf32, #tpu.memory_space<hbm>>
    %dma_wait3A_337 = arith.constant 0 : i32
    %dma_wait3A_338 = arith.constant 0 : i32
    %dma_wait3A_339 = tpu.memref_slice %arg10[%dma_wait3A_328, %dma_wait3A_337, %dma_wait3A_338] : memref<8x32x128xf32, #tpu.memory_space<vmem>> -> memref<1x32x128xf32, #tpu.memory_space<vmem>>
    %dma_wait3A_340 = tpu.memref_squeeze %dma_wait3A_339 : memref<1x32x128xf32, #tpu.memory_space<vmem>> -> memref<32x128xf32, #tpu.memory_space<vmem>>
    tpu.wait_dma2 semaphore(%arg34 : memref<!tpu.dma_semaphore, #tpu.memory_space<semaphore_mem>>) src(%dma_wait3A_340 : memref<32x128xf32, #tpu.memory_space<vmem>>) dst(%dma_wait3A_336 : memref<32x128xf32, #tpu.memory_space<hbm>>)
    return
  }
}

</mosaic_0001>

<sc_bundles>
// kernel: _pe_call.3.cloned.1.call-start
scs
__scs_entry_jumppad:
0x0: {  	(pc) =	sbr.rel $0x88, $3  }
0x1: {  	(tag) =	ssettag $0x0;
	lr =	simm.s32 $0x1  }
0x2: {  	[smem:$0x3F9E] =	sst lr;
	_ =	strace $0xD0000000  }
0x3: {  	_ = 	snop  }
0x4: {  	_ = 	snop  }
0x5: {  	_ = 	snop  }
0x6: {  	_ = 	snop  }
0x7: {  	_ = 	snop  }
__scs_overlays_trampoline_lowered:
0x8: {  	[smem:$0x3FAD] =	sst s0  }
0x9: {  	[smem:$0x3FAE] =	sst s1  }
0xa: {  	[smem:$0x3FAF] =	sst s2  }
0xb: {  	[smem:$0x3FB0] =	sst s3  }
0xc: {  	[smem:$0x3FB1] =	sst s4  }
0xd: {  	[smem:$0x3FB2] =	sst s5  }
0xe: {  	[smem:$0x3FB3] =	sst s6  }
0xf: {  	[smem:$0x3FB4] =	sst s7  }
0x10: {  	[smem:$0x3FB5] =	sst s8  }
0x11: {  	[smem:$0x3FB6] =	sst s9;
	s0 =	simm.s32 @!p0 $0x0  }
0x12: {  	s1 =	sld [smem:$0x3F9C];
	s0 =	simm.s32 @p0 $0x1  }
0x13: {  	[smem:$0x3FB7] =	sst s0;
	s0 =	simm.s32 @!p1 $0x0  }
0x14: {  	s2 =	sld [smem:$0x3F9B];
	s0 =	simm.s32 @p1 $0x1  }
0x15: {  	[smem:$0x3FB8] =	sst s0;
	s0 =	simm.s32 @!p2 $0x0  }
0x16: {  	s3 =	sld [smem:$0x3FDB];
	s0 =	simm.s32 @p2 $0x1  }
0x17: {  	s4 =	simm.s32 $0x1BF5;
	[smem:$0x3FBA] =	sst s0  }
0x18: {  	s0 =	sld [smem:$0x3F9D];
	_ =	swait.ge [sflag:s4], $0x0  }
0x19: {  	s7 =	sld [smem:$0x3F9E]  }
0x1a: {  	s8 =	sadd.s32 $0xFFFFE003, lr  }
0x1b: {  	s9 =	sadd.s32 $0xFFFFFEF7, lr;
	s5 =	simm.s32 $0xFFFFFFFF;
	p2 =	slt.u32 s8, $0xFFFFF086  }
0x1c: {  	p1 =	slt.u32 s9, $0xF7A;
	s5 =	simm.s32 @!p2 $0x0  }
0x1d: {  	s5 =	simm.s32 @p1 $0x1;
	p0 =	seq.s32 s7, s2  }
0x1e: {  	s7 =	smul.u32 @!p0 $0xF7A, s2;
	p2 =	seq.s32 @!p0 s5, $0x0  }
0x1f: {  	s9 =	smul.u32 $0xF7A, s1;
	s8 =	simm.s32 @!p0 $0x1BF5;
	p2 =	por !p2, p0  }
0x20: {  	[sflag:s8] =	ssyncset.s32 @!p0 $0xFFFFF086;
	s6 =	sadd.s32 @!p0 s3, s7;
	s7 =	simm.s32 @!p0 $0x108  }
0x21: {  	s3 =	sadd.s32 s3, s9;
	s6 =	sadd.s32 @!p0 $0x88, s6;
	s7 =	simm.s32 @p2 $0x1082  }
0x22: {  	[simem:s7], [sflag:s8] =	dma.local @!p0 [hbm:s6], $0xF7A  }
0x23: {  	s9 =	sor.u32 $0xD0000000, s2;
	s6 =	simm.s32 $0x108;
	_ =	swait.ge @!p0 [sflag:s8], $0x0  }
0x24: {  	s3 =	sadd.s32 $0x88, s3;
	s6 =	simm.s32 @!p1 $0x1082;
	[sflag:s4] =	ssyncset.s32 $0xFFFFF086  }
0x25: {  	[simem:s6], [sflag:s4] =	dma.local [hbm:s3], $0xF7A  }
0x26: {  	[smem:$0x3F9E] =	sst s1;
	(tag) =	ssettag s2;
	_ =	strace s9  }
0x27: {  	s1 =	sld [smem:$0x3FAE]  }
0x28: {  	s2 =	sld [smem:$0x3FAF]  }
0x29: {  	s4 =	sld [smem:$0x3FB1]  }
0x2a: {  	p0 =	seq.s32 s5, $0x0;
	s5 =	sld [smem:$0x3FB2]  }
0x2b: {  	s6 =	sld [smem:$0x3FB3]  }
0x2c: {  	s7 =	sld [smem:$0x3FB4]  }
0x2d: {  	s3 =	simm.s32 $0x108;
	s8 =	sld [smem:$0x3FB5]  }
0x2e: {  	s3 =	simm.s32 @!p0 $0x1082;
	s9 =	sld [smem:$0x3FB6]  }
0x2f: {  	lr =	sadd.s32 s0, s3;
	s0 =	sld [smem:$0x3FAD]  }
0x30: {  	s3 =	sld [smem:$0x3FB0]  }
0x31: {  	[smem:$0x3FB9] =	sst s10  }
0x32: {  	s10 =	sld [smem:$0x3FB7];
	_ =	sdelay $0x3  }
0x33: {  	p0 =	seq.s32 s10, $0x1;
	s10 =	sld [smem:$0x3FB9];
	_ =	sdelay $0x3  }
0x34: {  	[smem:$0x3FB9] =	sst s10  }
0x35: {  	s10 =	sld [smem:$0x3FB8];
	_ =	sdelay $0x3  }
0x36: {  	p1 =	seq.s32 s10, $0x1;
	s10 =	sld [smem:$0x3FB9];
	_ =	sdelay $0x3  }
0x37: {  	[smem:$0x3FB9] =	sst s10  }
0x38: {  	s10 =	sld [smem:$0x3FBA]  }
0x39: {  	_ = 	snop;
	(pc) =	sbr.ind lr, $3  }
0x3a: {  	_ = 	snop  }
0x3b: {  	_ = 	snop  }
0x3c: {  	p2 =	seq.s32 s10, $0x1;
	s10 =	sld [smem:$0x3FB9]  }
0x3d: {  	_ =	shalt  }
0x3e: {  	_ =	shalt  }
0x3f: {  	_ =	shalt  }
0x40: {  	_ =	shalt  }
0x41: {  	_ =	shalt  }
0x42: {  	_ =	shalt  }
0x43: {  	_ =	shalt  }
0x44: {  	_ =	shalt  }
0x45: {  	_ =	shalt  }
0x46: {  	_ =	shalt  }
0x47: {  	_ =	shalt  }
0x48: {  	_ =	shalt  }
0x49: {  	_ =	shalt  }
0x4a: {  	_ =	shalt  }
0x4b: {  	_ =	shalt  }
0x4c: {  	_ =	shalt  }
0x4d: {  	_ =	shalt  }
0x4e: {  	_ =	shalt  }
0x4f: {  	_ =	shalt  }
0x50: {  	_ =	shalt  }
0x51: {  	_ =	shalt  }
0x52: {  	_ =	shalt  }
0x53: {  	_ =	shalt  }
0x54: {  	_ =	shalt  }
0x55: {  	_ =	shalt  }
0x56: {  	_ =	shalt  }
0x57: {  	_ =	shalt  }
0x58: {  	_ =	shalt  }
0x59: {  	_ =	shalt  }
0x5a: {  	_ =	shalt  }
0x5b: {  	_ =	shalt  }
0x5c: {  	_ =	shalt  }
0x5d: {  	_ =	shalt  }
0x5e: {  	_ =	shalt  }
0x5f: {  	_ =	shalt  }
0x60: {  	_ =	shalt  }
0x61: {  	_ =	shalt  }
0x62: {  	_ =	shalt  }
0x63: {  	_ =	shalt  }
0x64: {  	_ =	shalt  }
0x65: {  	_ =	shalt  }
0x66: {  	_ =	shalt  }
0x67: {  	_ =	shalt  }
0x68: {  	_ =	shalt  }
0x69: {  	_ =	shalt  }
0x6a: {  	_ =	shalt  }
0x6b: {  	_ =	shalt  }
0x6c: {  	_ =	shalt  }
0x6d: {  	_ =	shalt  }
0x6e: {  	_ =	shalt  }
0x6f: {  	_ =	shalt  }
0x70: {  	_ =	shalt  }
0x71: {  	_ =	shalt  }
0x72: {  	_ =	shalt  }
0x73: {  	_ =	shalt  }
0x74: {  	_ =	shalt  }
0x75: {  	_ =	shalt  }
0x76: {  	_ =	shalt  }
0x77: {  	_ =	shalt  }
0x78: {  	_ =	shalt  }
0x79: {  	_ =	shalt  }
0x7a: {  	_ =	shalt  }
0x7b: {  	_ =	shalt  }
0x7c: {  	_ =	shalt  }
0x7d: {  	_ =	shalt  }
0x7e: {  	_ =	shalt  }
0x7f: {  	_ =	shalt  }
0x80: {  	_ =	shalt  }
0x81: {  	_ =	shalt  }
0x82: {  	_ =	shalt  }
0x83: {  	_ =	shalt  }
0x84: {  	_ =	shalt  }
0x85: {  	_ =	shalt  }
0x86: {  	_ =	shalt  }
0x87: {  	_ =	shalt  }
.Lfunc_end0:
.L_simem_size_0:
called_computation_lowered:
.L_overlay_start_0:
0x88: {  	s2 =	sld [smem:$0x3FD9]  }
0x89: {  	s3 =	sld [smem:$0x3FFE];
	_ =	sdelay $0x1  }
0x8a: {  	s1 =	srdreg.scid  }
0x8b: {  	s0 =	sand.u32 $0x1, s1  }
0x8c: {  	s18 =	sshll.u32 s0, $0xA;
	s2 =	sadd.s32 s3, s2  }
0x8d: {  	s2 =	sadd.s32 s2, s18  }
0x8e: {  	[smem:$0x3FC5] =	sst s2  }
0x8f: {  	_ = 	snop  }
0x90: {  	s2 =	sld [smem:$0x3FC9]  }
0x91: {  	s19 =	sld [smem:$0x3FC8]  }
0x92: {  	s4 =	sld [smem:$0x3FC7]  }
0x93: {  	s5 =	sld [smem:$0x3FD0];
	(tm) =	ssettm $0x1  }
0x94: {  	s6 =	sld [smem:$0x3FFB];
	_ =	sdelay $0x3  }
0x95: {  	_ =	strace s6  }
0x96: {  	s6 =	sld [smem:$0x3FFC];
	_ =	sdelay $0x3  }
0x97: {  	_ =	strace s6  }
0x98: {  	s6 =	sld [smem:$0x3FFD];
	_ =	sdelay $0x3  }
0x99: {  	_ =	strace s6  }
0x9a: {  	_ =	strace $0x8FFFFFFF  }
0x9b: {  	s20 =	sld [smem:$0x3FDB];
	_ =	sdelay $0x1  }
0x9c: {  	s7 =	simm.s32 $_scs_section_size  }
0x9d: {  	s8 =	simm.s32 $_size__tile_overlayer_lowered;
	s9 =	simm.s32 $_tile_overlayer_lowered  }
0x9e: {  	s23 =	simm.s32 $0x1BFF;
	s22 =	sshll.u32 s9, $0x1;
	s6 =	sadd.s32 s7, s20  }
0x9f: {  	s10 =	simm.s32 $0x0;
	s21 =	sshll.u32 s8, $0x1;
	s8 =	sadd.s32 s22, s6  }
0xa0: {  	[timem:s10], [sflag:s23] =	dma.local [hbm:s8], s21  }
0xa1: {  	_ =	swait.ge [sflag:s23], s21  }
0xa2: {  	s7 =	ssub.s32 $0x0, s21;
	[sflag:s23] =	ssyncset.done $0x0  }
0xa3: {  	[sflag:s23] =	ssyncadd.s32 s7;
	_ =	sdelay $0x1  }
0xa4: {  	s24 =	simm.s32 $0x1B8B  }
0xa5: {  	_ =	swait.ge [sflag:s24], $0x1  }
0xa6: {  	[sflag:s24] =	ssyncset.done $0x0  }
0xa7: {  	s25 =	simm.s32 $0x1B8E;
	[sflag:s24] =	ssyncadd.s32 $0xFFFFFFFF  }
0xa8: {  	s26 =	simm.s32 $execute0_lowered;
	[smem:$0x3FD2] =	sst s25  }
0xa9: {  	s7 =	sshll.u32 s26, $0x1;
	_ =	strace $0x80000046;
	[dreg:$0x1] =	wrdreg $0xFFFFFFFF  }
0xaa: {  	s28 =	simm.s32 $_size_execute0_lowered;
	s6 =	sadd.s32 s6, s7;
	[dreg:$0x0] =	wrdreg $0x0  }
0xab: {  	s7 =	sshll.u32 s28, $0x1;
	[dreg:$0x2] =	wrdreg s6  }
0xac: {  	[dreg:$0x3] =	wrdreg s7  }
0xad: {  	[dreg:$0x4] =	wrdreg $0xC0  }
0xae: {  	_ =	task [dreg:s10], $0x5FFFF  }
0xaf: {  	[dreg:$0x1] =	wrdreg $0xFFFFFFFF  }
0xb0: {  	[dreg:$0x0] =	wrdreg $0x60  }
0xb1: {  	[dreg:$0x2] =	wrdreg s2  }
0xb2: {  	[dreg:$0x3] =	wrdreg s19  }
0xb3: {  	[dreg:$0x4] =	wrdreg s4  }
0xb4: {  	[dreg:$0x5] =	wrdreg s5  }
0xb5: {  	[dreg:$0x6] =	wrdreg $0x40000  }
0xb6: {  	[dreg:$0x7] =	wrdreg $0x9  }
0xb7: {  	_ =	task.clear_ibuf [dreg:s10], $0x8FFFF;
	_ =	strace $0x90000046  }
0xb8: {  	s29 =	simm.s32 $0x9;
	_ =	strace $0x80000048  }
0xb9: {  	_ =	swait.ge [sflag:s29], $0x1  }
0xba: {  	[sflag:s29] =	ssyncadd.s32 $0xFFFFFFFF  }
0xbb: {  	_ =	strace $0x90000048  }
0xbc: {  	_ =	sfence  }
0xbd: {  	s30 =	sld [smem:$0x0];
	_ =	sdelay $0x2  }
0xbe: {  	s31 =	sshll.u32 s1, $0xD;
	s1 =	sshrl.u32 s1, $0x2  }
0xbf: {  	s3 =	sand.u32 $0x4000, s31;
	s1 =	sadd.s32 s1, s30  }
0xc0: {  	s0 =	sor.u32 s3, s0;
	s1 =	sshll.u32 s1, $0x11  }
0xc1: {  	s0 =	sor.u32 s1, s0  }
0xc2: {  	s0 =	sadd.s32 $0x8F2B, s0  }
0xc3: {  	[sflag:s0] =	ssyncadd.remote.s32 $0x1  }
0xc4: {  	_ =	sfence.sel $0xFFFF  }
0xc5: {  	[dreg:$0x0] =	wrdreg $0xFFFFFFFF;
	(pc) =	sbr.abs _section_cstart, $3  }
0xc6: {  	[dreg:$0x1] =	wrdreg $0xFFFFFFFF  }
0xc7: {  	_ =	task.clear_ibuf [dreg:s10], $0x2FFFF;
	_ =	strace $0x9FFFFFFF  }
0xc8: {  	(tm) =	ssettm $0x7FFFFFFF  }
0xc9: {  	_ =	shalt  }
tec
execute0_lowered:
.L_overlay_start_1:
0x0: {  	(tag) =	ssettag $0x1  }
0x1: {  	s5 =	rddreg [dreg:$0x0]  }
0x2: {  	s8 =	rddreg [dreg:$0x1]  }
0x3: {  	s0 =	srdreg.scid;
	s11 =	rddreg [dreg:$0x3]  }
0x4: {  	s1 =	stileid.u32;
	s6 =	simm.s32 $0x1;
	s3 =	rddreg [dreg:$0x4]  }
0x5: {  	s4 =	simm.s32 $0x0;
	s30 =	simm.s32 $0x20;
	s28 =	simm.s32 $0x4  }
0x6: {  	s29 =	simm.s32 $0xC;
	s31 =	simm.s32 $0xE;
	s0 =	sand.u32 $0x1, s0  }
0x7: {  	s2 =	sshll.u32 s1, $0x1;
	[smem:$0x7FF] =	sst s4;
	s19 =	sadd.s32 $0x200, s11  }
0x8: {  	s20 =	sadd.s32 $0x400, s11;
	_ =	strace $0x80000047;
	[dreg:$0x10] =	wrdreg s19  }
0x9: {  	s21 =	sadd.s32 $0x600, s11;
	s22 =	sadd.s32 $0x800, s11;
	[dreg:$0x11] =	wrdreg s20  }
0xa: {  	s23 =	sadd.s32 $0xA00, s11;
	s24 =	sadd.s32 $0xC00, s11;
	[dreg:$0x12] =	wrdreg s21  }
0xb: {  	s2 =	sor.u32 s0, s2;
	p1 =	seq.s32 s0, $0x1;
	[dreg:$0x13] =	wrdreg s22  }
0xc: {  	s10 =	sshll.u32 s0, $0xD;
	s0 =	ssub.s32 $0x2, s0;
	[dreg:$0x14] =	wrdreg s23  }
0xd: {  	[dreg:$0x15] =	wrdreg s24;
	s22 =	simm.s32 $0x1BC40;
	p0 =	seq.s32 s2, $0x0  }
0xe: {  	s24 =	simm.s32 $0x17;
	s7 =	sshrl.u32 s0, $0x1;
	p0 =	por !p0, !p1  }
0xf: {  	s12 =	sshll.u32 s2, $0x11;
	s0 =	ssub.s32 s0, s7;
	p0 =	por !p0, !p0  }
0x10: {  	[dreg:$0x6] =	wrdreg s12;
	s25 =	sadd.s32 s11, s12;
	s6 =	simm.s32 @!p0 $0x0  }
0x11: {  	s7 =	simm.s32 $0x1;
	[dreg:$0x16] =	wrdreg s25;
	s6 =	ssub.s32 s1, s6  }
0x12: {  	s0 =	smax.u32 s0, $0x1;
	s25 =	simm.s32 $0xB;
	s9 =	sshll.u32 s6, $0xE  }
0x13: {  	p0 =	sne.s32 s1, $0x0;
	[dreg:$0x18] =	wrdreg s0;
	s6 =	ssub.s32 s9, s10  }
0x14: {  	s0 =	simm.s32 $0x7;
	s26 =	sadd.s32 $0x2000, s6;
	s6 =	sadd.s32 s5, s12  }
0x15: {  	s1 =	simm.s32 $0x6;
	s15 =	sor.u32 s10, s9;
	s5 =	sadd.s32 $0x200, s6  }
0x16: {  	s9 =	simm.s32 $0x8;
	s13 =	sadd.s32 $0x400, s6;
	[dreg:$0x8] =	wrdreg s5  }
0x17: {  	s10 =	simm.s32 $0x10;
	s14 =	sadd.s32 $0x600, s6;
	[dreg:$0x9] =	wrdreg s13  }
0x18: {  	s12 =	simm.s32 $0x9;
	s16 =	sadd.s32 $0xA00, s6;
	[dreg:$0xa] =	wrdreg s14  }
0x19: {  	s2 =	sshrl.u32 s26, $0x3;
	s17 =	sadd.s32 $0xC00, s6;
	[dreg:$0xc] =	wrdreg s16  }
0x1a: {  	s18 =	sadd.s32 $0xE00, s6;
	s26 =	sadd.s32 $0x1E00, s6;
	[dreg:$0xd] =	wrdreg s17  }
0x1b: {  	s2 =	sadd.s32 s8, s2;
	s5 =	sadd.s32 $0x800, s6;
	[dreg:$0xe] =	wrdreg s18  }
.Ltmp0:
0x1c: {  	[dreg:$0x17] =	wrdreg s26;
	s13 =	simm.s32 $0x1CC40;
	(pc) =	sbr.rel .LBB2_1-.Ltmp0, $4  }
0x1d: {  	s14 =	simm.s32 $0x2;
	s16 =	simm.s32 $0x3;
	s26 =	simm.s32 $0xD  }
0x1e: {  	s17 =	simm.s32 $0x0;
	[dreg:$0x7] =	wrdreg s2;
	s2 =	sshrl.u32 s15, $0x3  }
0x1f: {  	[dreg:$0xb] =	wrdreg s5;
	s15 =	simm.s32 $0xA;
	s2 =	sadd.s32 s8, s2  }
0x20: {  	s8 =	simm.s32 $0xF;
	[dreg:$0xf] =	wrdreg s2;
	s2 =	simm.s32 $0x5  }
.LBB2_26:
0x21: {  	_ =	swait.ge [sflag:s24], $0x1000  }
0x22: {  	[sflag:s24] =	ssyncset.done $0x0  }
0x23: {  	s11 =	simm.s32 $0x18;
	[sflag:s24] =	ssyncadd.s32 $0xFFFFF000  }
0x24: {  	_ =	swait.ge [sflag:s11], $0x1000  }
0x25: {  	s17 =	rddreg [dreg:$0x19]  }
0x26: {  	s5 =	rddreg [dreg:$0x18];
	s17 =	sadd.s32 $0x1, s17  }
0x27: {  	p1 =	sne.s32 s17, s5  }
.Ltmp1:
0x28: {  	_ = 	snop;
	(pc) =	sbr.rel @!p1 .LBB2_27-.Ltmp1, $3  }
0x29: {  	_ =	sdelay $0x1  }
0x2a: {  	[sflag:s11] =	ssyncset.done $0x0  }
0x2b: {  	[sflag:s11] =	ssyncadd.s32 $0xFFFFF000  }
.LBB2_1:
0x2c: {  	[dreg:$0x19] =	wrdreg s17  }
0x2d: {  	s5 =	sshrl.u32 @!p0 s3, $0x3;
	s17 =	simm.s32 @!p0 $0x1C19;
	s11 =	rddreg [dreg:$0x2]  }
0x2e: {  	[spmem:s5], [sflag:s17] =	dma.local @!p0 [hbm:s11], $0x13880  }
0x2f: {  	s5 =	rddreg [dreg:$0x7]  }
0x30: {  	[tilespmem:s4], [sflag:$0x1A] =	stream.linear.gather [hbm4b:s5+s4], $0x2000, $0x38;
	[tilespmem:$0x1DC40] =	vst v63  }
0x31: {  	s18 =	simm.s32 $0xDC40  }
0x32: {  	[tilespmem:s18], [sflag:$0x1] =	stream.linear.gather [hbm4b:s6+s4], $0x1000, $0x38;
	[tilespmem:$0x1DC40] =	vst v63  }
0x33: {  	s20 =	simm.s32 $0xEC40;
	s19 =	rddreg [dreg:$0x8]  }
0x34: {  	[tilespmem:s20], [sflag:$0x2] =	stream.linear.gather [hbm4b:s19+s4], $0x1000, $0x38;
	[tilespmem:$0x1DC40] =	vst v63  }
0x35: {  	s23 =	simm.s32 $0xFC40;
	s21 =	rddreg [dreg:$0x9]  }
0x36: {  	[tilespmem:s23], [sflag:$0x3] =	stream.linear.gather [hbm4b:s21+s4], $0x1000, $0x38;
	[tilespmem:$0x1DC40] =	vst v63  }
0x37: {  	s17 =	rddreg [dreg:$0xa];
	s18 =	simm.s32 $0x10C40  }
0x38: {  	[tilespmem:s18], [sflag:$0x4] =	stream.linear.gather [hbm4b:s17+s4], $0x1000, $0x38;
	[tilespmem:$0x1DC40] =	vst v63  }
0x39: {  	s19 =	rddreg [dreg:$0xb];
	s20 =	simm.s32 $0x11C40  }
0x3a: {  	[tilespmem:s20], [sflag:$0x5] =	stream.linear.gather [hbm4b:s19+s4], $0x1000, $0x38;
	[tilespmem:$0x1DC40] =	vst v63  }
0x3b: {  	s21 =	rddreg [dreg:$0xc];
	s23 =	simm.s32 $0x12C40  }
0x3c: {  	[tilespmem:s23], [sflag:$0x6] =	stream.linear.gather [hbm4b:s21+s4], $0x1000, $0x38;
	[tilespmem:$0x1DC40] =	vst v63  }
0x3d: {  	s17 =	rddreg [dreg:$0xd];
	s18 =	simm.s32 $0x13C40  }
0x3e: {  	[tilespmem:s18], [sflag:$0x7] =	stream.linear.gather [hbm4b:s17+s4], $0x1000, $0x38;
	[tilespmem:$0x1DC40] =	vst v63  }
0x3f: {  	s19 =	rddreg [dreg:$0xe];
	s20 =	simm.s32 $0x14C40;
	s21 =	simm.s32 $0x1A  }
0x40: {  	[tilespmem:s20], [sflag:$0x8] =	stream.linear.gather [hbm4b:s19+s4], $0x1000, $0x38;
	[tilespmem:$0x1DC40] =	vst v63  }
0x41: {  	_ =	swait.ge [sflag:s21], $0x2000  }
0x42: {  	[sflag:s21] =	ssyncset.done $0x0  }
0x43: {  	[sflag:s21] =	ssyncadd.s32 $0xFFFFE000  }
0x44: {  	s23 =	simm.s32 $0x0;
	v0 =	vld [tilespmem:$0x0]  }
0x45: {  	v1 =	vld [tilespmem:s23+$0x0];
	_ =	sdelay $0x1  }
0x46: {  	v2 =	vld [tilespmem:s23+$0x10];
	_ =	sdelay $0x1  }
0x47: {  	v3 =	vld [tilespmem:s23+$0x20]  }
0x48: {  	vm0 =	vlt.s32 v0, v1  }
0x49: {  	v0 =	vsel vm0, v0, v1;
	v1 =	vld [tilespmem:s23+$0x30]  }
0x4a: {  	vm0 =	vlt.s32 v0, v2  }
0x4b: {  	v4 =	vld [tilespmem:s23+$0x40];
	v0 =	vsel vm0, v0, v2  }
0x4c: {  	vm0 =	vlt.s32 v0, v3  }
0x4d: {  	v2 =	vsel vm0, v0, v3;
	v0 =	vld [tilespmem:s23+$0x50]  }
0x4e: {  	vm0 =	vlt.s32 v2, v1  }
0x4f: {  	v1 =	vsel vm0, v2, v1;
	v2 =	vld [tilespmem:s23+$0x60]  }
0x50: {  	vm0 =	vlt.s32 v1, v4  }
0x51: {  	v3 =	vsel vm0, v1, v4;
	v1 =	vld [tilespmem:s23+$0x70]  }
0x52: {  	s5 =	simm.s32 $0x80;
	s17 =	simm.s32 $0x400;
	vm0 =	vlt.s32 v3, v0  }
.LBB2_2:
0x53: {  	p1 =	sne.s32 s17, $0x7E00;
	v4 =	vld [tilespmem:s5+$0x0];
	v0 =	vsel vm0, v3, v0  }
0x54: {  	vm0 =	vlt.s32 v0, v2  }
0x55: {  	v3 =	vld [tilespmem:s5+$0x10];
	v0 =	vsel vm0, v0, v2  }
0x56: {  	vm0 =	vlt.s32 v0, v1  }
0x57: {  	v2 =	vld [tilespmem:s5+$0x20];
	v0 =	vsel vm0, v0, v1  }
0x58: {  	vm0 =	vlt.s32 v0, v4  }
0x59: {  	v0 =	vsel vm0, v0, v4;
	v1 =	vld [tilespmem:s5+$0x30]  }
0x5a: {  	vm0 =	vlt.s32 v0, v3  }
0x5b: {  	v0 =	vsel vm0, v0, v3;
	v3 =	vld [tilespmem:s5+$0x40]  }
0x5c: {  	vm0 =	vlt.s32 v0, v2  }
0x5d: {  	v2 =	vsel vm0, v0, v2;
	v0 =	vld [tilespmem:s5+$0x50]  }
.Ltmp2:
0x5e: {  	vm0 =	vlt.s32 v2, v1;
	(pc) =	sbr.rel @p1 .LBB2_2-.Ltmp2, $4  }
0x5f: {  	v1 =	vsel vm0, v2, v1;
	v2 =	vld [tilespmem:s5+$0x60]  }
0x60: {  	vm0 =	vlt.s32 v1, v3  }
0x61: {  	v3 =	vsel vm0, v1, v3;
	v1 =	vld [tilespmem:s5+$0x70]  }
0x62: {  	s5 =	sshra.s32 s17, $0x2;
	s17 =	sadd.s32 $0x200, s17;
	vm0 =	vlt.s32 v3, v0  }
0x63: {  	v4 =	vld [tilespmem:s5+$0x0];
	v0 =	vsel vm0, v3, v0  }
0x64: {  	vm0 =	vlt.s32 v0, v2  }
0x65: {  	v3 =	vld [tilespmem:s5+$0x10];
	v0 =	vsel vm0, v0, v2  }
0x66: {  	vm0 =	vlt.s32 v0, v1  }
0x67: {  	v2 =	vld [tilespmem:s5+$0x20];
	v0 =	vsel vm0, v0, v1  }
0x68: {  	vm0 =	vlt.s32 v0, v4  }
0x69: {  	v1 =	vld [tilespmem:s5+$0x30];
	v0 =	vsel vm0, v0, v4  }
0x6a: {  	vm0 =	vlt.s32 v0, v3  }
0x6b: {  	v0 =	vsel vm0, v0, v3;
	v3 =	vld [tilespmem:s5+$0x40]  }
0x6c: {  	vm0 =	vlt.s32 v0, v2  }
0x6d: {  	v4 =	vld [tilespmem:s5+$0x50];
	v0 =	vsel vm0, v0, v2  }
0x6e: {  	v5 =	vld [tilespmem:s5+$0x70];
	s20 =	simm.s32 $0x0;
	s11 =	rddreg [dreg:$0xf];
	s21 =	simm.s32 $0x1B;
	vm0 =	vlt.s32 v0, v1  }
0x6f: {  	v2 =	vld [tilespmem:s5+$0x60];
	[tilespmem:s20], [sflag:$0x1B] =	stream.linear.gather [hbm4b:s11+s20], $0x2000, $0x38;
	v0 =	vsel vm0, v0, v1  }
0x70: {  	_ =	swait.ge [sflag:s21], $0x2000;
	vm0 =	vlt.s32 v0, v3  }
0x71: {  	[sflag:s21] =	ssyncset.done $0x0;
	v0 =	vsel vm0, v0, v3  }
0x72: {  	s23 =	simm.s32 $0x0;
	[sflag:s21] =	ssyncadd.s32 $0xFFFFE000;
	vm0 =	vlt.s32 v0, v4  }
0x73: {  	v1 =	vld [tilespmem:s23+$0x0];
	v0 =	vsel vm0, v0, v4  }
0x74: {  	vm0 =	vlt.s32 v0, v2  }
0x75: {  	v0 =	vsel vm0, v0, v2;
	v2 =	vld [tilespmem:s23+$0x10]  }
0x76: {  	vm0 =	vlt.s32 v0, v5  }
0x77: {  	v3 =	vld [tilespmem:s23+$0x20];
	v0 =	vsel vm0, v0, v5  }
0x78: {  	vm0 =	vlt.s32 v0, v1  }
0x79: {  	v0 =	vsel vm0, v0, v1;
	v1 =	vld [tilespmem:s23+$0x30]  }
0x7a: {  	vm0 =	vlt.s32 v0, v2  }
0x7b: {  	v4 =	vld [tilespmem:s23+$0x40];
	v0 =	vsel vm0, v0, v2  }
0x7c: {  	vm0 =	vlt.s32 v0, v3  }
0x7d: {  	v2 =	vsel vm0, v0, v3;
	v0 =	vld [tilespmem:s23+$0x50]  }
0x7e: {  	vm0 =	vlt.s32 v2, v1  }
0x7f: {  	v1 =	vsel vm0, v2, v1;
	v2 =	vld [tilespmem:s23+$0x60]  }
0x80: {  	vm0 =	vlt.s32 v1, v4  }
0x81: {  	v3 =	vsel vm0, v1, v4;
	v1 =	vld [tilespmem:s23+$0x70]  }
0x82: {  	s17 =	simm.s32 $0x400;
	s5 =	simm.s32 $0x80;
	vm0 =	vlt.s32 v3, v0  }
.LBB2_4:
0x83: {  	p1 =	sne.s32 s17, $0x7E00;
	v4 =	vld [tilespmem:s5+$0x0];
	v0 =	vsel vm0, v3, v0  }
0x84: {  	vm0 =	vlt.s32 v0, v2  }
0x85: {  	v3 =	vld [tilespmem:s5+$0x10];
	v0 =	vsel vm0, v0, v2  }
0x86: {  	vm0 =	vlt.s32 v0, v1  }
0x87: {  	v2 =	vld [tilespmem:s5+$0x20];
	v0 =	vsel vm0, v0, v1  }
0x88: {  	vm0 =	vlt.s32 v0, v4  }
0x89: {  	v0 =	vsel vm0, v0, v4;
	v1 =	vld [tilespmem:s5+$0x30]  }
0x8a: {  	vm0 =	vlt.s32 v0, v3  }
0x8b: {  	v0 =	vsel vm0, v0, v3;
	v3 =	vld [tilespmem:s5+$0x40]  }
0x8c: {  	vm0 =	vlt.s32 v0, v2  }
0x8d: {  	v2 =	vsel vm0, v0, v2;
	v0 =	vld [tilespmem:s5+$0x50]  }
.Ltmp3:
0x8e: {  	vm0 =	vlt.s32 v2, v1;
	(pc) =	sbr.rel @p1 .LBB2_4-.Ltmp3, $4  }
0x8f: {  	v1 =	vsel vm0, v2, v1;
	v2 =	vld [tilespmem:s5+$0x60]  }
0x90: {  	vm0 =	vlt.s32 v1, v3  }
0x91: {  	v3 =	vsel vm0, v1, v3;
	v1 =	vld [tilespmem:s5+$0x70]  }
0x92: {  	s5 =	sshra.s32 s17, $0x2;
	s17 =	sadd.s32 $0x200, s17;
	vm0 =	vlt.s32 v3, v0  }
0x93: {  	v4 =	vld [tilespmem:s5+$0x0];
	v0 =	vsel vm0, v3, v0  }
0x94: {  	vm0 =	vlt.s32 v0, v2  }
0x95: {  	v3 =	vld [tilespmem:s5+$0x10];
	v0 =	vsel vm0, v0, v2  }
0x96: {  	vm0 =	vlt.s32 v0, v1  }
0x97: {  	v2 =	vld [tilespmem:s5+$0x20];
	v0 =	vsel vm0, v0, v1  }
0x98: {  	vm0 =	vlt.s32 v0, v4  }
0x99: {  	v1 =	vld [tilespmem:s5+$0x30];
	v0 =	vsel vm0, v0, v4  }
0x9a: {  	vm0 =	vlt.s32 v0, v3  }
0x9b: {  	v0 =	vsel vm0, v0, v3;
	v3 =	vld [tilespmem:s5+$0x40]  }
0x9c: {  	vm0 =	vlt.s32 v0, v2  }
0x9d: {  	v0 =	vsel vm0, v0, v2;
	v2 =	vld [tilespmem:s5+$0x50]  }
0x9e: {  	vm0 =	vlt.s32 v0, v1  }
0x9f: {  	v0 =	vsel vm0, v0, v1;
	v1 =	vld [tilespmem:s5+$0x60]  }
0xa0: {  	vm0 =	vlt.s32 v0, v3  }
0xa1: {  	v0 =	vsel vm0, v0, v3;
	v3 =	vld [tilespmem:s5+$0x70]  }
0xa2: {  	vm0 =	vlt.s32 v0, v2  }
0xa3: {  	v0 =	vsel vm0, v0, v2  }
0xa4: {  	vm0 =	vlt.s32 v0, v1  }
0xa5: {  	v0 =	vsel vm0, v0, v1  }
0xa6: {  	vm0 =	vlt.s32 v0, v3  }
0xa7: {  	v0 =	vsel vm0, v0, v3  }
0xa8: {  	(v2sf) =	vpush v0, $0x0  }
0xa9: {  	(v2sf) =	vpush v0, $0x1;
	_ =	sdelay $0x1  }
0xaa: {  	(v2sf) =	vpush v0, $0x2;
	_ =	sdelay $0x1  }
0xab: {  	(v2sf) =	vpush v0, $0x3;
	_ =	sdelay $0x1  }
0xac: {  	(v2sf) =	vpush v0, $0x4;
	_ =	sdelay $0x1  }
0xad: {  	(v2sf) =	vpush v0, $0x5;
	_ =	sdelay $0x1  }
0xae: {  	(v2sf) =	vpush v0, $0x6;
	_ =	sdelay $0x1  }
0xaf: {  	(v2sf) =	vpush v0, $0x7;
	_ =	sdelay $0x1  }
0xb0: {  	s5 =	spop (v2sf);
	(v2sf) =	vpush v0, $0x8  }
0xb1: {  	s17 =	spop (v2sf)  }
0xb2: {  	(v2sf) =	vpush v0, $0x9;
	p1 =	slt.s32 s5, s17  }
0xb3: {  	s17 =	smov.u32 @p1 s5;
	s5 =	spop (v2sf)  }
0xb4: {  	(v2sf) =	vpush v0, $0xA;
	p1 =	slt.s32 s17, s5  }
0xb5: {  	s5 =	smov.u32 @p1 s17;
	s17 =	spop (v2sf)  }
0xb6: {  	(v2sf) =	vpush v0, $0xB;
	p1 =	slt.s32 s5, s17  }
0xb7: {  	s17 =	smov.u32 @p1 s5;
	s5 =	spop (v2sf)  }
0xb8: {  	(v2sf) =	vpush v0, $0xC;
	p1 =	slt.s32 s17, s5  }
0xb9: {  	s5 =	smov.u32 @p1 s17;
	s17 =	spop (v2sf)  }
0xba: {  	(v2sf) =	vpush v0, $0xD;
	p1 =	slt.s32 s5, s17  }
0xbb: {  	s17 =	smov.u32 @p1 s5;
	s5 =	spop (v2sf)  }
0xbc: {  	(v2sf) =	vpush v0, $0xE;
	p1 =	slt.s32 s17, s5  }
0xbd: {  	s5 =	smov.u32 @p1 s17;
	s17 =	spop (v2sf)  }
0xbe: {  	(v2sf) =	vpush v0, $0xF;
	p1 =	slt.s32 s5, s17  }
0xbf: {  	s18 =	spop (v2sf);
	s17 =	smov.u32 @p1 s5  }
0xc0: {  	p1 =	slt.s32 s17, s18  }
0xc1: {  	s5 =	spop (v2sf);
	s18 =	smov.u32 @p1 s17  }
0xc2: {  	p1 =	slt.s32 s18, s5  }
0xc3: {  	s17 =	spop (v2sf);
	s5 =	smov.u32 @p1 s18  }
0xc4: {  	p1 =	slt.s32 s5, s17  }
0xc5: {  	s18 =	spop (v2sf);
	s17 =	smov.u32 @p1 s5  }
0xc6: {  	p1 =	slt.s32 s17, s18  }
0xc7: {  	s5 =	spop (v2sf);
	s18 =	smov.u32 @p1 s17  }
0xc8: {  	p1 =	slt.s32 s18, s5  }
0xc9: {  	s19 =	spop (v2sf);
	s5 =	smov.u32 @p1 s18  }
0xca: {  	p1 =	slt.s32 s5, s19  }
0xcb: {  	s17 =	simm.s32 $0x0;
	s19 =	smov.u32 @p1 s5;
	s5 =	spop (v2sf)  }
0xcc: {  	v3 =	vld [tilespmem:s17+$0x70];
	p1 =	slt.s32 s19, s5  }
0xcd: {  	v5 =	vld [tilespmem:s17+$0x0];
	s18 =	spop (v2sf);
	s5 =	smov.u32 @p1 s19  }
0xce: {  	v6 =	vld [tilespmem:s17+$0x10];
	p1 =	slt.s32 s5, s18  }
0xcf: {  	v4 =	vld [tilespmem:s17+$0x20];
	s18 =	smov.u32 @p1 s5  }
0xd0: {  	v2 =	vld [tilespmem:s17+$0x30];
	v0 =	vmov s18  }
0xd1: {  	v1 =	vld [tilespmem:s17+$0x40];
	v7 =	vsub.s32 v3, v0  }
0xd2: {  	v3 =	vld [tilespmem:s17+$0x50];
	v5 =	vsub.s32 v5, v0;
	[tilespmem:s17+$0x2070] =	vst v7  }
0xd3: {  	s5 =	simm.s32 $0x400;
	s18 =	simm.s32 $0x80;
	v6 =	vsub.s32 v6, v0;
	[tilespmem:s17+$0x2000] =	vst v5;
	v5 =	vld [tilespmem:s17+$0x60]  }
.LBB2_6:
0xd4: {  	p1 =	sne.s32 s5, $0x7E00;
	v7 =	vld [tilespmem:s18+$0x70];
	[tilespmem:s17+$0x2010] =	vst v6;
	v4 =	vsub.s32 v4, v0  }
0xd5: {  	v6 =	vld [tilespmem:s18+$0x0];
	[tilespmem:s17+$0x2020] =	vst v4;
	v2 =	vsub.s32 v2, v0  }
0xd6: {  	v8 =	vld [tilespmem:s18+$0x10];
	[tilespmem:s17+$0x2030] =	vst v2;
	v1 =	vsub.s32 v1, v0  }
.Ltmp4:
0xd7: {  	v4 =	vld [tilespmem:s18+$0x20];
	[tilespmem:s17+$0x2040] =	vst v1;
	v1 =	vsub.s32 v3, v0;
	(pc) =	sbr.rel @p1 .LBB2_6-.Ltmp4, $4  }
0xd8: {  	v2 =	vld [tilespmem:s18+$0x30];
	[tilespmem:s17+$0x2050] =	vst v1;
	v3 =	vsub.s32 v5, v0  }
0xd9: {  	v1 =	vld [tilespmem:s18+$0x40];
	v5 =	vsub.s32 v7, v0;
	[tilespmem:s17+$0x2060] =	vst v3;
	s17 =	smov.u32 s18  }
0xda: {  	v6 =	vsub.s32 v6, v0;
	v3 =	vld [tilespmem:s17+$0x50];
	[tilespmem:s17+$0x2070] =	vst v5  }
0xdb: {  	s18 =	sshra.s32 s5, $0x2;
	s5 =	sadd.s32 $0x200, s5;
	[tilespmem:s17+$0x2000] =	vst v6;
	v6 =	vsub.s32 v8, v0;
	v5 =	vld [tilespmem:s17+$0x60]  }
0xdc: {  	v7 =	vld [tilespmem:s18+$0x70];
	[tilespmem:s17+$0x2010] =	vst v6;
	v4 =	vsub.s32 v4, v0  }
0xdd: {  	v6 =	vld [tilespmem:s18+$0x0];
	[tilespmem:s17+$0x2020] =	vst v4;
	v2 =	vsub.s32 v2, v0  }
0xde: {  	v4 =	vld [tilespmem:s18+$0x10];
	[tilespmem:s17+$0x2030] =	vst v2;
	v1 =	vsub.s32 v1, v0  }
0xdf: {  	v2 =	vld [tilespmem:s18+$0x20];
	[tilespmem:s17+$0x2040] =	vst v1;
	v51 =	vsub.s32 v3, v0  }
0xe0: {  	v52 =	vld [tilespmem:s18+$0x30];
	[tilespmem:s17+$0x2050] =	vst v51;
	v53 =	vsub.s32 v5, v0  }
0xe1: {  	v54 =	vld [tilespmem:s18+$0x40];
	[tilespmem:s17+$0x2060] =	vst v53;
	v55 =	vsub.s32 v7, v0  }
0xe2: {  	v56 =	vld [tilespmem:s18+$0x50];
	v6 =	vsub.s32 v6, v0;
	[tilespmem:s18+$0x2070] =	vst v55  }
0xe3: {  	v58 =	vld [tilespmem:s18+$0x60];
	[tilespmem:s18+$0x2000] =	vst v6;
	v57 =	vsub.s32 v4, v0  }
0xe4: {  	[tilespmem:s18+$0x2010] =	vst v57;
	v59 =	vsub.s32 v2, v0  }
0xe5: {  	[tilespmem:s18+$0x2020] =	vst v59;
	v60 =	vsub.s32 v52, v0  }
0xe6: {  	[tilespmem:s18+$0x2030] =	vst v60;
	v61 =	vsub.s32 v54, v0  }
0xe7: {  	[tilespmem:s18+$0x2040] =	vst v61;
	v62 =	vsub.s32 v56, v0  }
0xe8: {  	v63 =	vsub.s32 v58, v0;
	[tilespmem:s18+$0x2050] =	vst v62  }
0xe9: {  	s5 =	simm.s32 @!p0 $0x19;
	[tilespmem:s18+$0x2060] =	vst v63  }
0xea: {  	_ =	swait.ge @!p0 [sflag:s5], $0x13880  }
0xeb: {  	[sflag:s5] =	ssyncset.done @!p0 $0x0  }
0xec: {  	[sflag:s5] =	ssyncadd.s32 @!p0 $0xFFFEC780  }
0xed: {  	s11 =	simm.s32 $0x15C40;
	s18 =	simm.s32 $0x2000;
	[bflag:$0x0] =	sbarrier.arrive $0xFFFF  }
0xee: {  	[tilespmem:s11], [sflag:$0x9] =	stream.indirect.gather [spmem:s3], $0x80, s18, s30, $0xb8;
	[tilespmem:$0x1DC40] =	vst v63  }
0xef: {  	s19 =	simm.s32 $0x2020;
	s20 =	simm.s32 $0x16C40  }
0xf0: {  	[tilespmem:s20], [sflag:$0xA] =	stream.indirect.gather [spmem:s3], $0x80, s19, s30, $0xb8;
	[tilespmem:$0x1DC40] =	vst v63  }
0xf1: {  	s21 =	simm.s32 $0x2040;
	s23 =	simm.s32 $0x17C40  }
0xf2: {  	[tilespmem:s23], [sflag:$0xB] =	stream.indirect.gather [spmem:s3], $0x80, s21, s30, $0xb8;
	[tilespmem:$0x1DC40] =	vst v63  }
0xf3: {  	s17 =	simm.s32 $0x18C40;
	s11 =	simm.s32 $0x2060  }
0xf4: {  	[tilespmem:s17], [sflag:$0xC] =	stream.indirect.gather [spmem:s3], $0x80, s11, s30, $0xb8;
	[tilespmem:$0x1DC40] =	vst v63  }
0xf5: {  	s18 =	simm.s32 $0x2080;
	s19 =	simm.s32 $0x19C40  }
0xf6: {  	[tilespmem:s19], [sflag:$0xD] =	stream.indirect.gather [spmem:s3], $0x80, s18, s30, $0xb8;
	[tilespmem:$0x1DC40] =	vst v63  }
0xf7: {  	s20 =	simm.s32 $0x20A0;
	s21 =	simm.s32 $0x1AC40  }
0xf8: {  	[tilespmem:s21], [sflag:$0xE] =	stream.indirect.gather [spmem:s3], $0x80, s20, s30, $0xb8;
	[tilespmem:$0x1DC40] =	vst v63  }
0xf9: {  	s23 =	simm.s32 $0x20C0;
	s17 =	simm.s32 $0x0  }
0xfa: {  	[tilespmem:s22], [sflag:$0xF] =	stream.indirect.gather [spmem:s3], $0x80, s23, s30, $0xb8;
	[tilespmem:$0x1DC40] =	vst v63  }
.LBB2_8:
0xfb: {  	_ =	swait.ge [sflag:s7], $0x1000  }
0xfc: {  	[sflag:s7] =	ssyncset.done $0x0  }
0xfd: {  	[sflag:s7] =	ssyncadd.s32 $0xFFFFF000  }
0xfe: {  	_ =	swait.ge [sflag:s12], $0x1000  }
0xff: {  	[sflag:s12] =	ssyncset.done $0x0  }
0x100: {  	s19 =	simm.s32 $0x0;
	s18 =	simm.s32 $0x400;
	[sflag:s12] =	ssyncadd.s32 $0xFFFFF000  }
.LBB2_9:
0x101: {  	p1 =	sne.s32 s18, $0x3C00;
	v0 =	vld [tilespmem:s19+$0xDD30]  }
0x102: {  	v1 =	vld [tilespmem:s19+$0xDC40]  }
0x103: {  	v2 =	vld [tilespmem:s19+$0xDC50]  }
0x104: {  	v3 =	vld [tilespmem:s19+$0xDC60]  }
0x105: {  	v4 =	vld [tilespmem:s19+$0xDC70]  }
0x106: {  	[tilespmem:s19+$0x15D30] =	vst.add.f32.msk $0xffff, v0  }
0x107: {  	v0 =	vld [tilespmem:s19+$0xDC80]  }
0x108: {  	v5 =	vld [tilespmem:s19+$0xDC90]  }
0x109: {  	v6 =	vld [tilespmem:s19+$0xDCA0]  }
0x10a: {  	v7 =	vld [tilespmem:s19+$0xDCB0]  }
0x10b: {  	v8 =	vld [tilespmem:s19+$0xDCC0]  }
0x10c: {  	v9 =	vld [tilespmem:s19+$0xDCD0]  }
0x10d: {  	v10 =	vld [tilespmem:s19+$0xDCE0]  }
0x10e: {  	v11 =	vld [tilespmem:s19+$0xDCF0]  }
0x10f: {  	v12 =	vld [tilespmem:s19+$0xDD00]  }
0x110: {  	v13 =	vld [tilespmem:s19+$0xDD10]  }
0x111: {  	v14 =	vld [tilespmem:s19+$0xDD20]  }
0x112: {  	[tilespmem:s19+$0x15C40] =	vst.add.f32.msk $0xffff, v1  }
0x113: {  	[tilespmem:s19+$0x15C50] =	vst.add.f32.msk $0xffff, v2  }
0x114: {  	[tilespmem:s19+$0x15C60] =	vst.add.f32.msk $0xffff, v3  }
0x115: {  	[tilespmem:s19+$0x15C70] =	vst.add.f32.msk $0xffff, v4  }
0x116: {  	[tilespmem:s19+$0x15C80] =	vst.add.f32.msk $0xffff, v0  }
0x117: {  	[tilespmem:s19+$0x15C90] =	vst.add.f32.msk $0xffff, v5  }
0x118: {  	[tilespmem:s19+$0x15CA0] =	vst.add.f32.msk $0xffff, v6  }
0x119: {  	[tilespmem:s19+$0x15CB0] =	vst.add.f32.msk $0xffff, v7  }
0x11a: {  	[tilespmem:s19+$0x15CC0] =	vst.add.f32.msk $0xffff, v8  }
0x11b: {  	[tilespmem:s19+$0x15CD0] =	vst.add.f32.msk $0xffff, v9  }
.Ltmp5:
0x11c: {  	[tilespmem:s19+$0x15CE0] =	vst.add.f32.msk $0xffff, v10;
	(pc) =	sbr.rel @p1 .LBB2_9-.Ltmp5, $4  }
0x11d: {  	[tilespmem:s19+$0x15CF0] =	vst.add.f32.msk $0xffff, v11  }
0x11e: {  	[tilespmem:s19+$0x15D00] =	vst.add.f32.msk $0xffff, v12  }
0x11f: {  	[tilespmem:s19+$0x15D10] =	vst.add.f32.msk $0xffff, v13  }
0x120: {  	[tilespmem:s19+$0x15D20] =	vst.add.f32.msk $0xffff, v14;
	s19 =	sshra.s32 s18, $0x2;
	s18 =	sadd.s32 $0x400, s18  }
0x121: {  	v0 =	vld [tilespmem:s19+$0xDD30]  }
0x122: {  	v1 =	vld [tilespmem:s19+$0xDC40]  }
0x123: {  	v2 =	vld [tilespmem:s19+$0xDC50]  }
0x124: {  	v3 =	vld [tilespmem:s19+$0xDC60]  }
0x125: {  	v4 =	vld [tilespmem:s19+$0xDC70]  }
0x126: {  	v63 =	vld [tilespmem:s19+$0xDC80]  }
0x127: {  	v5 =	vld [tilespmem:s19+$0xDC90]  }
0x128: {  	v6 =	vld [tilespmem:s19+$0xDCA0]  }
0x129: {  	v7 =	vld [tilespmem:s19+$0xDCB0]  }
0x12a: {  	v8 =	vld [tilespmem:s19+$0xDCC0]  }
0x12b: {  	v9 =	vld [tilespmem:s19+$0xDCD0]  }
0x12c: {  	v10 =	vld [tilespmem:s19+$0xDCE0]  }
0x12d: {  	v11 =	vld [tilespmem:s19+$0xDCF0]  }
0x12e: {  	v12 =	vld [tilespmem:s19+$0xDD00]  }
0x12f: {  	v13 =	vld [tilespmem:s19+$0xDD10]  }
0x130: {  	v14 =	vld [tilespmem:s19+$0xDD20]  }
0x131: {  	[tilespmem:s19+$0x15D30] =	vst.add.f32.msk $0xffff, v0  }
0x132: {  	[tilespmem:s19+$0x15C40] =	vst.add.f32.msk $0xffff, v1  }
0x133: {  	[tilespmem:s19+$0x15C50] =	vst.add.f32.msk $0xffff, v2  }
0x134: {  	[tilespmem:s19+$0x15C60] =	vst.add.f32.msk $0xffff, v3  }
0x135: {  	[tilespmem:s19+$0x15C70] =	vst.add.f32.msk $0xffff, v4  }
0x136: {  	[tilespmem:s19+$0x15C80] =	vst.add.f32.msk $0xffff, v63  }
0x137: {  	[tilespmem:s19+$0x15C90] =	vst.add.f32.msk $0xffff, v5  }
0x138: {  	[tilespmem:s19+$0x15CA0] =	vst.add.f32.msk $0xffff, v6  }
0x139: {  	[tilespmem:s19+$0x15CB0] =	vst.add.f32.msk $0xffff, v7  }
0x13a: {  	[tilespmem:s19+$0x15CC0] =	vst.add.f32.msk $0xffff, v8  }
0x13b: {  	[tilespmem:s19+$0x15CD0] =	vst.add.f32.msk $0xffff, v9  }
0x13c: {  	[tilespmem:s19+$0x15CE0] =	vst.add.f32.msk $0xffff, v10  }
0x13d: {  	[tilespmem:s19+$0x15CF0] =	vst.add.f32.msk $0xffff, v11  }
0x13e: {  	s18 =	sshll.u32 s17, $0xC;
	s5 =	rddreg [dreg:$0x6];
	s20 =	sshll.u32 s17, $0x3;
	[tilespmem:s19+$0x15D00] =	vst.add.f32.msk $0xffff, v12  }
0x13f: {  	s22 =	rddreg [dreg:$0x3];
	s11 =	simm.s32 $0x15C40;
	s21 =	sor.u32 s5, s18;
	[tilespmem:s19+$0x15D10] =	vst.add.f32.msk $0xffff, v13  }
0x140: {  	p1 =	seq.s32 s17, $0x1F;
	s5 =	sadd.s32 s22, s21;
	s22 =	sadd.s32 $0x8, s20;
	[tilespmem:s19+$0x15D20] =	vst.add.f32.msk $0xffff, v14  }
0x141: {  	[hbm4b:s5+s4] =	stream.linear.scatter [tilespmem:s11], [sflag:$0x11], $0x1000, $0x38;
	[tilespmem:$0x1DC40] =	vst v63  }
0x142: {  	s23 =	simm.s32 @!p1 $0xDC40;
	p2 =	seq.s32 @!p1 s17, $0x0;
	s5 =	sshll.u32 @!p1 s22, $0x9  }
0x143: {  	p2 =	por p1, !p2;
	s19 =	simm.s32 @!p1 $0x0;
	s5 =	sadd.s32 @!p1 s5, s6  }
0x144: {  	[tilespmem:s23], [sflag:$0x1] =	stream.linear.gather @!p1 [hbm4b:s5+s19], $0x1000, $0x38;
	[tilespmem:$0x1DC40] =	vst v63  }
0x145: {  	s5 =	simm.s32 @p2 $0x18  }
0x146: {  	s19 =	sor.u32 $0x7, s20;
	_ =	swait.ge @p2 [sflag:s5], $0x1000  }
0x147: {  	s23 =	sshll.u32 s19, $0x5;
	[sflag:s5] =	ssyncset.done @p2 $0x0  }
0x148: {  	[sflag:s5] =	ssyncadd.s32 @p2 $0xFFFFF000;
	s5 =	sand.u32 $0x1F80, s23  }
0x149: {  	s5 =	sor.u32 $0x2060, s5  }
0x14a: {  	[tilespmem:s13], [sflag:$0x10] =	stream.indirect.gather [spmem:s3], $0x80, s5, s30, $0xb8;
	[tilespmem:$0x1DC40] =	vst v63  }
0x14b: {  	_ =	swait.ge [sflag:s14], $0x1000  }
0x14c: {  	[sflag:s14] =	ssyncset.done $0x0  }
0x14d: {  	[sflag:s14] =	ssyncadd.s32 $0xFFFFF000  }
0x14e: {  	_ =	swait.ge [sflag:s15], $0x1000  }
0x14f: {  	[sflag:s15] =	ssyncset.done $0x0  }
0x150: {  	s23 =	simm.s32 $0x0;
	s5 =	simm.s32 $0x400;
	[sflag:s15] =	ssyncadd.s32 $0xFFFFF000  }
.LBB2_11:
0x151: {  	p2 =	sne.s32 s5, $0x3C00;
	v0 =	vld [tilespmem:s23+$0xED30]  }
0x152: {  	v1 =	vld [tilespmem:s23+$0xEC40]  }
0x153: {  	v2 =	vld [tilespmem:s23+$0xEC50]  }
0x154: {  	v3 =	vld [tilespmem:s23+$0xEC60]  }
0x155: {  	v4 =	vld [tilespmem:s23+$0xEC70]  }
0x156: {  	[tilespmem:s23+$0x16D30] =	vst.add.f32.msk $0xffff, v0  }
0x157: {  	v0 =	vld [tilespmem:s23+$0xEC80]  }
0x158: {  	v5 =	vld [tilespmem:s23+$0xEC90]  }
0x159: {  	v6 =	vld [tilespmem:s23+$0xECA0]  }
0x15a: {  	v7 =	vld [tilespmem:s23+$0xECB0]  }
0x15b: {  	v8 =	vld [tilespmem:s23+$0xECC0]  }
0x15c: {  	v9 =	vld [tilespmem:s23+$0xECD0]  }
0x15d: {  	v10 =	vld [tilespmem:s23+$0xECE0]  }
0x15e: {  	v11 =	vld [tilespmem:s23+$0xECF0]  }
0x15f: {  	v12 =	vld [tilespmem:s23+$0xED00]  }
0x160: {  	v13 =	vld [tilespmem:s23+$0xED10]  }
0x161: {  	v14 =	vld [tilespmem:s23+$0xED20]  }
0x162: {  	[tilespmem:s23+$0x16C40] =	vst.add.f32.msk $0xffff, v1  }
0x163: {  	[tilespmem:s23+$0x16C50] =	vst.add.f32.msk $0xffff, v2  }
0x164: {  	[tilespmem:s23+$0x16C60] =	vst.add.f32.msk $0xffff, v3  }
0x165: {  	[tilespmem:s23+$0x16C70] =	vst.add.f32.msk $0xffff, v4  }
0x166: {  	[tilespmem:s23+$0x16C80] =	vst.add.f32.msk $0xffff, v0  }
0x167: {  	[tilespmem:s23+$0x16C90] =	vst.add.f32.msk $0xffff, v5  }
0x168: {  	[tilespmem:s23+$0x16CA0] =	vst.add.f32.msk $0xffff, v6  }
0x169: {  	[tilespmem:s23+$0x16CB0] =	vst.add.f32.msk $0xffff, v7  }
0x16a: {  	[tilespmem:s23+$0x16CC0] =	vst.add.f32.msk $0xffff, v8  }
0x16b: {  	[tilespmem:s23+$0x16CD0] =	vst.add.f32.msk $0xffff, v9  }
.Ltmp6:
0x16c: {  	[tilespmem:s23+$0x16CE0] =	vst.add.f32.msk $0xffff, v10;
	(pc) =	sbr.rel @p2 .LBB2_11-.Ltmp6, $4  }
0x16d: {  	[tilespmem:s23+$0x16CF0] =	vst.add.f32.msk $0xffff, v11  }
0x16e: {  	[tilespmem:s23+$0x16D00] =	vst.add.f32.msk $0xffff, v12  }
0x16f: {  	[tilespmem:s23+$0x16D10] =	vst.add.f32.msk $0xffff, v13  }
0x170: {  	[tilespmem:s23+$0x16D20] =	vst.add.f32.msk $0xffff, v14;
	s23 =	sshra.s32 s5, $0x2;
	s5 =	sadd.s32 $0x400, s5  }
0x171: {  	v0 =	vld [tilespmem:s23+$0xED30]  }
0x172: {  	v1 =	vld [tilespmem:s23+$0xEC40]  }
0x173: {  	v2 =	vld [tilespmem:s23+$0xEC50]  }
0x174: {  	v3 =	vld [tilespmem:s23+$0xEC60]  }
0x175: {  	v4 =	vld [tilespmem:s23+$0xEC70]  }
0x176: {  	v63 =	vld [tilespmem:s23+$0xEC80]  }
0x177: {  	v5 =	vld [tilespmem:s23+$0xEC90]  }
0x178: {  	v6 =	vld [tilespmem:s23+$0xECA0]  }
0x179: {  	v7 =	vld [tilespmem:s23+$0xECB0]  }
0x17a: {  	v8 =	vld [tilespmem:s23+$0xECC0]  }
0x17b: {  	v9 =	vld [tilespmem:s23+$0xECD0]  }
0x17c: {  	v10 =	vld [tilespmem:s23+$0xECE0]  }
0x17d: {  	v11 =	vld [tilespmem:s23+$0xECF0]  }
0x17e: {  	v12 =	vld [tilespmem:s23+$0xED00]  }
0x17f: {  	v13 =	vld [tilespmem:s23+$0xED10]  }
0x180: {  	v14 =	vld [tilespmem:s23+$0xED20]  }
0x181: {  	[tilespmem:s23+$0x16D30] =	vst.add.f32.msk $0xffff, v0  }
0x182: {  	[tilespmem:s23+$0x16C40] =	vst.add.f32.msk $0xffff, v1  }
0x183: {  	[tilespmem:s23+$0x16C50] =	vst.add.f32.msk $0xffff, v2  }
0x184: {  	[tilespmem:s23+$0x16C60] =	vst.add.f32.msk $0xffff, v3  }
0x185: {  	[tilespmem:s23+$0x16C70] =	vst.add.f32.msk $0xffff, v4  }
0x186: {  	[tilespmem:s23+$0x16C80] =	vst.add.f32.msk $0xffff, v63  }
0x187: {  	[tilespmem:s23+$0x16C90] =	vst.add.f32.msk $0xffff, v5  }
0x188: {  	[tilespmem:s23+$0x16CA0] =	vst.add.f32.msk $0xffff, v6  }
0x189: {  	[tilespmem:s23+$0x16CB0] =	vst.add.f32.msk $0xffff, v7  }
0x18a: {  	[tilespmem:s23+$0x16CC0] =	vst.add.f32.msk $0xffff, v8  }
0x18b: {  	[tilespmem:s23+$0x16CD0] =	vst.add.f32.msk $0xffff, v9  }
0x18c: {  	[tilespmem:s23+$0x16CE0] =	vst.add.f32.msk $0xffff, v10  }
0x18d: {  	[tilespmem:s23+$0x16CF0] =	vst.add.f32.msk $0xffff, v11  }
0x18e: {  	[tilespmem:s23+$0x16D00] =	vst.add.f32.msk $0xffff, v12  }
0x18f: {  	s5 =	rddreg [dreg:$0x10];
	s11 =	simm.s32 $0x16C40;
	[tilespmem:s23+$0x16D10] =	vst.add.f32.msk $0xffff, v13  }
0x190: {  	p2 =	sne.s32 s17, $0x1F;
	s5 =	sadd.s32 s21, s5;
	[tilespmem:s23+$0x16D20] =	vst.add.f32.msk $0xffff, v14;
	s23 =	sadd.s32 $0x9, s20  }
0x191: {  	[hbm4b:s5+s4] =	stream.linear.scatter [tilespmem:s11], [sflag:$0x12], $0x1000, $0x38;
	[tilespmem:$0x1DC40] =	vst v63  }
0x192: {  	s5 =	sshll.u32 @p2 s23, $0x9  }
0x193: {  	s13 =	simm.s32 @p2 $0xEC40;
	s11 =	simm.s32 @p2 $0x0;
	s5 =	sadd.s32 @p2 s5, s6  }
0x194: {  	[tilespmem:s13], [sflag:$0x2] =	stream.linear.gather @p2 [hbm4b:s5+s11], $0x1000, $0x38;
	[tilespmem:$0x1DC40] =	vst v63  }
0x195: {  	s5 =	simm.s32 @p2 $0x11  }
0x196: {  	_ =	swait.ge @p2 [sflag:s5], $0x1000  }
0x197: {  	s11 =	sshll.u32 @p2 s22, $0x5;
	[sflag:s5] =	ssyncset.done @p2 $0x0  }
0x198: {  	[sflag:s5] =	ssyncadd.s32 @p2 $0xFFFFF000;
	s5 =	sand.u32 @p2 $0x3FFFFFE0, s11  }
0x199: {  	s13 =	simm.s32 @p2 $0x15C40;
	s11 =	simm.s32 @p2 $0x20;
	s5 =	sadd.s32 @p2 $0x2000, s5  }
0x19a: {  	[tilespmem:s13], [sflag:$0x9] =	stream.indirect.gather @p2 [spmem:s3], $0x80, s5, s11, $0xb8;
	[tilespmem:$0x1DC40] =	vst v63  }
0x19b: {  	s5 =	simm.s32 @!p2 $0x11  }
0x19c: {  	_ =	swait.ge @!p2 [sflag:s5], $0x1000  }
0x19d: {  	[sflag:s5] =	ssyncset.done @!p2 $0x0  }
0x19e: {  	[sflag:s5] =	ssyncadd.s32 @!p2 $0xFFFFF000  }
0x19f: {  	_ =	swait.ge [sflag:s16], $0x1000  }
0x1a0: {  	[sflag:s16] =	ssyncset.done $0x0  }
0x1a1: {  	[sflag:s16] =	ssyncadd.s32 $0xFFFFF000  }
0x1a2: {  	_ =	swait.ge [sflag:s25], $0x1000  }
0x1a3: {  	[sflag:s25] =	ssyncset.done $0x0  }
0x1a4: {  	s22 =	simm.s32 $0x0;
	s5 =	simm.s32 $0x400;
	[sflag:s25] =	ssyncadd.s32 $0xFFFFF000  }
.LBB2_13:
0x1a5: {  	p3 =	sne.s32 s5, $0x3C00;
	v0 =	vld [tilespmem:s22+$0xFD30]  }
0x1a6: {  	v1 =	vld [tilespmem:s22+$0xFC40]  }
0x1a7: {  	v2 =	vld [tilespmem:s22+$0xFC50]  }
0x1a8: {  	v3 =	vld [tilespmem:s22+$0xFC60]  }
0x1a9: {  	v4 =	vld [tilespmem:s22+$0xFC70]  }
0x1aa: {  	[tilespmem:s22+$0x17D30] =	vst.add.f32.msk $0xffff, v0  }
0x1ab: {  	v0 =	vld [tilespmem:s22+$0xFC80]  }
0x1ac: {  	v5 =	vld [tilespmem:s22+$0xFC90]  }
0x1ad: {  	v6 =	vld [tilespmem:s22+$0xFCA0]  }
0x1ae: {  	v7 =	vld [tilespmem:s22+$0xFCB0]  }
0x1af: {  	v8 =	vld [tilespmem:s22+$0xFCC0]  }
0x1b0: {  	v9 =	vld [tilespmem:s22+$0xFCD0]  }
0x1b1: {  	v10 =	vld [tilespmem:s22+$0xFCE0]  }
0x1b2: {  	v11 =	vld [tilespmem:s22+$0xFCF0]  }
0x1b3: {  	v12 =	vld [tilespmem:s22+$0xFD00]  }
0x1b4: {  	v13 =	vld [tilespmem:s22+$0xFD10]  }
0x1b5: {  	v14 =	vld [tilespmem:s22+$0xFD20]  }
0x1b6: {  	[tilespmem:s22+$0x17C40] =	vst.add.f32.msk $0xffff, v1  }
0x1b7: {  	[tilespmem:s22+$0x17C50] =	vst.add.f32.msk $0xffff, v2  }
0x1b8: {  	[tilespmem:s22+$0x17C60] =	vst.add.f32.msk $0xffff, v3  }
0x1b9: {  	[tilespmem:s22+$0x17C70] =	vst.add.f32.msk $0xffff, v4  }
0x1ba: {  	[tilespmem:s22+$0x17C80] =	vst.add.f32.msk $0xffff, v0  }
0x1bb: {  	[tilespmem:s22+$0x17C90] =	vst.add.f32.msk $0xffff, v5  }
0x1bc: {  	[tilespmem:s22+$0x17CA0] =	vst.add.f32.msk $0xffff, v6  }
0x1bd: {  	[tilespmem:s22+$0x17CB0] =	vst.add.f32.msk $0xffff, v7  }
0x1be: {  	[tilespmem:s22+$0x17CC0] =	vst.add.f32.msk $0xffff, v8  }
0x1bf: {  	[tilespmem:s22+$0x17CD0] =	vst.add.f32.msk $0xffff, v9  }
.Ltmp7:
0x1c0: {  	[tilespmem:s22+$0x17CE0] =	vst.add.f32.msk $0xffff, v10;
	(pc) =	sbr.rel @p3 .LBB2_13-.Ltmp7, $4  }
0x1c1: {  	[tilespmem:s22+$0x17CF0] =	vst.add.f32.msk $0xffff, v11  }
0x1c2: {  	[tilespmem:s22+$0x17D00] =	vst.add.f32.msk $0xffff, v12  }
0x1c3: {  	[tilespmem:s22+$0x17D10] =	vst.add.f32.msk $0xffff, v13  }
0x1c4: {  	[tilespmem:s22+$0x17D20] =	vst.add.f32.msk $0xffff, v14;
	s22 =	sshra.s32 s5, $0x2;
	s5 =	sadd.s32 $0x400, s5  }
0x1c5: {  	v0 =	vld [tilespmem:s22+$0xFD30]  }
0x1c6: {  	v1 =	vld [tilespmem:s22+$0xFC40]  }
0x1c7: {  	v2 =	vld [tilespmem:s22+$0xFC50]  }
0x1c8: {  	v3 =	vld [tilespmem:s22+$0xFC60]  }
0x1c9: {  	v4 =	vld [tilespmem:s22+$0xFC70]  }
0x1ca: {  	v63 =	vld [tilespmem:s22+$0xFC80]  }
0x1cb: {  	v5 =	vld [tilespmem:s22+$0xFC90]  }
0x1cc: {  	v6 =	vld [tilespmem:s22+$0xFCA0]  }
0x1cd: {  	v7 =	vld [tilespmem:s22+$0xFCB0]  }
0x1ce: {  	v8 =	vld [tilespmem:s22+$0xFCC0]  }
0x1cf: {  	v9 =	vld [tilespmem:s22+$0xFCD0]  }
0x1d0: {  	v10 =	vld [tilespmem:s22+$0xFCE0]  }
0x1d1: {  	v11 =	vld [tilespmem:s22+$0xFCF0]  }
0x1d2: {  	v12 =	vld [tilespmem:s22+$0xFD00]  }
0x1d3: {  	v13 =	vld [tilespmem:s22+$0xFD10]  }
0x1d4: {  	v14 =	vld [tilespmem:s22+$0xFD20]  }
0x1d5: {  	[tilespmem:s22+$0x17D30] =	vst.add.f32.msk $0xffff, v0  }
0x1d6: {  	[tilespmem:s22+$0x17C40] =	vst.add.f32.msk $0xffff, v1  }
0x1d7: {  	[tilespmem:s22+$0x17C50] =	vst.add.f32.msk $0xffff, v2  }
0x1d8: {  	[tilespmem:s22+$0x17C60] =	vst.add.f32.msk $0xffff, v3  }
0x1d9: {  	[tilespmem:s22+$0x17C70] =	vst.add.f32.msk $0xffff, v4  }
0x1da: {  	[tilespmem:s22+$0x17C80] =	vst.add.f32.msk $0xffff, v63  }
0x1db: {  	[tilespmem:s22+$0x17C90] =	vst.add.f32.msk $0xffff, v5  }
0x1dc: {  	[tilespmem:s22+$0x17CA0] =	vst.add.f32.msk $0xffff, v6  }
0x1dd: {  	[tilespmem:s22+$0x17CB0] =	vst.add.f32.msk $0xffff, v7  }
0x1de: {  	[tilespmem:s22+$0x17CC0] =	vst.add.f32.msk $0xffff, v8  }
0x1df: {  	[tilespmem:s22+$0x17CD0] =	vst.add.f32.msk $0xffff, v9  }
0x1e0: {  	[tilespmem:s22+$0x17CE0] =	vst.add.f32.msk $0xffff, v10  }
0x1e1: {  	[tilespmem:s22+$0x17CF0] =	vst.add.f32.msk $0xffff, v11  }
0x1e2: {  	[tilespmem:s22+$0x17D00] =	vst.add.f32.msk $0xffff, v12  }
0x1e3: {  	s5 =	rddreg [dreg:$0x11];
	[tilespmem:s22+$0x17D10] =	vst.add.f32.msk $0xffff, v13  }
0x1e4: {  	s11 =	simm.s32 $0x17C40;
	s5 =	sadd.s32 s21, s5;
	[tilespmem:s22+$0x17D20] =	vst.add.f32.msk $0xffff, v14;
	s22 =	sadd.s32 $0xA, s20  }
0x1e5: {  	[hbm4b:s5+s4] =	stream.linear.scatter [tilespmem:s11], [sflag:$0x13], $0x1000, $0x38;
	[tilespmem:$0x1DC40] =	vst v63  }
0x1e6: {  	s5 =	sshll.u32 @p2 s22, $0x9  }
0x1e7: {  	s13 =	simm.s32 @p2 $0xFC40;
	s11 =	simm.s32 @p2 $0x0;
	s5 =	sadd.s32 @p2 s5, s6  }
0x1e8: {  	[tilespmem:s13], [sflag:$0x3] =	stream.linear.gather @p2 [hbm4b:s5+s11], $0x1000, $0x38;
	[tilespmem:$0x1DC40] =	vst v63  }
0x1e9: {  	s5 =	simm.s32 @p2 $0x12  }
0x1ea: {  	_ =	swait.ge @p2 [sflag:s5], $0x1000  }
0x1eb: {  	s11 =	sshll.u32 @p2 s23, $0x5;
	[sflag:s5] =	ssyncset.done @p2 $0x0  }
0x1ec: {  	[sflag:s5] =	ssyncadd.s32 @p2 $0xFFFFF000;
	s5 =	sand.u32 @p2 $0x3F00, s11  }
0x1ed: {  	s13 =	simm.s32 @p2 $0x16C40;
	s11 =	simm.s32 @p2 $0x20;
	s5 =	sadd.s32 @p2 $0x2020, s5  }
0x1ee: {  	[tilespmem:s13], [sflag:$0xA] =	stream.indirect.gather @p2 [spmem:s3], $0x80, s5, s11, $0xb8;
	[tilespmem:$0x1DC40] =	vst v63  }
0x1ef: {  	s5 =	simm.s32 @!p2 $0x12  }
0x1f0: {  	_ =	swait.ge @!p2 [sflag:s5], $0x1000  }
0x1f1: {  	[sflag:s5] =	ssyncset.done @!p2 $0x0  }
0x1f2: {  	[sflag:s5] =	ssyncadd.s32 @!p2 $0xFFFFF000  }
0x1f3: {  	_ =	swait.ge [sflag:s28], $0x1000  }
0x1f4: {  	[sflag:s28] =	ssyncset.done $0x0  }
0x1f5: {  	[sflag:s28] =	ssyncadd.s32 $0xFFFFF000  }
0x1f6: {  	_ =	swait.ge [sflag:s29], $0x1000  }
0x1f7: {  	[sflag:s29] =	ssyncset.done $0x0  }
0x1f8: {  	s23 =	simm.s32 $0x0;
	s5 =	simm.s32 $0x400;
	[sflag:s29] =	ssyncadd.s32 $0xFFFFF000  }
.LBB2_15:
0x1f9: {  	p3 =	sne.s32 s5, $0x3C00;
	v0 =	vld [tilespmem:s23+$0x10D30]  }
0x1fa: {  	v1 =	vld [tilespmem:s23+$0x10C40]  }
0x1fb: {  	v2 =	vld [tilespmem:s23+$0x10C50]  }
0x1fc: {  	v3 =	vld [tilespmem:s23+$0x10C60]  }
0x1fd: {  	v4 =	vld [tilespmem:s23+$0x10C70]  }
0x1fe: {  	[tilespmem:s23+$0x18D30] =	vst.add.f32.msk $0xffff, v0  }
0x1ff: {  	v0 =	vld [tilespmem:s23+$0x10C80]  }
0x200: {  	v5 =	vld [tilespmem:s23+$0x10C90]  }
0x201: {  	v6 =	vld [tilespmem:s23+$0x10CA0]  }
0x202: {  	v7 =	vld [tilespmem:s23+$0x10CB0]  }
0x203: {  	v8 =	vld [tilespmem:s23+$0x10CC0]  }
0x204: {  	v9 =	vld [tilespmem:s23+$0x10CD0]  }
0x205: {  	v10 =	vld [tilespmem:s23+$0x10CE0]  }
0x206: {  	v11 =	vld [tilespmem:s23+$0x10CF0]  }
0x207: {  	v12 =	vld [tilespmem:s23+$0x10D00]  }
0x208: {  	v13 =	vld [tilespmem:s23+$0x10D10]  }
0x209: {  	v14 =	vld [tilespmem:s23+$0x10D20]  }
0x20a: {  	[tilespmem:s23+$0x18C40] =	vst.add.f32.msk $0xffff, v1  }
0x20b: {  	[tilespmem:s23+$0x18C50] =	vst.add.f32.msk $0xffff, v2  }
0x20c: {  	[tilespmem:s23+$0x18C60] =	vst.add.f32.msk $0xffff, v3  }
0x20d: {  	[tilespmem:s23+$0x18C70] =	vst.add.f32.msk $0xffff, v4  }
0x20e: {  	[tilespmem:s23+$0x18C80] =	vst.add.f32.msk $0xffff, v0  }
0x20f: {  	[tilespmem:s23+$0x18C90] =	vst.add.f32.msk $0xffff, v5  }
0x210: {  	[tilespmem:s23+$0x18CA0] =	vst.add.f32.msk $0xffff, v6  }
0x211: {  	[tilespmem:s23+$0x18CB0] =	vst.add.f32.msk $0xffff, v7  }
0x212: {  	[tilespmem:s23+$0x18CC0] =	vst.add.f32.msk $0xffff, v8  }
0x213: {  	[tilespmem:s23+$0x18CD0] =	vst.add.f32.msk $0xffff, v9  }
.Ltmp8:
0x214: {  	[tilespmem:s23+$0x18CE0] =	vst.add.f32.msk $0xffff, v10;
	(pc) =	sbr.rel @p3 .LBB2_15-.Ltmp8, $4  }
0x215: {  	[tilespmem:s23+$0x18CF0] =	vst.add.f32.msk $0xffff, v11  }
0x216: {  	[tilespmem:s23+$0x18D00] =	vst.add.f32.msk $0xffff, v12  }
0x217: {  	[tilespmem:s23+$0x18D10] =	vst.add.f32.msk $0xffff, v13  }
0x218: {  	[tilespmem:s23+$0x18D20] =	vst.add.f32.msk $0xffff, v14;
	s23 =	sshra.s32 s5, $0x2;
	s5 =	sadd.s32 $0x400, s5  }
0x219: {  	v0 =	vld [tilespmem:s23+$0x10D30]  }
0x21a: {  	v1 =	vld [tilespmem:s23+$0x10C40]  }
0x21b: {  	v2 =	vld [tilespmem:s23+$0x10C50]  }
0x21c: {  	v3 =	vld [tilespmem:s23+$0x10C60]  }
0x21d: {  	v4 =	vld [tilespmem:s23+$0x10C70]  }
0x21e: {  	v63 =	vld [tilespmem:s23+$0x10C80]  }
0x21f: {  	v5 =	vld [tilespmem:s23+$0x10C90]  }
0x220: {  	v6 =	vld [tilespmem:s23+$0x10CA0]  }
0x221: {  	v7 =	vld [tilespmem:s23+$0x10CB0]  }
0x222: {  	v8 =	vld [tilespmem:s23+$0x10CC0]  }
0x223: {  	v9 =	vld [tilespmem:s23+$0x10CD0]  }
0x224: {  	v10 =	vld [tilespmem:s23+$0x10CE0]  }
0x225: {  	v11 =	vld [tilespmem:s23+$0x10CF0]  }
0x226: {  	v12 =	vld [tilespmem:s23+$0x10D00]  }
0x227: {  	v13 =	vld [tilespmem:s23+$0x10D10]  }
0x228: {  	v14 =	vld [tilespmem:s23+$0x10D20]  }
0x229: {  	[tilespmem:s23+$0x18D30] =	vst.add.f32.msk $0xffff, v0  }
0x22a: {  	[tilespmem:s23+$0x18C40] =	vst.add.f32.msk $0xffff, v1  }
0x22b: {  	[tilespmem:s23+$0x18C50] =	vst.add.f32.msk $0xffff, v2  }
0x22c: {  	[tilespmem:s23+$0x18C60] =	vst.add.f32.msk $0xffff, v3  }
0x22d: {  	[tilespmem:s23+$0x18C70] =	vst.add.f32.msk $0xffff, v4  }
0x22e: {  	[tilespmem:s23+$0x18C80] =	vst.add.f32.msk $0xffff, v63  }
0x22f: {  	[tilespmem:s23+$0x18C90] =	vst.add.f32.msk $0xffff, v5  }
0x230: {  	[tilespmem:s23+$0x18CA0] =	vst.add.f32.msk $0xffff, v6  }
0x231: {  	[tilespmem:s23+$0x18CB0] =	vst.add.f32.msk $0xffff, v7  }
0x232: {  	[tilespmem:s23+$0x18CC0] =	vst.add.f32.msk $0xffff, v8  }
0x233: {  	[tilespmem:s23+$0x18CD0] =	vst.add.f32.msk $0xffff, v9  }
0x234: {  	[tilespmem:s23+$0x18CE0] =	vst.add.f32.msk $0xffff, v10  }
0x235: {  	[tilespmem:s23+$0x18CF0] =	vst.add.f32.msk $0xffff, v11  }
0x236: {  	[tilespmem:s23+$0x18D00] =	vst.add.f32.msk $0xffff, v12  }
0x237: {  	s5 =	rddreg [dreg:$0x12];
	[tilespmem:s23+$0x18D10] =	vst.add.f32.msk $0xffff, v13  }
0x238: {  	s11 =	simm.s32 $0x18C40;
	s5 =	sadd.s32 s21, s5;
	[tilespmem:s23+$0x18D20] =	vst.add.f32.msk $0xffff, v14;
	s23 =	sadd.s32 $0xB, s20  }
0x239: {  	[hbm4b:s5+s4] =	stream.linear.scatter [tilespmem:s11], [sflag:$0x14], $0x1000, $0x38;
	[tilespmem:$0x1DC40] =	vst v63  }
0x23a: {  	s5 =	sshll.u32 @p2 s23, $0x9  }
0x23b: {  	s13 =	simm.s32 @p2 $0x10C40;
	s11 =	simm.s32 @p2 $0x0;
	s5 =	sadd.s32 @p2 s5, s6  }
0x23c: {  	[tilespmem:s13], [sflag:$0x4] =	stream.linear.gather @p2 [hbm4b:s5+s11], $0x1000, $0x38;
	[tilespmem:$0x1DC40] =	vst v63  }
0x23d: {  	s5 =	simm.s32 @p2 $0x13  }
0x23e: {  	_ =	swait.ge @p2 [sflag:s5], $0x1000  }
0x23f: {  	s11 =	sshll.u32 @p2 s22, $0x5;
	[sflag:s5] =	ssyncset.done @p2 $0x0  }
0x240: {  	[sflag:s5] =	ssyncadd.s32 @p2 $0xFFFFF000;
	s5 =	sand.u32 @p2 $0x3F00, s11  }
0x241: {  	s13 =	simm.s32 @p2 $0x17C40;
	s11 =	simm.s32 @p2 $0x20;
	s5 =	sadd.s32 @p2 $0x2040, s5  }
0x242: {  	[tilespmem:s13], [sflag:$0xB] =	stream.indirect.gather @p2 [spmem:s3], $0x80, s5, s11, $0xb8;
	[tilespmem:$0x1DC40] =	vst v63  }
0x243: {  	s5 =	simm.s32 @!p2 $0x13  }
0x244: {  	_ =	swait.ge @!p2 [sflag:s5], $0x1000  }
0x245: {  	[sflag:s5] =	ssyncset.done @!p2 $0x0  }
0x246: {  	[sflag:s5] =	ssyncadd.s32 @!p2 $0xFFFFF000  }
0x247: {  	_ =	swait.ge [sflag:s2], $0x1000  }
0x248: {  	[sflag:s2] =	ssyncset.done $0x0  }
0x249: {  	[sflag:s2] =	ssyncadd.s32 $0xFFFFF000  }
0x24a: {  	_ =	swait.ge [sflag:s26], $0x1000  }
0x24b: {  	[sflag:s26] =	ssyncset.done $0x0  }
0x24c: {  	s22 =	simm.s32 $0x0;
	s5 =	simm.s32 $0x400;
	[sflag:s26] =	ssyncadd.s32 $0xFFFFF000  }
.LBB2_17:
0x24d: {  	p3 =	sne.s32 s5, $0x3C00;
	v0 =	vld [tilespmem:s22+$0x11D30]  }
0x24e: {  	v1 =	vld [tilespmem:s22+$0x11C40]  }
0x24f: {  	v2 =	vld [tilespmem:s22+$0x11C50]  }
0x250: {  	v3 =	vld [tilespmem:s22+$0x11C60]  }
0x251: {  	v4 =	vld [tilespmem:s22+$0x11C70]  }
0x252: {  	[tilespmem:s22+$0x19D30] =	vst.add.f32.msk $0xffff, v0  }
0x253: {  	v0 =	vld [tilespmem:s22+$0x11C80]  }
0x254: {  	v5 =	vld [tilespmem:s22+$0x11C90]  }
0x255: {  	v6 =	vld [tilespmem:s22+$0x11CA0]  }
0x256: {  	v7 =	vld [tilespmem:s22+$0x11CB0]  }
0x257: {  	v8 =	vld [tilespmem:s22+$0x11CC0]  }
0x258: {  	v9 =	vld [tilespmem:s22+$0x11CD0]  }
0x259: {  	v10 =	vld [tilespmem:s22+$0x11CE0]  }
0x25a: {  	v11 =	vld [tilespmem:s22+$0x11CF0]  }
0x25b: {  	v12 =	vld [tilespmem:s22+$0x11D00]  }
0x25c: {  	v13 =	vld [tilespmem:s22+$0x11D10]  }
0x25d: {  	v14 =	vld [tilespmem:s22+$0x11D20]  }
0x25e: {  	[tilespmem:s22+$0x19C40] =	vst.add.f32.msk $0xffff, v1  }
0x25f: {  	[tilespmem:s22+$0x19C50] =	vst.add.f32.msk $0xffff, v2  }
0x260: {  	[tilespmem:s22+$0x19C60] =	vst.add.f32.msk $0xffff, v3  }
0x261: {  	[tilespmem:s22+$0x19C70] =	vst.add.f32.msk $0xffff, v4  }
0x262: {  	[tilespmem:s22+$0x19C80] =	vst.add.f32.msk $0xffff, v0  }
0x263: {  	[tilespmem:s22+$0x19C90] =	vst.add.f32.msk $0xffff, v5  }
0x264: {  	[tilespmem:s22+$0x19CA0] =	vst.add.f32.msk $0xffff, v6  }
0x265: {  	[tilespmem:s22+$0x19CB0] =	vst.add.f32.msk $0xffff, v7  }
0x266: {  	[tilespmem:s22+$0x19CC0] =	vst.add.f32.msk $0xffff, v8  }
0x267: {  	[tilespmem:s22+$0x19CD0] =	vst.add.f32.msk $0xffff, v9  }
.Ltmp9:
0x268: {  	[tilespmem:s22+$0x19CE0] =	vst.add.f32.msk $0xffff, v10;
	(pc) =	sbr.rel @p3 .LBB2_17-.Ltmp9, $4  }
0x269: {  	[tilespmem:s22+$0x19CF0] =	vst.add.f32.msk $0xffff, v11  }
0x26a: {  	[tilespmem:s22+$0x19D00] =	vst.add.f32.msk $0xffff, v12  }
0x26b: {  	[tilespmem:s22+$0x19D10] =	vst.add.f32.msk $0xffff, v13  }
0x26c: {  	[tilespmem:s22+$0x19D20] =	vst.add.f32.msk $0xffff, v14;
	s22 =	sshra.s32 s5, $0x2;
	s5 =	sadd.s32 $0x400, s5  }
0x26d: {  	v0 =	vld [tilespmem:s22+$0x11D30]  }
0x26e: {  	v1 =	vld [tilespmem:s22+$0x11C40]  }
0x26f: {  	v2 =	vld [tilespmem:s22+$0x11C50]  }
0x270: {  	v3 =	vld [tilespmem:s22+$0x11C60]  }
0x271: {  	v4 =	vld [tilespmem:s22+$0x11C70]  }
0x272: {  	v63 =	vld [tilespmem:s22+$0x11C80]  }
0x273: {  	v5 =	vld [tilespmem:s22+$0x11C90]  }
0x274: {  	v6 =	vld [tilespmem:s22+$0x11CA0]  }
0x275: {  	v7 =	vld [tilespmem:s22+$0x11CB0]  }
0x276: {  	v8 =	vld [tilespmem:s22+$0x11CC0]  }
0x277: {  	v9 =	vld [tilespmem:s22+$0x11CD0]  }
0x278: {  	v10 =	vld [tilespmem:s22+$0x11CE0]  }
0x279: {  	v11 =	vld [tilespmem:s22+$0x11CF0]  }
0x27a: {  	v12 =	vld [tilespmem:s22+$0x11D00]  }
0x27b: {  	v13 =	vld [tilespmem:s22+$0x11D10]  }
0x27c: {  	v14 =	vld [tilespmem:s22+$0x11D20]  }
0x27d: {  	[tilespmem:s22+$0x19D30] =	vst.add.f32.msk $0xffff, v0  }
0x27e: {  	[tilespmem:s22+$0x19C40] =	vst.add.f32.msk $0xffff, v1  }
0x27f: {  	[tilespmem:s22+$0x19C50] =	vst.add.f32.msk $0xffff, v2  }
0x280: {  	[tilespmem:s22+$0x19C60] =	vst.add.f32.msk $0xffff, v3  }
0x281: {  	[tilespmem:s22+$0x19C70] =	vst.add.f32.msk $0xffff, v4  }
0x282: {  	[tilespmem:s22+$0x19C80] =	vst.add.f32.msk $0xffff, v63  }
0x283: {  	[tilespmem:s22+$0x19C90] =	vst.add.f32.msk $0xffff, v5  }
0x284: {  	[tilespmem:s22+$0x19CA0] =	vst.add.f32.msk $0xffff, v6  }
0x285: {  	[tilespmem:s22+$0x19CB0] =	vst.add.f32.msk $0xffff, v7  }
0x286: {  	[tilespmem:s22+$0x19CC0] =	vst.add.f32.msk $0xffff, v8  }
0x287: {  	[tilespmem:s22+$0x19CD0] =	vst.add.f32.msk $0xffff, v9  }
0x288: {  	[tilespmem:s22+$0x19CE0] =	vst.add.f32.msk $0xffff, v10  }
0x289: {  	[tilespmem:s22+$0x19CF0] =	vst.add.f32.msk $0xffff, v11  }
0x28a: {  	[tilespmem:s22+$0x19D00] =	vst.add.f32.msk $0xffff, v12  }
0x28b: {  	s5 =	rddreg [dreg:$0x13];
	[tilespmem:s22+$0x19D10] =	vst.add.f32.msk $0xffff, v13  }
0x28c: {  	s11 =	simm.s32 $0x19C40;
	s5 =	sadd.s32 s21, s5;
	[tilespmem:s22+$0x19D20] =	vst.add.f32.msk $0xffff, v14;
	s22 =	sadd.s32 $0xC, s20  }
0x28d: {  	[hbm4b:s5+s4] =	stream.linear.scatter [tilespmem:s11], [sflag:$0x15], $0x1000, $0x38;
	[tilespmem:$0x1DC40] =	vst v63  }
0x28e: {  	s5 =	sshll.u32 @p2 s22, $0x9  }
0x28f: {  	s13 =	simm.s32 @p2 $0x11C40;
	s11 =	simm.s32 @p2 $0x0;
	s5 =	sadd.s32 @p2 s5, s6  }
0x290: {  	[tilespmem:s13], [sflag:$0x5] =	stream.linear.gather @p2 [hbm4b:s5+s11], $0x1000, $0x38;
	[tilespmem:$0x1DC40] =	vst v63  }
0x291: {  	s5 =	simm.s32 @p2 $0x14  }
0x292: {  	_ =	swait.ge @p2 [sflag:s5], $0x1000  }
0x293: {  	s11 =	sshll.u32 @p2 s23, $0x5;
	[sflag:s5] =	ssyncset.done @p2 $0x0  }
0x294: {  	[sflag:s5] =	ssyncadd.s32 @p2 $0xFFFFF000;
	s5 =	sand.u32 @p2 $0x3F00, s11  }
0x295: {  	s13 =	simm.s32 @p2 $0x18C40;
	s11 =	simm.s32 @p2 $0x20;
	s5 =	sadd.s32 @p2 $0x2060, s5  }
0x296: {  	[tilespmem:s13], [sflag:$0xC] =	stream.indirect.gather @p2 [spmem:s3], $0x80, s5, s11, $0xb8;
	[tilespmem:$0x1DC40] =	vst v63  }
0x297: {  	s5 =	simm.s32 @!p2 $0x14  }
0x298: {  	_ =	swait.ge @!p2 [sflag:s5], $0x1000  }
0x299: {  	[sflag:s5] =	ssyncset.done @!p2 $0x0  }
0x29a: {  	[sflag:s5] =	ssyncadd.s32 @!p2 $0xFFFFF000  }
0x29b: {  	_ =	swait.ge [sflag:s1], $0x1000  }
0x29c: {  	[sflag:s1] =	ssyncset.done $0x0  }
0x29d: {  	[sflag:s1] =	ssyncadd.s32 $0xFFFFF000  }
0x29e: {  	_ =	swait.ge [sflag:s31], $0x1000  }
0x29f: {  	[sflag:s31] =	ssyncset.done $0x0  }
0x2a0: {  	s23 =	simm.s32 $0x0;
	s5 =	simm.s32 $0x400;
	[sflag:s31] =	ssyncadd.s32 $0xFFFFF000  }
.LBB2_19:
0x2a1: {  	p3 =	sne.s32 s5, $0x3C00;
	v0 =	vld [tilespmem:s23+$0x12D30]  }
0x2a2: {  	v1 =	vld [tilespmem:s23+$0x12C40]  }
0x2a3: {  	v2 =	vld [tilespmem:s23+$0x12C50]  }
0x2a4: {  	v3 =	vld [tilespmem:s23+$0x12C60]  }
0x2a5: {  	v4 =	vld [tilespmem:s23+$0x12C70]  }
0x2a6: {  	[tilespmem:s23+$0x1AD30] =	vst.add.f32.msk $0xffff, v0  }
0x2a7: {  	v0 =	vld [tilespmem:s23+$0x12C80]  }
0x2a8: {  	v5 =	vld [tilespmem:s23+$0x12C90]  }
0x2a9: {  	v6 =	vld [tilespmem:s23+$0x12CA0]  }
0x2aa: {  	v7 =	vld [tilespmem:s23+$0x12CB0]  }
0x2ab: {  	v8 =	vld [tilespmem:s23+$0x12CC0]  }
0x2ac: {  	v9 =	vld [tilespmem:s23+$0x12CD0]  }
0x2ad: {  	v10 =	vld [tilespmem:s23+$0x12CE0]  }
0x2ae: {  	v11 =	vld [tilespmem:s23+$0x12CF0]  }
0x2af: {  	v12 =	vld [tilespmem:s23+$0x12D00]  }
0x2b0: {  	v13 =	vld [tilespmem:s23+$0x12D10]  }
0x2b1: {  	v14 =	vld [tilespmem:s23+$0x12D20]  }
0x2b2: {  	[tilespmem:s23+$0x1AC40] =	vst.add.f32.msk $0xffff, v1  }
0x2b3: {  	[tilespmem:s23+$0x1AC50] =	vst.add.f32.msk $0xffff, v2  }
0x2b4: {  	[tilespmem:s23+$0x1AC60] =	vst.add.f32.msk $0xffff, v3  }
0x2b5: {  	[tilespmem:s23+$0x1AC70] =	vst.add.f32.msk $0xffff, v4  }
0x2b6: {  	[tilespmem:s23+$0x1AC80] =	vst.add.f32.msk $0xffff, v0  }
0x2b7: {  	[tilespmem:s23+$0x1AC90] =	vst.add.f32.msk $0xffff, v5  }
0x2b8: {  	[tilespmem:s23+$0x1ACA0] =	vst.add.f32.msk $0xffff, v6  }
0x2b9: {  	[tilespmem:s23+$0x1ACB0] =	vst.add.f32.msk $0xffff, v7  }
0x2ba: {  	[tilespmem:s23+$0x1ACC0] =	vst.add.f32.msk $0xffff, v8  }
0x2bb: {  	[tilespmem:s23+$0x1ACD0] =	vst.add.f32.msk $0xffff, v9  }
.Ltmp10:
0x2bc: {  	[tilespmem:s23+$0x1ACE0] =	vst.add.f32.msk $0xffff, v10;
	(pc) =	sbr.rel @p3 .LBB2_19-.Ltmp10, $4  }
0x2bd: {  	[tilespmem:s23+$0x1ACF0] =	vst.add.f32.msk $0xffff, v11  }
0x2be: {  	[tilespmem:s23+$0x1AD00] =	vst.add.f32.msk $0xffff, v12  }
0x2bf: {  	[tilespmem:s23+$0x1AD10] =	vst.add.f32.msk $0xffff, v13  }
0x2c0: {  	[tilespmem:s23+$0x1AD20] =	vst.add.f32.msk $0xffff, v14;
	s23 =	sshra.s32 s5, $0x2;
	s5 =	sadd.s32 $0x400, s5  }
0x2c1: {  	v0 =	vld [tilespmem:s23+$0x12D30]  }
0x2c2: {  	v1 =	vld [tilespmem:s23+$0x12C40]  }
0x2c3: {  	v2 =	vld [tilespmem:s23+$0x12C50]  }
0x2c4: {  	v3 =	vld [tilespmem:s23+$0x12C60]  }
0x2c5: {  	v4 =	vld [tilespmem:s23+$0x12C70]  }
0x2c6: {  	v63 =	vld [tilespmem:s23+$0x12C80]  }
0x2c7: {  	v5 =	vld [tilespmem:s23+$0x12C90]  }
0x2c8: {  	v6 =	vld [tilespmem:s23+$0x12CA0]  }
0x2c9: {  	v7 =	vld [tilespmem:s23+$0x12CB0]  }
0x2ca: {  	v8 =	vld [tilespmem:s23+$0x12CC0]  }
0x2cb: {  	v9 =	vld [tilespmem:s23+$0x12CD0]  }
0x2cc: {  	v10 =	vld [tilespmem:s23+$0x12CE0]  }
0x2cd: {  	v11 =	vld [tilespmem:s23+$0x12CF0]  }
0x2ce: {  	v12 =	vld [tilespmem:s23+$0x12D00]  }
0x2cf: {  	v13 =	vld [tilespmem:s23+$0x12D10]  }
0x2d0: {  	v14 =	vld [tilespmem:s23+$0x12D20]  }
0x2d1: {  	[tilespmem:s23+$0x1AD30] =	vst.add.f32.msk $0xffff, v0  }
0x2d2: {  	[tilespmem:s23+$0x1AC40] =	vst.add.f32.msk $0xffff, v1  }
0x2d3: {  	[tilespmem:s23+$0x1AC50] =	vst.add.f32.msk $0xffff, v2  }
0x2d4: {  	[tilespmem:s23+$0x1AC60] =	vst.add.f32.msk $0xffff, v3  }
0x2d5: {  	[tilespmem:s23+$0x1AC70] =	vst.add.f32.msk $0xffff, v4  }
0x2d6: {  	[tilespmem:s23+$0x1AC80] =	vst.add.f32.msk $0xffff, v63  }
0x2d7: {  	[tilespmem:s23+$0x1AC90] =	vst.add.f32.msk $0xffff, v5  }
0x2d8: {  	[tilespmem:s23+$0x1ACA0] =	vst.add.f32.msk $0xffff, v6  }
0x2d9: {  	[tilespmem:s23+$0x1ACB0] =	vst.add.f32.msk $0xffff, v7  }
0x2da: {  	[tilespmem:s23+$0x1ACC0] =	vst.add.f32.msk $0xffff, v8  }
0x2db: {  	[tilespmem:s23+$0x1ACD0] =	vst.add.f32.msk $0xffff, v9  }
0x2dc: {  	[tilespmem:s23+$0x1ACE0] =	vst.add.f32.msk $0xffff, v10  }
0x2dd: {  	[tilespmem:s23+$0x1ACF0] =	vst.add.f32.msk $0xffff, v11  }
0x2de: {  	[tilespmem:s23+$0x1AD00] =	vst.add.f32.msk $0xffff, v12  }
0x2df: {  	s5 =	rddreg [dreg:$0x14];
	[tilespmem:s23+$0x1AD10] =	vst.add.f32.msk $0xffff, v13  }
0x2e0: {  	s11 =	simm.s32 $0x1AC40;
	s5 =	sadd.s32 s21, s5;
	[tilespmem:s23+$0x1AD20] =	vst.add.f32.msk $0xffff, v14;
	s23 =	sadd.s32 $0xD, s20  }
0x2e1: {  	[hbm4b:s5+s4] =	stream.linear.scatter [tilespmem:s11], [sflag:$0x16], $0x1000, $0x38;
	[tilespmem:$0x1DC40] =	vst v63  }
0x2e2: {  	s5 =	sshll.u32 @p2 s23, $0x9  }
0x2e3: {  	s13 =	simm.s32 @p2 $0x12C40;
	s11 =	simm.s32 @p2 $0x0;
	s5 =	sadd.s32 @p2 s5, s6  }
0x2e4: {  	[tilespmem:s13], [sflag:$0x6] =	stream.linear.gather @p2 [hbm4b:s5+s11], $0x1000, $0x38;
	[tilespmem:$0x1DC40] =	vst v63  }
0x2e5: {  	s5 =	simm.s32 @p2 $0x15  }
0x2e6: {  	_ =	swait.ge @p2 [sflag:s5], $0x1000  }
0x2e7: {  	s11 =	sshll.u32 @p2 s22, $0x5;
	[sflag:s5] =	ssyncset.done @p2 $0x0  }
0x2e8: {  	[sflag:s5] =	ssyncadd.s32 @p2 $0xFFFFF000;
	s5 =	sand.u32 @p2 $0x3FFFFFE0, s11  }
0x2e9: {  	s13 =	simm.s32 @p2 $0x19C40;
	s11 =	simm.s32 @p2 $0x20;
	s5 =	sadd.s32 @p2 $0x2000, s5  }
0x2ea: {  	[tilespmem:s13], [sflag:$0xD] =	stream.indirect.gather @p2 [spmem:s3], $0x80, s5, s11, $0xb8;
	[tilespmem:$0x1DC40] =	vst v63  }
0x2eb: {  	s5 =	simm.s32 @!p2 $0x15  }
0x2ec: {  	_ =	swait.ge @!p2 [sflag:s5], $0x1000  }
0x2ed: {  	[sflag:s5] =	ssyncset.done @!p2 $0x0  }
0x2ee: {  	[sflag:s5] =	ssyncadd.s32 @!p2 $0xFFFFF000  }
0x2ef: {  	_ =	swait.ge [sflag:s0], $0x1000  }
0x2f0: {  	[sflag:s0] =	ssyncset.done $0x0  }
0x2f1: {  	[sflag:s0] =	ssyncadd.s32 $0xFFFFF000  }
0x2f2: {  	_ =	swait.ge [sflag:s8], $0x1000  }
0x2f3: {  	[sflag:s8] =	ssyncset.done $0x0  }
0x2f4: {  	s22 =	simm.s32 $0x0;
	s5 =	simm.s32 $0x400;
	[sflag:s8] =	ssyncadd.s32 $0xFFFFF000  }
.LBB2_21:
0x2f5: {  	p3 =	sne.s32 s5, $0x3C00;
	v0 =	vld [tilespmem:s22+$0x13D30]  }
0x2f6: {  	v1 =	vld [tilespmem:s22+$0x13C40]  }
0x2f7: {  	v2 =	vld [tilespmem:s22+$0x13C50]  }
0x2f8: {  	v3 =	vld [tilespmem:s22+$0x13C60]  }
0x2f9: {  	v4 =	vld [tilespmem:s22+$0x13C70]  }
0x2fa: {  	[tilespmem:s22+$0x1BD30] =	vst.add.f32.msk $0xffff, v0  }
0x2fb: {  	v0 =	vld [tilespmem:s22+$0x13C80]  }
0x2fc: {  	v5 =	vld [tilespmem:s22+$0x13C90]  }
0x2fd: {  	v6 =	vld [tilespmem:s22+$0x13CA0]  }
0x2fe: {  	v7 =	vld [tilespmem:s22+$0x13CB0]  }
0x2ff: {  	v8 =	vld [tilespmem:s22+$0x13CC0]  }
0x300: {  	v9 =	vld [tilespmem:s22+$0x13CD0]  }
0x301: {  	v10 =	vld [tilespmem:s22+$0x13CE0]  }
0x302: {  	v11 =	vld [tilespmem:s22+$0x13CF0]  }
0x303: {  	v12 =	vld [tilespmem:s22+$0x13D00]  }
0x304: {  	v13 =	vld [tilespmem:s22+$0x13D10]  }
0x305: {  	v14 =	vld [tilespmem:s22+$0x13D20]  }
0x306: {  	[tilespmem:s22+$0x1BC40] =	vst.add.f32.msk $0xffff, v1  }
0x307: {  	[tilespmem:s22+$0x1BC50] =	vst.add.f32.msk $0xffff, v2  }
0x308: {  	[tilespmem:s22+$0x1BC60] =	vst.add.f32.msk $0xffff, v3  }
0x309: {  	[tilespmem:s22+$0x1BC70] =	vst.add.f32.msk $0xffff, v4  }
0x30a: {  	[tilespmem:s22+$0x1BC80] =	vst.add.f32.msk $0xffff, v0  }
0x30b: {  	[tilespmem:s22+$0x1BC90] =	vst.add.f32.msk $0xffff, v5  }
0x30c: {  	[tilespmem:s22+$0x1BCA0] =	vst.add.f32.msk $0xffff, v6  }
0x30d: {  	[tilespmem:s22+$0x1BCB0] =	vst.add.f32.msk $0xffff, v7  }
0x30e: {  	[tilespmem:s22+$0x1BCC0] =	vst.add.f32.msk $0xffff, v8  }
0x30f: {  	[tilespmem:s22+$0x1BCD0] =	vst.add.f32.msk $0xffff, v9  }
.Ltmp11:
0x310: {  	[tilespmem:s22+$0x1BCE0] =	vst.add.f32.msk $0xffff, v10;
	(pc) =	sbr.rel @p3 .LBB2_21-.Ltmp11, $4  }
0x311: {  	[tilespmem:s22+$0x1BCF0] =	vst.add.f32.msk $0xffff, v11  }
0x312: {  	[tilespmem:s22+$0x1BD00] =	vst.add.f32.msk $0xffff, v12  }
0x313: {  	[tilespmem:s22+$0x1BD10] =	vst.add.f32.msk $0xffff, v13  }
0x314: {  	[tilespmem:s22+$0x1BD20] =	vst.add.f32.msk $0xffff, v14;
	s22 =	sshra.s32 s5, $0x2;
	s5 =	sadd.s32 $0x400, s5  }
0x315: {  	v0 =	vld [tilespmem:s22+$0x13D30]  }
0x316: {  	v1 =	vld [tilespmem:s22+$0x13C40]  }
0x317: {  	v2 =	vld [tilespmem:s22+$0x13C50]  }
0x318: {  	v3 =	vld [tilespmem:s22+$0x13C60]  }
0x319: {  	v4 =	vld [tilespmem:s22+$0x13C70]  }
0x31a: {  	v63 =	vld [tilespmem:s22+$0x13C80]  }
0x31b: {  	v5 =	vld [tilespmem:s22+$0x13C90]  }
0x31c: {  	v6 =	vld [tilespmem:s22+$0x13CA0]  }
0x31d: {  	v7 =	vld [tilespmem:s22+$0x13CB0]  }
0x31e: {  	v8 =	vld [tilespmem:s22+$0x13CC0]  }
0x31f: {  	v9 =	vld [tilespmem:s22+$0x13CD0]  }
0x320: {  	v10 =	vld [tilespmem:s22+$0x13CE0]  }
0x321: {  	v11 =	vld [tilespmem:s22+$0x13CF0]  }
0x322: {  	v12 =	vld [tilespmem:s22+$0x13D00]  }
0x323: {  	v13 =	vld [tilespmem:s22+$0x13D10]  }
0x324: {  	v14 =	vld [tilespmem:s22+$0x13D20]  }
0x325: {  	[tilespmem:s22+$0x1BD30] =	vst.add.f32.msk $0xffff, v0  }
0x326: {  	[tilespmem:s22+$0x1BC40] =	vst.add.f32.msk $0xffff, v1  }
0x327: {  	[tilespmem:s22+$0x1BC50] =	vst.add.f32.msk $0xffff, v2  }
0x328: {  	[tilespmem:s22+$0x1BC60] =	vst.add.f32.msk $0xffff, v3  }
0x329: {  	[tilespmem:s22+$0x1BC70] =	vst.add.f32.msk $0xffff, v4  }
0x32a: {  	[tilespmem:s22+$0x1BC80] =	vst.add.f32.msk $0xffff, v63  }
0x32b: {  	[tilespmem:s22+$0x1BC90] =	vst.add.f32.msk $0xffff, v5  }
0x32c: {  	[tilespmem:s22+$0x1BCA0] =	vst.add.f32.msk $0xffff, v6  }
0x32d: {  	[tilespmem:s22+$0x1BCB0] =	vst.add.f32.msk $0xffff, v7  }
0x32e: {  	[tilespmem:s22+$0x1BCC0] =	vst.add.f32.msk $0xffff, v8  }
0x32f: {  	[tilespmem:s22+$0x1BCD0] =	vst.add.f32.msk $0xffff, v9  }
0x330: {  	[tilespmem:s22+$0x1BCE0] =	vst.add.f32.msk $0xffff, v10  }
0x331: {  	[tilespmem:s22+$0x1BCF0] =	vst.add.f32.msk $0xffff, v11  }
0x332: {  	[tilespmem:s22+$0x1BD00] =	vst.add.f32.msk $0xffff, v12  }
0x333: {  	s5 =	rddreg [dreg:$0x15];
	[tilespmem:s22+$0x1BD10] =	vst.add.f32.msk $0xffff, v13  }
0x334: {  	s20 =	sadd.s32 $0xE, s20;
	s5 =	sadd.s32 s21, s5;
	[tilespmem:s22+$0x1BD20] =	vst.add.f32.msk $0xffff, v14;
	s22 =	simm.s32 $0x1BC40  }
0x335: {  	[hbm4b:s5+s4] =	stream.linear.scatter [tilespmem:s22], [sflag:$0x17], $0x1000, $0x38;
	[tilespmem:$0x1DC40] =	vst v63  }
0x336: {  	s5 =	sshll.u32 @p2 s20, $0x9  }
0x337: {  	s11 =	simm.s32 @p2 $0x0;
	s13 =	simm.s32 @p2 $0x13C40;
	s5 =	sadd.s32 @p2 s5, s6  }
0x338: {  	[tilespmem:s13], [sflag:$0x7] =	stream.linear.gather @p2 [hbm4b:s5+s11], $0x1000, $0x38;
	[tilespmem:$0x1DC40] =	vst v63  }
0x339: {  	s5 =	simm.s32 @p2 $0x16  }
0x33a: {  	_ =	swait.ge @p2 [sflag:s5], $0x1000  }
0x33b: {  	s11 =	sshll.u32 @p2 s23, $0x5;
	[sflag:s5] =	ssyncset.done @p2 $0x0  }
0x33c: {  	[sflag:s5] =	ssyncadd.s32 @p2 $0xFFFFF000;
	s5 =	sand.u32 @p2 $0x3F80, s11  }
0x33d: {  	s13 =	simm.s32 @p2 $0x1AC40;
	s11 =	simm.s32 @p2 $0x20;
	s5 =	sadd.s32 @p2 $0x2020, s5  }
0x33e: {  	[tilespmem:s13], [sflag:$0xE] =	stream.indirect.gather @p2 [spmem:s3], $0x80, s5, s11, $0xb8;
	[tilespmem:$0x1DC40] =	vst v63  }
0x33f: {  	s5 =	simm.s32 @!p2 $0x16  }
0x340: {  	_ =	swait.ge @!p2 [sflag:s5], $0x1000  }
0x341: {  	[sflag:s5] =	ssyncset.done @!p2 $0x0  }
0x342: {  	[sflag:s5] =	ssyncadd.s32 @!p2 $0xFFFFF000  }
0x343: {  	_ =	swait.ge [sflag:s9], $0x1000  }
0x344: {  	[sflag:s9] =	ssyncset.done $0x0  }
0x345: {  	[sflag:s9] =	ssyncadd.s32 $0xFFFFF000  }
0x346: {  	_ =	swait.ge [sflag:s10], $0x1000  }
0x347: {  	[sflag:s10] =	ssyncset.done $0x0  }
0x348: {  	s21 =	simm.s32 $0x0;
	s5 =	simm.s32 $0x400;
	[sflag:s10] =	ssyncadd.s32 $0xFFFFF000  }
.LBB2_23:
0x349: {  	p2 =	sne.s32 s5, $0x3C00;
	v0 =	vld [tilespmem:s21+$0x14D30]  }
0x34a: {  	v1 =	vld [tilespmem:s21+$0x14C40]  }
0x34b: {  	v2 =	vld [tilespmem:s21+$0x14C50]  }
0x34c: {  	v3 =	vld [tilespmem:s21+$0x14C60]  }
0x34d: {  	v4 =	vld [tilespmem:s21+$0x14C70]  }
0x34e: {  	[tilespmem:s21+$0x1CD30] =	vst.add.f32.msk $0xffff, v0  }
0x34f: {  	v0 =	vld [tilespmem:s21+$0x14C80]  }
0x350: {  	v5 =	vld [tilespmem:s21+$0x14C90]  }
0x351: {  	v6 =	vld [tilespmem:s21+$0x14CA0]  }
0x352: {  	v7 =	vld [tilespmem:s21+$0x14CB0]  }
0x353: {  	v8 =	vld [tilespmem:s21+$0x14CC0]  }
0x354: {  	v9 =	vld [tilespmem:s21+$0x14CD0]  }
0x355: {  	v10 =	vld [tilespmem:s21+$0x14CE0]  }
0x356: {  	v11 =	vld [tilespmem:s21+$0x14CF0]  }
0x357: {  	v12 =	vld [tilespmem:s21+$0x14D00]  }
0x358: {  	v13 =	vld [tilespmem:s21+$0x14D10]  }
0x359: {  	v14 =	vld [tilespmem:s21+$0x14D20]  }
0x35a: {  	[tilespmem:s21+$0x1CC40] =	vst.add.f32.msk $0xffff, v1  }
0x35b: {  	[tilespmem:s21+$0x1CC50] =	vst.add.f32.msk $0xffff, v2  }
0x35c: {  	[tilespmem:s21+$0x1CC60] =	vst.add.f32.msk $0xffff, v3  }
0x35d: {  	[tilespmem:s21+$0x1CC70] =	vst.add.f32.msk $0xffff, v4  }
0x35e: {  	[tilespmem:s21+$0x1CC80] =	vst.add.f32.msk $0xffff, v0  }
0x35f: {  	[tilespmem:s21+$0x1CC90] =	vst.add.f32.msk $0xffff, v5  }
0x360: {  	[tilespmem:s21+$0x1CCA0] =	vst.add.f32.msk $0xffff, v6  }
0x361: {  	[tilespmem:s21+$0x1CCB0] =	vst.add.f32.msk $0xffff, v7  }
0x362: {  	[tilespmem:s21+$0x1CCC0] =	vst.add.f32.msk $0xffff, v8  }
0x363: {  	[tilespmem:s21+$0x1CCD0] =	vst.add.f32.msk $0xffff, v9  }
.Ltmp12:
0x364: {  	[tilespmem:s21+$0x1CCE0] =	vst.add.f32.msk $0xffff, v10;
	(pc) =	sbr.rel @p2 .LBB2_23-.Ltmp12, $4  }
0x365: {  	[tilespmem:s21+$0x1CCF0] =	vst.add.f32.msk $0xffff, v11  }
0x366: {  	[tilespmem:s21+$0x1CD00] =	vst.add.f32.msk $0xffff, v12  }
0x367: {  	[tilespmem:s21+$0x1CD10] =	vst.add.f32.msk $0xffff, v13  }
0x368: {  	[tilespmem:s21+$0x1CD20] =	vst.add.f32.msk $0xffff, v14;
	s21 =	sshra.s32 s5, $0x2;
	s5 =	sadd.s32 $0x400, s5  }
0x369: {  	v0 =	vld [tilespmem:s21+$0x14D30]  }
0x36a: {  	v1 =	vld [tilespmem:s21+$0x14C40]  }
0x36b: {  	v2 =	vld [tilespmem:s21+$0x14C50]  }
0x36c: {  	v3 =	vld [tilespmem:s21+$0x14C60]  }
0x36d: {  	v4 =	vld [tilespmem:s21+$0x14C70]  }
0x36e: {  	v63 =	vld [tilespmem:s21+$0x14C80]  }
0x36f: {  	v5 =	vld [tilespmem:s21+$0x14C90]  }
0x370: {  	v6 =	vld [tilespmem:s21+$0x14CA0]  }
0x371: {  	v7 =	vld [tilespmem:s21+$0x14CB0]  }
0x372: {  	v8 =	vld [tilespmem:s21+$0x14CC0]  }
0x373: {  	v9 =	vld [tilespmem:s21+$0x14CD0]  }
0x374: {  	v10 =	vld [tilespmem:s21+$0x14CE0]  }
0x375: {  	v11 =	vld [tilespmem:s21+$0x14CF0]  }
0x376: {  	v12 =	vld [tilespmem:s21+$0x14D00]  }
0x377: {  	v13 =	vld [tilespmem:s21+$0x14D10]  }
0x378: {  	v14 =	vld [tilespmem:s21+$0x14D20]  }
0x379: {  	[tilespmem:s21+$0x1CD30] =	vst.add.f32.msk $0xffff, v0  }
0x37a: {  	[tilespmem:s21+$0x1CC40] =	vst.add.f32.msk $0xffff, v1  }
0x37b: {  	[tilespmem:s21+$0x1CC50] =	vst.add.f32.msk $0xffff, v2  }
0x37c: {  	[tilespmem:s21+$0x1CC60] =	vst.add.f32.msk $0xffff, v3  }
0x37d: {  	[tilespmem:s21+$0x1CC70] =	vst.add.f32.msk $0xffff, v4  }
0x37e: {  	[tilespmem:s21+$0x1CC80] =	vst.add.f32.msk $0xffff, v63  }
0x37f: {  	[tilespmem:s21+$0x1CC90] =	vst.add.f32.msk $0xffff, v5  }
0x380: {  	[tilespmem:s21+$0x1CCA0] =	vst.add.f32.msk $0xffff, v6  }
0x381: {  	[tilespmem:s21+$0x1CCB0] =	vst.add.f32.msk $0xffff, v7  }
0x382: {  	[tilespmem:s21+$0x1CCC0] =	vst.add.f32.msk $0xffff, v8  }
0x383: {  	[tilespmem:s21+$0x1CCD0] =	vst.add.f32.msk $0xffff, v9  }
0x384: {  	[tilespmem:s21+$0x1CCE0] =	vst.add.f32.msk $0xffff, v10  }
.Ltmp13:
0x385: {  	[tilespmem:s21+$0x1CCF0] =	vst.add.f32.msk $0xffff, v11;
	(pc) =	sbr.rel @p1 .LBB2_26-.Ltmp13, $4  }
0x386: {  	[tilespmem:s21+$0x1CD00] =	vst.add.f32.msk $0xffff, v12  }
0x387: {  	s5 =	sshll.u32 s19, $0x9;
	s11 =	rddreg [dreg:$0x16];
	[tilespmem:s21+$0x1CD10] =	vst.add.f32.msk $0xffff, v13  }
0x388: {  	s13 =	simm.s32 $0x1CC40;
	s5 =	sadd.s32 s5, s11;
	[tilespmem:s21+$0x1CD20] =	vst.add.f32.msk $0xffff, v14  }
0x389: {  	[hbm4b:s5+s4] =	stream.linear.scatter [tilespmem:s13], [sflag:$0x18], $0x1000, $0x38;
	[tilespmem:$0x1DC40] =	vst v63  }
0x38a: {  	s5 =	rddreg [dreg:$0x17]  }
0x38b: {  	s11 =	simm.s32 $0x14C40;
	s5 =	sadd.s32 s18, s5  }
0x38c: {  	[tilespmem:s11], [sflag:$0x8] =	stream.linear.gather [hbm4b:s5+s4], $0x1000, $0x38;
	[tilespmem:$0x1DC40] =	vst v63  }
.Ltmp14:
0x38d: {  	_ = 	snop;
	(pc) =	sbr.rel .LBB2_8-.Ltmp14, $4  }
0x38e: {  	s23 =	sshll.u32 s20, $0x5;
	_ =	swait.ge [sflag:s24], $0x1000  }
0x38f: {  	s5 =	sand.u32 $0x3F80, s23;
	[sflag:s24] =	ssyncset.done $0x0  }
0x390: {  	s17 =	sadd.s32 $0x1, s17;
	s5 =	sadd.s32 $0x2040, s5;
	[sflag:s24] =	ssyncadd.s32 $0xFFFFF000  }
0x391: {  	[tilespmem:s22], [sflag:$0xF] =	stream.indirect.gather [spmem:s3], $0x80, s5, s30, $0xb8;
	[tilespmem:$0x1DC40] =	vst v63  }
.LBB2_27:
0x392: {  	_ =	sfence.sel $0x180000  }
0x393: {  	[bflag:$0x0] =	sbarrier.arrive $0xFFFF  }
0x394: {  	_ =	strace $0x90000047  }
0x395: {  	[bflag:$0x2] =	sbarrier.arrive $0xFFFF  }
0x396: {  	s0 =	rddreg [dreg:$0x5]  }
0x397: {  	s0 =	sadd.s32 @!p0 $0x100000, s0  }
0x398: {  	[sflag:s0] =	ssyncadd.tile.s32 @!p0 $0x1;
	_ =	shalt  }
.Lfunc_end2:
_tile_overlayer_lowered:
.L_overlay_start_2:
0x399: {  	(tag) =	ssettag $0x2  }
0x39a: {  	s0 =	rddreg [dreg:$0x0];
	s2 =	stileid.u32  }
0x39b: {  	s1 =	rddreg [dreg:$0x1];
	p0 =	sne.s32 s2, $0x0  }
0x39c: {  	s3 =	rddreg [dreg:$0x2];
	[bflag:$0x3] =	sbarrier.arrive $0xFFFF;
	s2 =	simm.s32 @!p0 $0x1C1B  }
0x39d: {  	[timem:s3], [sflag:s2] =	dma.local @!p0 [hbm:s0], s1  }
0x39e: {  	s0 =	simm.s32 @!p0 $0x1B  }
0x39f: {  	_ =	swait.ge @!p0 [sflag:s0], s1  }
0x3a0: {  	s1 =	ssub.s32 @!p0 $0x0, s1;
	[sflag:s0] =	ssyncset.done @!p0 $0x0  }
0x3a1: {  	[sflag:s0] =	ssyncadd.s32 @!p0 s1  }
0x3a2: {  	[bflag:$0x3] =	sbarrier.arrive $0xFFFF  }
0x3a3: {  	_ =	shalt  }

</sc_bundles>
